<compile_context>
chip_gen: v7x
topology: tpu7x:2x2x1
jax: 0.10.2.dev20260603
libtpu: 0.0.44.dev20260713+nightly
codegen_flags: <defaults>
</compile_context>

<pallas_src>
import functools

import jax
import jax.numpy as jnp
from jax import lax
from jax.experimental import pallas as pl
from jax.experimental.pallas import tpu as pltpu
from jax.experimental.pallas import tpu_sc as plsc

_N = 10000
_E = 320000
_F_IN = 128
_DIM = 16
_OUT = 128

_NC = 2
_NS = 16
_NW = _NC * _NS
_CHUNK = 512
_NCHUNKS = _E // _CHUNK
_GRP = 1
_NGRP = _NCHUNKS // _GRP
_MAXG = _NGRP // _NW + 1
_MAXC = _MAXG * _GRP
_N_PAD = 10240
_ROWS_PER_SUB = _N_PAD // _NS



_NBUF = 4


def _segsum_body(y_hbm, ei_hbm, z_hbm, out_hbm, acc, ytab, srcv, dstv,
                 rows, gsems, ssems):
    c = lax.axis_index("c")
    s = lax.axis_index("s")
    wid = c * _NS + s

    gstart = (wid * _NGRP) // _NW
    cnt = ((wid + 1) * _NGRP) // _NW - gstart
    cstart = gstart * _GRP

    sl = pl.ds(s * _ROWS_PER_SUB, _ROWS_PER_SUB)
    d1 = pltpu.async_copy(y_hbm.at[sl], ytab.at[sl], gsems.at[0])
    d2 = pltpu.async_copy(z_hbm.at[sl], acc.at[sl], gsems.at[1])
    d3 = pltpu.async_copy(ei_hbm.at[0, pl.ds(cstart, _MAXC)], srcv,
                          gsems.at[2])
    d4 = pltpu.async_copy(ei_hbm.at[1, pl.ds(cstart, _MAXC)], dstv,
                          gsems.at[3])
    d1.wait()
    d2.wait()
    d3.wait()
    d4.wait()
    plsc.subcore_barrier()

    def _buf(b):
        return rows.at[b]

    def _idx(ref, j):
        return ref.at[j]

    def _gather(j, b):
        pltpu.async_copy(ytab.at[_idx(srcv, j)], _buf(b), gsems.at[b])

    def _wait_gather(b):
        pltpu.make_async_copy(ytab.at[_idx(srcv, 0)], _buf(b),
                              gsems.at[b]).wait()

    def _scatter(j, b):
        pltpu.async_copy(_buf(b), acc.at[_idx(dstv, j)], ssems.at[b],
                         add=True)

    def _wait_scatter(b):
        pltpu.make_async_copy(_buf(b), acc.at[_idx(dstv, 0)],
                              ssems.at[b]).wait()

    for j in range(_NBUF):
        _gather(j, j)

    def _visit(j, carry):
        b = lax.rem(j, _NBUF)
        bp = lax.rem(j + _NBUF - 1, _NBUF)

        @pl.when(j >= 1)
        def _():
            _wait_scatter(bp)

            @pl.when(j - 1 + _NBUF < cnt)
            def _():
                _gather(j - 1 + _NBUF, bp)

        _wait_gather(b)
        _scatter(j, b)
        return carry

    lax.fori_loop(0, cnt, _visit, 0)
    _wait_scatter(lax.rem(cnt - 1, _NBUF))
    plsc.subcore_barrier()

    pltpu.sync_copy(acc.at[pl.ds(s * _ROWS_PER_SUB, _ROWS_PER_SUB)],
                    out_hbm.at[c, pl.ds(s * _ROWS_PER_SUB, _ROWS_PER_SUB)])


_segsum = functools.partial(
    pl.kernel,
    out_type=jax.ShapeDtypeStruct((_NC, _N_PAD, _DIM), jnp.float32),
    mesh=plsc.VectorSubcoreMesh(core_axis_name="c", subcore_axis_name="s"),
    scratch_types=[
        pltpu.VMEM_SHARED((_N_PAD, _DIM), jnp.float32),
        pltpu.VMEM_SHARED((_N_PAD, _DIM), jnp.float32),
        pltpu.VMEM((_MAXC, _CHUNK), jnp.int32),
        pltpu.VMEM((_MAXC, _CHUNK), jnp.int32),
        pltpu.VMEM((_NBUF, _CHUNK, _DIM), jnp.float32),
        pltpu.SemaphoreType.DMA((_NBUF,)),
        pltpu.SemaphoreType.DMA((_NBUF,)),
    ],
    compiler_params=pltpu.CompilerParams(use_tc_tiling_on_sc=False),
)(_segsum_body)



_PROWS = _N_PAD // 8
_PROWS_REAL = _N // 8


def _proj0_body(h_ref, w_ref, y_ref):
    y_ref[0:_N, :] = jnp.dot(h_ref[...], w_ref[...],
                             preferred_element_type=jnp.float32)
    y_ref[_N:_N_PAD, :] = jnp.zeros((_N_PAD - _N, _DIM), jnp.float32)


_proj0 = pl.pallas_call(
    _proj0_body,
    out_shape=jax.ShapeDtypeStruct((_N_PAD, _DIM), jnp.float32),
)


def _mid_body(parts_ref, y_ref, b1_ref, w2_ref, b2_ref, w1n_ref,
              ynext_ref, csum_ref):
    s = parts_ref[0] + parts_ref[1]
    hdn = jnp.maximum(y_ref[...] + s + b1_ref[...], 0.0)
    x = jnp.maximum(
        jnp.dot(hdn, w2_ref[...], preferred_element_type=jnp.float32)
        + b2_ref[...], 0.0)
    ynext_ref[...] = jnp.dot(x, w1n_ref[...],
                             preferred_element_type=jnp.float32)
    csum_ref[...] = jnp.sum(x[0:_PROWS_REAL], axis=0, keepdims=True)


_mid = pl.pallas_call(
    _mid_body,
    out_shape=(
        jax.ShapeDtypeStruct((_PROWS, 128), jnp.float32),
        jax.ShapeDtypeStruct((1, 128), jnp.float32),
    ),
)


def _final_body(parts_ref, y_ref, b1_ref, w2_ref, b2_ref, csums_ref,
                heads_ref, out_ref):
    s = parts_ref[0] + parts_ref[1]
    hdn = jnp.maximum(y_ref[...] + s + b1_ref[...], 0.0)
    x = jnp.maximum(
        jnp.dot(hdn, w2_ref[...], preferred_element_type=jnp.float32)
        + b2_ref[...], 0.0)
    c5 = jnp.sum(x[0:_PROWS_REAL], axis=0, keepdims=True)
    allc = jnp.concatenate([csums_ref[...], c5], axis=0) * (1.0 / _N)
    fold = allc[:, 0:_DIM]
    for a in range(1, 8):
        fold = fold + allc[:, a * _DIM:(a + 1) * _DIM]
    total = jnp.zeros((1, _OUT), jnp.float32)
    for l in range(5):
        total = total + jnp.dot(fold[l:l + 1, :], heads_ref[l],
                                preferred_element_type=jnp.float32)
    out_ref[...] = jnp.tanh(total)


_final = pl.pallas_call(
    _final_body,
    out_shape=jax.ShapeDtypeStruct((1, _OUT), jnp.float32),
)



def kernel(h, edge_index, conv_params, head_params):
    ei = edge_index.reshape(2, _NCHUNKS, _CHUNK)
    zrows = jnp.zeros((_N_PAD, _DIM), jnp.float32)

    eye8 = jnp.eye(8, dtype=jnp.float32)
    b1t = [jnp.tile(p[1], 8) for p in conv_params]
    w2b = [jnp.kron(eye8, p[2]) for p in conv_params]
    b2t = [jnp.tile(p[3], 8) for p in conv_params]
    w1b = [jnp.kron(eye8, p[0]) for p in conv_params]
    heads = jnp.stack(head_params, axis=0)

    y_sc = _proj0(h, conv_params[0][0])
    y_p = jnp.reshape(y_sc, (_PROWS, 128))

    csums = []
    out = None
    for l in range(5):
        parts = _segsum(y_sc, ei, zrows)
        parts_p = jnp.reshape(parts, (_NC, _PROWS, 128))
        if l < 4:
            y_p, cs = _mid(parts_p, y_p, b1t[l], w2b[l], b2t[l], w1b[l + 1])
            y_sc = jnp.reshape(y_p, (_N_PAD, _DIM))
            csums.append(cs)
        else:
            csums4 = jnp.concatenate(csums, axis=0)
            out = _final(parts_p, y_p, b1t[l], w2b[l], b2t[l], csums4,
                         heads)
    return out

# --- scband reference (transcript-rebuilt; emitter-appended) ---
"""Pipeline reference for scband-net-gin-44186623541948 (READ-ONLY COPY).

The authoritative reference and input builder live on the scoring server;
editing this copy changes nothing except your own understanding.
"""

import jax, jax.numpy as jnp
import numpy as np

N = 10000
E = 320000
F_IN = 128
DIM = 16
OUT = 128


def _linear_init(key, fan_in, fan_out):
    return jax.random.normal(key, (fan_in, fan_out), dtype=jnp.float32) * (1.0 / np.sqrt(fan_in))


def setup_inputs(seed: int = 0):
    key = jax.random.key(seed)
    keys = jax.random.split(key, 32)
    h = jax.random.normal(keys[0], (N, F_IN), dtype=jnp.float32)
    edge_index = jax.random.randint(keys[1], (2, E), 0, N, dtype=jnp.int32)
    conv_params = []
    ki = 2
    in_dim = F_IN
    for i in range(5):
        W1 = _linear_init(keys[ki], in_dim, DIM)
        b1 = jnp.zeros((DIM,), jnp.float32)
        W2 = _linear_init(keys[ki + 1], DIM, DIM)
        b2 = jnp.zeros((DIM,), jnp.float32)
        conv_params.append([W1, b1, W2, b2])
        ki += 2
        in_dim = DIM
    head_params = [_linear_init(keys[ki + i], DIM, OUT) for i in range(5)]
    return {"h": h, "edge_index": edge_index, "conv_params": conv_params, "head_params": head_params}


def _gin_conv(x, edge_index, p):
    # DGL GINConv with aggregator_type='sum', eps=0 (non-learnable):
    # rst = apply_func((1 + eps) * x + sum_{u in N(v)} x[u])
    W1, b1, W2, b2 = p
    src = edge_index[0]
    dst = edge_index[1]
    agg = jax.ops.segment_sum(x[src], dst, num_segments=x.shape[0])
    z = x + agg
    hdn = jnp.maximum(z @ W1 + b1, 0.0)
    return hdn @ W2 + b2


def reference(h, edge_index, conv_params, head_params):
    xs = []
    x = h
    for p in conv_params:
        x = jnp.maximum(_gin_conv(x, edge_index, p), 0.0)
        xs.append(x)
    # dgl.mean_nodes over a single (non-batched) graph -> mean over all nodes, shape [1, DIM]
    outs = [jnp.mean(xi, axis=0, keepdims=True) @ Wl for xi, Wl in zip(xs, head_params)]
    total = jnp.sum(jnp.stack(outs, axis=0), axis=0)
    return jnp.tanh(total)

if __name__ == "__main__":
    import jax
    _d = setup_inputs()
    print(jax.jit(kernel)(*tuple(_d.values())))

</pallas_src>

<mosaic_0001>
#map = affine_map<(d0, d1) -> (0, 0)>
#map1 = affine_map<(d0, d1) -> (0, 0, 0)>
module attributes {stable_mosaic.version = 14 : i64} {
  func.func @_segsum_body(%arg0: i32, %arg1: i32, %arg2: memref<10240x16xf32, #tpu.memory_space<hbm>>, %arg3: memref<2x625x512xi32, #tpu.memory_space<hbm>>, %arg4: memref<10240x16xf32, #tpu.memory_space<hbm>>, %arg5: memref<2x10240x16xf32, #tpu.memory_space<hbm>>, %arg6: memref<10240x16xf32, #tpu.memory_space<vmem_shared>>, %arg7: memref<10240x16xf32, #tpu.memory_space<vmem_shared>>, %arg8: memref<20x512xi32, #tpu.memory_space<vmem>>, %arg9: memref<20x512xi32, #tpu.memory_space<vmem>>, %arg10: memref<4x512x16xf32, #tpu.memory_space<vmem>>, %arg11: memref<4x!tpu.dma_semaphore, #tpu.memory_space<semaphore_mem>>, %arg12: memref<4x!tpu.dma_semaphore, #tpu.memory_space<semaphore_mem>>) attributes {dimension_semantics = [#tpu.dimension_semantics<core_parallel>, #tpu.dimension_semantics<subcore_parallel>], iteration_bounds = array<i64: 2, 16>, scalar_prefetch = 0 : i64, scratch_operands = 7 : i64, tpu.core_type = #tpu.core_type<sc_vector_subcore>, window_params = [{transform_indices = #map}, {transform_indices = #map1}, {transform_indices = #map}, {transform_indices = #map1}]} {
    %mul3A = arith.constant 16 : i32
    %mul3A_0 = arith.muli %arg0, %mul3A : i32
    %add3A = arith.addi %mul3A_0, %arg1 : i32
    %mul3A_1 = arith.constant 625 : i32
    %mul3A_2 = arith.muli %add3A, %mul3A_1 : i32
    %jit3A = arith.constant 32 : i32
    %div3A = arith.divsi %mul3A_2, %jit3A : i32
    %sign3A = arith.constant 0 : i32
    %sign3A_3 = arith.cmpi sgt, %mul3A_2, %sign3A : i32
    %sign3A_4 = arith.extui %sign3A_3 : i1 to i32
    %sign3A_5 = arith.constant 0 : i32
    %sign3A_6 = arith.cmpi slt, %mul3A_2, %sign3A_5 : i32
    %sign3A_7 = arith.extui %sign3A_6 : i1 to i32
    %sign3A_8 = arith.subi %sign3A_4, %sign3A_7 : i32
    %sign3A_9 = arith.constant 0 : i32
    %sign3A_10 = arith.cmpi sgt, %jit3A, %sign3A_9 : i32
    %sign3A_11 = arith.extui %sign3A_10 : i1 to i32
    %sign3A_12 = arith.constant 0 : i32
    %sign3A_13 = arith.cmpi slt, %jit3A, %sign3A_12 : i32
    %sign3A_14 = arith.extui %sign3A_13 : i1 to i32
    %sign3A_15 = arith.subi %sign3A_11, %sign3A_14 : i32
    %ne3A = arith.cmpi ne, %sign3A_8, %sign3A_15 : i32
    %rem3A = arith.remsi %mul3A_2, %jit3A : i32
    %ne3A_16 = arith.constant 0 : i32
    %ne3A_17 = arith.cmpi ne, %rem3A, %ne3A_16 : i32
    %and3A = arith.andi %ne3A, %ne3A_17 : i1
    %sub3A = arith.constant 1 : i32
    %sub3A_18 = arith.subi %div3A, %sub3A : i32
    %select_n3A = arith.select %and3A, %sub3A_18, %div3A : i32
    %add3A_19 = arith.constant 1 : i32
    %add3A_20 = arith.addi %add3A, %add3A_19 : i32
    %mul3A_21 = arith.constant 625 : i32
    %mul3A_22 = arith.muli %add3A_20, %mul3A_21 : i32
    %jit3A_23 = arith.constant 32 : i32
    %div3A_24 = arith.divsi %mul3A_22, %jit3A_23 : i32
    %sign3A_25 = arith.constant 0 : i32
    %sign3A_26 = arith.cmpi sgt, %mul3A_22, %sign3A_25 : i32
    %sign3A_27 = arith.extui %sign3A_26 : i1 to i32
    %sign3A_28 = arith.constant 0 : i32
    %sign3A_29 = arith.cmpi slt, %mul3A_22, %sign3A_28 : i32
    %sign3A_30 = arith.extui %sign3A_29 : i1 to i32
    %sign3A_31 = arith.subi %sign3A_27, %sign3A_30 : i32
    %sign3A_32 = arith.constant 0 : i32
    %sign3A_33 = arith.cmpi sgt, %jit3A_23, %sign3A_32 : i32
    %sign3A_34 = arith.extui %sign3A_33 : i1 to i32
    %sign3A_35 = arith.constant 0 : i32
    %sign3A_36 = arith.cmpi slt, %jit3A_23, %sign3A_35 : i32
    %sign3A_37 = arith.extui %sign3A_36 : i1 to i32
    %sign3A_38 = arith.subi %sign3A_34, %sign3A_37 : i32
    %ne3A_39 = arith.cmpi ne, %sign3A_31, %sign3A_38 : i32
    %rem3A_40 = arith.remsi %mul3A_22, %jit3A_23 : i32
    %ne3A_41 = arith.constant 0 : i32
    %ne3A_42 = arith.cmpi ne, %rem3A_40, %ne3A_41 : i32
    %and3A_43 = arith.andi %ne3A_39, %ne3A_42 : i1
    %sub3A_44 = arith.constant 1 : i32
    %sub3A_45 = arith.subi %div3A_24, %sub3A_44 : i32
    %select_n3A_46 = arith.select %and3A_43, %sub3A_45, %div3A_24 : i32
    %sub3A_47 = arith.subi %select_n3A_46, %select_n3A : i32
    %mul3A_48 = arith.constant 1 : i32
    %mul3A_49 = arith.muli %select_n3A, %mul3A_48 : i32
    %mul3A_50 = arith.constant 640 : i32
    %mul3A_51 = arith.muli %arg1, %mul3A_50 : i32
    %dma_start3A = arith.constant 0 : i32
    %dma_start3A_52 = tpu.memref_slice %arg11[%dma_start3A] : memref<4x!tpu.dma_semaphore, #tpu.memory_space<semaphore_mem>> -> memref<1x!tpu.dma_semaphore, #tpu.memory_space<semaphore_mem>>
    %dma_start3A_53 = tpu.memref_squeeze %dma_start3A_52 : memref<1x!tpu.dma_semaphore, #tpu.memory_space<semaphore_mem>> -> memref<!tpu.dma_semaphore, #tpu.memory_space<semaphore_mem>>
    %dma_start3A_54 = arith.constant 0 : i32
    %dma_start3A_55 = tpu.memref_slice %arg7[%mul3A_51, %dma_start3A_54] : memref<10240x16xf32, #tpu.memory_space<vmem_shared>> -> memref<640x16xf32, #tpu.memory_space<vmem_shared>>
    %dma_start3A_56 = arith.constant 0 : i32
    %dma_start3A_57 = tpu.memref_slice %arg2[%mul3A_51, %dma_start3A_56] : memref<10240x16xf32, #tpu.memory_space<hbm>> -> memref<640x16xf32, #tpu.memory_space<hbm>>
    tpu.enqueue_dma source(%dma_start3A_57 : memref<640x16xf32, #tpu.memory_space<hbm>>) target(%dma_start3A_55 : memref<640x16xf32, #tpu.memory_space<vmem_shared>>) target_semaphore(%dma_start3A_53 : memref<!tpu.dma_semaphore, #tpu.memory_space<semaphore_mem>>)
    %dma_start3A_58 = arith.constant 1 : i32
    %dma_start3A_59 = tpu.memref_slice %arg11[%dma_start3A_58] : memref<4x!tpu.dma_semaphore, #tpu.memory_space<semaphore_mem>> -> memref<1x!tpu.dma_semaphore, #tpu.memory_space<semaphore_mem>>
    %dma_start3A_60 = tpu.memref_squeeze %dma_start3A_59 : memref<1x!tpu.dma_semaphore, #tpu.memory_space<semaphore_mem>> -> memref<!tpu.dma_semaphore, #tpu.memory_space<semaphore_mem>>
    %dma_start3A_61 = arith.constant 0 : i32
    %dma_start3A_62 = tpu.memref_slice %arg6[%mul3A_51, %dma_start3A_61] : memref<10240x16xf32, #tpu.memory_space<vmem_shared>> -> memref<640x16xf32, #tpu.memory_space<vmem_shared>>
    %dma_start3A_63 = arith.constant 0 : i32
    %dma_start3A_64 = tpu.memref_slice %arg4[%mul3A_51, %dma_start3A_63] : memref<10240x16xf32, #tpu.memory_space<hbm>> -> memref<640x16xf32, #tpu.memory_space<hbm>>
    tpu.enqueue_dma source(%dma_start3A_64 : memref<640x16xf32, #tpu.memory_space<hbm>>) target(%dma_start3A_62 : memref<640x16xf32, #tpu.memory_space<vmem_shared>>) target_semaphore(%dma_start3A_60 : memref<!tpu.dma_semaphore, #tpu.memory_space<semaphore_mem>>)
    %dma_start3A_65 = arith.constant 0 : i32
    %dma_start3A_66 = arith.constant 2 : i32
    %dma_start3A_67 = arith.constant 0 : i32
    %dma_start3A_68 = tpu.memref_slice %arg3[%dma_start3A_65, %mul3A_49, %dma_start3A_67] : memref<2x625x512xi32, #tpu.memory_space<hbm>> -> memref<1x20x512xi32, #tpu.memory_space<hbm>>
    %dma_start3A_69 = tpu.memref_squeeze %dma_start3A_68 : memref<1x20x512xi32, #tpu.memory_space<hbm>> -> memref<20x512xi32, #tpu.memory_space<hbm>>
    %dma_start3A_70 = tpu.memref_slice %arg11[%dma_start3A_66] : memref<4x!tpu.dma_semaphore, #tpu.memory_space<semaphore_mem>> -> memref<1x!tpu.dma_semaphore, #tpu.memory_space<semaphore_mem>>
    %dma_start3A_71 = tpu.memref_squeeze %dma_start3A_70 : memref<1x!tpu.dma_semaphore, #tpu.memory_space<semaphore_mem>> -> memref<!tpu.dma_semaphore, #tpu.memory_space<semaphore_mem>>
    %dma_start3A_72 = arith.constant 0 : i32
    %dma_start3A_73 = tpu.memref_slice %arg3[%dma_start3A_65, %mul3A_49, %dma_start3A_72] : memref<2x625x512xi32, #tpu.memory_space<hbm>> -> memref<1x20x512xi32, #tpu.memory_space<hbm>>
    %dma_start3A_74 = tpu.memref_squeeze %dma_start3A_73 : memref<1x20x512xi32, #tpu.memory_space<hbm>> -> memref<20x512xi32, #tpu.memory_space<hbm>>
    tpu.enqueue_dma source(%dma_start3A_74 : memref<20x512xi32, #tpu.memory_space<hbm>>) target(%arg8 : memref<20x512xi32, #tpu.memory_space<vmem>>) target_semaphore(%dma_start3A_71 : memref<!tpu.dma_semaphore, #tpu.memory_space<semaphore_mem>>)
    %dma_start3A_75 = arith.constant 1 : i32
    %dma_start3A_76 = arith.constant 3 : i32
    %dma_start3A_77 = arith.constant 0 : i32
    %dma_start3A_78 = tpu.memref_slice %arg3[%dma_start3A_75, %mul3A_49, %dma_start3A_77] : memref<2x625x512xi32, #tpu.memory_space<hbm>> -> memref<1x20x512xi32, #tpu.memory_space<hbm>>
    %dma_start3A_79 = tpu.memref_squeeze %dma_start3A_78 : memref<1x20x512xi32, #tpu.memory_space<hbm>> -> memref<20x512xi32, #tpu.memory_space<hbm>>
    %dma_start3A_80 = tpu.memref_slice %arg11[%dma_start3A_76] : memref<4x!tpu.dma_semaphore, #tpu.memory_space<semaphore_mem>> -> memref<1x!tpu.dma_semaphore, #tpu.memory_space<semaphore_mem>>
    %dma_start3A_81 = tpu.memref_squeeze %dma_start3A_80 : memref<1x!tpu.dma_semaphore, #tpu.memory_space<semaphore_mem>> -> memref<!tpu.dma_semaphore, #tpu.memory_space<semaphore_mem>>
    %dma_start3A_82 = arith.constant 0 : i32
    %dma_start3A_83 = tpu.memref_slice %arg3[%dma_start3A_75, %mul3A_49, %dma_start3A_82] : memref<2x625x512xi32, #tpu.memory_space<hbm>> -> memref<1x20x512xi32, #tpu.memory_space<hbm>>
    %dma_start3A_84 = tpu.memref_squeeze %dma_start3A_83 : memref<1x20x512xi32, #tpu.memory_space<hbm>> -> memref<20x512xi32, #tpu.memory_space<hbm>>
    tpu.enqueue_dma source(%dma_start3A_84 : memref<20x512xi32, #tpu.memory_space<hbm>>) target(%arg9 : memref<20x512xi32, #tpu.memory_space<vmem>>) target_semaphore(%dma_start3A_81 : memref<!tpu.dma_semaphore, #tpu.memory_space<semaphore_mem>>)
    %dma_wait3A = arith.constant 0 : i32
    %dma_wait3A_85 = tpu.memref_slice %arg11[%dma_wait3A] : memref<4x!tpu.dma_semaphore, #tpu.memory_space<semaphore_mem>> -> memref<1x!tpu.dma_semaphore, #tpu.memory_space<semaphore_mem>>
    %dma_wait3A_86 = tpu.memref_squeeze %dma_wait3A_85 : memref<1x!tpu.dma_semaphore, #tpu.memory_space<semaphore_mem>> -> memref<!tpu.dma_semaphore, #tpu.memory_space<semaphore_mem>>
    %dma_wait3A_87 = arith.constant 0 : i32
    %dma_wait3A_88 = tpu.memref_slice %arg7[%mul3A_51, %dma_wait3A_87] : memref<10240x16xf32, #tpu.memory_space<vmem_shared>> -> memref<640x16xf32, #tpu.memory_space<vmem_shared>>
    %dma_wait3A_89 = arith.constant 0 : i32
    %dma_wait3A_90 = tpu.memref_slice %arg2[%mul3A_51, %dma_wait3A_89] : memref<10240x16xf32, #tpu.memory_space<hbm>> -> memref<640x16xf32, #tpu.memory_space<hbm>>
    tpu.wait_dma2 semaphore(%dma_wait3A_86 : memref<!tpu.dma_semaphore, #tpu.memory_space<semaphore_mem>>) src(%dma_wait3A_90 : memref<640x16xf32, #tpu.memory_space<hbm>>) dst(%dma_wait3A_88 : memref<640x16xf32, #tpu.memory_space<vmem_shared>>)
    %dma_wait3A_91 = arith.constant 1 : i32
    %dma_wait3A_92 = tpu.memref_slice %arg11[%dma_wait3A_91] : memref<4x!tpu.dma_semaphore, #tpu.memory_space<semaphore_mem>> -> memref<1x!tpu.dma_semaphore, #tpu.memory_space<semaphore_mem>>
    %dma_wait3A_93 = tpu.memref_squeeze %dma_wait3A_92 : memref<1x!tpu.dma_semaphore, #tpu.memory_space<semaphore_mem>> -> memref<!tpu.dma_semaphore, #tpu.memory_space<semaphore_mem>>
    %dma_wait3A_94 = arith.constant 0 : i32
    %dma_wait3A_95 = tpu.memref_slice %arg6[%mul3A_51, %dma_wait3A_94] : memref<10240x16xf32, #tpu.memory_space<vmem_shared>> -> memref<640x16xf32, #tpu.memory_space<vmem_shared>>
    %dma_wait3A_96 = arith.constant 0 : i32
    %dma_wait3A_97 = tpu.memref_slice %arg4[%mul3A_51, %dma_wait3A_96] : memref<10240x16xf32, #tpu.memory_space<hbm>> -> memref<640x16xf32, #tpu.memory_space<hbm>>
    tpu.wait_dma2 semaphore(%dma_wait3A_93 : memref<!tpu.dma_semaphore, #tpu.memory_space<semaphore_mem>>) src(%dma_wait3A_97 : memref<640x16xf32, #tpu.memory_space<hbm>>) dst(%dma_wait3A_95 : memref<640x16xf32, #tpu.memory_space<vmem_shared>>)
    %dma_wait3A_98 = arith.constant 0 : i32
    %dma_wait3A_99 = arith.constant 2 : i32
    %dma_wait3A_100 = arith.constant 0 : i32
    %dma_wait3A_101 = tpu.memref_slice %arg3[%dma_wait3A_98, %mul3A_49, %dma_wait3A_100] : memref<2x625x512xi32, #tpu.memory_space<hbm>> -> memref<1x20x512xi32, #tpu.memory_space<hbm>>
    %dma_wait3A_102 = tpu.memref_squeeze %dma_wait3A_101 : memref<1x20x512xi32, #tpu.memory_space<hbm>> -> memref<20x512xi32, #tpu.memory_space<hbm>>
    %dma_wait3A_103 = tpu.memref_slice %arg11[%dma_wait3A_99] : memref<4x!tpu.dma_semaphore, #tpu.memory_space<semaphore_mem>> -> memref<1x!tpu.dma_semaphore, #tpu.memory_space<semaphore_mem>>
    %dma_wait3A_104 = tpu.memref_squeeze %dma_wait3A_103 : memref<1x!tpu.dma_semaphore, #tpu.memory_space<semaphore_mem>> -> memref<!tpu.dma_semaphore, #tpu.memory_space<semaphore_mem>>
    %dma_wait3A_105 = arith.constant 0 : i32
    %dma_wait3A_106 = tpu.memref_slice %arg3[%dma_wait3A_98, %mul3A_49, %dma_wait3A_105] : memref<2x625x512xi32, #tpu.memory_space<hbm>> -> memref<1x20x512xi32, #tpu.memory_space<hbm>>
    %dma_wait3A_107 = tpu.memref_squeeze %dma_wait3A_106 : memref<1x20x512xi32, #tpu.memory_space<hbm>> -> memref<20x512xi32, #tpu.memory_space<hbm>>
    tpu.wait_dma2 semaphore(%dma_wait3A_104 : memref<!tpu.dma_semaphore, #tpu.memory_space<semaphore_mem>>) src(%dma_wait3A_107 : memref<20x512xi32, #tpu.memory_space<hbm>>) dst(%arg8 : memref<20x512xi32, #tpu.memory_space<vmem>>)
    %dma_wait3A_108 = arith.constant 1 : i32
    %dma_wait3A_109 = arith.constant 3 : i32
    %dma_wait3A_110 = arith.constant 0 : i32
    %dma_wait3A_111 = tpu.memref_slice %arg3[%dma_wait3A_108, %mul3A_49, %dma_wait3A_110] : memref<2x625x512xi32, #tpu.memory_space<hbm>> -> memref<1x20x512xi32, #tpu.memory_space<hbm>>
    %dma_wait3A_112 = tpu.memref_squeeze %dma_wait3A_111 : memref<1x20x512xi32, #tpu.memory_space<hbm>> -> memref<20x512xi32, #tpu.memory_space<hbm>>
    %dma_wait3A_113 = tpu.memref_slice %arg11[%dma_wait3A_109] : memref<4x!tpu.dma_semaphore, #tpu.memory_space<semaphore_mem>> -> memref<1x!tpu.dma_semaphore, #tpu.memory_space<semaphore_mem>>
    %dma_wait3A_114 = tpu.memref_squeeze %dma_wait3A_113 : memref<1x!tpu.dma_semaphore, #tpu.memory_space<semaphore_mem>> -> memref<!tpu.dma_semaphore, #tpu.memory_space<semaphore_mem>>
    %dma_wait3A_115 = arith.constant 0 : i32
    %dma_wait3A_116 = tpu.memref_slice %arg3[%dma_wait3A_108, %mul3A_49, %dma_wait3A_115] : memref<2x625x512xi32, #tpu.memory_space<hbm>> -> memref<1x20x512xi32, #tpu.memory_space<hbm>>
    %dma_wait3A_117 = tpu.memref_squeeze %dma_wait3A_116 : memref<1x20x512xi32, #tpu.memory_space<hbm>> -> memref<20x512xi32, #tpu.memory_space<hbm>>
    tpu.wait_dma2 semaphore(%dma_wait3A_114 : memref<!tpu.dma_semaphore, #tpu.memory_space<semaphore_mem>>) src(%dma_wait3A_117 : memref<20x512xi32, #tpu.memory_space<hbm>>) dst(%arg9 : memref<20x512xi32, #tpu.memory_space<vmem>>)
    %barrier3A = arith.constant 0 : index
    tpu.barrier barrier_id(%barrier3A)
    %dma_start3A_118 = arith.constant 0 : i32
    %dma_start3A_119 = arith.constant 0 : i32
    %dma_start3A_120 = arith.constant 0 : i32
    %dma_start3A_121 = arith.constant 0 : i32
    %dma_start3A_122 = arith.constant 0 : i32
    %dma_start3A_123 = tpu.memref_slice %arg10[%dma_start3A_119, %dma_start3A_121, %dma_start3A_122] : memref<4x512x16xf32, #tpu.memory_space<vmem>> -> memref<1x512x16xf32, #tpu.memory_space<vmem>>
    %dma_start3A_124 = tpu.memref_squeeze %dma_start3A_123 : memref<1x512x16xf32, #tpu.memory_space<vmem>> -> memref<512x16xf32, #tpu.memory_space<vmem>>
    %dma_start3A_125 = arith.constant 0 : i32
    %dma_start3A_126 = tpu.memref_slice %arg8[%dma_start3A_118, %dma_start3A_125] : memref<20x512xi32, #tpu.memory_space<vmem>> -> memref<1x512xi32, #tpu.memory_space<vmem>>
    %dma_start3A_127 = tpu.memref_squeeze %dma_start3A_126 : memref<1x512xi32, #tpu.memory_space<vmem>> -> memref<512xi32, #tpu.memory_space<vmem>>
    %dma_start3A_128 = arith.constant 0 : i32
    %dma_start3A_129 = arith.constant 0 : i32
    %dma_start3A_130 = tpu.memref_slice %arg7[%dma_start3A_128, %dma_start3A_129] : memref<10240x16xf32, #tpu.memory_space<vmem_shared>> -> memref<10240x16xf32, #tpu.memory_space<vmem_shared>>
    %dma_start3A_131 = tpu.memref_slice %arg11[%dma_start3A_120] : memref<4x!tpu.dma_semaphore, #tpu.memory_space<semaphore_mem>> -> memref<1x!tpu.dma_semaphore, #tpu.memory_space<semaphore_mem>>
    %dma_start3A_132 = tpu.memref_squeeze %dma_start3A_131 : memref<1x!tpu.dma_semaphore, #tpu.memory_space<semaphore_mem>> -> memref<!tpu.dma_semaphore, #tpu.memory_space<semaphore_mem>>
    tpu.enqueue_indirect_dma source(%dma_start3A_130 : memref<10240x16xf32, #tpu.memory_space<vmem_shared>>) target(%dma_start3A_124 : memref<512x16xf32, #tpu.memory_space<vmem>>) offsets(%dma_start3A_127 : memref<512xi32, #tpu.memory_space<vmem>>) semaphore(%dma_start3A_132 : memref<!tpu.dma_semaphore, #tpu.memory_space<semaphore_mem>>)
    %dma_start3A_133 = arith.constant 1 : i32
    %dma_start3A_134 = arith.constant 1 : i32
    %dma_start3A_135 = arith.constant 1 : i32
    %dma_start3A_136 = arith.constant 0 : i32
    %dma_start3A_137 = arith.constant 0 : i32
    %dma_start3A_138 = tpu.memref_slice %arg10[%dma_start3A_134, %dma_start3A_136, %dma_start3A_137] : memref<4x512x16xf32, #tpu.memory_space<vmem>> -> memref<1x512x16xf32, #tpu.memory_space<vmem>>
    %dma_start3A_139 = tpu.memref_squeeze %dma_start3A_138 : memref<1x512x16xf32, #tpu.memory_space<vmem>> -> memref<512x16xf32, #tpu.memory_space<vmem>>
    %dma_start3A_140 = arith.constant 0 : i32
    %dma_start3A_141 = tpu.memref_slice %arg8[%dma_start3A_133, %dma_start3A_140] : memref<20x512xi32, #tpu.memory_space<vmem>> -> memref<1x512xi32, #tpu.memory_space<vmem>>
    %dma_start3A_142 = tpu.memref_squeeze %dma_start3A_141 : memref<1x512xi32, #tpu.memory_space<vmem>> -> memref<512xi32, #tpu.memory_space<vmem>>
    %dma_start3A_143 = arith.constant 0 : i32
    %dma_start3A_144 = arith.constant 0 : i32
    %dma_start3A_145 = tpu.memref_slice %arg7[%dma_start3A_143, %dma_start3A_144] : memref<10240x16xf32, #tpu.memory_space<vmem_shared>> -> memref<10240x16xf32, #tpu.memory_space<vmem_shared>>
    %dma_start3A_146 = tpu.memref_slice %arg11[%dma_start3A_135] : memref<4x!tpu.dma_semaphore, #tpu.memory_space<semaphore_mem>> -> memref<1x!tpu.dma_semaphore, #tpu.memory_space<semaphore_mem>>
    %dma_start3A_147 = tpu.memref_squeeze %dma_start3A_146 : memref<1x!tpu.dma_semaphore, #tpu.memory_space<semaphore_mem>> -> memref<!tpu.dma_semaphore, #tpu.memory_space<semaphore_mem>>
    tpu.enqueue_indirect_dma source(%dma_start3A_145 : memref<10240x16xf32, #tpu.memory_space<vmem_shared>>) target(%dma_start3A_139 : memref<512x16xf32, #tpu.memory_space<vmem>>) offsets(%dma_start3A_142 : memref<512xi32, #tpu.memory_space<vmem>>) semaphore(%dma_start3A_147 : memref<!tpu.dma_semaphore, #tpu.memory_space<semaphore_mem>>)
    %dma_start3A_148 = arith.constant 2 : i32
    %dma_start3A_149 = arith.constant 2 : i32
    %dma_start3A_150 = arith.constant 2 : i32
    %dma_start3A_151 = arith.constant 0 : i32
    %dma_start3A_152 = arith.constant 0 : i32
    %dma_start3A_153 = tpu.memref_slice %arg10[%dma_start3A_149, %dma_start3A_151, %dma_start3A_152] : memref<4x512x16xf32, #tpu.memory_space<vmem>> -> memref<1x512x16xf32, #tpu.memory_space<vmem>>
    %dma_start3A_154 = tpu.memref_squeeze %dma_start3A_153 : memref<1x512x16xf32, #tpu.memory_space<vmem>> -> memref<512x16xf32, #tpu.memory_space<vmem>>
    %dma_start3A_155 = arith.constant 0 : i32
    %dma_start3A_156 = tpu.memref_slice %arg8[%dma_start3A_148, %dma_start3A_155] : memref<20x512xi32, #tpu.memory_space<vmem>> -> memref<1x512xi32, #tpu.memory_space<vmem>>
    %dma_start3A_157 = tpu.memref_squeeze %dma_start3A_156 : memref<1x512xi32, #tpu.memory_space<vmem>> -> memref<512xi32, #tpu.memory_space<vmem>>
    %dma_start3A_158 = arith.constant 0 : i32
    %dma_start3A_159 = arith.constant 0 : i32
    %dma_start3A_160 = tpu.memref_slice %arg7[%dma_start3A_158, %dma_start3A_159] : memref<10240x16xf32, #tpu.memory_space<vmem_shared>> -> memref<10240x16xf32, #tpu.memory_space<vmem_shared>>
    %dma_start3A_161 = tpu.memref_slice %arg11[%dma_start3A_150] : memref<4x!tpu.dma_semaphore, #tpu.memory_space<semaphore_mem>> -> memref<1x!tpu.dma_semaphore, #tpu.memory_space<semaphore_mem>>
    %dma_start3A_162 = tpu.memref_squeeze %dma_start3A_161 : memref<1x!tpu.dma_semaphore, #tpu.memory_space<semaphore_mem>> -> memref<!tpu.dma_semaphore, #tpu.memory_space<semaphore_mem>>
    tpu.enqueue_indirect_dma source(%dma_start3A_160 : memref<10240x16xf32, #tpu.memory_space<vmem_shared>>) target(%dma_start3A_154 : memref<512x16xf32, #tpu.memory_space<vmem>>) offsets(%dma_start3A_157 : memref<512xi32, #tpu.memory_space<vmem>>) semaphore(%dma_start3A_162 : memref<!tpu.dma_semaphore, #tpu.memory_space<semaphore_mem>>)
    %dma_start3A_163 = arith.constant 3 : i32
    %dma_start3A_164 = arith.constant 3 : i32
    %dma_start3A_165 = arith.constant 3 : i32
    %dma_start3A_166 = arith.constant 0 : i32
    %dma_start3A_167 = arith.constant 0 : i32
    %dma_start3A_168 = tpu.memref_slice %arg10[%dma_start3A_164, %dma_start3A_166, %dma_start3A_167] : memref<4x512x16xf32, #tpu.memory_space<vmem>> -> memref<1x512x16xf32, #tpu.memory_space<vmem>>
    %dma_start3A_169 = tpu.memref_squeeze %dma_start3A_168 : memref<1x512x16xf32, #tpu.memory_space<vmem>> -> memref<512x16xf32, #tpu.memory_space<vmem>>
    %dma_start3A_170 = arith.constant 0 : i32
    %dma_start3A_171 = tpu.memref_slice %arg8[%dma_start3A_163, %dma_start3A_170] : memref<20x512xi32, #tpu.memory_space<vmem>> -> memref<1x512xi32, #tpu.memory_space<vmem>>
    %dma_start3A_172 = tpu.memref_squeeze %dma_start3A_171 : memref<1x512xi32, #tpu.memory_space<vmem>> -> memref<512xi32, #tpu.memory_space<vmem>>
    %dma_start3A_173 = arith.constant 0 : i32
    %dma_start3A_174 = arith.constant 0 : i32
    %dma_start3A_175 = tpu.memref_slice %arg7[%dma_start3A_173, %dma_start3A_174] : memref<10240x16xf32, #tpu.memory_space<vmem_shared>> -> memref<10240x16xf32, #tpu.memory_space<vmem_shared>>
    %dma_start3A_176 = tpu.memref_slice %arg11[%dma_start3A_165] : memref<4x!tpu.dma_semaphore, #tpu.memory_space<semaphore_mem>> -> memref<1x!tpu.dma_semaphore, #tpu.memory_space<semaphore_mem>>
    %dma_start3A_177 = tpu.memref_squeeze %dma_start3A_176 : memref<1x!tpu.dma_semaphore, #tpu.memory_space<semaphore_mem>> -> memref<!tpu.dma_semaphore, #tpu.memory_space<semaphore_mem>>
    tpu.enqueue_indirect_dma source(%dma_start3A_175 : memref<10240x16xf32, #tpu.memory_space<vmem_shared>>) target(%dma_start3A_169 : memref<512x16xf32, #tpu.memory_space<vmem>>) offsets(%dma_start3A_172 : memref<512xi32, #tpu.memory_space<vmem>>) semaphore(%dma_start3A_177 : memref<!tpu.dma_semaphore, #tpu.memory_space<semaphore_mem>>)
    %while3A = arith.constant 0 : i32
    %while3A_178 = arith.constant 0 : i32
    %while3A_179 = arith.subi %sub3A_47, %while3A_178 : i32
    %while3A_180 = arith.addi %while3A_178, %while3A_179 : i32
    %while3A_181 = arith.constant 1 : i32
    %while3A_182 = arith.divsi %while3A_179, %while3A_181 : i32
    %while3A_183 = arith.muli %while3A_182, %while3A_181 : i32
    %while3A_184 = arith.addi %while3A_178, %while3A_183 : i32
    %while3A_185 = arith.constant 1 : i32
    scf.for %while3A_209 = %while3A_178 to %while3A_184 step %while3A_185  : i32 {
      %rem3A_210 = arith.constant 4 : i32
      %rem3A_211 = arith.remsi %while3A_209, %rem3A_210 : i32
      %add3A_212 = arith.constant 4 : i32
      %add3A_213 = arith.addi %while3A_209, %add3A_212 : i32
      %sub3A_214 = arith.constant 1 : i32
      %sub3A_215 = arith.subi %add3A_213, %sub3A_214 : i32
      %rem3A_216 = arith.constant 4 : i32
      %rem3A_217 = arith.remsi %sub3A_215, %rem3A_216 : i32
      %ge3A = arith.constant 1 : i32
      %ge3A_218 = arith.cmpi sge, %while3A_209, %ge3A : i32
      %convert_element_type3A = arith.extui %ge3A_218 : i1 to i32
      %cond3A = arith.constant 0 : i32
      %cond3A_219 = arith.cmpi ne, %convert_element_type3A, %cond3A : i32
      scf.if %cond3A_219 {
        %dma_wait3A_245 = arith.constant 0 : i32
        %dma_wait3A_246 = arith.constant 0 : i32
        %dma_wait3A_247 = arith.constant 0 : i32
        %dma_wait3A_248 = tpu.memref_slice %arg10[%rem3A_217, %dma_wait3A_246, %dma_wait3A_247] : memref<4x512x16xf32, #tpu.memory_space<vmem>> -> memref<1x512x16xf32, #tpu.memory_space<vmem>>
        %dma_wait3A_249 = tpu.memref_squeeze %dma_wait3A_248 : memref<1x512x16xf32, #tpu.memory_space<vmem>> -> memref<512x16xf32, #tpu.memory_space<vmem>>
        %dma_wait3A_250 = arith.constant 0 : i32
        %dma_wait3A_251 = tpu.memref_slice %arg9[%dma_wait3A_245, %dma_wait3A_250] : memref<20x512xi32, #tpu.memory_space<vmem>> -> memref<1x512xi32, #tpu.memory_space<vmem>>
        %dma_wait3A_252 = tpu.memref_squeeze %dma_wait3A_251 : memref<1x512xi32, #tpu.memory_space<vmem>> -> memref<512xi32, #tpu.memory_space<vmem>>
        %dma_wait3A_253 = arith.constant 0 : i32
        %dma_wait3A_254 = arith.constant 0 : i32
        %dma_wait3A_255 = tpu.memref_slice %arg6[%dma_wait3A_253, %dma_wait3A_254] : memref<10240x16xf32, #tpu.memory_space<vmem_shared>> -> memref<10240x16xf32, #tpu.memory_space<vmem_shared>>
        %dma_wait3A_256 = tpu.memref_slice %arg12[%rem3A_217] : memref<4x!tpu.dma_semaphore, #tpu.memory_space<semaphore_mem>> -> memref<1x!tpu.dma_semaphore, #tpu.memory_space<semaphore_mem>>
        %dma_wait3A_257 = tpu.memref_squeeze %dma_wait3A_256 : memref<1x!tpu.dma_semaphore, #tpu.memory_space<semaphore_mem>> -> memref<!tpu.dma_semaphore, #tpu.memory_space<semaphore_mem>>
        tpu.wait_indirect_dma semaphore(%dma_wait3A_257 : memref<!tpu.dma_semaphore, #tpu.memory_space<semaphore_mem>>) src(%dma_wait3A_249 : memref<512x16xf32, #tpu.memory_space<vmem>>) dst(%dma_wait3A_255 : memref<10240x16xf32, #tpu.memory_space<vmem_shared>>)
        %sub3A_258 = arith.constant 1 : i32
        %sub3A_259 = arith.subi %while3A_209, %sub3A_258 : i32
        %add3A_260 = arith.constant 4 : i32
        %add3A_261 = arith.addi %sub3A_259, %add3A_260 : i32
        %lt3A = arith.cmpi slt, %add3A_261, %sub3A_47 : i32
        %convert_element_type3A_262 = arith.extui %lt3A : i1 to i32
        %cond3A_263 = arith.constant 0 : i32
        %cond3A_264 = arith.cmpi ne, %convert_element_type3A_262, %cond3A_263 : i32
        scf.if %cond3A_264 {
          %sub3A_265 = arith.constant 1 : i32
          %sub3A_266 = arith.subi %while3A_209, %sub3A_265 : i32
          %add3A_267 = arith.constant 4 : i32
          %add3A_268 = arith.addi %sub3A_266, %add3A_267 : i32
          %dma_start3A_269 = arith.constant 0 : i32
          %dma_start3A_270 = arith.constant 0 : i32
          %dma_start3A_271 = tpu.memref_slice %arg10[%rem3A_217, %dma_start3A_269, %dma_start3A_270] : memref<4x512x16xf32, #tpu.memory_space<vmem>> -> memref<1x512x16xf32, #tpu.memory_space<vmem>>
          %dma_start3A_272 = tpu.memref_squeeze %dma_start3A_271 : memref<1x512x16xf32, #tpu.memory_space<vmem>> -> memref<512x16xf32, #tpu.memory_space<vmem>>
          %dma_start3A_273 = arith.constant 0 : i32
          %dma_start3A_274 = tpu.memref_slice %arg8[%add3A_268, %dma_start3A_273] : memref<20x512xi32, #tpu.memory_space<vmem>> -> memref<1x512xi32, #tpu.memory_space<vmem>>
          %dma_start3A_275 = tpu.memref_squeeze %dma_start3A_274 : memref<1x512xi32, #tpu.memory_space<vmem>> -> memref<512xi32, #tpu.memory_space<vmem>>
          %dma_start3A_276 = arith.constant 0 : i32
          %dma_start3A_277 = arith.constant 0 : i32
          %dma_start3A_278 = tpu.memref_slice %arg7[%dma_start3A_276, %dma_start3A_277] : memref<10240x16xf32, #tpu.memory_space<vmem_shared>> -> memref<10240x16xf32, #tpu.memory_space<vmem_shared>>
          %dma_start3A_279 = tpu.memref_slice %arg11[%rem3A_217] : memref<4x!tpu.dma_semaphore, #tpu.memory_space<semaphore_mem>> -> memref<1x!tpu.dma_semaphore, #tpu.memory_space<semaphore_mem>>
          %dma_start3A_280 = tpu.memref_squeeze %dma_start3A_279 : memref<1x!tpu.dma_semaphore, #tpu.memory_space<semaphore_mem>> -> memref<!tpu.dma_semaphore, #tpu.memory_space<semaphore_mem>>
          tpu.enqueue_indirect_dma source(%dma_start3A_278 : memref<10240x16xf32, #tpu.memory_space<vmem_shared>>) target(%dma_start3A_272 : memref<512x16xf32, #tpu.memory_space<vmem>>) offsets(%dma_start3A_275 : memref<512xi32, #tpu.memory_space<vmem>>) semaphore(%dma_start3A_280 : memref<!tpu.dma_semaphore, #tpu.memory_space<semaphore_mem>>)
        } else {
        }
      } else {
      }
      %dma_wait3A_220 = arith.constant 0 : i32
      %dma_wait3A_221 = arith.constant 0 : i32
      %dma_wait3A_222 = arith.constant 0 : i32
      %dma_wait3A_223 = tpu.memref_slice %arg10[%rem3A_211, %dma_wait3A_221, %dma_wait3A_222] : memref<4x512x16xf32, #tpu.memory_space<vmem>> -> memref<1x512x16xf32, #tpu.memory_space<vmem>>
      %dma_wait3A_224 = tpu.memref_squeeze %dma_wait3A_223 : memref<1x512x16xf32, #tpu.memory_space<vmem>> -> memref<512x16xf32, #tpu.memory_space<vmem>>
      %dma_wait3A_225 = arith.constant 0 : i32
      %dma_wait3A_226 = tpu.memref_slice %arg8[%dma_wait3A_220, %dma_wait3A_225] : memref<20x512xi32, #tpu.memory_space<vmem>> -> memref<1x512xi32, #tpu.memory_space<vmem>>
      %dma_wait3A_227 = tpu.memref_squeeze %dma_wait3A_226 : memref<1x512xi32, #tpu.memory_space<vmem>> -> memref<512xi32, #tpu.memory_space<vmem>>
      %dma_wait3A_228 = arith.constant 0 : i32
      %dma_wait3A_229 = arith.constant 0 : i32
      %dma_wait3A_230 = tpu.memref_slice %arg7[%dma_wait3A_228, %dma_wait3A_229] : memref<10240x16xf32, #tpu.memory_space<vmem_shared>> -> memref<10240x16xf32, #tpu.memory_space<vmem_shared>>
      %dma_wait3A_231 = tpu.memref_slice %arg11[%rem3A_211] : memref<4x!tpu.dma_semaphore, #tpu.memory_space<semaphore_mem>> -> memref<1x!tpu.dma_semaphore, #tpu.memory_space<semaphore_mem>>
      %dma_wait3A_232 = tpu.memref_squeeze %dma_wait3A_231 : memref<1x!tpu.dma_semaphore, #tpu.memory_space<semaphore_mem>> -> memref<!tpu.dma_semaphore, #tpu.memory_space<semaphore_mem>>
      tpu.wait_indirect_dma semaphore(%dma_wait3A_232 : memref<!tpu.dma_semaphore, #tpu.memory_space<semaphore_mem>>) src(%dma_wait3A_230 : memref<10240x16xf32, #tpu.memory_space<vmem_shared>>) dst(%dma_wait3A_224 : memref<512x16xf32, #tpu.memory_space<vmem>>)
      %dma_start3A_233 = arith.constant 0 : i32
      %dma_start3A_234 = arith.constant 0 : i32
      %dma_start3A_235 = tpu.memref_slice %arg10[%rem3A_211, %dma_start3A_233, %dma_start3A_234] : memref<4x512x16xf32, #tpu.memory_space<vmem>> -> memref<1x512x16xf32, #tpu.memory_space<vmem>>
      %dma_start3A_236 = tpu.memref_squeeze %dma_start3A_235 : memref<1x512x16xf32, #tpu.memory_space<vmem>> -> memref<512x16xf32, #tpu.memory_space<vmem>>
      %dma_start3A_237 = arith.constant 0 : i32
      %dma_start3A_238 = tpu.memref_slice %arg9[%while3A_209, %dma_start3A_237] : memref<20x512xi32, #tpu.memory_space<vmem>> -> memref<1x512xi32, #tpu.memory_space<vmem>>
      %dma_start3A_239 = tpu.memref_squeeze %dma_start3A_238 : memref<1x512xi32, #tpu.memory_space<vmem>> -> memref<512xi32, #tpu.memory_space<vmem>>
      %dma_start3A_240 = arith.constant 0 : i32
      %dma_start3A_241 = arith.constant 0 : i32
      %dma_start3A_242 = tpu.memref_slice %arg6[%dma_start3A_240, %dma_start3A_241] : memref<10240x16xf32, #tpu.memory_space<vmem_shared>> -> memref<10240x16xf32, #tpu.memory_space<vmem_shared>>
      %dma_start3A_243 = tpu.memref_slice %arg12[%rem3A_211] : memref<4x!tpu.dma_semaphore, #tpu.memory_space<semaphore_mem>> -> memref<1x!tpu.dma_semaphore, #tpu.memory_space<semaphore_mem>>
      %dma_start3A_244 = tpu.memref_squeeze %dma_start3A_243 : memref<1x!tpu.dma_semaphore, #tpu.memory_space<semaphore_mem>> -> memref<!tpu.dma_semaphore, #tpu.memory_space<semaphore_mem>>
      tpu.enqueue_indirect_dma source(%dma_start3A_236 : memref<512x16xf32, #tpu.memory_space<vmem>>) target(%dma_start3A_242 : memref<10240x16xf32, #tpu.memory_space<vmem_shared>>) offsets(%dma_start3A_239 : memref<512xi32, #tpu.memory_space<vmem>>) semaphore(%dma_start3A_244 : memref<!tpu.dma_semaphore, #tpu.memory_space<semaphore_mem>>) {add = true}
    }
    %while3A_186 = arith.constant 1 : i32
    scf.for %while3A_209 = %while3A_184 to %while3A_180 step %while3A_186  : i32 {
      %rem3A_210 = arith.constant 4 : i32
      %rem3A_211 = arith.remsi %while3A_209, %rem3A_210 : i32
      %add3A_212 = arith.constant 4 : i32
      %add3A_213 = arith.addi %while3A_209, %add3A_212 : i32
      %sub3A_214 = arith.constant 1 : i32
      %sub3A_215 = arith.subi %add3A_213, %sub3A_214 : i32
      %rem3A_216 = arith.constant 4 : i32
      %rem3A_217 = arith.remsi %sub3A_215, %rem3A_216 : i32
      %ge3A = arith.constant 1 : i32
      %ge3A_218 = arith.cmpi sge, %while3A_209, %ge3A : i32
      %convert_element_type3A = arith.extui %ge3A_218 : i1 to i32
      %cond3A = arith.constant 0 : i32
      %cond3A_219 = arith.cmpi ne, %convert_element_type3A, %cond3A : i32
      scf.if %cond3A_219 {
        %dma_wait3A_245 = arith.constant 0 : i32
        %dma_wait3A_246 = arith.constant 0 : i32
        %dma_wait3A_247 = arith.constant 0 : i32
        %dma_wait3A_248 = tpu.memref_slice %arg10[%rem3A_217, %dma_wait3A_246, %dma_wait3A_247] : memref<4x512x16xf32, #tpu.memory_space<vmem>> -> memref<1x512x16xf32, #tpu.memory_space<vmem>>
        %dma_wait3A_249 = tpu.memref_squeeze %dma_wait3A_248 : memref<1x512x16xf32, #tpu.memory_space<vmem>> -> memref<512x16xf32, #tpu.memory_space<vmem>>
        %dma_wait3A_250 = arith.constant 0 : i32
        %dma_wait3A_251 = tpu.memref_slice %arg9[%dma_wait3A_245, %dma_wait3A_250] : memref<20x512xi32, #tpu.memory_space<vmem>> -> memref<1x512xi32, #tpu.memory_space<vmem>>
        %dma_wait3A_252 = tpu.memref_squeeze %dma_wait3A_251 : memref<1x512xi32, #tpu.memory_space<vmem>> -> memref<512xi32, #tpu.memory_space<vmem>>
        %dma_wait3A_253 = arith.constant 0 : i32
        %dma_wait3A_254 = arith.constant 0 : i32
        %dma_wait3A_255 = tpu.memref_slice %arg6[%dma_wait3A_253, %dma_wait3A_254] : memref<10240x16xf32, #tpu.memory_space<vmem_shared>> -> memref<10240x16xf32, #tpu.memory_space<vmem_shared>>
        %dma_wait3A_256 = tpu.memref_slice %arg12[%rem3A_217] : memref<4x!tpu.dma_semaphore, #tpu.memory_space<semaphore_mem>> -> memref<1x!tpu.dma_semaphore, #tpu.memory_space<semaphore_mem>>
        %dma_wait3A_257 = tpu.memref_squeeze %dma_wait3A_256 : memref<1x!tpu.dma_semaphore, #tpu.memory_space<semaphore_mem>> -> memref<!tpu.dma_semaphore, #tpu.memory_space<semaphore_mem>>
        tpu.wait_indirect_dma semaphore(%dma_wait3A_257 : memref<!tpu.dma_semaphore, #tpu.memory_space<semaphore_mem>>) src(%dma_wait3A_249 : memref<512x16xf32, #tpu.memory_space<vmem>>) dst(%dma_wait3A_255 : memref<10240x16xf32, #tpu.memory_space<vmem_shared>>)
        %sub3A_258 = arith.constant 1 : i32
        %sub3A_259 = arith.subi %while3A_209, %sub3A_258 : i32
        %add3A_260 = arith.constant 4 : i32
        %add3A_261 = arith.addi %sub3A_259, %add3A_260 : i32
        %lt3A = arith.cmpi slt, %add3A_261, %sub3A_47 : i32
        %convert_element_type3A_262 = arith.extui %lt3A : i1 to i32
        %cond3A_263 = arith.constant 0 : i32
        %cond3A_264 = arith.cmpi ne, %convert_element_type3A_262, %cond3A_263 : i32
        scf.if %cond3A_264 {
          %sub3A_265 = arith.constant 1 : i32
          %sub3A_266 = arith.subi %while3A_209, %sub3A_265 : i32
          %add3A_267 = arith.constant 4 : i32
          %add3A_268 = arith.addi %sub3A_266, %add3A_267 : i32
          %dma_start3A_269 = arith.constant 0 : i32
          %dma_start3A_270 = arith.constant 0 : i32
          %dma_start3A_271 = tpu.memref_slice %arg10[%rem3A_217, %dma_start3A_269, %dma_start3A_270] : memref<4x512x16xf32, #tpu.memory_space<vmem>> -> memref<1x512x16xf32, #tpu.memory_space<vmem>>
          %dma_start3A_272 = tpu.memref_squeeze %dma_start3A_271 : memref<1x512x16xf32, #tpu.memory_space<vmem>> -> memref<512x16xf32, #tpu.memory_space<vmem>>
          %dma_start3A_273 = arith.constant 0 : i32
          %dma_start3A_274 = tpu.memref_slice %arg8[%add3A_268, %dma_start3A_273] : memref<20x512xi32, #tpu.memory_space<vmem>> -> memref<1x512xi32, #tpu.memory_space<vmem>>
          %dma_start3A_275 = tpu.memref_squeeze %dma_start3A_274 : memref<1x512xi32, #tpu.memory_space<vmem>> -> memref<512xi32, #tpu.memory_space<vmem>>
          %dma_start3A_276 = arith.constant 0 : i32
          %dma_start3A_277 = arith.constant 0 : i32
          %dma_start3A_278 = tpu.memref_slice %arg7[%dma_start3A_276, %dma_start3A_277] : memref<10240x16xf32, #tpu.memory_space<vmem_shared>> -> memref<10240x16xf32, #tpu.memory_space<vmem_shared>>
          %dma_start3A_279 = tpu.memref_slice %arg11[%rem3A_217] : memref<4x!tpu.dma_semaphore, #tpu.memory_space<semaphore_mem>> -> memref<1x!tpu.dma_semaphore, #tpu.memory_space<semaphore_mem>>
          %dma_start3A_280 = tpu.memref_squeeze %dma_start3A_279 : memref<1x!tpu.dma_semaphore, #tpu.memory_space<semaphore_mem>> -> memref<!tpu.dma_semaphore, #tpu.memory_space<semaphore_mem>>
          tpu.enqueue_indirect_dma source(%dma_start3A_278 : memref<10240x16xf32, #tpu.memory_space<vmem_shared>>) target(%dma_start3A_272 : memref<512x16xf32, #tpu.memory_space<vmem>>) offsets(%dma_start3A_275 : memref<512xi32, #tpu.memory_space<vmem>>) semaphore(%dma_start3A_280 : memref<!tpu.dma_semaphore, #tpu.memory_space<semaphore_mem>>)
        } else {
        }
      } else {
      }
      %dma_wait3A_220 = arith.constant 0 : i32
      %dma_wait3A_221 = arith.constant 0 : i32
      %dma_wait3A_222 = arith.constant 0 : i32
      %dma_wait3A_223 = tpu.memref_slice %arg10[%rem3A_211, %dma_wait3A_221, %dma_wait3A_222] : memref<4x512x16xf32, #tpu.memory_space<vmem>> -> memref<1x512x16xf32, #tpu.memory_space<vmem>>
      %dma_wait3A_224 = tpu.memref_squeeze %dma_wait3A_223 : memref<1x512x16xf32, #tpu.memory_space<vmem>> -> memref<512x16xf32, #tpu.memory_space<vmem>>
      %dma_wait3A_225 = arith.constant 0 : i32
      %dma_wait3A_226 = tpu.memref_slice %arg8[%dma_wait3A_220, %dma_wait3A_225] : memref<20x512xi32, #tpu.memory_space<vmem>> -> memref<1x512xi32, #tpu.memory_space<vmem>>
      %dma_wait3A_227 = tpu.memref_squeeze %dma_wait3A_226 : memref<1x512xi32, #tpu.memory_space<vmem>> -> memref<512xi32, #tpu.memory_space<vmem>>
      %dma_wait3A_228 = arith.constant 0 : i32
      %dma_wait3A_229 = arith.constant 0 : i32
      %dma_wait3A_230 = tpu.memref_slice %arg7[%dma_wait3A_228, %dma_wait3A_229] : memref<10240x16xf32, #tpu.memory_space<vmem_shared>> -> memref<10240x16xf32, #tpu.memory_space<vmem_shared>>
      %dma_wait3A_231 = tpu.memref_slice %arg11[%rem3A_211] : memref<4x!tpu.dma_semaphore, #tpu.memory_space<semaphore_mem>> -> memref<1x!tpu.dma_semaphore, #tpu.memory_space<semaphore_mem>>
      %dma_wait3A_232 = tpu.memref_squeeze %dma_wait3A_231 : memref<1x!tpu.dma_semaphore, #tpu.memory_space<semaphore_mem>> -> memref<!tpu.dma_semaphore, #tpu.memory_space<semaphore_mem>>
      tpu.wait_indirect_dma semaphore(%dma_wait3A_232 : memref<!tpu.dma_semaphore, #tpu.memory_space<semaphore_mem>>) src(%dma_wait3A_230 : memref<10240x16xf32, #tpu.memory_space<vmem_shared>>) dst(%dma_wait3A_224 : memref<512x16xf32, #tpu.memory_space<vmem>>)
      %dma_start3A_233 = arith.constant 0 : i32
      %dma_start3A_234 = arith.constant 0 : i32
      %dma_start3A_235 = tpu.memref_slice %arg10[%rem3A_211, %dma_start3A_233, %dma_start3A_234] : memref<4x512x16xf32, #tpu.memory_space<vmem>> -> memref<1x512x16xf32, #tpu.memory_space<vmem>>
      %dma_start3A_236 = tpu.memref_squeeze %dma_start3A_235 : memref<1x512x16xf32, #tpu.memory_space<vmem>> -> memref<512x16xf32, #tpu.memory_space<vmem>>
      %dma_start3A_237 = arith.constant 0 : i32
      %dma_start3A_238 = tpu.memref_slice %arg9[%while3A_209, %dma_start3A_237] : memref<20x512xi32, #tpu.memory_space<vmem>> -> memref<1x512xi32, #tpu.memory_space<vmem>>
      %dma_start3A_239 = tpu.memref_squeeze %dma_start3A_238 : memref<1x512xi32, #tpu.memory_space<vmem>> -> memref<512xi32, #tpu.memory_space<vmem>>
      %dma_start3A_240 = arith.constant 0 : i32
      %dma_start3A_241 = arith.constant 0 : i32
      %dma_start3A_242 = tpu.memref_slice %arg6[%dma_start3A_240, %dma_start3A_241] : memref<10240x16xf32, #tpu.memory_space<vmem_shared>> -> memref<10240x16xf32, #tpu.memory_space<vmem_shared>>
      %dma_start3A_243 = tpu.memref_slice %arg12[%rem3A_211] : memref<4x!tpu.dma_semaphore, #tpu.memory_space<semaphore_mem>> -> memref<1x!tpu.dma_semaphore, #tpu.memory_space<semaphore_mem>>
      %dma_start3A_244 = tpu.memref_squeeze %dma_start3A_243 : memref<1x!tpu.dma_semaphore, #tpu.memory_space<semaphore_mem>> -> memref<!tpu.dma_semaphore, #tpu.memory_space<semaphore_mem>>
      tpu.enqueue_indirect_dma source(%dma_start3A_236 : memref<512x16xf32, #tpu.memory_space<vmem>>) target(%dma_start3A_242 : memref<10240x16xf32, #tpu.memory_space<vmem_shared>>) offsets(%dma_start3A_239 : memref<512xi32, #tpu.memory_space<vmem>>) semaphore(%dma_start3A_244 : memref<!tpu.dma_semaphore, #tpu.memory_space<semaphore_mem>>) {add = true}
    }
    %sub3A_187 = arith.constant 1 : i32
    %sub3A_188 = arith.subi %sub3A_47, %sub3A_187 : i32
    %rem3A_189 = arith.constant 4 : i32
    %rem3A_190 = arith.remsi %sub3A_188, %rem3A_189 : i32
    %dma_wait3A_191 = arith.constant 0 : i32
    %dma_wait3A_192 = arith.constant 0 : i32
    %dma_wait3A_193 = arith.constant 0 : i32
    %dma_wait3A_194 = tpu.memref_slice %arg10[%rem3A_190, %dma_wait3A_192, %dma_wait3A_193] : memref<4x512x16xf32, #tpu.memory_space<vmem>> -> memref<1x512x16xf32, #tpu.memory_space<vmem>>
    %dma_wait3A_195 = tpu.memref_squeeze %dma_wait3A_194 : memref<1x512x16xf32, #tpu.memory_space<vmem>> -> memref<512x16xf32, #tpu.memory_space<vmem>>
    %dma_wait3A_196 = arith.constant 0 : i32
    %dma_wait3A_197 = tpu.memref_slice %arg9[%dma_wait3A_191, %dma_wait3A_196] : memref<20x512xi32, #tpu.memory_space<vmem>> -> memref<1x512xi32, #tpu.memory_space<vmem>>
    %dma_wait3A_198 = tpu.memref_squeeze %dma_wait3A_197 : memref<1x512xi32, #tpu.memory_space<vmem>> -> memref<512xi32, #tpu.memory_space<vmem>>
    %dma_wait3A_199 = arith.constant 0 : i32
    %dma_wait3A_200 = arith.constant 0 : i32
    %dma_wait3A_201 = tpu.memref_slice %arg6[%dma_wait3A_199, %dma_wait3A_200] : memref<10240x16xf32, #tpu.memory_space<vmem_shared>> -> memref<10240x16xf32, #tpu.memory_space<vmem_shared>>
    %dma_wait3A_202 = tpu.memref_slice %arg12[%rem3A_190] : memref<4x!tpu.dma_semaphore, #tpu.memory_space<semaphore_mem>> -> memref<1x!tpu.dma_semaphore, #tpu.memory_space<semaphore_mem>>
    %dma_wait3A_203 = tpu.memref_squeeze %dma_wait3A_202 : memref<1x!tpu.dma_semaphore, #tpu.memory_space<semaphore_mem>> -> memref<!tpu.dma_semaphore, #tpu.memory_space<semaphore_mem>>
    tpu.wait_indirect_dma semaphore(%dma_wait3A_203 : memref<!tpu.dma_semaphore, #tpu.memory_space<semaphore_mem>>) src(%dma_wait3A_195 : memref<512x16xf32, #tpu.memory_space<vmem>>) dst(%dma_wait3A_201 : memref<10240x16xf32, #tpu.memory_space<vmem_shared>>)
    %barrier3A_204 = arith.constant 0 : index
    tpu.barrier barrier_id(%barrier3A_204)
    %mul3A_205 = arith.constant 640 : i32
    %mul3A_206 = arith.muli %arg1, %mul3A_205 : i32
    %mul3A_207 = arith.constant 640 : i32
    %mul3A_208 = arith.muli %arg1, %mul3A_207 : i32
    "tpu.region"() ({
      %run_scoped3A = tpu.sem_alloc : memref<!tpu.dma_semaphore, #tpu.memory_space<semaphore_mem>>
      %dma_start3A_209 = arith.constant 0 : i32
      %dma_start3A_210 = tpu.memref_slice %arg5[%arg0, %mul3A_208, %dma_start3A_209] : memref<2x10240x16xf32, #tpu.memory_space<hbm>> -> memref<1x640x16xf32, #tpu.memory_space<hbm>>
      %dma_start3A_211 = tpu.memref_squeeze %dma_start3A_210 : memref<1x640x16xf32, #tpu.memory_space<hbm>> -> memref<640x16xf32, #tpu.memory_space<hbm>>
      %dma_start3A_212 = arith.constant 0 : i32
      %dma_start3A_213 = tpu.memref_slice %arg6[%mul3A_206, %dma_start3A_212] : memref<10240x16xf32, #tpu.memory_space<vmem_shared>> -> memref<640x16xf32, #tpu.memory_space<vmem_shared>>
      tpu.enqueue_dma source(%dma_start3A_213 : memref<640x16xf32, #tpu.memory_space<vmem_shared>>) target(%dma_start3A_211 : memref<640x16xf32, #tpu.memory_space<hbm>>) target_semaphore(%run_scoped3A : memref<!tpu.dma_semaphore, #tpu.memory_space<semaphore_mem>>)
      %dma_wait3A_214 = arith.constant 0 : i32
      %dma_wait3A_215 = tpu.memref_slice %arg5[%arg0, %mul3A_208, %dma_wait3A_214] : memref<2x10240x16xf32, #tpu.memory_space<hbm>> -> memref<1x640x16xf32, #tpu.memory_space<hbm>>
      %dma_wait3A_216 = tpu.memref_squeeze %dma_wait3A_215 : memref<1x640x16xf32, #tpu.memory_space<hbm>> -> memref<640x16xf32, #tpu.memory_space<hbm>>
      %dma_wait3A_217 = arith.constant 0 : i32
      %dma_wait3A_218 = tpu.memref_slice %arg6[%mul3A_206, %dma_wait3A_217] : memref<10240x16xf32, #tpu.memory_space<vmem_shared>> -> memref<640x16xf32, #tpu.memory_space<vmem_shared>>
      tpu.wait_dma2 semaphore(%run_scoped3A : memref<!tpu.dma_semaphore, #tpu.memory_space<semaphore_mem>>) src(%dma_wait3A_218 : memref<640x16xf32, #tpu.memory_space<vmem_shared>>) dst(%dma_wait3A_216 : memref<640x16xf32, #tpu.memory_space<hbm>>)
      tpu.yield
    }) : () -> ()
    return
  }
}

#map = affine_map<(d0, d1) -> (0, 0)>
#map1 = affine_map<(d0, d1) -> (0, 0, 0)>
module attributes {stable_mosaic.version = 14 : i64} {
  func.func @_segsum_body(%arg0: i32, %arg1: i32, %arg2: memref<10240x16xf32, #tpu.memory_space<hbm>>, %arg3: memref<2x625x512xi32, #tpu.memory_space<hbm>>, %arg4: memref<10240x16xf32, #tpu.memory_space<hbm>>, %arg5: memref<2x10240x16xf32, #tpu.memory_space<hbm>>, %arg6: memref<10240x16xf32, #tpu.memory_space<vmem_shared>>, %arg7: memref<10240x16xf32, #tpu.memory_space<vmem_shared>>, %arg8: memref<20x512xi32, #tpu.memory_space<vmem>>, %arg9: memref<20x512xi32, #tpu.memory_space<vmem>>, %arg10: memref<4x512x16xf32, #tpu.memory_space<vmem>>, %arg11: memref<4x!tpu.dma_semaphore, #tpu.memory_space<semaphore_mem>>, %arg12: memref<4x!tpu.dma_semaphore, #tpu.memory_space<semaphore_mem>>) attributes {dimension_semantics = [#tpu.dimension_semantics<core_parallel>, #tpu.dimension_semantics<subcore_parallel>], iteration_bounds = array<i64: 2, 16>, scalar_prefetch = 0 : i64, scratch_operands = 7 : i64, tpu.core_type = #tpu.core_type<sc_vector_subcore>, window_params = [{transform_indices = #map}, {transform_indices = #map1}, {transform_indices = #map}, {transform_indices = #map1}]} {
    %mul3A = arith.constant 16 : i32
    %mul3A_0 = arith.muli %arg0, %mul3A : i32
    %add3A = arith.addi %mul3A_0, %arg1 : i32
    %mul3A_1 = arith.constant 625 : i32
    %mul3A_2 = arith.muli %add3A, %mul3A_1 : i32
    %jit3A = arith.constant 32 : i32
    %div3A = arith.divsi %mul3A_2, %jit3A : i32
    %sign3A = arith.constant 0 : i32
    %sign3A_3 = arith.cmpi sgt, %mul3A_2, %sign3A : i32
    %sign3A_4 = arith.extui %sign3A_3 : i1 to i32
    %sign3A_5 = arith.constant 0 : i32
    %sign3A_6 = arith.cmpi slt, %mul3A_2, %sign3A_5 : i32
    %sign3A_7 = arith.extui %sign3A_6 : i1 to i32
    %sign3A_8 = arith.subi %sign3A_4, %sign3A_7 : i32
    %sign3A_9 = arith.constant 0 : i32
    %sign3A_10 = arith.cmpi sgt, %jit3A, %sign3A_9 : i32
    %sign3A_11 = arith.extui %sign3A_10 : i1 to i32
    %sign3A_12 = arith.constant 0 : i32
    %sign3A_13 = arith.cmpi slt, %jit3A, %sign3A_12 : i32
    %sign3A_14 = arith.extui %sign3A_13 : i1 to i32
    %sign3A_15 = arith.subi %sign3A_11, %sign3A_14 : i32
    %ne3A = arith.cmpi ne, %sign3A_8, %sign3A_15 : i32
    %rem3A = arith.remsi %mul3A_2, %jit3A : i32
    %ne3A_16 = arith.constant 0 : i32
    %ne3A_17 = arith.cmpi ne, %rem3A, %ne3A_16 : i32
    %and3A = arith.andi %ne3A, %ne3A_17 : i1
    %sub3A = arith.constant 1 : i32
    %sub3A_18 = arith.subi %div3A, %sub3A : i32
    %select_n3A = arith.select %and3A, %sub3A_18, %div3A : i32
    %add3A_19 = arith.constant 1 : i32
    %add3A_20 = arith.addi %add3A, %add3A_19 : i32
    %mul3A_21 = arith.constant 625 : i32
    %mul3A_22 = arith.muli %add3A_20, %mul3A_21 : i32
    %jit3A_23 = arith.constant 32 : i32
    %div3A_24 = arith.divsi %mul3A_22, %jit3A_23 : i32
    %sign3A_25 = arith.constant 0 : i32
    %sign3A_26 = arith.cmpi sgt, %mul3A_22, %sign3A_25 : i32
    %sign3A_27 = arith.extui %sign3A_26 : i1 to i32
    %sign3A_28 = arith.constant 0 : i32
    %sign3A_29 = arith.cmpi slt, %mul3A_22, %sign3A_28 : i32
    %sign3A_30 = arith.extui %sign3A_29 : i1 to i32
    %sign3A_31 = arith.subi %sign3A_27, %sign3A_30 : i32
    %sign3A_32 = arith.constant 0 : i32
    %sign3A_33 = arith.cmpi sgt, %jit3A_23, %sign3A_32 : i32
    %sign3A_34 = arith.extui %sign3A_33 : i1 to i32
    %sign3A_35 = arith.constant 0 : i32
    %sign3A_36 = arith.cmpi slt, %jit3A_23, %sign3A_35 : i32
    %sign3A_37 = arith.extui %sign3A_36 : i1 to i32
    %sign3A_38 = arith.subi %sign3A_34, %sign3A_37 : i32
    %ne3A_39 = arith.cmpi ne, %sign3A_31, %sign3A_38 : i32
    %rem3A_40 = arith.remsi %mul3A_22, %jit3A_23 : i32
    %ne3A_41 = arith.constant 0 : i32
    %ne3A_42 = arith.cmpi ne, %rem3A_40, %ne3A_41 : i32
    %and3A_43 = arith.andi %ne3A_39, %ne3A_42 : i1
    %sub3A_44 = arith.constant 1 : i32
    %sub3A_45 = arith.subi %div3A_24, %sub3A_44 : i32
    %select_n3A_46 = arith.select %and3A_43, %sub3A_45, %div3A_24 : i32
    %sub3A_47 = arith.subi %select_n3A_46, %select_n3A : i32
    %mul3A_48 = arith.constant 1 : i32
    %mul3A_49 = arith.muli %select_n3A, %mul3A_48 : i32
    %mul3A_50 = arith.constant 640 : i32
    %mul3A_51 = arith.muli %arg1, %mul3A_50 : i32
    %dma_start3A = arith.constant 0 : i32
    %dma_start3A_52 = tpu.memref_slice %arg11[%dma_start3A] : memref<4x!tpu.dma_semaphore, #tpu.memory_space<semaphore_mem>> -> memref<1x!tpu.dma_semaphore, #tpu.memory_space<semaphore_mem>>
    %dma_start3A_53 = tpu.memref_squeeze %dma_start3A_52 : memref<1x!tpu.dma_semaphore, #tpu.memory_space<semaphore_mem>> -> memref<!tpu.dma_semaphore, #tpu.memory_space<semaphore_mem>>
    %dma_start3A_54 = arith.constant 0 : i32
    %dma_start3A_55 = tpu.memref_slice %arg7[%mul3A_51, %dma_start3A_54] : memref<10240x16xf32, #tpu.memory_space<vmem_shared>> -> memref<640x16xf32, #tpu.memory_space<vmem_shared>>
    %dma_start3A_56 = arith.constant 0 : i32
    %dma_start3A_57 = tpu.memref_slice %arg2[%mul3A_51, %dma_start3A_56] : memref<10240x16xf32, #tpu.memory_space<hbm>> -> memref<640x16xf32, #tpu.memory_space<hbm>>
    tpu.enqueue_dma source(%dma_start3A_57 : memref<640x16xf32, #tpu.memory_space<hbm>>) target(%dma_start3A_55 : memref<640x16xf32, #tpu.memory_space<vmem_shared>>) target_semaphore(%dma_start3A_53 : memref<!tpu.dma_semaphore, #tpu.memory_space<semaphore_mem>>)
    %dma_start3A_58 = arith.constant 1 : i32
    %dma_start3A_59 = tpu.memref_slice %arg11[%dma_start3A_58] : memref<4x!tpu.dma_semaphore, #tpu.memory_space<semaphore_mem>> -> memref<1x!tpu.dma_semaphore, #tpu.memory_space<semaphore_mem>>
    %dma_start3A_60 = tpu.memref_squeeze %dma_start3A_59 : memref<1x!tpu.dma_semaphore, #tpu.memory_space<semaphore_mem>> -> memref<!tpu.dma_semaphore, #tpu.memory_space<semaphore_mem>>
    %dma_start3A_61 = arith.constant 0 : i32
    %dma_start3A_62 = tpu.memref_slice %arg6[%mul3A_51, %dma_start3A_61] : memref<10240x16xf32, #tpu.memory_space<vmem_shared>> -> memref<640x16xf32, #tpu.memory_space<vmem_shared>>
    %dma_start3A_63 = arith.constant 0 : i32
    %dma_start3A_64 = tpu.memref_slice %arg4[%mul3A_51, %dma_start3A_63] : memref<10240x16xf32, #tpu.memory_space<hbm>> -> memref<640x16xf32, #tpu.memory_space<hbm>>
    tpu.enqueue_dma source(%dma_start3A_64 : memref<640x16xf32, #tpu.memory_space<hbm>>) target(%dma_start3A_62 : memref<640x16xf32, #tpu.memory_space<vmem_shared>>) target_semaphore(%dma_start3A_60 : memref<!tpu.dma_semaphore, #tpu.memory_space<semaphore_mem>>)
    %dma_start3A_65 = arith.constant 0 : i32
    %dma_start3A_66 = arith.constant 2 : i32
    %dma_start3A_67 = arith.constant 0 : i32
    %dma_start3A_68 = tpu.memref_slice %arg3[%dma_start3A_65, %mul3A_49, %dma_start3A_67] : memref<2x625x512xi32, #tpu.memory_space<hbm>> -> memref<1x20x512xi32, #tpu.memory_space<hbm>>
    %dma_start3A_69 = tpu.memref_squeeze %dma_start3A_68 : memref<1x20x512xi32, #tpu.memory_space<hbm>> -> memref<20x512xi32, #tpu.memory_space<hbm>>
    %dma_start3A_70 = tpu.memref_slice %arg11[%dma_start3A_66] : memref<4x!tpu.dma_semaphore, #tpu.memory_space<semaphore_mem>> -> memref<1x!tpu.dma_semaphore, #tpu.memory_space<semaphore_mem>>
    %dma_start3A_71 = tpu.memref_squeeze %dma_start3A_70 : memref<1x!tpu.dma_semaphore, #tpu.memory_space<semaphore_mem>> -> memref<!tpu.dma_semaphore, #tpu.memory_space<semaphore_mem>>
    %dma_start3A_72 = arith.constant 0 : i32
    %dma_start3A_73 = tpu.memref_slice %arg3[%dma_start3A_65, %mul3A_49, %dma_start3A_72] : memref<2x625x512xi32, #tpu.memory_space<hbm>> -> memref<1x20x512xi32, #tpu.memory_space<hbm>>
    %dma_start3A_74 = tpu.memref_squeeze %dma_start3A_73 : memref<1x20x512xi32, #tpu.memory_space<hbm>> -> memref<20x512xi32, #tpu.memory_space<hbm>>
    tpu.enqueue_dma source(%dma_start3A_74 : memref<20x512xi32, #tpu.memory_space<hbm>>) target(%arg8 : memref<20x512xi32, #tpu.memory_space<vmem>>) target_semaphore(%dma_start3A_71 : memref<!tpu.dma_semaphore, #tpu.memory_space<semaphore_mem>>)
    %dma_start3A_75 = arith.constant 1 : i32
    %dma_start3A_76 = arith.constant 3 : i32
    %dma_start3A_77 = arith.constant 0 : i32
    %dma_start3A_78 = tpu.memref_slice %arg3[%dma_start3A_75, %mul3A_49, %dma_start3A_77] : memref<2x625x512xi32, #tpu.memory_space<hbm>> -> memref<1x20x512xi32, #tpu.memory_space<hbm>>
    %dma_start3A_79 = tpu.memref_squeeze %dma_start3A_78 : memref<1x20x512xi32, #tpu.memory_space<hbm>> -> memref<20x512xi32, #tpu.memory_space<hbm>>
    %dma_start3A_80 = tpu.memref_slice %arg11[%dma_start3A_76] : memref<4x!tpu.dma_semaphore, #tpu.memory_space<semaphore_mem>> -> memref<1x!tpu.dma_semaphore, #tpu.memory_space<semaphore_mem>>
    %dma_start3A_81 = tpu.memref_squeeze %dma_start3A_80 : memref<1x!tpu.dma_semaphore, #tpu.memory_space<semaphore_mem>> -> memref<!tpu.dma_semaphore, #tpu.memory_space<semaphore_mem>>
    %dma_start3A_82 = arith.constant 0 : i32
    %dma_start3A_83 = tpu.memref_slice %arg3[%dma_start3A_75, %mul3A_49, %dma_start3A_82] : memref<2x625x512xi32, #tpu.memory_space<hbm>> -> memref<1x20x512xi32, #tpu.memory_space<hbm>>
    %dma_start3A_84 = tpu.memref_squeeze %dma_start3A_83 : memref<1x20x512xi32, #tpu.memory_space<hbm>> -> memref<20x512xi32, #tpu.memory_space<hbm>>
    tpu.enqueue_dma source(%dma_start3A_84 : memref<20x512xi32, #tpu.memory_space<hbm>>) target(%arg9 : memref<20x512xi32, #tpu.memory_space<vmem>>) target_semaphore(%dma_start3A_81 : memref<!tpu.dma_semaphore, #tpu.memory_space<semaphore_mem>>)
    %dma_wait3A = arith.constant 0 : i32
    %dma_wait3A_85 = tpu.memref_slice %arg11[%dma_wait3A] : memref<4x!tpu.dma_semaphore, #tpu.memory_space<semaphore_mem>> -> memref<1x!tpu.dma_semaphore, #tpu.memory_space<semaphore_mem>>
    %dma_wait3A_86 = tpu.memref_squeeze %dma_wait3A_85 : memref<1x!tpu.dma_semaphore, #tpu.memory_space<semaphore_mem>> -> memref<!tpu.dma_semaphore, #tpu.memory_space<semaphore_mem>>
    %dma_wait3A_87 = arith.constant 0 : i32
    %dma_wait3A_88 = tpu.memref_slice %arg7[%mul3A_51, %dma_wait3A_87] : memref<10240x16xf32, #tpu.memory_space<vmem_shared>> -> memref<640x16xf32, #tpu.memory_space<vmem_shared>>
    %dma_wait3A_89 = arith.constant 0 : i32
    %dma_wait3A_90 = tpu.memref_slice %arg2[%mul3A_51, %dma_wait3A_89] : memref<10240x16xf32, #tpu.memory_space<hbm>> -> memref<640x16xf32, #tpu.memory_space<hbm>>
    tpu.wait_dma2 semaphore(%dma_wait3A_86 : memref<!tpu.dma_semaphore, #tpu.memory_space<semaphore_mem>>) src(%dma_wait3A_90 : memref<640x16xf32, #tpu.memory_space<hbm>>) dst(%dma_wait3A_88 : memref<640x16xf32, #tpu.memory_space<vmem_shared>>)
    %dma_wait3A_91 = arith.constant 1 : i32
    %dma_wait3A_92 = tpu.memref_slice %arg11[%dma_wait3A_91] : memref<4x!tpu.dma_semaphore, #tpu.memory_space<semaphore_mem>> -> memref<1x!tpu.dma_semaphore, #tpu.memory_space<semaphore_mem>>
    %dma_wait3A_93 = tpu.memref_squeeze %dma_wait3A_92 : memref<1x!tpu.dma_semaphore, #tpu.memory_space<semaphore_mem>> -> memref<!tpu.dma_semaphore, #tpu.memory_space<semaphore_mem>>
    %dma_wait3A_94 = arith.constant 0 : i32
    %dma_wait3A_95 = tpu.memref_slice %arg6[%mul3A_51, %dma_wait3A_94] : memref<10240x16xf32, #tpu.memory_space<vmem_shared>> -> memref<640x16xf32, #tpu.memory_space<vmem_shared>>
    %dma_wait3A_96 = arith.constant 0 : i32
    %dma_wait3A_97 = tpu.memref_slice %arg4[%mul3A_51, %dma_wait3A_96] : memref<10240x16xf32, #tpu.memory_space<hbm>> -> memref<640x16xf32, #tpu.memory_space<hbm>>
    tpu.wait_dma2 semaphore(%dma_wait3A_93 : memref<!tpu.dma_semaphore, #tpu.memory_space<semaphore_mem>>) src(%dma_wait3A_97 : memref<640x16xf32, #tpu.memory_space<hbm>>) dst(%dma_wait3A_95 : memref<640x16xf32, #tpu.memory_space<vmem_shared>>)
    %dma_wait3A_98 = arith.constant 0 : i32
    %dma_wait3A_99 = arith.constant 2 : i32
    %dma_wait3A_100 = arith.constant 0 : i32
    %dma_wait3A_101 = tpu.memref_slice %arg3[%dma_wait3A_98, %mul3A_49, %dma_wait3A_100] : memref<2x625x512xi32, #tpu.memory_space<hbm>> -> memref<1x20x512xi32, #tpu.memory_space<hbm>>
    %dma_wait3A_102 = tpu.memref_squeeze %dma_wait3A_101 : memref<1x20x512xi32, #tpu.memory_space<hbm>> -> memref<20x512xi32, #tpu.memory_space<hbm>>
    %dma_wait3A_103 = tpu.memref_slice %arg11[%dma_wait3A_99] : memref<4x!tpu.dma_semaphore, #tpu.memory_space<semaphore_mem>> -> memref<1x!tpu.dma_semaphore, #tpu.memory_space<semaphore_mem>>
    %dma_wait3A_104 = tpu.memref_squeeze %dma_wait3A_103 : memref<1x!tpu.dma_semaphore, #tpu.memory_space<semaphore_mem>> -> memref<!tpu.dma_semaphore, #tpu.memory_space<semaphore_mem>>
    %dma_wait3A_105 = arith.constant 0 : i32
    %dma_wait3A_106 = tpu.memref_slice %arg3[%dma_wait3A_98, %mul3A_49, %dma_wait3A_105] : memref<2x625x512xi32, #tpu.memory_space<hbm>> -> memref<1x20x512xi32, #tpu.memory_space<hbm>>
    %dma_wait3A_107 = tpu.memref_squeeze %dma_wait3A_106 : memref<1x20x512xi32, #tpu.memory_space<hbm>> -> memref<20x512xi32, #tpu.memory_space<hbm>>
    tpu.wait_dma2 semaphore(%dma_wait3A_104 : memref<!tpu.dma_semaphore, #tpu.memory_space<semaphore_mem>>) src(%dma_wait3A_107 : memref<20x512xi32, #tpu.memory_space<hbm>>) dst(%arg8 : memref<20x512xi32, #tpu.memory_space<vmem>>)
    %dma_wait3A_108 = arith.constant 1 : i32
    %dma_wait3A_109 = arith.constant 3 : i32
    %dma_wait3A_110 = arith.constant 0 : i32
    %dma_wait3A_111 = tpu.memref_slice %arg3[%dma_wait3A_108, %mul3A_49, %dma_wait3A_110] : memref<2x625x512xi32, #tpu.memory_space<hbm>> -> memref<1x20x512xi32, #tpu.memory_space<hbm>>
    %dma_wait3A_112 = tpu.memref_squeeze %dma_wait3A_111 : memref<1x20x512xi32, #tpu.memory_space<hbm>> -> memref<20x512xi32, #tpu.memory_space<hbm>>
    %dma_wait3A_113 = tpu.memref_slice %arg11[%dma_wait3A_109] : memref<4x!tpu.dma_semaphore, #tpu.memory_space<semaphore_mem>> -> memref<1x!tpu.dma_semaphore, #tpu.memory_space<semaphore_mem>>
    %dma_wait3A_114 = tpu.memref_squeeze %dma_wait3A_113 : memref<1x!tpu.dma_semaphore, #tpu.memory_space<semaphore_mem>> -> memref<!tpu.dma_semaphore, #tpu.memory_space<semaphore_mem>>
    %dma_wait3A_115 = arith.constant 0 : i32
    %dma_wait3A_116 = tpu.memref_slice %arg3[%dma_wait3A_108, %mul3A_49, %dma_wait3A_115] : memref<2x625x512xi32, #tpu.memory_space<hbm>> -> memref<1x20x512xi32, #tpu.memory_space<hbm>>
    %dma_wait3A_117 = tpu.memref_squeeze %dma_wait3A_116 : memref<1x20x512xi32, #tpu.memory_space<hbm>> -> memref<20x512xi32, #tpu.memory_space<hbm>>
    tpu.wait_dma2 semaphore(%dma_wait3A_114 : memref<!tpu.dma_semaphore, #tpu.memory_space<semaphore_mem>>) src(%dma_wait3A_117 : memref<20x512xi32, #tpu.memory_space<hbm>>) dst(%arg9 : memref<20x512xi32, #tpu.memory_space<vmem>>)
    %barrier3A = arith.constant 0 : index
    tpu.barrier barrier_id(%barrier3A)
    %dma_start3A_118 = arith.constant 0 : i32
    %dma_start3A_119 = arith.constant 0 : i32
    %dma_start3A_120 = arith.constant 0 : i32
    %dma_start3A_121 = arith.constant 0 : i32
    %dma_start3A_122 = arith.constant 0 : i32
    %dma_start3A_123 = tpu.memref_slice %arg10[%dma_start3A_119, %dma_start3A_121, %dma_start3A_122] : memref<4x512x16xf32, #tpu.memory_space<vmem>> -> memref<1x512x16xf32, #tpu.memory_space<vmem>>
    %dma_start3A_124 = tpu.memref_squeeze %dma_start3A_123 : memref<1x512x16xf32, #tpu.memory_space<vmem>> -> memref<512x16xf32, #tpu.memory_space<vmem>>
    %dma_start3A_125 = arith.constant 0 : i32
    %dma_start3A_126 = tpu.memref_slice %arg8[%dma_start3A_118, %dma_start3A_125] : memref<20x512xi32, #tpu.memory_space<vmem>> -> memref<1x512xi32, #tpu.memory_space<vmem>>
    %dma_start3A_127 = tpu.memref_squeeze %dma_start3A_126 : memref<1x512xi32, #tpu.memory_space<vmem>> -> memref<512xi32, #tpu.memory_space<vmem>>
    %dma_start3A_128 = arith.constant 0 : i32
    %dma_start3A_129 = arith.constant 0 : i32
    %dma_start3A_130 = tpu.memref_slice %arg7[%dma_start3A_128, %dma_start3A_129] : memref<10240x16xf32, #tpu.memory_space<vmem_shared>> -> memref<10240x16xf32, #tpu.memory_space<vmem_shared>>
    %dma_start3A_131 = tpu.memref_slice %arg11[%dma_start3A_120] : memref<4x!tpu.dma_semaphore, #tpu.memory_space<semaphore_mem>> -> memref<1x!tpu.dma_semaphore, #tpu.memory_space<semaphore_mem>>
    %dma_start3A_132 = tpu.memref_squeeze %dma_start3A_131 : memref<1x!tpu.dma_semaphore, #tpu.memory_space<semaphore_mem>> -> memref<!tpu.dma_semaphore, #tpu.memory_space<semaphore_mem>>
    tpu.enqueue_indirect_dma source(%dma_start3A_130 : memref<10240x16xf32, #tpu.memory_space<vmem_shared>>) target(%dma_start3A_124 : memref<512x16xf32, #tpu.memory_space<vmem>>) offsets(%dma_start3A_127 : memref<512xi32, #tpu.memory_space<vmem>>) semaphore(%dma_start3A_132 : memref<!tpu.dma_semaphore, #tpu.memory_space<semaphore_mem>>)
    %dma_start3A_133 = arith.constant 1 : i32
    %dma_start3A_134 = arith.constant 1 : i32
    %dma_start3A_135 = arith.constant 1 : i32
    %dma_start3A_136 = arith.constant 0 : i32
    %dma_start3A_137 = arith.constant 0 : i32
    %dma_start3A_138 = tpu.memref_slice %arg10[%dma_start3A_134, %dma_start3A_136, %dma_start3A_137] : memref<4x512x16xf32, #tpu.memory_space<vmem>> -> memref<1x512x16xf32, #tpu.memory_space<vmem>>
    %dma_start3A_139 = tpu.memref_squeeze %dma_start3A_138 : memref<1x512x16xf32, #tpu.memory_space<vmem>> -> memref<512x16xf32, #tpu.memory_space<vmem>>
    %dma_start3A_140 = arith.constant 0 : i32
    %dma_start3A_141 = tpu.memref_slice %arg8[%dma_start3A_133, %dma_start3A_140] : memref<20x512xi32, #tpu.memory_space<vmem>> -> memref<1x512xi32, #tpu.memory_space<vmem>>
    %dma_start3A_142 = tpu.memref_squeeze %dma_start3A_141 : memref<1x512xi32, #tpu.memory_space<vmem>> -> memref<512xi32, #tpu.memory_space<vmem>>
    %dma_start3A_143 = arith.constant 0 : i32
    %dma_start3A_144 = arith.constant 0 : i32
    %dma_start3A_145 = tpu.memref_slice %arg7[%dma_start3A_143, %dma_start3A_144] : memref<10240x16xf32, #tpu.memory_space<vmem_shared>> -> memref<10240x16xf32, #tpu.memory_space<vmem_shared>>
    %dma_start3A_146 = tpu.memref_slice %arg11[%dma_start3A_135] : memref<4x!tpu.dma_semaphore, #tpu.memory_space<semaphore_mem>> -> memref<1x!tpu.dma_semaphore, #tpu.memory_space<semaphore_mem>>
    %dma_start3A_147 = tpu.memref_squeeze %dma_start3A_146 : memref<1x!tpu.dma_semaphore, #tpu.memory_space<semaphore_mem>> -> memref<!tpu.dma_semaphore, #tpu.memory_space<semaphore_mem>>
    tpu.enqueue_indirect_dma source(%dma_start3A_145 : memref<10240x16xf32, #tpu.memory_space<vmem_shared>>) target(%dma_start3A_139 : memref<512x16xf32, #tpu.memory_space<vmem>>) offsets(%dma_start3A_142 : memref<512xi32, #tpu.memory_space<vmem>>) semaphore(%dma_start3A_147 : memref<!tpu.dma_semaphore, #tpu.memory_space<semaphore_mem>>)
    %dma_start3A_148 = arith.constant 2 : i32
    %dma_start3A_149 = arith.constant 2 : i32
    %dma_start3A_150 = arith.constant 2 : i32
    %dma_start3A_151 = arith.constant 0 : i32
    %dma_start3A_152 = arith.constant 0 : i32
    %dma_start3A_153 = tpu.memref_slice %arg10[%dma_start3A_149, %dma_start3A_151, %dma_start3A_152] : memref<4x512x16xf32, #tpu.memory_space<vmem>> -> memref<1x512x16xf32, #tpu.memory_space<vmem>>
    %dma_start3A_154 = tpu.memref_squeeze %dma_start3A_153 : memref<1x512x16xf32, #tpu.memory_space<vmem>> -> memref<512x16xf32, #tpu.memory_space<vmem>>
    %dma_start3A_155 = arith.constant 0 : i32
    %dma_start3A_156 = tpu.memref_slice %arg8[%dma_start3A_148, %dma_start3A_155] : memref<20x512xi32, #tpu.memory_space<vmem>> -> memref<1x512xi32, #tpu.memory_space<vmem>>
    %dma_start3A_157 = tpu.memref_squeeze %dma_start3A_156 : memref<1x512xi32, #tpu.memory_space<vmem>> -> memref<512xi32, #tpu.memory_space<vmem>>
    %dma_start3A_158 = arith.constant 0 : i32
    %dma_start3A_159 = arith.constant 0 : i32
    %dma_start3A_160 = tpu.memref_slice %arg7[%dma_start3A_158, %dma_start3A_159] : memref<10240x16xf32, #tpu.memory_space<vmem_shared>> -> memref<10240x16xf32, #tpu.memory_space<vmem_shared>>
    %dma_start3A_161 = tpu.memref_slice %arg11[%dma_start3A_150] : memref<4x!tpu.dma_semaphore, #tpu.memory_space<semaphore_mem>> -> memref<1x!tpu.dma_semaphore, #tpu.memory_space<semaphore_mem>>
    %dma_start3A_162 = tpu.memref_squeeze %dma_start3A_161 : memref<1x!tpu.dma_semaphore, #tpu.memory_space<semaphore_mem>> -> memref<!tpu.dma_semaphore, #tpu.memory_space<semaphore_mem>>
    tpu.enqueue_indirect_dma source(%dma_start3A_160 : memref<10240x16xf32, #tpu.memory_space<vmem_shared>>) target(%dma_start3A_154 : memref<512x16xf32, #tpu.memory_space<vmem>>) offsets(%dma_start3A_157 : memref<512xi32, #tpu.memory_space<vmem>>) semaphore(%dma_start3A_162 : memref<!tpu.dma_semaphore, #tpu.memory_space<semaphore_mem>>)
    %dma_start3A_163 = arith.constant 3 : i32
    %dma_start3A_164 = arith.constant 3 : i32
    %dma_start3A_165 = arith.constant 3 : i32
    %dma_start3A_166 = arith.constant 0 : i32
    %dma_start3A_167 = arith.constant 0 : i32
    %dma_start3A_168 = tpu.memref_slice %arg10[%dma_start3A_164, %dma_start3A_166, %dma_start3A_167] : memref<4x512x16xf32, #tpu.memory_space<vmem>> -> memref<1x512x16xf32, #tpu.memory_space<vmem>>
    %dma_start3A_169 = tpu.memref_squeeze %dma_start3A_168 : memref<1x512x16xf32, #tpu.memory_space<vmem>> -> memref<512x16xf32, #tpu.memory_space<vmem>>
    %dma_start3A_170 = arith.constant 0 : i32
    %dma_start3A_171 = tpu.memref_slice %arg8[%dma_start3A_163, %dma_start3A_170] : memref<20x512xi32, #tpu.memory_space<vmem>> -> memref<1x512xi32, #tpu.memory_space<vmem>>
    %dma_start3A_172 = tpu.memref_squeeze %dma_start3A_171 : memref<1x512xi32, #tpu.memory_space<vmem>> -> memref<512xi32, #tpu.memory_space<vmem>>
    %dma_start3A_173 = arith.constant 0 : i32
    %dma_start3A_174 = arith.constant 0 : i32
    %dma_start3A_175 = tpu.memref_slice %arg7[%dma_start3A_173, %dma_start3A_174] : memref<10240x16xf32, #tpu.memory_space<vmem_shared>> -> memref<10240x16xf32, #tpu.memory_space<vmem_shared>>
    %dma_start3A_176 = tpu.memref_slice %arg11[%dma_start3A_165] : memref<4x!tpu.dma_semaphore, #tpu.memory_space<semaphore_mem>> -> memref<1x!tpu.dma_semaphore, #tpu.memory_space<semaphore_mem>>
    %dma_start3A_177 = tpu.memref_squeeze %dma_start3A_176 : memref<1x!tpu.dma_semaphore, #tpu.memory_space<semaphore_mem>> -> memref<!tpu.dma_semaphore, #tpu.memory_space<semaphore_mem>>
    tpu.enqueue_indirect_dma source(%dma_start3A_175 : memref<10240x16xf32, #tpu.memory_space<vmem_shared>>) target(%dma_start3A_169 : memref<512x16xf32, #tpu.memory_space<vmem>>) offsets(%dma_start3A_172 : memref<512xi32, #tpu.memory_space<vmem>>) semaphore(%dma_start3A_177 : memref<!tpu.dma_semaphore, #tpu.memory_space<semaphore_mem>>)
    %while3A = arith.constant 0 : i32
    %while3A_178 = arith.constant 0 : i32
    %while3A_179 = arith.subi %sub3A_47, %while3A_178 : i32
    %while3A_180 = arith.addi %while3A_178, %while3A_179 : i32
    %while3A_181 = arith.constant 1 : i32
    %while3A_182 = arith.divsi %while3A_179, %while3A_181 : i32
    %while3A_183 = arith.muli %while3A_182, %while3A_181 : i32
    %while3A_184 = arith.addi %while3A_178, %while3A_183 : i32
    %while3A_185 = arith.constant 1 : i32
    scf.for %while3A_209 = %while3A_178 to %while3A_184 step %while3A_185  : i32 {
      %rem3A_210 = arith.constant 4 : i32
      %rem3A_211 = arith.remsi %while3A_209, %rem3A_210 : i32
      %add3A_212 = arith.constant 4 : i32
      %add3A_213 = arith.addi %while3A_209, %add3A_212 : i32
      %sub3A_214 = arith.constant 1 : i32
      %sub3A_215 = arith.subi %add3A_213, %sub3A_214 : i32
      %rem3A_216 = arith.constant 4 : i32
      %rem3A_217 = arith.remsi %sub3A_215, %rem3A_216 : i32
      %ge3A = arith.constant 1 : i32
      %ge3A_218 = arith.cmpi sge, %while3A_209, %ge3A : i32
      %convert_element_type3A = arith.extui %ge3A_218 : i1 to i32
      %cond3A = arith.constant 0 : i32
      %cond3A_219 = arith.cmpi ne, %convert_element_type3A, %cond3A : i32
      scf.if %cond3A_219 {
        %dma_wait3A_245 = arith.constant 0 : i32
        %dma_wait3A_246 = arith.constant 0 : i32
        %dma_wait3A_247 = arith.constant 0 : i32
        %dma_wait3A_248 = tpu.memref_slice %arg10[%rem3A_217, %dma_wait3A_246, %dma_wait3A_247] : memref<4x512x16xf32, #tpu.memory_space<vmem>> -> memref<1x512x16xf32, #tpu.memory_space<vmem>>
        %dma_wait3A_249 = tpu.memref_squeeze %dma_wait3A_248 : memref<1x512x16xf32, #tpu.memory_space<vmem>> -> memref<512x16xf32, #tpu.memory_space<vmem>>
        %dma_wait3A_250 = arith.constant 0 : i32
        %dma_wait3A_251 = tpu.memref_slice %arg9[%dma_wait3A_245, %dma_wait3A_250] : memref<20x512xi32, #tpu.memory_space<vmem>> -> memref<1x512xi32, #tpu.memory_space<vmem>>
        %dma_wait3A_252 = tpu.memref_squeeze %dma_wait3A_251 : memref<1x512xi32, #tpu.memory_space<vmem>> -> memref<512xi32, #tpu.memory_space<vmem>>
        %dma_wait3A_253 = arith.constant 0 : i32
        %dma_wait3A_254 = arith.constant 0 : i32
        %dma_wait3A_255 = tpu.memref_slice %arg6[%dma_wait3A_253, %dma_wait3A_254] : memref<10240x16xf32, #tpu.memory_space<vmem_shared>> -> memref<10240x16xf32, #tpu.memory_space<vmem_shared>>
        %dma_wait3A_256 = tpu.memref_slice %arg12[%rem3A_217] : memref<4x!tpu.dma_semaphore, #tpu.memory_space<semaphore_mem>> -> memref<1x!tpu.dma_semaphore, #tpu.memory_space<semaphore_mem>>
        %dma_wait3A_257 = tpu.memref_squeeze %dma_wait3A_256 : memref<1x!tpu.dma_semaphore, #tpu.memory_space<semaphore_mem>> -> memref<!tpu.dma_semaphore, #tpu.memory_space<semaphore_mem>>
        tpu.wait_indirect_dma semaphore(%dma_wait3A_257 : memref<!tpu.dma_semaphore, #tpu.memory_space<semaphore_mem>>) src(%dma_wait3A_249 : memref<512x16xf32, #tpu.memory_space<vmem>>) dst(%dma_wait3A_255 : memref<10240x16xf32, #tpu.memory_space<vmem_shared>>)
        %sub3A_258 = arith.constant 1 : i32
        %sub3A_259 = arith.subi %while3A_209, %sub3A_258 : i32
        %add3A_260 = arith.constant 4 : i32
        %add3A_261 = arith.addi %sub3A_259, %add3A_260 : i32
        %lt3A = arith.cmpi slt, %add3A_261, %sub3A_47 : i32
        %convert_element_type3A_262 = arith.extui %lt3A : i1 to i32
        %cond3A_263 = arith.constant 0 : i32
        %cond3A_264 = arith.cmpi ne, %convert_element_type3A_262, %cond3A_263 : i32
        scf.if %cond3A_264 {
          %sub3A_265 = arith.constant 1 : i32
          %sub3A_266 = arith.subi %while3A_209, %sub3A_265 : i32
          %add3A_267 = arith.constant 4 : i32
          %add3A_268 = arith.addi %sub3A_266, %add3A_267 : i32
          %dma_start3A_269 = arith.constant 0 : i32
          %dma_start3A_270 = arith.constant 0 : i32
          %dma_start3A_271 = tpu.memref_slice %arg10[%rem3A_217, %dma_start3A_269, %dma_start3A_270] : memref<4x512x16xf32, #tpu.memory_space<vmem>> -> memref<1x512x16xf32, #tpu.memory_space<vmem>>
          %dma_start3A_272 = tpu.memref_squeeze %dma_start3A_271 : memref<1x512x16xf32, #tpu.memory_space<vmem>> -> memref<512x16xf32, #tpu.memory_space<vmem>>
          %dma_start3A_273 = arith.constant 0 : i32
          %dma_start3A_274 = tpu.memref_slice %arg8[%add3A_268, %dma_start3A_273] : memref<20x512xi32, #tpu.memory_space<vmem>> -> memref<1x512xi32, #tpu.memory_space<vmem>>
          %dma_start3A_275 = tpu.memref_squeeze %dma_start3A_274 : memref<1x512xi32, #tpu.memory_space<vmem>> -> memref<512xi32, #tpu.memory_space<vmem>>
          %dma_start3A_276 = arith.constant 0 : i32
          %dma_start3A_277 = arith.constant 0 : i32
          %dma_start3A_278 = tpu.memref_slice %arg7[%dma_start3A_276, %dma_start3A_277] : memref<10240x16xf32, #tpu.memory_space<vmem_shared>> -> memref<10240x16xf32, #tpu.memory_space<vmem_shared>>
          %dma_start3A_279 = tpu.memref_slice %arg11[%rem3A_217] : memref<4x!tpu.dma_semaphore, #tpu.memory_space<semaphore_mem>> -> memref<1x!tpu.dma_semaphore, #tpu.memory_space<semaphore_mem>>
          %dma_start3A_280 = tpu.memref_squeeze %dma_start3A_279 : memref<1x!tpu.dma_semaphore, #tpu.memory_space<semaphore_mem>> -> memref<!tpu.dma_semaphore, #tpu.memory_space<semaphore_mem>>
          tpu.enqueue_indirect_dma source(%dma_start3A_278 : memref<10240x16xf32, #tpu.memory_space<vmem_shared>>) target(%dma_start3A_272 : memref<512x16xf32, #tpu.memory_space<vmem>>) offsets(%dma_start3A_275 : memref<512xi32, #tpu.memory_space<vmem>>) semaphore(%dma_start3A_280 : memref<!tpu.dma_semaphore, #tpu.memory_space<semaphore_mem>>)
        } else {
        }
      } else {
      }
      %dma_wait3A_220 = arith.constant 0 : i32
      %dma_wait3A_221 = arith.constant 0 : i32
      %dma_wait3A_222 = arith.constant 0 : i32
      %dma_wait3A_223 = tpu.memref_slice %arg10[%rem3A_211, %dma_wait3A_221, %dma_wait3A_222] : memref<4x512x16xf32, #tpu.memory_space<vmem>> -> memref<1x512x16xf32, #tpu.memory_space<vmem>>
      %dma_wait3A_224 = tpu.memref_squeeze %dma_wait3A_223 : memref<1x512x16xf32, #tpu.memory_space<vmem>> -> memref<512x16xf32, #tpu.memory_space<vmem>>
      %dma_wait3A_225 = arith.constant 0 : i32
      %dma_wait3A_226 = tpu.memref_slice %arg8[%dma_wait3A_220, %dma_wait3A_225] : memref<20x512xi32, #tpu.memory_space<vmem>> -> memref<1x512xi32, #tpu.memory_space<vmem>>
      %dma_wait3A_227 = tpu.memref_squeeze %dma_wait3A_226 : memref<1x512xi32, #tpu.memory_space<vmem>> -> memref<512xi32, #tpu.memory_space<vmem>>
      %dma_wait3A_228 = arith.constant 0 : i32
      %dma_wait3A_229 = arith.constant 0 : i32
      %dma_wait3A_230 = tpu.memref_slice %arg7[%dma_wait3A_228, %dma_wait3A_229] : memref<10240x16xf32, #tpu.memory_space<vmem_shared>> -> memref<10240x16xf32, #tpu.memory_space<vmem_shared>>
      %dma_wait3A_231 = tpu.memref_slice %arg11[%rem3A_211] : memref<4x!tpu.dma_semaphore, #tpu.memory_space<semaphore_mem>> -> memref<1x!tpu.dma_semaphore, #tpu.memory_space<semaphore_mem>>
      %dma_wait3A_232 = tpu.memref_squeeze %dma_wait3A_231 : memref<1x!tpu.dma_semaphore, #tpu.memory_space<semaphore_mem>> -> memref<!tpu.dma_semaphore, #tpu.memory_space<semaphore_mem>>
      tpu.wait_indirect_dma semaphore(%dma_wait3A_232 : memref<!tpu.dma_semaphore, #tpu.memory_space<semaphore_mem>>) src(%dma_wait3A_230 : memref<10240x16xf32, #tpu.memory_space<vmem_shared>>) dst(%dma_wait3A_224 : memref<512x16xf32, #tpu.memory_space<vmem>>)
      %dma_start3A_233 = arith.constant 0 : i32
      %dma_start3A_234 = arith.constant 0 : i32
      %dma_start3A_235 = tpu.memref_slice %arg10[%rem3A_211, %dma_start3A_233, %dma_start3A_234] : memref<4x512x16xf32, #tpu.memory_space<vmem>> -> memref<1x512x16xf32, #tpu.memory_space<vmem>>
      %dma_start3A_236 = tpu.memref_squeeze %dma_start3A_235 : memref<1x512x16xf32, #tpu.memory_space<vmem>> -> memref<512x16xf32, #tpu.memory_space<vmem>>
      %dma_start3A_237 = arith.constant 0 : i32
      %dma_start3A_238 = tpu.memref_slice %arg9[%while3A_209, %dma_start3A_237] : memref<20x512xi32, #tpu.memory_space<vmem>> -> memref<1x512xi32, #tpu.memory_space<vmem>>
      %dma_start3A_239 = tpu.memref_squeeze %dma_start3A_238 : memref<1x512xi32, #tpu.memory_space<vmem>> -> memref<512xi32, #tpu.memory_space<vmem>>
      %dma_start3A_240 = arith.constant 0 : i32
      %dma_start3A_241 = arith.constant 0 : i32
      %dma_start3A_242 = tpu.memref_slice %arg6[%dma_start3A_240, %dma_start3A_241] : memref<10240x16xf32, #tpu.memory_space<vmem_shared>> -> memref<10240x16xf32, #tpu.memory_space<vmem_shared>>
      %dma_start3A_243 = tpu.memref_slice %arg12[%rem3A_211] : memref<4x!tpu.dma_semaphore, #tpu.memory_space<semaphore_mem>> -> memref<1x!tpu.dma_semaphore, #tpu.memory_space<semaphore_mem>>
      %dma_start3A_244 = tpu.memref_squeeze %dma_start3A_243 : memref<1x!tpu.dma_semaphore, #tpu.memory_space<semaphore_mem>> -> memref<!tpu.dma_semaphore, #tpu.memory_space<semaphore_mem>>
      tpu.enqueue_indirect_dma source(%dma_start3A_236 : memref<512x16xf32, #tpu.memory_space<vmem>>) target(%dma_start3A_242 : memref<10240x16xf32, #tpu.memory_space<vmem_shared>>) offsets(%dma_start3A_239 : memref<512xi32, #tpu.memory_space<vmem>>) semaphore(%dma_start3A_244 : memref<!tpu.dma_semaphore, #tpu.memory_space<semaphore_mem>>) {add = true}
    }
    %while3A_186 = arith.constant 1 : i32
    scf.for %while3A_209 = %while3A_184 to %while3A_180 step %while3A_186  : i32 {
      %rem3A_210 = arith.constant 4 : i32
      %rem3A_211 = arith.remsi %while3A_209, %rem3A_210 : i32
      %add3A_212 = arith.constant 4 : i32
      %add3A_213 = arith.addi %while3A_209, %add3A_212 : i32
      %sub3A_214 = arith.constant 1 : i32
      %sub3A_215 = arith.subi %add3A_213, %sub3A_214 : i32
      %rem3A_216 = arith.constant 4 : i32
      %rem3A_217 = arith.remsi %sub3A_215, %rem3A_216 : i32
      %ge3A = arith.constant 1 : i32
      %ge3A_218 = arith.cmpi sge, %while3A_209, %ge3A : i32
      %convert_element_type3A = arith.extui %ge3A_218 : i1 to i32
      %cond3A = arith.constant 0 : i32
      %cond3A_219 = arith.cmpi ne, %convert_element_type3A, %cond3A : i32
      scf.if %cond3A_219 {
        %dma_wait3A_245 = arith.constant 0 : i32
        %dma_wait3A_246 = arith.constant 0 : i32
        %dma_wait3A_247 = arith.constant 0 : i32
        %dma_wait3A_248 = tpu.memref_slice %arg10[%rem3A_217, %dma_wait3A_246, %dma_wait3A_247] : memref<4x512x16xf32, #tpu.memory_space<vmem>> -> memref<1x512x16xf32, #tpu.memory_space<vmem>>
        %dma_wait3A_249 = tpu.memref_squeeze %dma_wait3A_248 : memref<1x512x16xf32, #tpu.memory_space<vmem>> -> memref<512x16xf32, #tpu.memory_space<vmem>>
        %dma_wait3A_250 = arith.constant 0 : i32
        %dma_wait3A_251 = tpu.memref_slice %arg9[%dma_wait3A_245, %dma_wait3A_250] : memref<20x512xi32, #tpu.memory_space<vmem>> -> memref<1x512xi32, #tpu.memory_space<vmem>>
        %dma_wait3A_252 = tpu.memref_squeeze %dma_wait3A_251 : memref<1x512xi32, #tpu.memory_space<vmem>> -> memref<512xi32, #tpu.memory_space<vmem>>
        %dma_wait3A_253 = arith.constant 0 : i32
        %dma_wait3A_254 = arith.constant 0 : i32
        %dma_wait3A_255 = tpu.memref_slice %arg6[%dma_wait3A_253, %dma_wait3A_254] : memref<10240x16xf32, #tpu.memory_space<vmem_shared>> -> memref<10240x16xf32, #tpu.memory_space<vmem_shared>>
        %dma_wait3A_256 = tpu.memref_slice %arg12[%rem3A_217] : memref<4x!tpu.dma_semaphore, #tpu.memory_space<semaphore_mem>> -> memref<1x!tpu.dma_semaphore, #tpu.memory_space<semaphore_mem>>
        %dma_wait3A_257 = tpu.memref_squeeze %dma_wait3A_256 : memref<1x!tpu.dma_semaphore, #tpu.memory_space<semaphore_mem>> -> memref<!tpu.dma_semaphore, #tpu.memory_space<semaphore_mem>>
        tpu.wait_indirect_dma semaphore(%dma_wait3A_257 : memref<!tpu.dma_semaphore, #tpu.memory_space<semaphore_mem>>) src(%dma_wait3A_249 : memref<512x16xf32, #tpu.memory_space<vmem>>) dst(%dma_wait3A_255 : memref<10240x16xf32, #tpu.memory_space<vmem_shared>>)
        %sub3A_258 = arith.constant 1 : i32
        %sub3A_259 = arith.subi %while3A_209, %sub3A_258 : i32
        %add3A_260 = arith.constant 4 : i32
        %add3A_261 = arith.addi %sub3A_259, %add3A_260 : i32
        %lt3A = arith.cmpi slt, %add3A_261, %sub3A_47 : i32
        %convert_element_type3A_262 = arith.extui %lt3A : i1 to i32
        %cond3A_263 = arith.constant 0 : i32
        %cond3A_264 = arith.cmpi ne, %convert_element_type3A_262, %cond3A_263 : i32
        scf.if %cond3A_264 {
          %sub3A_265 = arith.constant 1 : i32
          %sub3A_266 = arith.subi %while3A_209, %sub3A_265 : i32
          %add3A_267 = arith.constant 4 : i32
          %add3A_268 = arith.addi %sub3A_266, %add3A_267 : i32
          %dma_start3A_269 = arith.constant 0 : i32
          %dma_start3A_270 = arith.constant 0 : i32
          %dma_start3A_271 = tpu.memref_slice %arg10[%rem3A_217, %dma_start3A_269, %dma_start3A_270] : memref<4x512x16xf32, #tpu.memory_space<vmem>> -> memref<1x512x16xf32, #tpu.memory_space<vmem>>
          %dma_start3A_272 = tpu.memref_squeeze %dma_start3A_271 : memref<1x512x16xf32, #tpu.memory_space<vmem>> -> memref<512x16xf32, #tpu.memory_space<vmem>>
          %dma_start3A_273 = arith.constant 0 : i32
          %dma_start3A_274 = tpu.memref_slice %arg8[%add3A_268, %dma_start3A_273] : memref<20x512xi32, #tpu.memory_space<vmem>> -> memref<1x512xi32, #tpu.memory_space<vmem>>
          %dma_start3A_275 = tpu.memref_squeeze %dma_start3A_274 : memref<1x512xi32, #tpu.memory_space<vmem>> -> memref<512xi32, #tpu.memory_space<vmem>>
          %dma_start3A_276 = arith.constant 0 : i32
          %dma_start3A_277 = arith.constant 0 : i32
          %dma_start3A_278 = tpu.memref_slice %arg7[%dma_start3A_276, %dma_start3A_277] : memref<10240x16xf32, #tpu.memory_space<vmem_shared>> -> memref<10240x16xf32, #tpu.memory_space<vmem_shared>>
          %dma_start3A_279 = tpu.memref_slice %arg11[%rem3A_217] : memref<4x!tpu.dma_semaphore, #tpu.memory_space<semaphore_mem>> -> memref<1x!tpu.dma_semaphore, #tpu.memory_space<semaphore_mem>>
          %dma_start3A_280 = tpu.memref_squeeze %dma_start3A_279 : memref<1x!tpu.dma_semaphore, #tpu.memory_space<semaphore_mem>> -> memref<!tpu.dma_semaphore, #tpu.memory_space<semaphore_mem>>
          tpu.enqueue_indirect_dma source(%dma_start3A_278 : memref<10240x16xf32, #tpu.memory_space<vmem_shared>>) target(%dma_start3A_272 : memref<512x16xf32, #tpu.memory_space<vmem>>) offsets(%dma_start3A_275 : memref<512xi32, #tpu.memory_space<vmem>>) semaphore(%dma_start3A_280 : memref<!tpu.dma_semaphore, #tpu.memory_space<semaphore_mem>>)
        } else {
        }
      } else {
      }
      %dma_wait3A_220 = arith.constant 0 : i32
      %dma_wait3A_221 = arith.constant 0 : i32
      %dma_wait3A_222 = arith.constant 0 : i32
      %dma_wait3A_223 = tpu.memref_slice %arg10[%rem3A_211, %dma_wait3A_221, %dma_wait3A_222] : memref<4x512x16xf32, #tpu.memory_space<vmem>> -> memref<1x512x16xf32, #tpu.memory_space<vmem>>
      %dma_wait3A_224 = tpu.memref_squeeze %dma_wait3A_223 : memref<1x512x16xf32, #tpu.memory_space<vmem>> -> memref<512x16xf32, #tpu.memory_space<vmem>>
      %dma_wait3A_225 = arith.constant 0 : i32
      %dma_wait3A_226 = tpu.memref_slice %arg8[%dma_wait3A_220, %dma_wait3A_225] : memref<20x512xi32, #tpu.memory_space<vmem>> -> memref<1x512xi32, #tpu.memory_space<vmem>>
      %dma_wait3A_227 = tpu.memref_squeeze %dma_wait3A_226 : memref<1x512xi32, #tpu.memory_space<vmem>> -> memref<512xi32, #tpu.memory_space<vmem>>
      %dma_wait3A_228 = arith.constant 0 : i32
      %dma_wait3A_229 = arith.constant 0 : i32
      %dma_wait3A_230 = tpu.memref_slice %arg7[%dma_wait3A_228, %dma_wait3A_229] : memref<10240x16xf32, #tpu.memory_space<vmem_shared>> -> memref<10240x16xf32, #tpu.memory_space<vmem_shared>>
      %dma_wait3A_231 = tpu.memref_slice %arg11[%rem3A_211] : memref<4x!tpu.dma_semaphore, #tpu.memory_space<semaphore_mem>> -> memref<1x!tpu.dma_semaphore, #tpu.memory_space<semaphore_mem>>
      %dma_wait3A_232 = tpu.memref_squeeze %dma_wait3A_231 : memref<1x!tpu.dma_semaphore, #tpu.memory_space<semaphore_mem>> -> memref<!tpu.dma_semaphore, #tpu.memory_space<semaphore_mem>>
      tpu.wait_indirect_dma semaphore(%dma_wait3A_232 : memref<!tpu.dma_semaphore, #tpu.memory_space<semaphore_mem>>) src(%dma_wait3A_230 : memref<10240x16xf32, #tpu.memory_space<vmem_shared>>) dst(%dma_wait3A_224 : memref<512x16xf32, #tpu.memory_space<vmem>>)
      %dma_start3A_233 = arith.constant 0 : i32
      %dma_start3A_234 = arith.constant 0 : i32
      %dma_start3A_235 = tpu.memref_slice %arg10[%rem3A_211, %dma_start3A_233, %dma_start3A_234] : memref<4x512x16xf32, #tpu.memory_space<vmem>> -> memref<1x512x16xf32, #tpu.memory_space<vmem>>
      %dma_start3A_236 = tpu.memref_squeeze %dma_start3A_235 : memref<1x512x16xf32, #tpu.memory_space<vmem>> -> memref<512x16xf32, #tpu.memory_space<vmem>>
      %dma_start3A_237 = arith.constant 0 : i32
      %dma_start3A_238 = tpu.memref_slice %arg9[%while3A_209, %dma_start3A_237] : memref<20x512xi32, #tpu.memory_space<vmem>> -> memref<1x512xi32, #tpu.memory_space<vmem>>
      %dma_start3A_239 = tpu.memref_squeeze %dma_start3A_238 : memref<1x512xi32, #tpu.memory_space<vmem>> -> memref<512xi32, #tpu.memory_space<vmem>>
      %dma_start3A_240 = arith.constant 0 : i32
      %dma_start3A_241 = arith.constant 0 : i32
      %dma_start3A_242 = tpu.memref_slice %arg6[%dma_start3A_240, %dma_start3A_241] : memref<10240x16xf32, #tpu.memory_space<vmem_shared>> -> memref<10240x16xf32, #tpu.memory_space<vmem_shared>>
      %dma_start3A_243 = tpu.memref_slice %arg12[%rem3A_211] : memref<4x!tpu.dma_semaphore, #tpu.memory_space<semaphore_mem>> -> memref<1x!tpu.dma_semaphore, #tpu.memory_space<semaphore_mem>>
      %dma_start3A_244 = tpu.memref_squeeze %dma_start3A_243 : memref<1x!tpu.dma_semaphore, #tpu.memory_space<semaphore_mem>> -> memref<!tpu.dma_semaphore, #tpu.memory_space<semaphore_mem>>
      tpu.enqueue_indirect_dma source(%dma_start3A_236 : memref<512x16xf32, #tpu.memory_space<vmem>>) target(%dma_start3A_242 : memref<10240x16xf32, #tpu.memory_space<vmem_shared>>) offsets(%dma_start3A_239 : memref<512xi32, #tpu.memory_space<vmem>>) semaphore(%dma_start3A_244 : memref<!tpu.dma_semaphore, #tpu.memory_space<semaphore_mem>>) {add = true}
    }
    %sub3A_187 = arith.constant 1 : i32
    %sub3A_188 = arith.subi %sub3A_47, %sub3A_187 : i32
    %rem3A_189 = arith.constant 4 : i32
    %rem3A_190 = arith.remsi %sub3A_188, %rem3A_189 : i32
    %dma_wait3A_191 = arith.constant 0 : i32
    %dma_wait3A_192 = arith.constant 0 : i32
    %dma_wait3A_193 = arith.constant 0 : i32
    %dma_wait3A_194 = tpu.memref_slice %arg10[%rem3A_190, %dma_wait3A_192, %dma_wait3A_193] : memref<4x512x16xf32, #tpu.memory_space<vmem>> -> memref<1x512x16xf32, #tpu.memory_space<vmem>>
    %dma_wait3A_195 = tpu.memref_squeeze %dma_wait3A_194 : memref<1x512x16xf32, #tpu.memory_space<vmem>> -> memref<512x16xf32, #tpu.memory_space<vmem>>
    %dma_wait3A_196 = arith.constant 0 : i32
    %dma_wait3A_197 = tpu.memref_slice %arg9[%dma_wait3A_191, %dma_wait3A_196] : memref<20x512xi32, #tpu.memory_space<vmem>> -> memref<1x512xi32, #tpu.memory_space<vmem>>
    %dma_wait3A_198 = tpu.memref_squeeze %dma_wait3A_197 : memref<1x512xi32, #tpu.memory_space<vmem>> -> memref<512xi32, #tpu.memory_space<vmem>>
    %dma_wait3A_199 = arith.constant 0 : i32
    %dma_wait3A_200 = arith.constant 0 : i32
    %dma_wait3A_201 = tpu.memref_slice %arg6[%dma_wait3A_199, %dma_wait3A_200] : memref<10240x16xf32, #tpu.memory_space<vmem_shared>> -> memref<10240x16xf32, #tpu.memory_space<vmem_shared>>
    %dma_wait3A_202 = tpu.memref_slice %arg12[%rem3A_190] : memref<4x!tpu.dma_semaphore, #tpu.memory_space<semaphore_mem>> -> memref<1x!tpu.dma_semaphore, #tpu.memory_space<semaphore_mem>>
    %dma_wait3A_203 = tpu.memref_squeeze %dma_wait3A_202 : memref<1x!tpu.dma_semaphore, #tpu.memory_space<semaphore_mem>> -> memref<!tpu.dma_semaphore, #tpu.memory_space<semaphore_mem>>
    tpu.wait_indirect_dma semaphore(%dma_wait3A_203 : memref<!tpu.dma_semaphore, #tpu.memory_space<semaphore_mem>>) src(%dma_wait3A_195 : memref<512x16xf32, #tpu.memory_space<vmem>>) dst(%dma_wait3A_201 : memref<10240x16xf32, #tpu.memory_space<vmem_shared>>)
    %barrier3A_204 = arith.constant 0 : index
    tpu.barrier barrier_id(%barrier3A_204)
    %mul3A_205 = arith.constant 640 : i32
    %mul3A_206 = arith.muli %arg1, %mul3A_205 : i32
    %mul3A_207 = arith.constant 640 : i32
    %mul3A_208 = arith.muli %arg1, %mul3A_207 : i32
    "tpu.region"() ({
      %run_scoped3A = tpu.sem_alloc : memref<!tpu.dma_semaphore, #tpu.memory_space<semaphore_mem>>
      %dma_start3A_209 = arith.constant 0 : i32
      %dma_start3A_210 = tpu.memref_slice %arg5[%arg0, %mul3A_208, %dma_start3A_209] : memref<2x10240x16xf32, #tpu.memory_space<hbm>> -> memref<1x640x16xf32, #tpu.memory_space<hbm>>
      %dma_start3A_211 = tpu.memref_squeeze %dma_start3A_210 : memref<1x640x16xf32, #tpu.memory_space<hbm>> -> memref<640x16xf32, #tpu.memory_space<hbm>>
      %dma_start3A_212 = arith.constant 0 : i32
      %dma_start3A_213 = tpu.memref_slice %arg6[%mul3A_206, %dma_start3A_212] : memref<10240x16xf32, #tpu.memory_space<vmem_shared>> -> memref<640x16xf32, #tpu.memory_space<vmem_shared>>
      tpu.enqueue_dma source(%dma_start3A_213 : memref<640x16xf32, #tpu.memory_space<vmem_shared>>) target(%dma_start3A_211 : memref<640x16xf32, #tpu.memory_space<hbm>>) target_semaphore(%run_scoped3A : memref<!tpu.dma_semaphore, #tpu.memory_space<semaphore_mem>>)
      %dma_wait3A_214 = arith.constant 0 : i32
      %dma_wait3A_215 = tpu.memref_slice %arg5[%arg0, %mul3A_208, %dma_wait3A_214] : memref<2x10240x16xf32, #tpu.memory_space<hbm>> -> memref<1x640x16xf32, #tpu.memory_space<hbm>>
      %dma_wait3A_216 = tpu.memref_squeeze %dma_wait3A_215 : memref<1x640x16xf32, #tpu.memory_space<hbm>> -> memref<640x16xf32, #tpu.memory_space<hbm>>
      %dma_wait3A_217 = arith.constant 0 : i32
      %dma_wait3A_218 = tpu.memref_slice %arg6[%mul3A_206, %dma_wait3A_217] : memref<10240x16xf32, #tpu.memory_space<vmem_shared>> -> memref<640x16xf32, #tpu.memory_space<vmem_shared>>
      tpu.wait_dma2 semaphore(%run_scoped3A : memref<!tpu.dma_semaphore, #tpu.memory_space<semaphore_mem>>) src(%dma_wait3A_218 : memref<640x16xf32, #tpu.memory_space<vmem_shared>>) dst(%dma_wait3A_216 : memref<640x16xf32, #tpu.memory_space<hbm>>)
      tpu.yield
    }) : () -> ()
    return
  }
}

#map = affine_map<(d0, d1) -> (0, 0)>
#map1 = affine_map<(d0, d1) -> (0, 0, 0)>
module attributes {stable_mosaic.version = 14 : i64} {
  func.func @_segsum_body(%arg0: i32, %arg1: i32, %arg2: memref<10240x16xf32, #tpu.memory_space<hbm>>, %arg3: memref<2x625x512xi32, #tpu.memory_space<hbm>>, %arg4: memref<10240x16xf32, #tpu.memory_space<hbm>>, %arg5: memref<2x10240x16xf32, #tpu.memory_space<hbm>>, %arg6: memref<10240x16xf32, #tpu.memory_space<vmem_shared>>, %arg7: memref<10240x16xf32, #tpu.memory_space<vmem_shared>>, %arg8: memref<20x512xi32, #tpu.memory_space<vmem>>, %arg9: memref<20x512xi32, #tpu.memory_space<vmem>>, %arg10: memref<4x512x16xf32, #tpu.memory_space<vmem>>, %arg11: memref<4x!tpu.dma_semaphore, #tpu.memory_space<semaphore_mem>>, %arg12: memref<4x!tpu.dma_semaphore, #tpu.memory_space<semaphore_mem>>) attributes {dimension_semantics = [#tpu.dimension_semantics<core_parallel>, #tpu.dimension_semantics<subcore_parallel>], iteration_bounds = array<i64: 2, 16>, scalar_prefetch = 0 : i64, scratch_operands = 7 : i64, tpu.core_type = #tpu.core_type<sc_vector_subcore>, window_params = [{transform_indices = #map}, {transform_indices = #map1}, {transform_indices = #map}, {transform_indices = #map1}]} {
    %mul3A = arith.constant 16 : i32
    %mul3A_0 = arith.muli %arg0, %mul3A : i32
    %add3A = arith.addi %mul3A_0, %arg1 : i32
    %mul3A_1 = arith.constant 625 : i32
    %mul3A_2 = arith.muli %add3A, %mul3A_1 : i32
    %jit3A = arith.constant 32 : i32
    %div3A = arith.divsi %mul3A_2, %jit3A : i32
    %sign3A = arith.constant 0 : i32
    %sign3A_3 = arith.cmpi sgt, %mul3A_2, %sign3A : i32
    %sign3A_4 = arith.extui %sign3A_3 : i1 to i32
    %sign3A_5 = arith.constant 0 : i32
    %sign3A_6 = arith.cmpi slt, %mul3A_2, %sign3A_5 : i32
    %sign3A_7 = arith.extui %sign3A_6 : i1 to i32
    %sign3A_8 = arith.subi %sign3A_4, %sign3A_7 : i32
    %sign3A_9 = arith.constant 0 : i32
    %sign3A_10 = arith.cmpi sgt, %jit3A, %sign3A_9 : i32
    %sign3A_11 = arith.extui %sign3A_10 : i1 to i32
    %sign3A_12 = arith.constant 0 : i32
    %sign3A_13 = arith.cmpi slt, %jit3A, %sign3A_12 : i32
    %sign3A_14 = arith.extui %sign3A_13 : i1 to i32
    %sign3A_15 = arith.subi %sign3A_11, %sign3A_14 : i32
    %ne3A = arith.cmpi ne, %sign3A_8, %sign3A_15 : i32
    %rem3A = arith.remsi %mul3A_2, %jit3A : i32
    %ne3A_16 = arith.constant 0 : i32
    %ne3A_17 = arith.cmpi ne, %rem3A, %ne3A_16 : i32
    %and3A = arith.andi %ne3A, %ne3A_17 : i1
    %sub3A = arith.constant 1 : i32
    %sub3A_18 = arith.subi %div3A, %sub3A : i32
    %select_n3A = arith.select %and3A, %sub3A_18, %div3A : i32
    %add3A_19 = arith.constant 1 : i32
    %add3A_20 = arith.addi %add3A, %add3A_19 : i32
    %mul3A_21 = arith.constant 625 : i32
    %mul3A_22 = arith.muli %add3A_20, %mul3A_21 : i32
    %jit3A_23 = arith.constant 32 : i32
    %div3A_24 = arith.divsi %mul3A_22, %jit3A_23 : i32
    %sign3A_25 = arith.constant 0 : i32
    %sign3A_26 = arith.cmpi sgt, %mul3A_22, %sign3A_25 : i32
    %sign3A_27 = arith.extui %sign3A_26 : i1 to i32
    %sign3A_28 = arith.constant 0 : i32
    %sign3A_29 = arith.cmpi slt, %mul3A_22, %sign3A_28 : i32
    %sign3A_30 = arith.extui %sign3A_29 : i1 to i32
    %sign3A_31 = arith.subi %sign3A_27, %sign3A_30 : i32
    %sign3A_32 = arith.constant 0 : i32
    %sign3A_33 = arith.cmpi sgt, %jit3A_23, %sign3A_32 : i32
    %sign3A_34 = arith.extui %sign3A_33 : i1 to i32
    %sign3A_35 = arith.constant 0 : i32
    %sign3A_36 = arith.cmpi slt, %jit3A_23, %sign3A_35 : i32
    %sign3A_37 = arith.extui %sign3A_36 : i1 to i32
    %sign3A_38 = arith.subi %sign3A_34, %sign3A_37 : i32
    %ne3A_39 = arith.cmpi ne, %sign3A_31, %sign3A_38 : i32
    %rem3A_40 = arith.remsi %mul3A_22, %jit3A_23 : i32
    %ne3A_41 = arith.constant 0 : i32
    %ne3A_42 = arith.cmpi ne, %rem3A_40, %ne3A_41 : i32
    %and3A_43 = arith.andi %ne3A_39, %ne3A_42 : i1
    %sub3A_44 = arith.constant 1 : i32
    %sub3A_45 = arith.subi %div3A_24, %sub3A_44 : i32
    %select_n3A_46 = arith.select %and3A_43, %sub3A_45, %div3A_24 : i32
    %sub3A_47 = arith.subi %select_n3A_46, %select_n3A : i32
    %mul3A_48 = arith.constant 1 : i32
    %mul3A_49 = arith.muli %select_n3A, %mul3A_48 : i32
    %mul3A_50 = arith.constant 640 : i32
    %mul3A_51 = arith.muli %arg1, %mul3A_50 : i32
    %dma_start3A = arith.constant 0 : i32
    %dma_start3A_52 = tpu.memref_slice %arg11[%dma_start3A] : memref<4x!tpu.dma_semaphore, #tpu.memory_space<semaphore_mem>> -> memref<1x!tpu.dma_semaphore, #tpu.memory_space<semaphore_mem>>
    %dma_start3A_53 = tpu.memref_squeeze %dma_start3A_52 : memref<1x!tpu.dma_semaphore, #tpu.memory_space<semaphore_mem>> -> memref<!tpu.dma_semaphore, #tpu.memory_space<semaphore_mem>>
    %dma_start3A_54 = arith.constant 0 : i32
    %dma_start3A_55 = tpu.memref_slice %arg7[%mul3A_51, %dma_start3A_54] : memref<10240x16xf32, #tpu.memory_space<vmem_shared>> -> memref<640x16xf32, #tpu.memory_space<vmem_shared>>
    %dma_start3A_56 = arith.constant 0 : i32
    %dma_start3A_57 = tpu.memref_slice %arg2[%mul3A_51, %dma_start3A_56] : memref<10240x16xf32, #tpu.memory_space<hbm>> -> memref<640x16xf32, #tpu.memory_space<hbm>>
    tpu.enqueue_dma source(%dma_start3A_57 : memref<640x16xf32, #tpu.memory_space<hbm>>) target(%dma_start3A_55 : memref<640x16xf32, #tpu.memory_space<vmem_shared>>) target_semaphore(%dma_start3A_53 : memref<!tpu.dma_semaphore, #tpu.memory_space<semaphore_mem>>)
    %dma_start3A_58 = arith.constant 1 : i32
    %dma_start3A_59 = tpu.memref_slice %arg11[%dma_start3A_58] : memref<4x!tpu.dma_semaphore, #tpu.memory_space<semaphore_mem>> -> memref<1x!tpu.dma_semaphore, #tpu.memory_space<semaphore_mem>>
    %dma_start3A_60 = tpu.memref_squeeze %dma_start3A_59 : memref<1x!tpu.dma_semaphore, #tpu.memory_space<semaphore_mem>> -> memref<!tpu.dma_semaphore, #tpu.memory_space<semaphore_mem>>
    %dma_start3A_61 = arith.constant 0 : i32
    %dma_start3A_62 = tpu.memref_slice %arg6[%mul3A_51, %dma_start3A_61] : memref<10240x16xf32, #tpu.memory_space<vmem_shared>> -> memref<640x16xf32, #tpu.memory_space<vmem_shared>>
    %dma_start3A_63 = arith.constant 0 : i32
    %dma_start3A_64 = tpu.memref_slice %arg4[%mul3A_51, %dma_start3A_63] : memref<10240x16xf32, #tpu.memory_space<hbm>> -> memref<640x16xf32, #tpu.memory_space<hbm>>
    tpu.enqueue_dma source(%dma_start3A_64 : memref<640x16xf32, #tpu.memory_space<hbm>>) target(%dma_start3A_62 : memref<640x16xf32, #tpu.memory_space<vmem_shared>>) target_semaphore(%dma_start3A_60 : memref<!tpu.dma_semaphore, #tpu.memory_space<semaphore_mem>>)
    %dma_start3A_65 = arith.constant 0 : i32
    %dma_start3A_66 = arith.constant 2 : i32
    %dma_start3A_67 = arith.constant 0 : i32
    %dma_start3A_68 = tpu.memref_slice %arg3[%dma_start3A_65, %mul3A_49, %dma_start3A_67] : memref<2x625x512xi32, #tpu.memory_space<hbm>> -> memref<1x20x512xi32, #tpu.memory_space<hbm>>
    %dma_start3A_69 = tpu.memref_squeeze %dma_start3A_68 : memref<1x20x512xi32, #tpu.memory_space<hbm>> -> memref<20x512xi32, #tpu.memory_space<hbm>>
    %dma_start3A_70 = tpu.memref_slice %arg11[%dma_start3A_66] : memref<4x!tpu.dma_semaphore, #tpu.memory_space<semaphore_mem>> -> memref<1x!tpu.dma_semaphore, #tpu.memory_space<semaphore_mem>>
    %dma_start3A_71 = tpu.memref_squeeze %dma_start3A_70 : memref<1x!tpu.dma_semaphore, #tpu.memory_space<semaphore_mem>> -> memref<!tpu.dma_semaphore, #tpu.memory_space<semaphore_mem>>
    %dma_start3A_72 = arith.constant 0 : i32
    %dma_start3A_73 = tpu.memref_slice %arg3[%dma_start3A_65, %mul3A_49, %dma_start3A_72] : memref<2x625x512xi32, #tpu.memory_space<hbm>> -> memref<1x20x512xi32, #tpu.memory_space<hbm>>
    %dma_start3A_74 = tpu.memref_squeeze %dma_start3A_73 : memref<1x20x512xi32, #tpu.memory_space<hbm>> -> memref<20x512xi32, #tpu.memory_space<hbm>>
    tpu.enqueue_dma source(%dma_start3A_74 : memref<20x512xi32, #tpu.memory_space<hbm>>) target(%arg8 : memref<20x512xi32, #tpu.memory_space<vmem>>) target_semaphore(%dma_start3A_71 : memref<!tpu.dma_semaphore, #tpu.memory_space<semaphore_mem>>)
    %dma_start3A_75 = arith.constant 1 : i32
    %dma_start3A_76 = arith.constant 3 : i32
    %dma_start3A_77 = arith.constant 0 : i32
    %dma_start3A_78 = tpu.memref_slice %arg3[%dma_start3A_75, %mul3A_49, %dma_start3A_77] : memref<2x625x512xi32, #tpu.memory_space<hbm>> -> memref<1x20x512xi32, #tpu.memory_space<hbm>>
    %dma_start3A_79 = tpu.memref_squeeze %dma_start3A_78 : memref<1x20x512xi32, #tpu.memory_space<hbm>> -> memref<20x512xi32, #tpu.memory_space<hbm>>
    %dma_start3A_80 = tpu.memref_slice %arg11[%dma_start3A_76] : memref<4x!tpu.dma_semaphore, #tpu.memory_space<semaphore_mem>> -> memref<1x!tpu.dma_semaphore, #tpu.memory_space<semaphore_mem>>
    %dma_start3A_81 = tpu.memref_squeeze %dma_start3A_80 : memref<1x!tpu.dma_semaphore, #tpu.memory_space<semaphore_mem>> -> memref<!tpu.dma_semaphore, #tpu.memory_space<semaphore_mem>>
    %dma_start3A_82 = arith.constant 0 : i32
    %dma_start3A_83 = tpu.memref_slice %arg3[%dma_start3A_75, %mul3A_49, %dma_start3A_82] : memref<2x625x512xi32, #tpu.memory_space<hbm>> -> memref<1x20x512xi32, #tpu.memory_space<hbm>>
    %dma_start3A_84 = tpu.memref_squeeze %dma_start3A_83 : memref<1x20x512xi32, #tpu.memory_space<hbm>> -> memref<20x512xi32, #tpu.memory_space<hbm>>
    tpu.enqueue_dma source(%dma_start3A_84 : memref<20x512xi32, #tpu.memory_space<hbm>>) target(%arg9 : memref<20x512xi32, #tpu.memory_space<vmem>>) target_semaphore(%dma_start3A_81 : memref<!tpu.dma_semaphore, #tpu.memory_space<semaphore_mem>>)
    %dma_wait3A = arith.constant 0 : i32
    %dma_wait3A_85 = tpu.memref_slice %arg11[%dma_wait3A] : memref<4x!tpu.dma_semaphore, #tpu.memory_space<semaphore_mem>> -> memref<1x!tpu.dma_semaphore, #tpu.memory_space<semaphore_mem>>
    %dma_wait3A_86 = tpu.memref_squeeze %dma_wait3A_85 : memref<1x!tpu.dma_semaphore, #tpu.memory_space<semaphore_mem>> -> memref<!tpu.dma_semaphore, #tpu.memory_space<semaphore_mem>>
    %dma_wait3A_87 = arith.constant 0 : i32
    %dma_wait3A_88 = tpu.memref_slice %arg7[%mul3A_51, %dma_wait3A_87] : memref<10240x16xf32, #tpu.memory_space<vmem_shared>> -> memref<640x16xf32, #tpu.memory_space<vmem_shared>>
    %dma_wait3A_89 = arith.constant 0 : i32
    %dma_wait3A_90 = tpu.memref_slice %arg2[%mul3A_51, %dma_wait3A_89] : memref<10240x16xf32, #tpu.memory_space<hbm>> -> memref<640x16xf32, #tpu.memory_space<hbm>>
    tpu.wait_dma2 semaphore(%dma_wait3A_86 : memref<!tpu.dma_semaphore, #tpu.memory_space<semaphore_mem>>) src(%dma_wait3A_90 : memref<640x16xf32, #tpu.memory_space<hbm>>) dst(%dma_wait3A_88 : memref<640x16xf32, #tpu.memory_space<vmem_shared>>)
    %dma_wait3A_91 = arith.constant 1 : i32
    %dma_wait3A_92 = tpu.memref_slice %arg11[%dma_wait3A_91] : memref<4x!tpu.dma_semaphore, #tpu.memory_space<semaphore_mem>> -> memref<1x!tpu.dma_semaphore, #tpu.memory_space<semaphore_mem>>
    %dma_wait3A_93 = tpu.memref_squeeze %dma_wait3A_92 : memref<1x!tpu.dma_semaphore, #tpu.memory_space<semaphore_mem>> -> memref<!tpu.dma_semaphore, #tpu.memory_space<semaphore_mem>>
    %dma_wait3A_94 = arith.constant 0 : i32
    %dma_wait3A_95 = tpu.memref_slice %arg6[%mul3A_51, %dma_wait3A_94] : memref<10240x16xf32, #tpu.memory_space<vmem_shared>> -> memref<640x16xf32, #tpu.memory_space<vmem_shared>>
    %dma_wait3A_96 = arith.constant 0 : i32
    %dma_wait3A_97 = tpu.memref_slice %arg4[%mul3A_51, %dma_wait3A_96] : memref<10240x16xf32, #tpu.memory_space<hbm>> -> memref<640x16xf32, #tpu.memory_space<hbm>>
    tpu.wait_dma2 semaphore(%dma_wait3A_93 : memref<!tpu.dma_semaphore, #tpu.memory_space<semaphore_mem>>) src(%dma_wait3A_97 : memref<640x16xf32, #tpu.memory_space<hbm>>) dst(%dma_wait3A_95 : memref<640x16xf32, #tpu.memory_space<vmem_shared>>)
    %dma_wait3A_98 = arith.constant 0 : i32
    %dma_wait3A_99 = arith.constant 2 : i32
    %dma_wait3A_100 = arith.constant 0 : i32
    %dma_wait3A_101 = tpu.memref_slice %arg3[%dma_wait3A_98, %mul3A_49, %dma_wait3A_100] : memref<2x625x512xi32, #tpu.memory_space<hbm>> -> memref<1x20x512xi32, #tpu.memory_space<hbm>>
    %dma_wait3A_102 = tpu.memref_squeeze %dma_wait3A_101 : memref<1x20x512xi32, #tpu.memory_space<hbm>> -> memref<20x512xi32, #tpu.memory_space<hbm>>
    %dma_wait3A_103 = tpu.memref_slice %arg11[%dma_wait3A_99] : memref<4x!tpu.dma_semaphore, #tpu.memory_space<semaphore_mem>> -> memref<1x!tpu.dma_semaphore, #tpu.memory_space<semaphore_mem>>
    %dma_wait3A_104 = tpu.memref_squeeze %dma_wait3A_103 : memref<1x!tpu.dma_semaphore, #tpu.memory_space<semaphore_mem>> -> memref<!tpu.dma_semaphore, #tpu.memory_space<semaphore_mem>>
    %dma_wait3A_105 = arith.constant 0 : i32
    %dma_wait3A_106 = tpu.memref_slice %arg3[%dma_wait3A_98, %mul3A_49, %dma_wait3A_105] : memref<2x625x512xi32, #tpu.memory_space<hbm>> -> memref<1x20x512xi32, #tpu.memory_space<hbm>>
    %dma_wait3A_107 = tpu.memref_squeeze %dma_wait3A_106 : memref<1x20x512xi32, #tpu.memory_space<hbm>> -> memref<20x512xi32, #tpu.memory_space<hbm>>
    tpu.wait_dma2 semaphore(%dma_wait3A_104 : memref<!tpu.dma_semaphore, #tpu.memory_space<semaphore_mem>>) src(%dma_wait3A_107 : memref<20x512xi32, #tpu.memory_space<hbm>>) dst(%arg8 : memref<20x512xi32, #tpu.memory_space<vmem>>)
    %dma_wait3A_108 = arith.constant 1 : i32
    %dma_wait3A_109 = arith.constant 3 : i32
    %dma_wait3A_110 = arith.constant 0 : i32
    %dma_wait3A_111 = tpu.memref_slice %arg3[%dma_wait3A_108, %mul3A_49, %dma_wait3A_110] : memref<2x625x512xi32, #tpu.memory_space<hbm>> -> memref<1x20x512xi32, #tpu.memory_space<hbm>>
    %dma_wait3A_112 = tpu.memref_squeeze %dma_wait3A_111 : memref<1x20x512xi32, #tpu.memory_space<hbm>> -> memref<20x512xi32, #tpu.memory_space<hbm>>
    %dma_wait3A_113 = tpu.memref_slice %arg11[%dma_wait3A_109] : memref<4x!tpu.dma_semaphore, #tpu.memory_space<semaphore_mem>> -> memref<1x!tpu.dma_semaphore, #tpu.memory_space<semaphore_mem>>
    %dma_wait3A_114 = tpu.memref_squeeze %dma_wait3A_113 : memref<1x!tpu.dma_semaphore, #tpu.memory_space<semaphore_mem>> -> memref<!tpu.dma_semaphore, #tpu.memory_space<semaphore_mem>>
    %dma_wait3A_115 = arith.constant 0 : i32
    %dma_wait3A_116 = tpu.memref_slice %arg3[%dma_wait3A_108, %mul3A_49, %dma_wait3A_115] : memref<2x625x512xi32, #tpu.memory_space<hbm>> -> memref<1x20x512xi32, #tpu.memory_space<hbm>>
    %dma_wait3A_117 = tpu.memref_squeeze %dma_wait3A_116 : memref<1x20x512xi32, #tpu.memory_space<hbm>> -> memref<20x512xi32, #tpu.memory_space<hbm>>
    tpu.wait_dma2 semaphore(%dma_wait3A_114 : memref<!tpu.dma_semaphore, #tpu.memory_space<semaphore_mem>>) src(%dma_wait3A_117 : memref<20x512xi32, #tpu.memory_space<hbm>>) dst(%arg9 : memref<20x512xi32, #tpu.memory_space<vmem>>)
    %barrier3A = arith.constant 0 : index
    tpu.barrier barrier_id(%barrier3A)
    %dma_start3A_118 = arith.constant 0 : i32
    %dma_start3A_119 = arith.constant 0 : i32
    %dma_start3A_120 = arith.constant 0 : i32
    %dma_start3A_121 = arith.constant 0 : i32
    %dma_start3A_122 = arith.constant 0 : i32
    %dma_start3A_123 = tpu.memref_slice %arg10[%dma_start3A_119, %dma_start3A_121, %dma_start3A_122] : memref<4x512x16xf32, #tpu.memory_space<vmem>> -> memref<1x512x16xf32, #tpu.memory_space<vmem>>
    %dma_start3A_124 = tpu.memref_squeeze %dma_start3A_123 : memref<1x512x16xf32, #tpu.memory_space<vmem>> -> memref<512x16xf32, #tpu.memory_space<vmem>>
    %dma_start3A_125 = arith.constant 0 : i32
    %dma_start3A_126 = tpu.memref_slice %arg8[%dma_start3A_118, %dma_start3A_125] : memref<20x512xi32, #tpu.memory_space<vmem>> -> memref<1x512xi32, #tpu.memory_space<vmem>>
    %dma_start3A_127 = tpu.memref_squeeze %dma_start3A_126 : memref<1x512xi32, #tpu.memory_space<vmem>> -> memref<512xi32, #tpu.memory_space<vmem>>
    %dma_start3A_128 = arith.constant 0 : i32
    %dma_start3A_129 = arith.constant 0 : i32
    %dma_start3A_130 = tpu.memref_slice %arg7[%dma_start3A_128, %dma_start3A_129] : memref<10240x16xf32, #tpu.memory_space<vmem_shared>> -> memref<10240x16xf32, #tpu.memory_space<vmem_shared>>
    %dma_start3A_131 = tpu.memref_slice %arg11[%dma_start3A_120] : memref<4x!tpu.dma_semaphore, #tpu.memory_space<semaphore_mem>> -> memref<1x!tpu.dma_semaphore, #tpu.memory_space<semaphore_mem>>
    %dma_start3A_132 = tpu.memref_squeeze %dma_start3A_131 : memref<1x!tpu.dma_semaphore, #tpu.memory_space<semaphore_mem>> -> memref<!tpu.dma_semaphore, #tpu.memory_space<semaphore_mem>>
    tpu.enqueue_indirect_dma source(%dma_start3A_130 : memref<10240x16xf32, #tpu.memory_space<vmem_shared>>) target(%dma_start3A_124 : memref<512x16xf32, #tpu.memory_space<vmem>>) offsets(%dma_start3A_127 : memref<512xi32, #tpu.memory_space<vmem>>) semaphore(%dma_start3A_132 : memref<!tpu.dma_semaphore, #tpu.memory_space<semaphore_mem>>)
    %dma_start3A_133 = arith.constant 1 : i32
    %dma_start3A_134 = arith.constant 1 : i32
    %dma_start3A_135 = arith.constant 1 : i32
    %dma_start3A_136 = arith.constant 0 : i32
    %dma_start3A_137 = arith.constant 0 : i32
    %dma_start3A_138 = tpu.memref_slice %arg10[%dma_start3A_134, %dma_start3A_136, %dma_start3A_137] : memref<4x512x16xf32, #tpu.memory_space<vmem>> -> memref<1x512x16xf32, #tpu.memory_space<vmem>>
    %dma_start3A_139 = tpu.memref_squeeze %dma_start3A_138 : memref<1x512x16xf32, #tpu.memory_space<vmem>> -> memref<512x16xf32, #tpu.memory_space<vmem>>
    %dma_start3A_140 = arith.constant 0 : i32
    %dma_start3A_141 = tpu.memref_slice %arg8[%dma_start3A_133, %dma_start3A_140] : memref<20x512xi32, #tpu.memory_space<vmem>> -> memref<1x512xi32, #tpu.memory_space<vmem>>
    %dma_start3A_142 = tpu.memref_squeeze %dma_start3A_141 : memref<1x512xi32, #tpu.memory_space<vmem>> -> memref<512xi32, #tpu.memory_space<vmem>>
    %dma_start3A_143 = arith.constant 0 : i32
    %dma_start3A_144 = arith.constant 0 : i32
    %dma_start3A_145 = tpu.memref_slice %arg7[%dma_start3A_143, %dma_start3A_144] : memref<10240x16xf32, #tpu.memory_space<vmem_shared>> -> memref<10240x16xf32, #tpu.memory_space<vmem_shared>>
    %dma_start3A_146 = tpu.memref_slice %arg11[%dma_start3A_135] : memref<4x!tpu.dma_semaphore, #tpu.memory_space<semaphore_mem>> -> memref<1x!tpu.dma_semaphore, #tpu.memory_space<semaphore_mem>>
    %dma_start3A_147 = tpu.memref_squeeze %dma_start3A_146 : memref<1x!tpu.dma_semaphore, #tpu.memory_space<semaphore_mem>> -> memref<!tpu.dma_semaphore, #tpu.memory_space<semaphore_mem>>
    tpu.enqueue_indirect_dma source(%dma_start3A_145 : memref<10240x16xf32, #tpu.memory_space<vmem_shared>>) target(%dma_start3A_139 : memref<512x16xf32, #tpu.memory_space<vmem>>) offsets(%dma_start3A_142 : memref<512xi32, #tpu.memory_space<vmem>>) semaphore(%dma_start3A_147 : memref<!tpu.dma_semaphore, #tpu.memory_space<semaphore_mem>>)
    %dma_start3A_148 = arith.constant 2 : i32
    %dma_start3A_149 = arith.constant 2 : i32
    %dma_start3A_150 = arith.constant 2 : i32
    %dma_start3A_151 = arith.constant 0 : i32
    %dma_start3A_152 = arith.constant 0 : i32
    %dma_start3A_153 = tpu.memref_slice %arg10[%dma_start3A_149, %dma_start3A_151, %dma_start3A_152] : memref<4x512x16xf32, #tpu.memory_space<vmem>> -> memref<1x512x16xf32, #tpu.memory_space<vmem>>
    %dma_start3A_154 = tpu.memref_squeeze %dma_start3A_153 : memref<1x512x16xf32, #tpu.memory_space<vmem>> -> memref<512x16xf32, #tpu.memory_space<vmem>>
    %dma_start3A_155 = arith.constant 0 : i32
    %dma_start3A_156 = tpu.memref_slice %arg8[%dma_start3A_148, %dma_start3A_155] : memref<20x512xi32, #tpu.memory_space<vmem>> -> memref<1x512xi32, #tpu.memory_space<vmem>>
    %dma_start3A_157 = tpu.memref_squeeze %dma_start3A_156 : memref<1x512xi32, #tpu.memory_space<vmem>> -> memref<512xi32, #tpu.memory_space<vmem>>
    %dma_start3A_158 = arith.constant 0 : i32
    %dma_start3A_159 = arith.constant 0 : i32
    %dma_start3A_160 = tpu.memref_slice %arg7[%dma_start3A_158, %dma_start3A_159] : memref<10240x16xf32, #tpu.memory_space<vmem_shared>> -> memref<10240x16xf32, #tpu.memory_space<vmem_shared>>
    %dma_start3A_161 = tpu.memref_slice %arg11[%dma_start3A_150] : memref<4x!tpu.dma_semaphore, #tpu.memory_space<semaphore_mem>> -> memref<1x!tpu.dma_semaphore, #tpu.memory_space<semaphore_mem>>
    %dma_start3A_162 = tpu.memref_squeeze %dma_start3A_161 : memref<1x!tpu.dma_semaphore, #tpu.memory_space<semaphore_mem>> -> memref<!tpu.dma_semaphore, #tpu.memory_space<semaphore_mem>>
    tpu.enqueue_indirect_dma source(%dma_start3A_160 : memref<10240x16xf32, #tpu.memory_space<vmem_shared>>) target(%dma_start3A_154 : memref<512x16xf32, #tpu.memory_space<vmem>>) offsets(%dma_start3A_157 : memref<512xi32, #tpu.memory_space<vmem>>) semaphore(%dma_start3A_162 : memref<!tpu.dma_semaphore, #tpu.memory_space<semaphore_mem>>)
    %dma_start3A_163 = arith.constant 3 : i32
    %dma_start3A_164 = arith.constant 3 : i32
    %dma_start3A_165 = arith.constant 3 : i32
    %dma_start3A_166 = arith.constant 0 : i32
    %dma_start3A_167 = arith.constant 0 : i32
    %dma_start3A_168 = tpu.memref_slice %arg10[%dma_start3A_164, %dma_start3A_166, %dma_start3A_167] : memref<4x512x16xf32, #tpu.memory_space<vmem>> -> memref<1x512x16xf32, #tpu.memory_space<vmem>>
    %dma_start3A_169 = tpu.memref_squeeze %dma_start3A_168 : memref<1x512x16xf32, #tpu.memory_space<vmem>> -> memref<512x16xf32, #tpu.memory_space<vmem>>
    %dma_start3A_170 = arith.constant 0 : i32
    %dma_start3A_171 = tpu.memref_slice %arg8[%dma_start3A_163, %dma_start3A_170] : memref<20x512xi32, #tpu.memory_space<vmem>> -> memref<1x512xi32, #tpu.memory_space<vmem>>
    %dma_start3A_172 = tpu.memref_squeeze %dma_start3A_171 : memref<1x512xi32, #tpu.memory_space<vmem>> -> memref<512xi32, #tpu.memory_space<vmem>>
    %dma_start3A_173 = arith.constant 0 : i32
    %dma_start3A_174 = arith.constant 0 : i32
    %dma_start3A_175 = tpu.memref_slice %arg7[%dma_start3A_173, %dma_start3A_174] : memref<10240x16xf32, #tpu.memory_space<vmem_shared>> -> memref<10240x16xf32, #tpu.memory_space<vmem_shared>>
    %dma_start3A_176 = tpu.memref_slice %arg11[%dma_start3A_165] : memref<4x!tpu.dma_semaphore, #tpu.memory_space<semaphore_mem>> -> memref<1x!tpu.dma_semaphore, #tpu.memory_space<semaphore_mem>>
    %dma_start3A_177 = tpu.memref_squeeze %dma_start3A_176 : memref<1x!tpu.dma_semaphore, #tpu.memory_space<semaphore_mem>> -> memref<!tpu.dma_semaphore, #tpu.memory_space<semaphore_mem>>
    tpu.enqueue_indirect_dma source(%dma_start3A_175 : memref<10240x16xf32, #tpu.memory_space<vmem_shared>>) target(%dma_start3A_169 : memref<512x16xf32, #tpu.memory_space<vmem>>) offsets(%dma_start3A_172 : memref<512xi32, #tpu.memory_space<vmem>>) semaphore(%dma_start3A_177 : memref<!tpu.dma_semaphore, #tpu.memory_space<semaphore_mem>>)
    %while3A = arith.constant 0 : i32
    %while3A_178 = arith.constant 0 : i32
    %while3A_179 = arith.subi %sub3A_47, %while3A_178 : i32
    %while3A_180 = arith.addi %while3A_178, %while3A_179 : i32
    %while3A_181 = arith.constant 1 : i32
    %while3A_182 = arith.divsi %while3A_179, %while3A_181 : i32
    %while3A_183 = arith.muli %while3A_182, %while3A_181 : i32
    %while3A_184 = arith.addi %while3A_178, %while3A_183 : i32
    %while3A_185 = arith.constant 1 : i32
    scf.for %while3A_209 = %while3A_178 to %while3A_184 step %while3A_185  : i32 {
      %rem3A_210 = arith.constant 4 : i32
      %rem3A_211 = arith.remsi %while3A_209, %rem3A_210 : i32
      %add3A_212 = arith.constant 4 : i32
      %add3A_213 = arith.addi %while3A_209, %add3A_212 : i32
      %sub3A_214 = arith.constant 1 : i32
      %sub3A_215 = arith.subi %add3A_213, %sub3A_214 : i32
      %rem3A_216 = arith.constant 4 : i32
      %rem3A_217 = arith.remsi %sub3A_215, %rem3A_216 : i32
      %ge3A = arith.constant 1 : i32
      %ge3A_218 = arith.cmpi sge, %while3A_209, %ge3A : i32
      %convert_element_type3A = arith.extui %ge3A_218 : i1 to i32
      %cond3A = arith.constant 0 : i32
      %cond3A_219 = arith.cmpi ne, %convert_element_type3A, %cond3A : i32
      scf.if %cond3A_219 {
        %dma_wait3A_245 = arith.constant 0 : i32
        %dma_wait3A_246 = arith.constant 0 : i32
        %dma_wait3A_247 = arith.constant 0 : i32
        %dma_wait3A_248 = tpu.memref_slice %arg10[%rem3A_217, %dma_wait3A_246, %dma_wait3A_247] : memref<4x512x16xf32, #tpu.memory_space<vmem>> -> memref<1x512x16xf32, #tpu.memory_space<vmem>>
        %dma_wait3A_249 = tpu.memref_squeeze %dma_wait3A_248 : memref<1x512x16xf32, #tpu.memory_space<vmem>> -> memref<512x16xf32, #tpu.memory_space<vmem>>
        %dma_wait3A_250 = arith.constant 0 : i32
        %dma_wait3A_251 = tpu.memref_slice %arg9[%dma_wait3A_245, %dma_wait3A_250] : memref<20x512xi32, #tpu.memory_space<vmem>> -> memref<1x512xi32, #tpu.memory_space<vmem>>
        %dma_wait3A_252 = tpu.memref_squeeze %dma_wait3A_251 : memref<1x512xi32, #tpu.memory_space<vmem>> -> memref<512xi32, #tpu.memory_space<vmem>>
        %dma_wait3A_253 = arith.constant 0 : i32
        %dma_wait3A_254 = arith.constant 0 : i32
        %dma_wait3A_255 = tpu.memref_slice %arg6[%dma_wait3A_253, %dma_wait3A_254] : memref<10240x16xf32, #tpu.memory_space<vmem_shared>> -> memref<10240x16xf32, #tpu.memory_space<vmem_shared>>
        %dma_wait3A_256 = tpu.memref_slice %arg12[%rem3A_217] : memref<4x!tpu.dma_semaphore, #tpu.memory_space<semaphore_mem>> -> memref<1x!tpu.dma_semaphore, #tpu.memory_space<semaphore_mem>>
        %dma_wait3A_257 = tpu.memref_squeeze %dma_wait3A_256 : memref<1x!tpu.dma_semaphore, #tpu.memory_space<semaphore_mem>> -> memref<!tpu.dma_semaphore, #tpu.memory_space<semaphore_mem>>
        tpu.wait_indirect_dma semaphore(%dma_wait3A_257 : memref<!tpu.dma_semaphore, #tpu.memory_space<semaphore_mem>>) src(%dma_wait3A_249 : memref<512x16xf32, #tpu.memory_space<vmem>>) dst(%dma_wait3A_255 : memref<10240x16xf32, #tpu.memory_space<vmem_shared>>)
        %sub3A_258 = arith.constant 1 : i32
        %sub3A_259 = arith.subi %while3A_209, %sub3A_258 : i32
        %add3A_260 = arith.constant 4 : i32
        %add3A_261 = arith.addi %sub3A_259, %add3A_260 : i32
        %lt3A = arith.cmpi slt, %add3A_261, %sub3A_47 : i32
        %convert_element_type3A_262 = arith.extui %lt3A : i1 to i32
        %cond3A_263 = arith.constant 0 : i32
        %cond3A_264 = arith.cmpi ne, %convert_element_type3A_262, %cond3A_263 : i32
        scf.if %cond3A_264 {
          %sub3A_265 = arith.constant 1 : i32
          %sub3A_266 = arith.subi %while3A_209, %sub3A_265 : i32
          %add3A_267 = arith.constant 4 : i32
          %add3A_268 = arith.addi %sub3A_266, %add3A_267 : i32
          %dma_start3A_269 = arith.constant 0 : i32
          %dma_start3A_270 = arith.constant 0 : i32
          %dma_start3A_271 = tpu.memref_slice %arg10[%rem3A_217, %dma_start3A_269, %dma_start3A_270] : memref<4x512x16xf32, #tpu.memory_space<vmem>> -> memref<1x512x16xf32, #tpu.memory_space<vmem>>
          %dma_start3A_272 = tpu.memref_squeeze %dma_start3A_271 : memref<1x512x16xf32, #tpu.memory_space<vmem>> -> memref<512x16xf32, #tpu.memory_space<vmem>>
          %dma_start3A_273 = arith.constant 0 : i32
          %dma_start3A_274 = tpu.memref_slice %arg8[%add3A_268, %dma_start3A_273] : memref<20x512xi32, #tpu.memory_space<vmem>> -> memref<1x512xi32, #tpu.memory_space<vmem>>
          %dma_start3A_275 = tpu.memref_squeeze %dma_start3A_274 : memref<1x512xi32, #tpu.memory_space<vmem>> -> memref<512xi32, #tpu.memory_space<vmem>>
          %dma_start3A_276 = arith.constant 0 : i32
          %dma_start3A_277 = arith.constant 0 : i32
          %dma_start3A_278 = tpu.memref_slice %arg7[%dma_start3A_276, %dma_start3A_277] : memref<10240x16xf32, #tpu.memory_space<vmem_shared>> -> memref<10240x16xf32, #tpu.memory_space<vmem_shared>>
          %dma_start3A_279 = tpu.memref_slice %arg11[%rem3A_217] : memref<4x!tpu.dma_semaphore, #tpu.memory_space<semaphore_mem>> -> memref<1x!tpu.dma_semaphore, #tpu.memory_space<semaphore_mem>>
          %dma_start3A_280 = tpu.memref_squeeze %dma_start3A_279 : memref<1x!tpu.dma_semaphore, #tpu.memory_space<semaphore_mem>> -> memref<!tpu.dma_semaphore, #tpu.memory_space<semaphore_mem>>
          tpu.enqueue_indirect_dma source(%dma_start3A_278 : memref<10240x16xf32, #tpu.memory_space<vmem_shared>>) target(%dma_start3A_272 : memref<512x16xf32, #tpu.memory_space<vmem>>) offsets(%dma_start3A_275 : memref<512xi32, #tpu.memory_space<vmem>>) semaphore(%dma_start3A_280 : memref<!tpu.dma_semaphore, #tpu.memory_space<semaphore_mem>>)
        } else {
        }
      } else {
      }
      %dma_wait3A_220 = arith.constant 0 : i32
      %dma_wait3A_221 = arith.constant 0 : i32
      %dma_wait3A_222 = arith.constant 0 : i32
      %dma_wait3A_223 = tpu.memref_slice %arg10[%rem3A_211, %dma_wait3A_221, %dma_wait3A_222] : memref<4x512x16xf32, #tpu.memory_space<vmem>> -> memref<1x512x16xf32, #tpu.memory_space<vmem>>
      %dma_wait3A_224 = tpu.memref_squeeze %dma_wait3A_223 : memref<1x512x16xf32, #tpu.memory_space<vmem>> -> memref<512x16xf32, #tpu.memory_space<vmem>>
      %dma_wait3A_225 = arith.constant 0 : i32
      %dma_wait3A_226 = tpu.memref_slice %arg8[%dma_wait3A_220, %dma_wait3A_225] : memref<20x512xi32, #tpu.memory_space<vmem>> -> memref<1x512xi32, #tpu.memory_space<vmem>>
      %dma_wait3A_227 = tpu.memref_squeeze %dma_wait3A_226 : memref<1x512xi32, #tpu.memory_space<vmem>> -> memref<512xi32, #tpu.memory_space<vmem>>
      %dma_wait3A_228 = arith.constant 0 : i32
      %dma_wait3A_229 = arith.constant 0 : i32
      %dma_wait3A_230 = tpu.memref_slice %arg7[%dma_wait3A_228, %dma_wait3A_229] : memref<10240x16xf32, #tpu.memory_space<vmem_shared>> -> memref<10240x16xf32, #tpu.memory_space<vmem_shared>>
      %dma_wait3A_231 = tpu.memref_slice %arg11[%rem3A_211] : memref<4x!tpu.dma_semaphore, #tpu.memory_space<semaphore_mem>> -> memref<1x!tpu.dma_semaphore, #tpu.memory_space<semaphore_mem>>
      %dma_wait3A_232 = tpu.memref_squeeze %dma_wait3A_231 : memref<1x!tpu.dma_semaphore, #tpu.memory_space<semaphore_mem>> -> memref<!tpu.dma_semaphore, #tpu.memory_space<semaphore_mem>>
      tpu.wait_indirect_dma semaphore(%dma_wait3A_232 : memref<!tpu.dma_semaphore, #tpu.memory_space<semaphore_mem>>) src(%dma_wait3A_230 : memref<10240x16xf32, #tpu.memory_space<vmem_shared>>) dst(%dma_wait3A_224 : memref<512x16xf32, #tpu.memory_space<vmem>>)
      %dma_start3A_233 = arith.constant 0 : i32
      %dma_start3A_234 = arith.constant 0 : i32
      %dma_start3A_235 = tpu.memref_slice %arg10[%rem3A_211, %dma_start3A_233, %dma_start3A_234] : memref<4x512x16xf32, #tpu.memory_space<vmem>> -> memref<1x512x16xf32, #tpu.memory_space<vmem>>
      %dma_start3A_236 = tpu.memref_squeeze %dma_start3A_235 : memref<1x512x16xf32, #tpu.memory_space<vmem>> -> memref<512x16xf32, #tpu.memory_space<vmem>>
      %dma_start3A_237 = arith.constant 0 : i32
      %dma_start3A_238 = tpu.memref_slice %arg9[%while3A_209, %dma_start3A_237] : memref<20x512xi32, #tpu.memory_space<vmem>> -> memref<1x512xi32, #tpu.memory_space<vmem>>
      %dma_start3A_239 = tpu.memref_squeeze %dma_start3A_238 : memref<1x512xi32, #tpu.memory_space<vmem>> -> memref<512xi32, #tpu.memory_space<vmem>>
      %dma_start3A_240 = arith.constant 0 : i32
      %dma_start3A_241 = arith.constant 0 : i32
      %dma_start3A_242 = tpu.memref_slice %arg6[%dma_start3A_240, %dma_start3A_241] : memref<10240x16xf32, #tpu.memory_space<vmem_shared>> -> memref<10240x16xf32, #tpu.memory_space<vmem_shared>>
      %dma_start3A_243 = tpu.memref_slice %arg12[%rem3A_211] : memref<4x!tpu.dma_semaphore, #tpu.memory_space<semaphore_mem>> -> memref<1x!tpu.dma_semaphore, #tpu.memory_space<semaphore_mem>>
      %dma_start3A_244 = tpu.memref_squeeze %dma_start3A_243 : memref<1x!tpu.dma_semaphore, #tpu.memory_space<semaphore_mem>> -> memref<!tpu.dma_semaphore, #tpu.memory_space<semaphore_mem>>
      tpu.enqueue_indirect_dma source(%dma_start3A_236 : memref<512x16xf32, #tpu.memory_space<vmem>>) target(%dma_start3A_242 : memref<10240x16xf32, #tpu.memory_space<vmem_shared>>) offsets(%dma_start3A_239 : memref<512xi32, #tpu.memory_space<vmem>>) semaphore(%dma_start3A_244 : memref<!tpu.dma_semaphore, #tpu.memory_space<semaphore_mem>>) {add = true}
    }
    %while3A_186 = arith.constant 1 : i32
    scf.for %while3A_209 = %while3A_184 to %while3A_180 step %while3A_186  : i32 {
      %rem3A_210 = arith.constant 4 : i32
      %rem3A_211 = arith.remsi %while3A_209, %rem3A_210 : i32
      %add3A_212 = arith.constant 4 : i32
      %add3A_213 = arith.addi %while3A_209, %add3A_212 : i32
      %sub3A_214 = arith.constant 1 : i32
      %sub3A_215 = arith.subi %add3A_213, %sub3A_214 : i32
      %rem3A_216 = arith.constant 4 : i32
      %rem3A_217 = arith.remsi %sub3A_215, %rem3A_216 : i32
      %ge3A = arith.constant 1 : i32
      %ge3A_218 = arith.cmpi sge, %while3A_209, %ge3A : i32
      %convert_element_type3A = arith.extui %ge3A_218 : i1 to i32
      %cond3A = arith.constant 0 : i32
      %cond3A_219 = arith.cmpi ne, %convert_element_type3A, %cond3A : i32
      scf.if %cond3A_219 {
        %dma_wait3A_245 = arith.constant 0 : i32
        %dma_wait3A_246 = arith.constant 0 : i32
        %dma_wait3A_247 = arith.constant 0 : i32
        %dma_wait3A_248 = tpu.memref_slice %arg10[%rem3A_217, %dma_wait3A_246, %dma_wait3A_247] : memref<4x512x16xf32, #tpu.memory_space<vmem>> -> memref<1x512x16xf32, #tpu.memory_space<vmem>>
        %dma_wait3A_249 = tpu.memref_squeeze %dma_wait3A_248 : memref<1x512x16xf32, #tpu.memory_space<vmem>> -> memref<512x16xf32, #tpu.memory_space<vmem>>
        %dma_wait3A_250 = arith.constant 0 : i32
        %dma_wait3A_251 = tpu.memref_slice %arg9[%dma_wait3A_245, %dma_wait3A_250] : memref<20x512xi32, #tpu.memory_space<vmem>> -> memref<1x512xi32, #tpu.memory_space<vmem>>
        %dma_wait3A_252 = tpu.memref_squeeze %dma_wait3A_251 : memref<1x512xi32, #tpu.memory_space<vmem>> -> memref<512xi32, #tpu.memory_space<vmem>>
        %dma_wait3A_253 = arith.constant 0 : i32
        %dma_wait3A_254 = arith.constant 0 : i32
        %dma_wait3A_255 = tpu.memref_slice %arg6[%dma_wait3A_253, %dma_wait3A_254] : memref<10240x16xf32, #tpu.memory_space<vmem_shared>> -> memref<10240x16xf32, #tpu.memory_space<vmem_shared>>
        %dma_wait3A_256 = tpu.memref_slice %arg12[%rem3A_217] : memref<4x!tpu.dma_semaphore, #tpu.memory_space<semaphore_mem>> -> memref<1x!tpu.dma_semaphore, #tpu.memory_space<semaphore_mem>>
        %dma_wait3A_257 = tpu.memref_squeeze %dma_wait3A_256 : memref<1x!tpu.dma_semaphore, #tpu.memory_space<semaphore_mem>> -> memref<!tpu.dma_semaphore, #tpu.memory_space<semaphore_mem>>
        tpu.wait_indirect_dma semaphore(%dma_wait3A_257 : memref<!tpu.dma_semaphore, #tpu.memory_space<semaphore_mem>>) src(%dma_wait3A_249 : memref<512x16xf32, #tpu.memory_space<vmem>>) dst(%dma_wait3A_255 : memref<10240x16xf32, #tpu.memory_space<vmem_shared>>)
        %sub3A_258 = arith.constant 1 : i32
        %sub3A_259 = arith.subi %while3A_209, %sub3A_258 : i32
        %add3A_260 = arith.constant 4 : i32
        %add3A_261 = arith.addi %sub3A_259, %add3A_260 : i32
        %lt3A = arith.cmpi slt, %add3A_261, %sub3A_47 : i32
        %convert_element_type3A_262 = arith.extui %lt3A : i1 to i32
        %cond3A_263 = arith.constant 0 : i32
        %cond3A_264 = arith.cmpi ne, %convert_element_type3A_262, %cond3A_263 : i32
        scf.if %cond3A_264 {
          %sub3A_265 = arith.constant 1 : i32
          %sub3A_266 = arith.subi %while3A_209, %sub3A_265 : i32
          %add3A_267 = arith.constant 4 : i32
          %add3A_268 = arith.addi %sub3A_266, %add3A_267 : i32
          %dma_start3A_269 = arith.constant 0 : i32
          %dma_start3A_270 = arith.constant 0 : i32
          %dma_start3A_271 = tpu.memref_slice %arg10[%rem3A_217, %dma_start3A_269, %dma_start3A_270] : memref<4x512x16xf32, #tpu.memory_space<vmem>> -> memref<1x512x16xf32, #tpu.memory_space<vmem>>
          %dma_start3A_272 = tpu.memref_squeeze %dma_start3A_271 : memref<1x512x16xf32, #tpu.memory_space<vmem>> -> memref<512x16xf32, #tpu.memory_space<vmem>>
          %dma_start3A_273 = arith.constant 0 : i32
          %dma_start3A_274 = tpu.memref_slice %arg8[%add3A_268, %dma_start3A_273] : memref<20x512xi32, #tpu.memory_space<vmem>> -> memref<1x512xi32, #tpu.memory_space<vmem>>
          %dma_start3A_275 = tpu.memref_squeeze %dma_start3A_274 : memref<1x512xi32, #tpu.memory_space<vmem>> -> memref<512xi32, #tpu.memory_space<vmem>>
          %dma_start3A_276 = arith.constant 0 : i32
          %dma_start3A_277 = arith.constant 0 : i32
          %dma_start3A_278 = tpu.memref_slice %arg7[%dma_start3A_276, %dma_start3A_277] : memref<10240x16xf32, #tpu.memory_space<vmem_shared>> -> memref<10240x16xf32, #tpu.memory_space<vmem_shared>>
          %dma_start3A_279 = tpu.memref_slice %arg11[%rem3A_217] : memref<4x!tpu.dma_semaphore, #tpu.memory_space<semaphore_mem>> -> memref<1x!tpu.dma_semaphore, #tpu.memory_space<semaphore_mem>>
          %dma_start3A_280 = tpu.memref_squeeze %dma_start3A_279 : memref<1x!tpu.dma_semaphore, #tpu.memory_space<semaphore_mem>> -> memref<!tpu.dma_semaphore, #tpu.memory_space<semaphore_mem>>
          tpu.enqueue_indirect_dma source(%dma_start3A_278 : memref<10240x16xf32, #tpu.memory_space<vmem_shared>>) target(%dma_start3A_272 : memref<512x16xf32, #tpu.memory_space<vmem>>) offsets(%dma_start3A_275 : memref<512xi32, #tpu.memory_space<vmem>>) semaphore(%dma_start3A_280 : memref<!tpu.dma_semaphore, #tpu.memory_space<semaphore_mem>>)
        } else {
        }
      } else {
      }
      %dma_wait3A_220 = arith.constant 0 : i32
      %dma_wait3A_221 = arith.constant 0 : i32
      %dma_wait3A_222 = arith.constant 0 : i32
      %dma_wait3A_223 = tpu.memref_slice %arg10[%rem3A_211, %dma_wait3A_221, %dma_wait3A_222] : memref<4x512x16xf32, #tpu.memory_space<vmem>> -> memref<1x512x16xf32, #tpu.memory_space<vmem>>
      %dma_wait3A_224 = tpu.memref_squeeze %dma_wait3A_223 : memref<1x512x16xf32, #tpu.memory_space<vmem>> -> memref<512x16xf32, #tpu.memory_space<vmem>>
      %dma_wait3A_225 = arith.constant 0 : i32
      %dma_wait3A_226 = tpu.memref_slice %arg8[%dma_wait3A_220, %dma_wait3A_225] : memref<20x512xi32, #tpu.memory_space<vmem>> -> memref<1x512xi32, #tpu.memory_space<vmem>>
      %dma_wait3A_227 = tpu.memref_squeeze %dma_wait3A_226 : memref<1x512xi32, #tpu.memory_space<vmem>> -> memref<512xi32, #tpu.memory_space<vmem>>
      %dma_wait3A_228 = arith.constant 0 : i32
      %dma_wait3A_229 = arith.constant 0 : i32
      %dma_wait3A_230 = tpu.memref_slice %arg7[%dma_wait3A_228, %dma_wait3A_229] : memref<10240x16xf32, #tpu.memory_space<vmem_shared>> -> memref<10240x16xf32, #tpu.memory_space<vmem_shared>>
      %dma_wait3A_231 = tpu.memref_slice %arg11[%rem3A_211] : memref<4x!tpu.dma_semaphore, #tpu.memory_space<semaphore_mem>> -> memref<1x!tpu.dma_semaphore, #tpu.memory_space<semaphore_mem>>
      %dma_wait3A_232 = tpu.memref_squeeze %dma_wait3A_231 : memref<1x!tpu.dma_semaphore, #tpu.memory_space<semaphore_mem>> -> memref<!tpu.dma_semaphore, #tpu.memory_space<semaphore_mem>>
      tpu.wait_indirect_dma semaphore(%dma_wait3A_232 : memref<!tpu.dma_semaphore, #tpu.memory_space<semaphore_mem>>) src(%dma_wait3A_230 : memref<10240x16xf32, #tpu.memory_space<vmem_shared>>) dst(%dma_wait3A_224 : memref<512x16xf32, #tpu.memory_space<vmem>>)
      %dma_start3A_233 = arith.constant 0 : i32
      %dma_start3A_234 = arith.constant 0 : i32
      %dma_start3A_235 = tpu.memref_slice %arg10[%rem3A_211, %dma_start3A_233, %dma_start3A_234] : memref<4x512x16xf32, #tpu.memory_space<vmem>> -> memref<1x512x16xf32, #tpu.memory_space<vmem>>
      %dma_start3A_236 = tpu.memref_squeeze %dma_start3A_235 : memref<1x512x16xf32, #tpu.memory_space<vmem>> -> memref<512x16xf32, #tpu.memory_space<vmem>>
      %dma_start3A_237 = arith.constant 0 : i32
      %dma_start3A_238 = tpu.memref_slice %arg9[%while3A_209, %dma_start3A_237] : memref<20x512xi32, #tpu.memory_space<vmem>> -> memref<1x512xi32, #tpu.memory_space<vmem>>
      %dma_start3A_239 = tpu.memref_squeeze %dma_start3A_238 : memref<1x512xi32, #tpu.memory_space<vmem>> -> memref<512xi32, #tpu.memory_space<vmem>>
      %dma_start3A_240 = arith.constant 0 : i32
      %dma_start3A_241 = arith.constant 0 : i32
      %dma_start3A_242 = tpu.memref_slice %arg6[%dma_start3A_240, %dma_start3A_241] : memref<10240x16xf32, #tpu.memory_space<vmem_shared>> -> memref<10240x16xf32, #tpu.memory_space<vmem_shared>>
      %dma_start3A_243 = tpu.memref_slice %arg12[%rem3A_211] : memref<4x!tpu.dma_semaphore, #tpu.memory_space<semaphore_mem>> -> memref<1x!tpu.dma_semaphore, #tpu.memory_space<semaphore_mem>>
      %dma_start3A_244 = tpu.memref_squeeze %dma_start3A_243 : memref<1x!tpu.dma_semaphore, #tpu.memory_space<semaphore_mem>> -> memref<!tpu.dma_semaphore, #tpu.memory_space<semaphore_mem>>
      tpu.enqueue_indirect_dma source(%dma_start3A_236 : memref<512x16xf32, #tpu.memory_space<vmem>>) target(%dma_start3A_242 : memref<10240x16xf32, #tpu.memory_space<vmem_shared>>) offsets(%dma_start3A_239 : memref<512xi32, #tpu.memory_space<vmem>>) semaphore(%dma_start3A_244 : memref<!tpu.dma_semaphore, #tpu.memory_space<semaphore_mem>>) {add = true}
    }
    %sub3A_187 = arith.constant 1 : i32
    %sub3A_188 = arith.subi %sub3A_47, %sub3A_187 : i32
    %rem3A_189 = arith.constant 4 : i32
    %rem3A_190 = arith.remsi %sub3A_188, %rem3A_189 : i32
    %dma_wait3A_191 = arith.constant 0 : i32
    %dma_wait3A_192 = arith.constant 0 : i32
    %dma_wait3A_193 = arith.constant 0 : i32
    %dma_wait3A_194 = tpu.memref_slice %arg10[%rem3A_190, %dma_wait3A_192, %dma_wait3A_193] : memref<4x512x16xf32, #tpu.memory_space<vmem>> -> memref<1x512x16xf32, #tpu.memory_space<vmem>>
    %dma_wait3A_195 = tpu.memref_squeeze %dma_wait3A_194 : memref<1x512x16xf32, #tpu.memory_space<vmem>> -> memref<512x16xf32, #tpu.memory_space<vmem>>
    %dma_wait3A_196 = arith.constant 0 : i32
    %dma_wait3A_197 = tpu.memref_slice %arg9[%dma_wait3A_191, %dma_wait3A_196] : memref<20x512xi32, #tpu.memory_space<vmem>> -> memref<1x512xi32, #tpu.memory_space<vmem>>
    %dma_wait3A_198 = tpu.memref_squeeze %dma_wait3A_197 : memref<1x512xi32, #tpu.memory_space<vmem>> -> memref<512xi32, #tpu.memory_space<vmem>>
    %dma_wait3A_199 = arith.constant 0 : i32
    %dma_wait3A_200 = arith.constant 0 : i32
    %dma_wait3A_201 = tpu.memref_slice %arg6[%dma_wait3A_199, %dma_wait3A_200] : memref<10240x16xf32, #tpu.memory_space<vmem_shared>> -> memref<10240x16xf32, #tpu.memory_space<vmem_shared>>
    %dma_wait3A_202 = tpu.memref_slice %arg12[%rem3A_190] : memref<4x!tpu.dma_semaphore, #tpu.memory_space<semaphore_mem>> -> memref<1x!tpu.dma_semaphore, #tpu.memory_space<semaphore_mem>>
    %dma_wait3A_203 = tpu.memref_squeeze %dma_wait3A_202 : memref<1x!tpu.dma_semaphore, #tpu.memory_space<semaphore_mem>> -> memref<!tpu.dma_semaphore, #tpu.memory_space<semaphore_mem>>
    tpu.wait_indirect_dma semaphore(%dma_wait3A_203 : memref<!tpu.dma_semaphore, #tpu.memory_space<semaphore_mem>>) src(%dma_wait3A_195 : memref<512x16xf32, #tpu.memory_space<vmem>>) dst(%dma_wait3A_201 : memref<10240x16xf32, #tpu.memory_space<vmem_shared>>)
    %barrier3A_204 = arith.constant 0 : index
    tpu.barrier barrier_id(%barrier3A_204)
    %mul3A_205 = arith.constant 640 : i32
    %mul3A_206 = arith.muli %arg1, %mul3A_205 : i32
    %mul3A_207 = arith.constant 640 : i32
    %mul3A_208 = arith.muli %arg1, %mul3A_207 : i32
    "tpu.region"() ({
      %run_scoped3A = tpu.sem_alloc : memref<!tpu.dma_semaphore, #tpu.memory_space<semaphore_mem>>
      %dma_start3A_209 = arith.constant 0 : i32
      %dma_start3A_210 = tpu.memref_slice %arg5[%arg0, %mul3A_208, %dma_start3A_209] : memref<2x10240x16xf32, #tpu.memory_space<hbm>> -> memref<1x640x16xf32, #tpu.memory_space<hbm>>
      %dma_start3A_211 = tpu.memref_squeeze %dma_start3A_210 : memref<1x640x16xf32, #tpu.memory_space<hbm>> -> memref<640x16xf32, #tpu.memory_space<hbm>>
      %dma_start3A_212 = arith.constant 0 : i32
      %dma_start3A_213 = tpu.memref_slice %arg6[%mul3A_206, %dma_start3A_212] : memref<10240x16xf32, #tpu.memory_space<vmem_shared>> -> memref<640x16xf32, #tpu.memory_space<vmem_shared>>
      tpu.enqueue_dma source(%dma_start3A_213 : memref<640x16xf32, #tpu.memory_space<vmem_shared>>) target(%dma_start3A_211 : memref<640x16xf32, #tpu.memory_space<hbm>>) target_semaphore(%run_scoped3A : memref<!tpu.dma_semaphore, #tpu.memory_space<semaphore_mem>>)
      %dma_wait3A_214 = arith.constant 0 : i32
      %dma_wait3A_215 = tpu.memref_slice %arg5[%arg0, %mul3A_208, %dma_wait3A_214] : memref<2x10240x16xf32, #tpu.memory_space<hbm>> -> memref<1x640x16xf32, #tpu.memory_space<hbm>>
      %dma_wait3A_216 = tpu.memref_squeeze %dma_wait3A_215 : memref<1x640x16xf32, #tpu.memory_space<hbm>> -> memref<640x16xf32, #tpu.memory_space<hbm>>
      %dma_wait3A_217 = arith.constant 0 : i32
      %dma_wait3A_218 = tpu.memref_slice %arg6[%mul3A_206, %dma_wait3A_217] : memref<10240x16xf32, #tpu.memory_space<vmem_shared>> -> memref<640x16xf32, #tpu.memory_space<vmem_shared>>
      tpu.wait_dma2 semaphore(%run_scoped3A : memref<!tpu.dma_semaphore, #tpu.memory_space<semaphore_mem>>) src(%dma_wait3A_218 : memref<640x16xf32, #tpu.memory_space<vmem_shared>>) dst(%dma_wait3A_216 : memref<640x16xf32, #tpu.memory_space<hbm>>)
      tpu.yield
    }) : () -> ()
    return
  }
}

#map = affine_map<(d0, d1) -> (0, 0)>
#map1 = affine_map<(d0, d1) -> (0, 0, 0)>
module attributes {stable_mosaic.version = 14 : i64} {
  func.func @_segsum_body(%arg0: i32, %arg1: i32, %arg2: memref<10240x16xf32, #tpu.memory_space<hbm>>, %arg3: memref<2x625x512xi32, #tpu.memory_space<hbm>>, %arg4: memref<10240x16xf32, #tpu.memory_space<hbm>>, %arg5: memref<2x10240x16xf32, #tpu.memory_space<hbm>>, %arg6: memref<10240x16xf32, #tpu.memory_space<vmem_shared>>, %arg7: memref<10240x16xf32, #tpu.memory_space<vmem_shared>>, %arg8: memref<20x512xi32, #tpu.memory_space<vmem>>, %arg9: memref<20x512xi32, #tpu.memory_space<vmem>>, %arg10: memref<4x512x16xf32, #tpu.memory_space<vmem>>, %arg11: memref<4x!tpu.dma_semaphore, #tpu.memory_space<semaphore_mem>>, %arg12: memref<4x!tpu.dma_semaphore, #tpu.memory_space<semaphore_mem>>) attributes {dimension_semantics = [#tpu.dimension_semantics<core_parallel>, #tpu.dimension_semantics<subcore_parallel>], iteration_bounds = array<i64: 2, 16>, scalar_prefetch = 0 : i64, scratch_operands = 7 : i64, tpu.core_type = #tpu.core_type<sc_vector_subcore>, window_params = [{transform_indices = #map}, {transform_indices = #map1}, {transform_indices = #map}, {transform_indices = #map1}]} {
    %mul3A = arith.constant 16 : i32
    %mul3A_0 = arith.muli %arg0, %mul3A : i32
    %add3A = arith.addi %mul3A_0, %arg1 : i32
    %mul3A_1 = arith.constant 625 : i32
    %mul3A_2 = arith.muli %add3A, %mul3A_1 : i32
    %jit3A = arith.constant 32 : i32
    %div3A = arith.divsi %mul3A_2, %jit3A : i32
    %sign3A = arith.constant 0 : i32
    %sign3A_3 = arith.cmpi sgt, %mul3A_2, %sign3A : i32
    %sign3A_4 = arith.extui %sign3A_3 : i1 to i32
    %sign3A_5 = arith.constant 0 : i32
    %sign3A_6 = arith.cmpi slt, %mul3A_2, %sign3A_5 : i32
    %sign3A_7 = arith.extui %sign3A_6 : i1 to i32
    %sign3A_8 = arith.subi %sign3A_4, %sign3A_7 : i32
    %sign3A_9 = arith.constant 0 : i32
    %sign3A_10 = arith.cmpi sgt, %jit3A, %sign3A_9 : i32
    %sign3A_11 = arith.extui %sign3A_10 : i1 to i32
    %sign3A_12 = arith.constant 0 : i32
    %sign3A_13 = arith.cmpi slt, %jit3A, %sign3A_12 : i32
    %sign3A_14 = arith.extui %sign3A_13 : i1 to i32
    %sign3A_15 = arith.subi %sign3A_11, %sign3A_14 : i32
    %ne3A = arith.cmpi ne, %sign3A_8, %sign3A_15 : i32
    %rem3A = arith.remsi %mul3A_2, %jit3A : i32
    %ne3A_16 = arith.constant 0 : i32
    %ne3A_17 = arith.cmpi ne, %rem3A, %ne3A_16 : i32
    %and3A = arith.andi %ne3A, %ne3A_17 : i1
    %sub3A = arith.constant 1 : i32
    %sub3A_18 = arith.subi %div3A, %sub3A : i32
    %select_n3A = arith.select %and3A, %sub3A_18, %div3A : i32
    %add3A_19 = arith.constant 1 : i32
    %add3A_20 = arith.addi %add3A, %add3A_19 : i32
    %mul3A_21 = arith.constant 625 : i32
    %mul3A_22 = arith.muli %add3A_20, %mul3A_21 : i32
    %jit3A_23 = arith.constant 32 : i32
    %div3A_24 = arith.divsi %mul3A_22, %jit3A_23 : i32
    %sign3A_25 = arith.constant 0 : i32
    %sign3A_26 = arith.cmpi sgt, %mul3A_22, %sign3A_25 : i32
    %sign3A_27 = arith.extui %sign3A_26 : i1 to i32
    %sign3A_28 = arith.constant 0 : i32
    %sign3A_29 = arith.cmpi slt, %mul3A_22, %sign3A_28 : i32
    %sign3A_30 = arith.extui %sign3A_29 : i1 to i32
    %sign3A_31 = arith.subi %sign3A_27, %sign3A_30 : i32
    %sign3A_32 = arith.constant 0 : i32
    %sign3A_33 = arith.cmpi sgt, %jit3A_23, %sign3A_32 : i32
    %sign3A_34 = arith.extui %sign3A_33 : i1 to i32
    %sign3A_35 = arith.constant 0 : i32
    %sign3A_36 = arith.cmpi slt, %jit3A_23, %sign3A_35 : i32
    %sign3A_37 = arith.extui %sign3A_36 : i1 to i32
    %sign3A_38 = arith.subi %sign3A_34, %sign3A_37 : i32
    %ne3A_39 = arith.cmpi ne, %sign3A_31, %sign3A_38 : i32
    %rem3A_40 = arith.remsi %mul3A_22, %jit3A_23 : i32
    %ne3A_41 = arith.constant 0 : i32
    %ne3A_42 = arith.cmpi ne, %rem3A_40, %ne3A_41 : i32
    %and3A_43 = arith.andi %ne3A_39, %ne3A_42 : i1
    %sub3A_44 = arith.constant 1 : i32
    %sub3A_45 = arith.subi %div3A_24, %sub3A_44 : i32
    %select_n3A_46 = arith.select %and3A_43, %sub3A_45, %div3A_24 : i32
    %sub3A_47 = arith.subi %select_n3A_46, %select_n3A : i32
    %mul3A_48 = arith.constant 1 : i32
    %mul3A_49 = arith.muli %select_n3A, %mul3A_48 : i32
    %mul3A_50 = arith.constant 640 : i32
    %mul3A_51 = arith.muli %arg1, %mul3A_50 : i32
    %dma_start3A = arith.constant 0 : i32
    %dma_start3A_52 = tpu.memref_slice %arg11[%dma_start3A] : memref<4x!tpu.dma_semaphore, #tpu.memory_space<semaphore_mem>> -> memref<1x!tpu.dma_semaphore, #tpu.memory_space<semaphore_mem>>
    %dma_start3A_53 = tpu.memref_squeeze %dma_start3A_52 : memref<1x!tpu.dma_semaphore, #tpu.memory_space<semaphore_mem>> -> memref<!tpu.dma_semaphore, #tpu.memory_space<semaphore_mem>>
    %dma_start3A_54 = arith.constant 0 : i32
    %dma_start3A_55 = tpu.memref_slice %arg7[%mul3A_51, %dma_start3A_54] : memref<10240x16xf32, #tpu.memory_space<vmem_shared>> -> memref<640x16xf32, #tpu.memory_space<vmem_shared>>
    %dma_start3A_56 = arith.constant 0 : i32
    %dma_start3A_57 = tpu.memref_slice %arg2[%mul3A_51, %dma_start3A_56] : memref<10240x16xf32, #tpu.memory_space<hbm>> -> memref<640x16xf32, #tpu.memory_space<hbm>>
    tpu.enqueue_dma source(%dma_start3A_57 : memref<640x16xf32, #tpu.memory_space<hbm>>) target(%dma_start3A_55 : memref<640x16xf32, #tpu.memory_space<vmem_shared>>) target_semaphore(%dma_start3A_53 : memref<!tpu.dma_semaphore, #tpu.memory_space<semaphore_mem>>)
    %dma_start3A_58 = arith.constant 1 : i32
    %dma_start3A_59 = tpu.memref_slice %arg11[%dma_start3A_58] : memref<4x!tpu.dma_semaphore, #tpu.memory_space<semaphore_mem>> -> memref<1x!tpu.dma_semaphore, #tpu.memory_space<semaphore_mem>>
    %dma_start3A_60 = tpu.memref_squeeze %dma_start3A_59 : memref<1x!tpu.dma_semaphore, #tpu.memory_space<semaphore_mem>> -> memref<!tpu.dma_semaphore, #tpu.memory_space<semaphore_mem>>
    %dma_start3A_61 = arith.constant 0 : i32
    %dma_start3A_62 = tpu.memref_slice %arg6[%mul3A_51, %dma_start3A_61] : memref<10240x16xf32, #tpu.memory_space<vmem_shared>> -> memref<640x16xf32, #tpu.memory_space<vmem_shared>>
    %dma_start3A_63 = arith.constant 0 : i32
    %dma_start3A_64 = tpu.memref_slice %arg4[%mul3A_51, %dma_start3A_63] : memref<10240x16xf32, #tpu.memory_space<hbm>> -> memref<640x16xf32, #tpu.memory_space<hbm>>
    tpu.enqueue_dma source(%dma_start3A_64 : memref<640x16xf32, #tpu.memory_space<hbm>>) target(%dma_start3A_62 : memref<640x16xf32, #tpu.memory_space<vmem_shared>>) target_semaphore(%dma_start3A_60 : memref<!tpu.dma_semaphore, #tpu.memory_space<semaphore_mem>>)
    %dma_start3A_65 = arith.constant 0 : i32
    %dma_start3A_66 = arith.constant 2 : i32
    %dma_start3A_67 = arith.constant 0 : i32
    %dma_start3A_68 = tpu.memref_slice %arg3[%dma_start3A_65, %mul3A_49, %dma_start3A_67] : memref<2x625x512xi32, #tpu.memory_space<hbm>> -> memref<1x20x512xi32, #tpu.memory_space<hbm>>
    %dma_start3A_69 = tpu.memref_squeeze %dma_start3A_68 : memref<1x20x512xi32, #tpu.memory_space<hbm>> -> memref<20x512xi32, #tpu.memory_space<hbm>>
    %dma_start3A_70 = tpu.memref_slice %arg11[%dma_start3A_66] : memref<4x!tpu.dma_semaphore, #tpu.memory_space<semaphore_mem>> -> memref<1x!tpu.dma_semaphore, #tpu.memory_space<semaphore_mem>>
    %dma_start3A_71 = tpu.memref_squeeze %dma_start3A_70 : memref<1x!tpu.dma_semaphore, #tpu.memory_space<semaphore_mem>> -> memref<!tpu.dma_semaphore, #tpu.memory_space<semaphore_mem>>
    %dma_start3A_72 = arith.constant 0 : i32
    %dma_start3A_73 = tpu.memref_slice %arg3[%dma_start3A_65, %mul3A_49, %dma_start3A_72] : memref<2x625x512xi32, #tpu.memory_space<hbm>> -> memref<1x20x512xi32, #tpu.memory_space<hbm>>
    %dma_start3A_74 = tpu.memref_squeeze %dma_start3A_73 : memref<1x20x512xi32, #tpu.memory_space<hbm>> -> memref<20x512xi32, #tpu.memory_space<hbm>>
    tpu.enqueue_dma source(%dma_start3A_74 : memref<20x512xi32, #tpu.memory_space<hbm>>) target(%arg8 : memref<20x512xi32, #tpu.memory_space<vmem>>) target_semaphore(%dma_start3A_71 : memref<!tpu.dma_semaphore, #tpu.memory_space<semaphore_mem>>)
    %dma_start3A_75 = arith.constant 1 : i32
    %dma_start3A_76 = arith.constant 3 : i32
    %dma_start3A_77 = arith.constant 0 : i32
    %dma_start3A_78 = tpu.memref_slice %arg3[%dma_start3A_75, %mul3A_49, %dma_start3A_77] : memref<2x625x512xi32, #tpu.memory_space<hbm>> -> memref<1x20x512xi32, #tpu.memory_space<hbm>>
    %dma_start3A_79 = tpu.memref_squeeze %dma_start3A_78 : memref<1x20x512xi32, #tpu.memory_space<hbm>> -> memref<20x512xi32, #tpu.memory_space<hbm>>
    %dma_start3A_80 = tpu.memref_slice %arg11[%dma_start3A_76] : memref<4x!tpu.dma_semaphore, #tpu.memory_space<semaphore_mem>> -> memref<1x!tpu.dma_semaphore, #tpu.memory_space<semaphore_mem>>
    %dma_start3A_81 = tpu.memref_squeeze %dma_start3A_80 : memref<1x!tpu.dma_semaphore, #tpu.memory_space<semaphore_mem>> -> memref<!tpu.dma_semaphore, #tpu.memory_space<semaphore_mem>>
    %dma_start3A_82 = arith.constant 0 : i32
    %dma_start3A_83 = tpu.memref_slice %arg3[%dma_start3A_75, %mul3A_49, %dma_start3A_82] : memref<2x625x512xi32, #tpu.memory_space<hbm>> -> memref<1x20x512xi32, #tpu.memory_space<hbm>>
    %dma_start3A_84 = tpu.memref_squeeze %dma_start3A_83 : memref<1x20x512xi32, #tpu.memory_space<hbm>> -> memref<20x512xi32, #tpu.memory_space<hbm>>
    tpu.enqueue_dma source(%dma_start3A_84 : memref<20x512xi32, #tpu.memory_space<hbm>>) target(%arg9 : memref<20x512xi32, #tpu.memory_space<vmem>>) target_semaphore(%dma_start3A_81 : memref<!tpu.dma_semaphore, #tpu.memory_space<semaphore_mem>>)
    %dma_wait3A = arith.constant 0 : i32
    %dma_wait3A_85 = tpu.memref_slice %arg11[%dma_wait3A] : memref<4x!tpu.dma_semaphore, #tpu.memory_space<semaphore_mem>> -> memref<1x!tpu.dma_semaphore, #tpu.memory_space<semaphore_mem>>
    %dma_wait3A_86 = tpu.memref_squeeze %dma_wait3A_85 : memref<1x!tpu.dma_semaphore, #tpu.memory_space<semaphore_mem>> -> memref<!tpu.dma_semaphore, #tpu.memory_space<semaphore_mem>>
    %dma_wait3A_87 = arith.constant 0 : i32
    %dma_wait3A_88 = tpu.memref_slice %arg7[%mul3A_51, %dma_wait3A_87] : memref<10240x16xf32, #tpu.memory_space<vmem_shared>> -> memref<640x16xf32, #tpu.memory_space<vmem_shared>>
    %dma_wait3A_89 = arith.constant 0 : i32
    %dma_wait3A_90 = tpu.memref_slice %arg2[%mul3A_51, %dma_wait3A_89] : memref<10240x16xf32, #tpu.memory_space<hbm>> -> memref<640x16xf32, #tpu.memory_space<hbm>>
    tpu.wait_dma2 semaphore(%dma_wait3A_86 : memref<!tpu.dma_semaphore, #tpu.memory_space<semaphore_mem>>) src(%dma_wait3A_90 : memref<640x16xf32, #tpu.memory_space<hbm>>) dst(%dma_wait3A_88 : memref<640x16xf32, #tpu.memory_space<vmem_shared>>)
    %dma_wait3A_91 = arith.constant 1 : i32
    %dma_wait3A_92 = tpu.memref_slice %arg11[%dma_wait3A_91] : memref<4x!tpu.dma_semaphore, #tpu.memory_space<semaphore_mem>> -> memref<1x!tpu.dma_semaphore, #tpu.memory_space<semaphore_mem>>
    %dma_wait3A_93 = tpu.memref_squeeze %dma_wait3A_92 : memref<1x!tpu.dma_semaphore, #tpu.memory_space<semaphore_mem>> -> memref<!tpu.dma_semaphore, #tpu.memory_space<semaphore_mem>>
    %dma_wait3A_94 = arith.constant 0 : i32
    %dma_wait3A_95 = tpu.memref_slice %arg6[%mul3A_51, %dma_wait3A_94] : memref<10240x16xf32, #tpu.memory_space<vmem_shared>> -> memref<640x16xf32, #tpu.memory_space<vmem_shared>>
    %dma_wait3A_96 = arith.constant 0 : i32
    %dma_wait3A_97 = tpu.memref_slice %arg4[%mul3A_51, %dma_wait3A_96] : memref<10240x16xf32, #tpu.memory_space<hbm>> -> memref<640x16xf32, #tpu.memory_space<hbm>>
    tpu.wait_dma2 semaphore(%dma_wait3A_93 : memref<!tpu.dma_semaphore, #tpu.memory_space<semaphore_mem>>) src(%dma_wait3A_97 : memref<640x16xf32, #tpu.memory_space<hbm>>) dst(%dma_wait3A_95 : memref<640x16xf32, #tpu.memory_space<vmem_shared>>)
    %dma_wait3A_98 = arith.constant 0 : i32
    %dma_wait3A_99 = arith.constant 2 : i32
    %dma_wait3A_100 = arith.constant 0 : i32
    %dma_wait3A_101 = tpu.memref_slice %arg3[%dma_wait3A_98, %mul3A_49, %dma_wait3A_100] : memref<2x625x512xi32, #tpu.memory_space<hbm>> -> memref<1x20x512xi32, #tpu.memory_space<hbm>>
    %dma_wait3A_102 = tpu.memref_squeeze %dma_wait3A_101 : memref<1x20x512xi32, #tpu.memory_space<hbm>> -> memref<20x512xi32, #tpu.memory_space<hbm>>
    %dma_wait3A_103 = tpu.memref_slice %arg11[%dma_wait3A_99] : memref<4x!tpu.dma_semaphore, #tpu.memory_space<semaphore_mem>> -> memref<1x!tpu.dma_semaphore, #tpu.memory_space<semaphore_mem>>
    %dma_wait3A_104 = tpu.memref_squeeze %dma_wait3A_103 : memref<1x!tpu.dma_semaphore, #tpu.memory_space<semaphore_mem>> -> memref<!tpu.dma_semaphore, #tpu.memory_space<semaphore_mem>>
    %dma_wait3A_105 = arith.constant 0 : i32
    %dma_wait3A_106 = tpu.memref_slice %arg3[%dma_wait3A_98, %mul3A_49, %dma_wait3A_105] : memref<2x625x512xi32, #tpu.memory_space<hbm>> -> memref<1x20x512xi32, #tpu.memory_space<hbm>>
    %dma_wait3A_107 = tpu.memref_squeeze %dma_wait3A_106 : memref<1x20x512xi32, #tpu.memory_space<hbm>> -> memref<20x512xi32, #tpu.memory_space<hbm>>
    tpu.wait_dma2 semaphore(%dma_wait3A_104 : memref<!tpu.dma_semaphore, #tpu.memory_space<semaphore_mem>>) src(%dma_wait3A_107 : memref<20x512xi32, #tpu.memory_space<hbm>>) dst(%arg8 : memref<20x512xi32, #tpu.memory_space<vmem>>)
    %dma_wait3A_108 = arith.constant 1 : i32
    %dma_wait3A_109 = arith.constant 3 : i32
    %dma_wait3A_110 = arith.constant 0 : i32
    %dma_wait3A_111 = tpu.memref_slice %arg3[%dma_wait3A_108, %mul3A_49, %dma_wait3A_110] : memref<2x625x512xi32, #tpu.memory_space<hbm>> -> memref<1x20x512xi32, #tpu.memory_space<hbm>>
    %dma_wait3A_112 = tpu.memref_squeeze %dma_wait3A_111 : memref<1x20x512xi32, #tpu.memory_space<hbm>> -> memref<20x512xi32, #tpu.memory_space<hbm>>
    %dma_wait3A_113 = tpu.memref_slice %arg11[%dma_wait3A_109] : memref<4x!tpu.dma_semaphore, #tpu.memory_space<semaphore_mem>> -> memref<1x!tpu.dma_semaphore, #tpu.memory_space<semaphore_mem>>
    %dma_wait3A_114 = tpu.memref_squeeze %dma_wait3A_113 : memref<1x!tpu.dma_semaphore, #tpu.memory_space<semaphore_mem>> -> memref<!tpu.dma_semaphore, #tpu.memory_space<semaphore_mem>>
    %dma_wait3A_115 = arith.constant 0 : i32
    %dma_wait3A_116 = tpu.memref_slice %arg3[%dma_wait3A_108, %mul3A_49, %dma_wait3A_115] : memref<2x625x512xi32, #tpu.memory_space<hbm>> -> memref<1x20x512xi32, #tpu.memory_space<hbm>>
    %dma_wait3A_117 = tpu.memref_squeeze %dma_wait3A_116 : memref<1x20x512xi32, #tpu.memory_space<hbm>> -> memref<20x512xi32, #tpu.memory_space<hbm>>
    tpu.wait_dma2 semaphore(%dma_wait3A_114 : memref<!tpu.dma_semaphore, #tpu.memory_space<semaphore_mem>>) src(%dma_wait3A_117 : memref<20x512xi32, #tpu.memory_space<hbm>>) dst(%arg9 : memref<20x512xi32, #tpu.memory_space<vmem>>)
    %barrier3A = arith.constant 0 : index
    tpu.barrier barrier_id(%barrier3A)
    %dma_start3A_118 = arith.constant 0 : i32
    %dma_start3A_119 = arith.constant 0 : i32
    %dma_start3A_120 = arith.constant 0 : i32
    %dma_start3A_121 = arith.constant 0 : i32
    %dma_start3A_122 = arith.constant 0 : i32
    %dma_start3A_123 = tpu.memref_slice %arg10[%dma_start3A_119, %dma_start3A_121, %dma_start3A_122] : memref<4x512x16xf32, #tpu.memory_space<vmem>> -> memref<1x512x16xf32, #tpu.memory_space<vmem>>
    %dma_start3A_124 = tpu.memref_squeeze %dma_start3A_123 : memref<1x512x16xf32, #tpu.memory_space<vmem>> -> memref<512x16xf32, #tpu.memory_space<vmem>>
    %dma_start3A_125 = arith.constant 0 : i32
    %dma_start3A_126 = tpu.memref_slice %arg8[%dma_start3A_118, %dma_start3A_125] : memref<20x512xi32, #tpu.memory_space<vmem>> -> memref<1x512xi32, #tpu.memory_space<vmem>>
    %dma_start3A_127 = tpu.memref_squeeze %dma_start3A_126 : memref<1x512xi32, #tpu.memory_space<vmem>> -> memref<512xi32, #tpu.memory_space<vmem>>
    %dma_start3A_128 = arith.constant 0 : i32
    %dma_start3A_129 = arith.constant 0 : i32
    %dma_start3A_130 = tpu.memref_slice %arg7[%dma_start3A_128, %dma_start3A_129] : memref<10240x16xf32, #tpu.memory_space<vmem_shared>> -> memref<10240x16xf32, #tpu.memory_space<vmem_shared>>
    %dma_start3A_131 = tpu.memref_slice %arg11[%dma_start3A_120] : memref<4x!tpu.dma_semaphore, #tpu.memory_space<semaphore_mem>> -> memref<1x!tpu.dma_semaphore, #tpu.memory_space<semaphore_mem>>
    %dma_start3A_132 = tpu.memref_squeeze %dma_start3A_131 : memref<1x!tpu.dma_semaphore, #tpu.memory_space<semaphore_mem>> -> memref<!tpu.dma_semaphore, #tpu.memory_space<semaphore_mem>>
    tpu.enqueue_indirect_dma source(%dma_start3A_130 : memref<10240x16xf32, #tpu.memory_space<vmem_shared>>) target(%dma_start3A_124 : memref<512x16xf32, #tpu.memory_space<vmem>>) offsets(%dma_start3A_127 : memref<512xi32, #tpu.memory_space<vmem>>) semaphore(%dma_start3A_132 : memref<!tpu.dma_semaphore, #tpu.memory_space<semaphore_mem>>)
    %dma_start3A_133 = arith.constant 1 : i32
    %dma_start3A_134 = arith.constant 1 : i32
    %dma_start3A_135 = arith.constant 1 : i32
    %dma_start3A_136 = arith.constant 0 : i32
    %dma_start3A_137 = arith.constant 0 : i32
    %dma_start3A_138 = tpu.memref_slice %arg10[%dma_start3A_134, %dma_start3A_136, %dma_start3A_137] : memref<4x512x16xf32, #tpu.memory_space<vmem>> -> memref<1x512x16xf32, #tpu.memory_space<vmem>>
    %dma_start3A_139 = tpu.memref_squeeze %dma_start3A_138 : memref<1x512x16xf32, #tpu.memory_space<vmem>> -> memref<512x16xf32, #tpu.memory_space<vmem>>
    %dma_start3A_140 = arith.constant 0 : i32
    %dma_start3A_141 = tpu.memref_slice %arg8[%dma_start3A_133, %dma_start3A_140] : memref<20x512xi32, #tpu.memory_space<vmem>> -> memref<1x512xi32, #tpu.memory_space<vmem>>
    %dma_start3A_142 = tpu.memref_squeeze %dma_start3A_141 : memref<1x512xi32, #tpu.memory_space<vmem>> -> memref<512xi32, #tpu.memory_space<vmem>>
    %dma_start3A_143 = arith.constant 0 : i32
    %dma_start3A_144 = arith.constant 0 : i32
    %dma_start3A_145 = tpu.memref_slice %arg7[%dma_start3A_143, %dma_start3A_144] : memref<10240x16xf32, #tpu.memory_space<vmem_shared>> -> memref<10240x16xf32, #tpu.memory_space<vmem_shared>>
    %dma_start3A_146 = tpu.memref_slice %arg11[%dma_start3A_135] : memref<4x!tpu.dma_semaphore, #tpu.memory_space<semaphore_mem>> -> memref<1x!tpu.dma_semaphore, #tpu.memory_space<semaphore_mem>>
    %dma_start3A_147 = tpu.memref_squeeze %dma_start3A_146 : memref<1x!tpu.dma_semaphore, #tpu.memory_space<semaphore_mem>> -> memref<!tpu.dma_semaphore, #tpu.memory_space<semaphore_mem>>
    tpu.enqueue_indirect_dma source(%dma_start3A_145 : memref<10240x16xf32, #tpu.memory_space<vmem_shared>>) target(%dma_start3A_139 : memref<512x16xf32, #tpu.memory_space<vmem>>) offsets(%dma_start3A_142 : memref<512xi32, #tpu.memory_space<vmem>>) semaphore(%dma_start3A_147 : memref<!tpu.dma_semaphore, #tpu.memory_space<semaphore_mem>>)
    %dma_start3A_148 = arith.constant 2 : i32
    %dma_start3A_149 = arith.constant 2 : i32
    %dma_start3A_150 = arith.constant 2 : i32
    %dma_start3A_151 = arith.constant 0 : i32
    %dma_start3A_152 = arith.constant 0 : i32
    %dma_start3A_153 = tpu.memref_slice %arg10[%dma_start3A_149, %dma_start3A_151, %dma_start3A_152] : memref<4x512x16xf32, #tpu.memory_space<vmem>> -> memref<1x512x16xf32, #tpu.memory_space<vmem>>
    %dma_start3A_154 = tpu.memref_squeeze %dma_start3A_153 : memref<1x512x16xf32, #tpu.memory_space<vmem>> -> memref<512x16xf32, #tpu.memory_space<vmem>>
    %dma_start3A_155 = arith.constant 0 : i32
    %dma_start3A_156 = tpu.memref_slice %arg8[%dma_start3A_148, %dma_start3A_155] : memref<20x512xi32, #tpu.memory_space<vmem>> -> memref<1x512xi32, #tpu.memory_space<vmem>>
    %dma_start3A_157 = tpu.memref_squeeze %dma_start3A_156 : memref<1x512xi32, #tpu.memory_space<vmem>> -> memref<512xi32, #tpu.memory_space<vmem>>
    %dma_start3A_158 = arith.constant 0 : i32
    %dma_start3A_159 = arith.constant 0 : i32
    %dma_start3A_160 = tpu.memref_slice %arg7[%dma_start3A_158, %dma_start3A_159] : memref<10240x16xf32, #tpu.memory_space<vmem_shared>> -> memref<10240x16xf32, #tpu.memory_space<vmem_shared>>
    %dma_start3A_161 = tpu.memref_slice %arg11[%dma_start3A_150] : memref<4x!tpu.dma_semaphore, #tpu.memory_space<semaphore_mem>> -> memref<1x!tpu.dma_semaphore, #tpu.memory_space<semaphore_mem>>
    %dma_start3A_162 = tpu.memref_squeeze %dma_start3A_161 : memref<1x!tpu.dma_semaphore, #tpu.memory_space<semaphore_mem>> -> memref<!tpu.dma_semaphore, #tpu.memory_space<semaphore_mem>>
    tpu.enqueue_indirect_dma source(%dma_start3A_160 : memref<10240x16xf32, #tpu.memory_space<vmem_shared>>) target(%dma_start3A_154 : memref<512x16xf32, #tpu.memory_space<vmem>>) offsets(%dma_start3A_157 : memref<512xi32, #tpu.memory_space<vmem>>) semaphore(%dma_start3A_162 : memref<!tpu.dma_semaphore, #tpu.memory_space<semaphore_mem>>)
    %dma_start3A_163 = arith.constant 3 : i32
    %dma_start3A_164 = arith.constant 3 : i32
    %dma_start3A_165 = arith.constant 3 : i32
    %dma_start3A_166 = arith.constant 0 : i32
    %dma_start3A_167 = arith.constant 0 : i32
    %dma_start3A_168 = tpu.memref_slice %arg10[%dma_start3A_164, %dma_start3A_166, %dma_start3A_167] : memref<4x512x16xf32, #tpu.memory_space<vmem>> -> memref<1x512x16xf32, #tpu.memory_space<vmem>>
    %dma_start3A_169 = tpu.memref_squeeze %dma_start3A_168 : memref<1x512x16xf32, #tpu.memory_space<vmem>> -> memref<512x16xf32, #tpu.memory_space<vmem>>
    %dma_start3A_170 = arith.constant 0 : i32
    %dma_start3A_171 = tpu.memref_slice %arg8[%dma_start3A_163, %dma_start3A_170] : memref<20x512xi32, #tpu.memory_space<vmem>> -> memref<1x512xi32, #tpu.memory_space<vmem>>
    %dma_start3A_172 = tpu.memref_squeeze %dma_start3A_171 : memref<1x512xi32, #tpu.memory_space<vmem>> -> memref<512xi32, #tpu.memory_space<vmem>>
    %dma_start3A_173 = arith.constant 0 : i32
    %dma_start3A_174 = arith.constant 0 : i32
    %dma_start3A_175 = tpu.memref_slice %arg7[%dma_start3A_173, %dma_start3A_174] : memref<10240x16xf32, #tpu.memory_space<vmem_shared>> -> memref<10240x16xf32, #tpu.memory_space<vmem_shared>>
    %dma_start3A_176 = tpu.memref_slice %arg11[%dma_start3A_165] : memref<4x!tpu.dma_semaphore, #tpu.memory_space<semaphore_mem>> -> memref<1x!tpu.dma_semaphore, #tpu.memory_space<semaphore_mem>>
    %dma_start3A_177 = tpu.memref_squeeze %dma_start3A_176 : memref<1x!tpu.dma_semaphore, #tpu.memory_space<semaphore_mem>> -> memref<!tpu.dma_semaphore, #tpu.memory_space<semaphore_mem>>
    tpu.enqueue_indirect_dma source(%dma_start3A_175 : memref<10240x16xf32, #tpu.memory_space<vmem_shared>>) target(%dma_start3A_169 : memref<512x16xf32, #tpu.memory_space<vmem>>) offsets(%dma_start3A_172 : memref<512xi32, #tpu.memory_space<vmem>>) semaphore(%dma_start3A_177 : memref<!tpu.dma_semaphore, #tpu.memory_space<semaphore_mem>>)
    %while3A = arith.constant 0 : i32
    %while3A_178 = arith.constant 0 : i32
    %while3A_179 = arith.subi %sub3A_47, %while3A_178 : i32
    %while3A_180 = arith.addi %while3A_178, %while3A_179 : i32
    %while3A_181 = arith.constant 1 : i32
    %while3A_182 = arith.divsi %while3A_179, %while3A_181 : i32
    %while3A_183 = arith.muli %while3A_182, %while3A_181 : i32
    %while3A_184 = arith.addi %while3A_178, %while3A_183 : i32
    %while3A_185 = arith.constant 1 : i32
    scf.for %while3A_209 = %while3A_178 to %while3A_184 step %while3A_185  : i32 {
      %rem3A_210 = arith.constant 4 : i32
      %rem3A_211 = arith.remsi %while3A_209, %rem3A_210 : i32
      %add3A_212 = arith.constant 4 : i32
      %add3A_213 = arith.addi %while3A_209, %add3A_212 : i32
      %sub3A_214 = arith.constant 1 : i32
      %sub3A_215 = arith.subi %add3A_213, %sub3A_214 : i32
      %rem3A_216 = arith.constant 4 : i32
      %rem3A_217 = arith.remsi %sub3A_215, %rem3A_216 : i32
      %ge3A = arith.constant 1 : i32
      %ge3A_218 = arith.cmpi sge, %while3A_209, %ge3A : i32
      %convert_element_type3A = arith.extui %ge3A_218 : i1 to i32
      %cond3A = arith.constant 0 : i32
      %cond3A_219 = arith.cmpi ne, %convert_element_type3A, %cond3A : i32
      scf.if %cond3A_219 {
        %dma_wait3A_245 = arith.constant 0 : i32
        %dma_wait3A_246 = arith.constant 0 : i32
        %dma_wait3A_247 = arith.constant 0 : i32
        %dma_wait3A_248 = tpu.memref_slice %arg10[%rem3A_217, %dma_wait3A_246, %dma_wait3A_247] : memref<4x512x16xf32, #tpu.memory_space<vmem>> -> memref<1x512x16xf32, #tpu.memory_space<vmem>>
        %dma_wait3A_249 = tpu.memref_squeeze %dma_wait3A_248 : memref<1x512x16xf32, #tpu.memory_space<vmem>> -> memref<512x16xf32, #tpu.memory_space<vmem>>
        %dma_wait3A_250 = arith.constant 0 : i32
        %dma_wait3A_251 = tpu.memref_slice %arg9[%dma_wait3A_245, %dma_wait3A_250] : memref<20x512xi32, #tpu.memory_space<vmem>> -> memref<1x512xi32, #tpu.memory_space<vmem>>
        %dma_wait3A_252 = tpu.memref_squeeze %dma_wait3A_251 : memref<1x512xi32, #tpu.memory_space<vmem>> -> memref<512xi32, #tpu.memory_space<vmem>>
        %dma_wait3A_253 = arith.constant 0 : i32
        %dma_wait3A_254 = arith.constant 0 : i32
        %dma_wait3A_255 = tpu.memref_slice %arg6[%dma_wait3A_253, %dma_wait3A_254] : memref<10240x16xf32, #tpu.memory_space<vmem_shared>> -> memref<10240x16xf32, #tpu.memory_space<vmem_shared>>
        %dma_wait3A_256 = tpu.memref_slice %arg12[%rem3A_217] : memref<4x!tpu.dma_semaphore, #tpu.memory_space<semaphore_mem>> -> memref<1x!tpu.dma_semaphore, #tpu.memory_space<semaphore_mem>>
        %dma_wait3A_257 = tpu.memref_squeeze %dma_wait3A_256 : memref<1x!tpu.dma_semaphore, #tpu.memory_space<semaphore_mem>> -> memref<!tpu.dma_semaphore, #tpu.memory_space<semaphore_mem>>
        tpu.wait_indirect_dma semaphore(%dma_wait3A_257 : memref<!tpu.dma_semaphore, #tpu.memory_space<semaphore_mem>>) src(%dma_wait3A_249 : memref<512x16xf32, #tpu.memory_space<vmem>>) dst(%dma_wait3A_255 : memref<10240x16xf32, #tpu.memory_space<vmem_shared>>)
        %sub3A_258 = arith.constant 1 : i32
        %sub3A_259 = arith.subi %while3A_209, %sub3A_258 : i32
        %add3A_260 = arith.constant 4 : i32
        %add3A_261 = arith.addi %sub3A_259, %add3A_260 : i32
        %lt3A = arith.cmpi slt, %add3A_261, %sub3A_47 : i32
        %convert_element_type3A_262 = arith.extui %lt3A : i1 to i32
        %cond3A_263 = arith.constant 0 : i32
        %cond3A_264 = arith.cmpi ne, %convert_element_type3A_262, %cond3A_263 : i32
        scf.if %cond3A_264 {
          %sub3A_265 = arith.constant 1 : i32
          %sub3A_266 = arith.subi %while3A_209, %sub3A_265 : i32
          %add3A_267 = arith.constant 4 : i32
          %add3A_268 = arith.addi %sub3A_266, %add3A_267 : i32
          %dma_start3A_269 = arith.constant 0 : i32
          %dma_start3A_270 = arith.constant 0 : i32
          %dma_start3A_271 = tpu.memref_slice %arg10[%rem3A_217, %dma_start3A_269, %dma_start3A_270] : memref<4x512x16xf32, #tpu.memory_space<vmem>> -> memref<1x512x16xf32, #tpu.memory_space<vmem>>
          %dma_start3A_272 = tpu.memref_squeeze %dma_start3A_271 : memref<1x512x16xf32, #tpu.memory_space<vmem>> -> memref<512x16xf32, #tpu.memory_space<vmem>>
          %dma_start3A_273 = arith.constant 0 : i32
          %dma_start3A_274 = tpu.memref_slice %arg8[%add3A_268, %dma_start3A_273] : memref<20x512xi32, #tpu.memory_space<vmem>> -> memref<1x512xi32, #tpu.memory_space<vmem>>
          %dma_start3A_275 = tpu.memref_squeeze %dma_start3A_274 : memref<1x512xi32, #tpu.memory_space<vmem>> -> memref<512xi32, #tpu.memory_space<vmem>>
          %dma_start3A_276 = arith.constant 0 : i32
          %dma_start3A_277 = arith.constant 0 : i32
          %dma_start3A_278 = tpu.memref_slice %arg7[%dma_start3A_276, %dma_start3A_277] : memref<10240x16xf32, #tpu.memory_space<vmem_shared>> -> memref<10240x16xf32, #tpu.memory_space<vmem_shared>>
          %dma_start3A_279 = tpu.memref_slice %arg11[%rem3A_217] : memref<4x!tpu.dma_semaphore, #tpu.memory_space<semaphore_mem>> -> memref<1x!tpu.dma_semaphore, #tpu.memory_space<semaphore_mem>>
          %dma_start3A_280 = tpu.memref_squeeze %dma_start3A_279 : memref<1x!tpu.dma_semaphore, #tpu.memory_space<semaphore_mem>> -> memref<!tpu.dma_semaphore, #tpu.memory_space<semaphore_mem>>
          tpu.enqueue_indirect_dma source(%dma_start3A_278 : memref<10240x16xf32, #tpu.memory_space<vmem_shared>>) target(%dma_start3A_272 : memref<512x16xf32, #tpu.memory_space<vmem>>) offsets(%dma_start3A_275 : memref<512xi32, #tpu.memory_space<vmem>>) semaphore(%dma_start3A_280 : memref<!tpu.dma_semaphore, #tpu.memory_space<semaphore_mem>>)
        } else {
        }
      } else {
      }
      %dma_wait3A_220 = arith.constant 0 : i32
      %dma_wait3A_221 = arith.constant 0 : i32
      %dma_wait3A_222 = arith.constant 0 : i32
      %dma_wait3A_223 = tpu.memref_slice %arg10[%rem3A_211, %dma_wait3A_221, %dma_wait3A_222] : memref<4x512x16xf32, #tpu.memory_space<vmem>> -> memref<1x512x16xf32, #tpu.memory_space<vmem>>
      %dma_wait3A_224 = tpu.memref_squeeze %dma_wait3A_223 : memref<1x512x16xf32, #tpu.memory_space<vmem>> -> memref<512x16xf32, #tpu.memory_space<vmem>>
      %dma_wait3A_225 = arith.constant 0 : i32
      %dma_wait3A_226 = tpu.memref_slice %arg8[%dma_wait3A_220, %dma_wait3A_225] : memref<20x512xi32, #tpu.memory_space<vmem>> -> memref<1x512xi32, #tpu.memory_space<vmem>>
      %dma_wait3A_227 = tpu.memref_squeeze %dma_wait3A_226 : memref<1x512xi32, #tpu.memory_space<vmem>> -> memref<512xi32, #tpu.memory_space<vmem>>
      %dma_wait3A_228 = arith.constant 0 : i32
      %dma_wait3A_229 = arith.constant 0 : i32
      %dma_wait3A_230 = tpu.memref_slice %arg7[%dma_wait3A_228, %dma_wait3A_229] : memref<10240x16xf32, #tpu.memory_space<vmem_shared>> -> memref<10240x16xf32, #tpu.memory_space<vmem_shared>>
      %dma_wait3A_231 = tpu.memref_slice %arg11[%rem3A_211] : memref<4x!tpu.dma_semaphore, #tpu.memory_space<semaphore_mem>> -> memref<1x!tpu.dma_semaphore, #tpu.memory_space<semaphore_mem>>
      %dma_wait3A_232 = tpu.memref_squeeze %dma_wait3A_231 : memref<1x!tpu.dma_semaphore, #tpu.memory_space<semaphore_mem>> -> memref<!tpu.dma_semaphore, #tpu.memory_space<semaphore_mem>>
      tpu.wait_indirect_dma semaphore(%dma_wait3A_232 : memref<!tpu.dma_semaphore, #tpu.memory_space<semaphore_mem>>) src(%dma_wait3A_230 : memref<10240x16xf32, #tpu.memory_space<vmem_shared>>) dst(%dma_wait3A_224 : memref<512x16xf32, #tpu.memory_space<vmem>>)
      %dma_start3A_233 = arith.constant 0 : i32
      %dma_start3A_234 = arith.constant 0 : i32
      %dma_start3A_235 = tpu.memref_slice %arg10[%rem3A_211, %dma_start3A_233, %dma_start3A_234] : memref<4x512x16xf32, #tpu.memory_space<vmem>> -> memref<1x512x16xf32, #tpu.memory_space<vmem>>
      %dma_start3A_236 = tpu.memref_squeeze %dma_start3A_235 : memref<1x512x16xf32, #tpu.memory_space<vmem>> -> memref<512x16xf32, #tpu.memory_space<vmem>>
      %dma_start3A_237 = arith.constant 0 : i32
      %dma_start3A_238 = tpu.memref_slice %arg9[%while3A_209, %dma_start3A_237] : memref<20x512xi32, #tpu.memory_space<vmem>> -> memref<1x512xi32, #tpu.memory_space<vmem>>
      %dma_start3A_239 = tpu.memref_squeeze %dma_start3A_238 : memref<1x512xi32, #tpu.memory_space<vmem>> -> memref<512xi32, #tpu.memory_space<vmem>>
      %dma_start3A_240 = arith.constant 0 : i32
      %dma_start3A_241 = arith.constant 0 : i32
      %dma_start3A_242 = tpu.memref_slice %arg6[%dma_start3A_240, %dma_start3A_241] : memref<10240x16xf32, #tpu.memory_space<vmem_shared>> -> memref<10240x16xf32, #tpu.memory_space<vmem_shared>>
      %dma_start3A_243 = tpu.memref_slice %arg12[%rem3A_211] : memref<4x!tpu.dma_semaphore, #tpu.memory_space<semaphore_mem>> -> memref<1x!tpu.dma_semaphore, #tpu.memory_space<semaphore_mem>>
      %dma_start3A_244 = tpu.memref_squeeze %dma_start3A_243 : memref<1x!tpu.dma_semaphore, #tpu.memory_space<semaphore_mem>> -> memref<!tpu.dma_semaphore, #tpu.memory_space<semaphore_mem>>
      tpu.enqueue_indirect_dma source(%dma_start3A_236 : memref<512x16xf32, #tpu.memory_space<vmem>>) target(%dma_start3A_242 : memref<10240x16xf32, #tpu.memory_space<vmem_shared>>) offsets(%dma_start3A_239 : memref<512xi32, #tpu.memory_space<vmem>>) semaphore(%dma_start3A_244 : memref<!tpu.dma_semaphore, #tpu.memory_space<semaphore_mem>>) {add = true}
    }
    %while3A_186 = arith.constant 1 : i32
    scf.for %while3A_209 = %while3A_184 to %while3A_180 step %while3A_186  : i32 {
      %rem3A_210 = arith.constant 4 : i32
      %rem3A_211 = arith.remsi %while3A_209, %rem3A_210 : i32
      %add3A_212 = arith.constant 4 : i32
      %add3A_213 = arith.addi %while3A_209, %add3A_212 : i32
      %sub3A_214 = arith.constant 1 : i32
      %sub3A_215 = arith.subi %add3A_213, %sub3A_214 : i32
      %rem3A_216 = arith.constant 4 : i32
      %rem3A_217 = arith.remsi %sub3A_215, %rem3A_216 : i32
      %ge3A = arith.constant 1 : i32
      %ge3A_218 = arith.cmpi sge, %while3A_209, %ge3A : i32
      %convert_element_type3A = arith.extui %ge3A_218 : i1 to i32
      %cond3A = arith.constant 0 : i32
      %cond3A_219 = arith.cmpi ne, %convert_element_type3A, %cond3A : i32
      scf.if %cond3A_219 {
        %dma_wait3A_245 = arith.constant 0 : i32
        %dma_wait3A_246 = arith.constant 0 : i32
        %dma_wait3A_247 = arith.constant 0 : i32
        %dma_wait3A_248 = tpu.memref_slice %arg10[%rem3A_217, %dma_wait3A_246, %dma_wait3A_247] : memref<4x512x16xf32, #tpu.memory_space<vmem>> -> memref<1x512x16xf32, #tpu.memory_space<vmem>>
        %dma_wait3A_249 = tpu.memref_squeeze %dma_wait3A_248 : memref<1x512x16xf32, #tpu.memory_space<vmem>> -> memref<512x16xf32, #tpu.memory_space<vmem>>
        %dma_wait3A_250 = arith.constant 0 : i32
        %dma_wait3A_251 = tpu.memref_slice %arg9[%dma_wait3A_245, %dma_wait3A_250] : memref<20x512xi32, #tpu.memory_space<vmem>> -> memref<1x512xi32, #tpu.memory_space<vmem>>
        %dma_wait3A_252 = tpu.memref_squeeze %dma_wait3A_251 : memref<1x512xi32, #tpu.memory_space<vmem>> -> memref<512xi32, #tpu.memory_space<vmem>>
        %dma_wait3A_253 = arith.constant 0 : i32
        %dma_wait3A_254 = arith.constant 0 : i32
        %dma_wait3A_255 = tpu.memref_slice %arg6[%dma_wait3A_253, %dma_wait3A_254] : memref<10240x16xf32, #tpu.memory_space<vmem_shared>> -> memref<10240x16xf32, #tpu.memory_space<vmem_shared>>
        %dma_wait3A_256 = tpu.memref_slice %arg12[%rem3A_217] : memref<4x!tpu.dma_semaphore, #tpu.memory_space<semaphore_mem>> -> memref<1x!tpu.dma_semaphore, #tpu.memory_space<semaphore_mem>>
        %dma_wait3A_257 = tpu.memref_squeeze %dma_wait3A_256 : memref<1x!tpu.dma_semaphore, #tpu.memory_space<semaphore_mem>> -> memref<!tpu.dma_semaphore, #tpu.memory_space<semaphore_mem>>
        tpu.wait_indirect_dma semaphore(%dma_wait3A_257 : memref<!tpu.dma_semaphore, #tpu.memory_space<semaphore_mem>>) src(%dma_wait3A_249 : memref<512x16xf32, #tpu.memory_space<vmem>>) dst(%dma_wait3A_255 : memref<10240x16xf32, #tpu.memory_space<vmem_shared>>)
        %sub3A_258 = arith.constant 1 : i32
        %sub3A_259 = arith.subi %while3A_209, %sub3A_258 : i32
        %add3A_260 = arith.constant 4 : i32
        %add3A_261 = arith.addi %sub3A_259, %add3A_260 : i32
        %lt3A = arith.cmpi slt, %add3A_261, %sub3A_47 : i32
        %convert_element_type3A_262 = arith.extui %lt3A : i1 to i32
        %cond3A_263 = arith.constant 0 : i32
        %cond3A_264 = arith.cmpi ne, %convert_element_type3A_262, %cond3A_263 : i32
        scf.if %cond3A_264 {
          %sub3A_265 = arith.constant 1 : i32
          %sub3A_266 = arith.subi %while3A_209, %sub3A_265 : i32
          %add3A_267 = arith.constant 4 : i32
          %add3A_268 = arith.addi %sub3A_266, %add3A_267 : i32
          %dma_start3A_269 = arith.constant 0 : i32
          %dma_start3A_270 = arith.constant 0 : i32
          %dma_start3A_271 = tpu.memref_slice %arg10[%rem3A_217, %dma_start3A_269, %dma_start3A_270] : memref<4x512x16xf32, #tpu.memory_space<vmem>> -> memref<1x512x16xf32, #tpu.memory_space<vmem>>
          %dma_start3A_272 = tpu.memref_squeeze %dma_start3A_271 : memref<1x512x16xf32, #tpu.memory_space<vmem>> -> memref<512x16xf32, #tpu.memory_space<vmem>>
          %dma_start3A_273 = arith.constant 0 : i32
          %dma_start3A_274 = tpu.memref_slice %arg8[%add3A_268, %dma_start3A_273] : memref<20x512xi32, #tpu.memory_space<vmem>> -> memref<1x512xi32, #tpu.memory_space<vmem>>
          %dma_start3A_275 = tpu.memref_squeeze %dma_start3A_274 : memref<1x512xi32, #tpu.memory_space<vmem>> -> memref<512xi32, #tpu.memory_space<vmem>>
          %dma_start3A_276 = arith.constant 0 : i32
          %dma_start3A_277 = arith.constant 0 : i32
          %dma_start3A_278 = tpu.memref_slice %arg7[%dma_start3A_276, %dma_start3A_277] : memref<10240x16xf32, #tpu.memory_space<vmem_shared>> -> memref<10240x16xf32, #tpu.memory_space<vmem_shared>>
          %dma_start3A_279 = tpu.memref_slice %arg11[%rem3A_217] : memref<4x!tpu.dma_semaphore, #tpu.memory_space<semaphore_mem>> -> memref<1x!tpu.dma_semaphore, #tpu.memory_space<semaphore_mem>>
          %dma_start3A_280 = tpu.memref_squeeze %dma_start3A_279 : memref<1x!tpu.dma_semaphore, #tpu.memory_space<semaphore_mem>> -> memref<!tpu.dma_semaphore, #tpu.memory_space<semaphore_mem>>
          tpu.enqueue_indirect_dma source(%dma_start3A_278 : memref<10240x16xf32, #tpu.memory_space<vmem_shared>>) target(%dma_start3A_272 : memref<512x16xf32, #tpu.memory_space<vmem>>) offsets(%dma_start3A_275 : memref<512xi32, #tpu.memory_space<vmem>>) semaphore(%dma_start3A_280 : memref<!tpu.dma_semaphore, #tpu.memory_space<semaphore_mem>>)
        } else {
        }
      } else {
      }
      %dma_wait3A_220 = arith.constant 0 : i32
      %dma_wait3A_221 = arith.constant 0 : i32
      %dma_wait3A_222 = arith.constant 0 : i32
      %dma_wait3A_223 = tpu.memref_slice %arg10[%rem3A_211, %dma_wait3A_221, %dma_wait3A_222] : memref<4x512x16xf32, #tpu.memory_space<vmem>> -> memref<1x512x16xf32, #tpu.memory_space<vmem>>
      %dma_wait3A_224 = tpu.memref_squeeze %dma_wait3A_223 : memref<1x512x16xf32, #tpu.memory_space<vmem>> -> memref<512x16xf32, #tpu.memory_space<vmem>>
      %dma_wait3A_225 = arith.constant 0 : i32
      %dma_wait3A_226 = tpu.memref_slice %arg8[%dma_wait3A_220, %dma_wait3A_225] : memref<20x512xi32, #tpu.memory_space<vmem>> -> memref<1x512xi32, #tpu.memory_space<vmem>>
      %dma_wait3A_227 = tpu.memref_squeeze %dma_wait3A_226 : memref<1x512xi32, #tpu.memory_space<vmem>> -> memref<512xi32, #tpu.memory_space<vmem>>
      %dma_wait3A_228 = arith.constant 0 : i32
      %dma_wait3A_229 = arith.constant 0 : i32
      %dma_wait3A_230 = tpu.memref_slice %arg7[%dma_wait3A_228, %dma_wait3A_229] : memref<10240x16xf32, #tpu.memory_space<vmem_shared>> -> memref<10240x16xf32, #tpu.memory_space<vmem_shared>>
      %dma_wait3A_231 = tpu.memref_slice %arg11[%rem3A_211] : memref<4x!tpu.dma_semaphore, #tpu.memory_space<semaphore_mem>> -> memref<1x!tpu.dma_semaphore, #tpu.memory_space<semaphore_mem>>
      %dma_wait3A_232 = tpu.memref_squeeze %dma_wait3A_231 : memref<1x!tpu.dma_semaphore, #tpu.memory_space<semaphore_mem>> -> memref<!tpu.dma_semaphore, #tpu.memory_space<semaphore_mem>>
      tpu.wait_indirect_dma semaphore(%dma_wait3A_232 : memref<!tpu.dma_semaphore, #tpu.memory_space<semaphore_mem>>) src(%dma_wait3A_230 : memref<10240x16xf32, #tpu.memory_space<vmem_shared>>) dst(%dma_wait3A_224 : memref<512x16xf32, #tpu.memory_space<vmem>>)
      %dma_start3A_233 = arith.constant 0 : i32
      %dma_start3A_234 = arith.constant 0 : i32
      %dma_start3A_235 = tpu.memref_slice %arg10[%rem3A_211, %dma_start3A_233, %dma_start3A_234] : memref<4x512x16xf32, #tpu.memory_space<vmem>> -> memref<1x512x16xf32, #tpu.memory_space<vmem>>
      %dma_start3A_236 = tpu.memref_squeeze %dma_start3A_235 : memref<1x512x16xf32, #tpu.memory_space<vmem>> -> memref<512x16xf32, #tpu.memory_space<vmem>>
      %dma_start3A_237 = arith.constant 0 : i32
      %dma_start3A_238 = tpu.memref_slice %arg9[%while3A_209, %dma_start3A_237] : memref<20x512xi32, #tpu.memory_space<vmem>> -> memref<1x512xi32, #tpu.memory_space<vmem>>
      %dma_start3A_239 = tpu.memref_squeeze %dma_start3A_238 : memref<1x512xi32, #tpu.memory_space<vmem>> -> memref<512xi32, #tpu.memory_space<vmem>>
      %dma_start3A_240 = arith.constant 0 : i32
      %dma_start3A_241 = arith.constant 0 : i32
      %dma_start3A_242 = tpu.memref_slice %arg6[%dma_start3A_240, %dma_start3A_241] : memref<10240x16xf32, #tpu.memory_space<vmem_shared>> -> memref<10240x16xf32, #tpu.memory_space<vmem_shared>>
      %dma_start3A_243 = tpu.memref_slice %arg12[%rem3A_211] : memref<4x!tpu.dma_semaphore, #tpu.memory_space<semaphore_mem>> -> memref<1x!tpu.dma_semaphore, #tpu.memory_space<semaphore_mem>>
      %dma_start3A_244 = tpu.memref_squeeze %dma_start3A_243 : memref<1x!tpu.dma_semaphore, #tpu.memory_space<semaphore_mem>> -> memref<!tpu.dma_semaphore, #tpu.memory_space<semaphore_mem>>
      tpu.enqueue_indirect_dma source(%dma_start3A_236 : memref<512x16xf32, #tpu.memory_space<vmem>>) target(%dma_start3A_242 : memref<10240x16xf32, #tpu.memory_space<vmem_shared>>) offsets(%dma_start3A_239 : memref<512xi32, #tpu.memory_space<vmem>>) semaphore(%dma_start3A_244 : memref<!tpu.dma_semaphore, #tpu.memory_space<semaphore_mem>>) {add = true}
    }
    %sub3A_187 = arith.constant 1 : i32
    %sub3A_188 = arith.subi %sub3A_47, %sub3A_187 : i32
    %rem3A_189 = arith.constant 4 : i32
    %rem3A_190 = arith.remsi %sub3A_188, %rem3A_189 : i32
    %dma_wait3A_191 = arith.constant 0 : i32
    %dma_wait3A_192 = arith.constant 0 : i32
    %dma_wait3A_193 = arith.constant 0 : i32
    %dma_wait3A_194 = tpu.memref_slice %arg10[%rem3A_190, %dma_wait3A_192, %dma_wait3A_193] : memref<4x512x16xf32, #tpu.memory_space<vmem>> -> memref<1x512x16xf32, #tpu.memory_space<vmem>>
    %dma_wait3A_195 = tpu.memref_squeeze %dma_wait3A_194 : memref<1x512x16xf32, #tpu.memory_space<vmem>> -> memref<512x16xf32, #tpu.memory_space<vmem>>
    %dma_wait3A_196 = arith.constant 0 : i32
    %dma_wait3A_197 = tpu.memref_slice %arg9[%dma_wait3A_191, %dma_wait3A_196] : memref<20x512xi32, #tpu.memory_space<vmem>> -> memref<1x512xi32, #tpu.memory_space<vmem>>
    %dma_wait3A_198 = tpu.memref_squeeze %dma_wait3A_197 : memref<1x512xi32, #tpu.memory_space<vmem>> -> memref<512xi32, #tpu.memory_space<vmem>>
    %dma_wait3A_199 = arith.constant 0 : i32
    %dma_wait3A_200 = arith.constant 0 : i32
    %dma_wait3A_201 = tpu.memref_slice %arg6[%dma_wait3A_199, %dma_wait3A_200] : memref<10240x16xf32, #tpu.memory_space<vmem_shared>> -> memref<10240x16xf32, #tpu.memory_space<vmem_shared>>
    %dma_wait3A_202 = tpu.memref_slice %arg12[%rem3A_190] : memref<4x!tpu.dma_semaphore, #tpu.memory_space<semaphore_mem>> -> memref<1x!tpu.dma_semaphore, #tpu.memory_space<semaphore_mem>>
    %dma_wait3A_203 = tpu.memref_squeeze %dma_wait3A_202 : memref<1x!tpu.dma_semaphore, #tpu.memory_space<semaphore_mem>> -> memref<!tpu.dma_semaphore, #tpu.memory_space<semaphore_mem>>
    tpu.wait_indirect_dma semaphore(%dma_wait3A_203 : memref<!tpu.dma_semaphore, #tpu.memory_space<semaphore_mem>>) src(%dma_wait3A_195 : memref<512x16xf32, #tpu.memory_space<vmem>>) dst(%dma_wait3A_201 : memref<10240x16xf32, #tpu.memory_space<vmem_shared>>)
    %barrier3A_204 = arith.constant 0 : index
    tpu.barrier barrier_id(%barrier3A_204)
    %mul3A_205 = arith.constant 640 : i32
    %mul3A_206 = arith.muli %arg1, %mul3A_205 : i32
    %mul3A_207 = arith.constant 640 : i32
    %mul3A_208 = arith.muli %arg1, %mul3A_207 : i32
    "tpu.region"() ({
      %run_scoped3A = tpu.sem_alloc : memref<!tpu.dma_semaphore, #tpu.memory_space<semaphore_mem>>
      %dma_start3A_209 = arith.constant 0 : i32
      %dma_start3A_210 = tpu.memref_slice %arg5[%arg0, %mul3A_208, %dma_start3A_209] : memref<2x10240x16xf32, #tpu.memory_space<hbm>> -> memref<1x640x16xf32, #tpu.memory_space<hbm>>
      %dma_start3A_211 = tpu.memref_squeeze %dma_start3A_210 : memref<1x640x16xf32, #tpu.memory_space<hbm>> -> memref<640x16xf32, #tpu.memory_space<hbm>>
      %dma_start3A_212 = arith.constant 0 : i32
      %dma_start3A_213 = tpu.memref_slice %arg6[%mul3A_206, %dma_start3A_212] : memref<10240x16xf32, #tpu.memory_space<vmem_shared>> -> memref<640x16xf32, #tpu.memory_space<vmem_shared>>
      tpu.enqueue_dma source(%dma_start3A_213 : memref<640x16xf32, #tpu.memory_space<vmem_shared>>) target(%dma_start3A_211 : memref<640x16xf32, #tpu.memory_space<hbm>>) target_semaphore(%run_scoped3A : memref<!tpu.dma_semaphore, #tpu.memory_space<semaphore_mem>>)
      %dma_wait3A_214 = arith.constant 0 : i32
      %dma_wait3A_215 = tpu.memref_slice %arg5[%arg0, %mul3A_208, %dma_wait3A_214] : memref<2x10240x16xf32, #tpu.memory_space<hbm>> -> memref<1x640x16xf32, #tpu.memory_space<hbm>>
      %dma_wait3A_216 = tpu.memref_squeeze %dma_wait3A_215 : memref<1x640x16xf32, #tpu.memory_space<hbm>> -> memref<640x16xf32, #tpu.memory_space<hbm>>
      %dma_wait3A_217 = arith.constant 0 : i32
      %dma_wait3A_218 = tpu.memref_slice %arg6[%mul3A_206, %dma_wait3A_217] : memref<10240x16xf32, #tpu.memory_space<vmem_shared>> -> memref<640x16xf32, #tpu.memory_space<vmem_shared>>
      tpu.wait_dma2 semaphore(%run_scoped3A : memref<!tpu.dma_semaphore, #tpu.memory_space<semaphore_mem>>) src(%dma_wait3A_218 : memref<640x16xf32, #tpu.memory_space<vmem_shared>>) dst(%dma_wait3A_216 : memref<640x16xf32, #tpu.memory_space<hbm>>)
      tpu.yield
    }) : () -> ()
    return
  }
}

#map = affine_map<(d0, d1) -> (0, 0)>
#map1 = affine_map<(d0, d1) -> (0, 0, 0)>
module attributes {stable_mosaic.version = 14 : i64} {
  func.func @_segsum_body(%arg0: i32, %arg1: i32, %arg2: memref<10240x16xf32, #tpu.memory_space<hbm>>, %arg3: memref<2x625x512xi32, #tpu.memory_space<hbm>>, %arg4: memref<10240x16xf32, #tpu.memory_space<hbm>>, %arg5: memref<2x10240x16xf32, #tpu.memory_space<hbm>>, %arg6: memref<10240x16xf32, #tpu.memory_space<vmem_shared>>, %arg7: memref<10240x16xf32, #tpu.memory_space<vmem_shared>>, %arg8: memref<20x512xi32, #tpu.memory_space<vmem>>, %arg9: memref<20x512xi32, #tpu.memory_space<vmem>>, %arg10: memref<4x512x16xf32, #tpu.memory_space<vmem>>, %arg11: memref<4x!tpu.dma_semaphore, #tpu.memory_space<semaphore_mem>>, %arg12: memref<4x!tpu.dma_semaphore, #tpu.memory_space<semaphore_mem>>) attributes {dimension_semantics = [#tpu.dimension_semantics<core_parallel>, #tpu.dimension_semantics<subcore_parallel>], iteration_bounds = array<i64: 2, 16>, scalar_prefetch = 0 : i64, scratch_operands = 7 : i64, tpu.core_type = #tpu.core_type<sc_vector_subcore>, window_params = [{transform_indices = #map}, {transform_indices = #map1}, {transform_indices = #map}, {transform_indices = #map1}]} {
    %mul3A = arith.constant 16 : i32
    %mul3A_0 = arith.muli %arg0, %mul3A : i32
    %add3A = arith.addi %mul3A_0, %arg1 : i32
    %mul3A_1 = arith.constant 625 : i32
    %mul3A_2 = arith.muli %add3A, %mul3A_1 : i32
    %jit3A = arith.constant 32 : i32
    %div3A = arith.divsi %mul3A_2, %jit3A : i32
    %sign3A = arith.constant 0 : i32
    %sign3A_3 = arith.cmpi sgt, %mul3A_2, %sign3A : i32
    %sign3A_4 = arith.extui %sign3A_3 : i1 to i32
    %sign3A_5 = arith.constant 0 : i32
    %sign3A_6 = arith.cmpi slt, %mul3A_2, %sign3A_5 : i32
    %sign3A_7 = arith.extui %sign3A_6 : i1 to i32
    %sign3A_8 = arith.subi %sign3A_4, %sign3A_7 : i32
    %sign3A_9 = arith.constant 0 : i32
    %sign3A_10 = arith.cmpi sgt, %jit3A, %sign3A_9 : i32
    %sign3A_11 = arith.extui %sign3A_10 : i1 to i32
    %sign3A_12 = arith.constant 0 : i32
    %sign3A_13 = arith.cmpi slt, %jit3A, %sign3A_12 : i32
    %sign3A_14 = arith.extui %sign3A_13 : i1 to i32
    %sign3A_15 = arith.subi %sign3A_11, %sign3A_14 : i32
    %ne3A = arith.cmpi ne, %sign3A_8, %sign3A_15 : i32
    %rem3A = arith.remsi %mul3A_2, %jit3A : i32
    %ne3A_16 = arith.constant 0 : i32
    %ne3A_17 = arith.cmpi ne, %rem3A, %ne3A_16 : i32
    %and3A = arith.andi %ne3A, %ne3A_17 : i1
    %sub3A = arith.constant 1 : i32
    %sub3A_18 = arith.subi %div3A, %sub3A : i32
    %select_n3A = arith.select %and3A, %sub3A_18, %div3A : i32
    %add3A_19 = arith.constant 1 : i32
    %add3A_20 = arith.addi %add3A, %add3A_19 : i32
    %mul3A_21 = arith.constant 625 : i32
    %mul3A_22 = arith.muli %add3A_20, %mul3A_21 : i32
    %jit3A_23 = arith.constant 32 : i32
    %div3A_24 = arith.divsi %mul3A_22, %jit3A_23 : i32
    %sign3A_25 = arith.constant 0 : i32
    %sign3A_26 = arith.cmpi sgt, %mul3A_22, %sign3A_25 : i32
    %sign3A_27 = arith.extui %sign3A_26 : i1 to i32
    %sign3A_28 = arith.constant 0 : i32
    %sign3A_29 = arith.cmpi slt, %mul3A_22, %sign3A_28 : i32
    %sign3A_30 = arith.extui %sign3A_29 : i1 to i32
    %sign3A_31 = arith.subi %sign3A_27, %sign3A_30 : i32
    %sign3A_32 = arith.constant 0 : i32
    %sign3A_33 = arith.cmpi sgt, %jit3A_23, %sign3A_32 : i32
    %sign3A_34 = arith.extui %sign3A_33 : i1 to i32
    %sign3A_35 = arith.constant 0 : i32
    %sign3A_36 = arith.cmpi slt, %jit3A_23, %sign3A_35 : i32
    %sign3A_37 = arith.extui %sign3A_36 : i1 to i32
    %sign3A_38 = arith.subi %sign3A_34, %sign3A_37 : i32
    %ne3A_39 = arith.cmpi ne, %sign3A_31, %sign3A_38 : i32
    %rem3A_40 = arith.remsi %mul3A_22, %jit3A_23 : i32
    %ne3A_41 = arith.constant 0 : i32
    %ne3A_42 = arith.cmpi ne, %rem3A_40, %ne3A_41 : i32
    %and3A_43 = arith.andi %ne3A_39, %ne3A_42 : i1
    %sub3A_44 = arith.constant 1 : i32
    %sub3A_45 = arith.subi %div3A_24, %sub3A_44 : i32
    %select_n3A_46 = arith.select %and3A_43, %sub3A_45, %div3A_24 : i32
    %sub3A_47 = arith.subi %select_n3A_46, %select_n3A : i32
    %mul3A_48 = arith.constant 1 : i32
    %mul3A_49 = arith.muli %select_n3A, %mul3A_48 : i32
    %mul3A_50 = arith.constant 640 : i32
    %mul3A_51 = arith.muli %arg1, %mul3A_50 : i32
    %dma_start3A = arith.constant 0 : i32
    %dma_start3A_52 = tpu.memref_slice %arg11[%dma_start3A] : memref<4x!tpu.dma_semaphore, #tpu.memory_space<semaphore_mem>> -> memref<1x!tpu.dma_semaphore, #tpu.memory_space<semaphore_mem>>
    %dma_start3A_53 = tpu.memref_squeeze %dma_start3A_52 : memref<1x!tpu.dma_semaphore, #tpu.memory_space<semaphore_mem>> -> memref<!tpu.dma_semaphore, #tpu.memory_space<semaphore_mem>>
    %dma_start3A_54 = arith.constant 0 : i32
    %dma_start3A_55 = tpu.memref_slice %arg7[%mul3A_51, %dma_start3A_54] : memref<10240x16xf32, #tpu.memory_space<vmem_shared>> -> memref<640x16xf32, #tpu.memory_space<vmem_shared>>
    %dma_start3A_56 = arith.constant 0 : i32
    %dma_start3A_57 = tpu.memref_slice %arg2[%mul3A_51, %dma_start3A_56] : memref<10240x16xf32, #tpu.memory_space<hbm>> -> memref<640x16xf32, #tpu.memory_space<hbm>>
    tpu.enqueue_dma source(%dma_start3A_57 : memref<640x16xf32, #tpu.memory_space<hbm>>) target(%dma_start3A_55 : memref<640x16xf32, #tpu.memory_space<vmem_shared>>) target_semaphore(%dma_start3A_53 : memref<!tpu.dma_semaphore, #tpu.memory_space<semaphore_mem>>)
    %dma_start3A_58 = arith.constant 1 : i32
    %dma_start3A_59 = tpu.memref_slice %arg11[%dma_start3A_58] : memref<4x!tpu.dma_semaphore, #tpu.memory_space<semaphore_mem>> -> memref<1x!tpu.dma_semaphore, #tpu.memory_space<semaphore_mem>>
    %dma_start3A_60 = tpu.memref_squeeze %dma_start3A_59 : memref<1x!tpu.dma_semaphore, #tpu.memory_space<semaphore_mem>> -> memref<!tpu.dma_semaphore, #tpu.memory_space<semaphore_mem>>
    %dma_start3A_61 = arith.constant 0 : i32
    %dma_start3A_62 = tpu.memref_slice %arg6[%mul3A_51, %dma_start3A_61] : memref<10240x16xf32, #tpu.memory_space<vmem_shared>> -> memref<640x16xf32, #tpu.memory_space<vmem_shared>>
    %dma_start3A_63 = arith.constant 0 : i32
    %dma_start3A_64 = tpu.memref_slice %arg4[%mul3A_51, %dma_start3A_63] : memref<10240x16xf32, #tpu.memory_space<hbm>> -> memref<640x16xf32, #tpu.memory_space<hbm>>
    tpu.enqueue_dma source(%dma_start3A_64 : memref<640x16xf32, #tpu.memory_space<hbm>>) target(%dma_start3A_62 : memref<640x16xf32, #tpu.memory_space<vmem_shared>>) target_semaphore(%dma_start3A_60 : memref<!tpu.dma_semaphore, #tpu.memory_space<semaphore_mem>>)
    %dma_start3A_65 = arith.constant 0 : i32
    %dma_start3A_66 = arith.constant 2 : i32
    %dma_start3A_67 = arith.constant 0 : i32
    %dma_start3A_68 = tpu.memref_slice %arg3[%dma_start3A_65, %mul3A_49, %dma_start3A_67] : memref<2x625x512xi32, #tpu.memory_space<hbm>> -> memref<1x20x512xi32, #tpu.memory_space<hbm>>
    %dma_start3A_69 = tpu.memref_squeeze %dma_start3A_68 : memref<1x20x512xi32, #tpu.memory_space<hbm>> -> memref<20x512xi32, #tpu.memory_space<hbm>>
    %dma_start3A_70 = tpu.memref_slice %arg11[%dma_start3A_66] : memref<4x!tpu.dma_semaphore, #tpu.memory_space<semaphore_mem>> -> memref<1x!tpu.dma_semaphore, #tpu.memory_space<semaphore_mem>>
    %dma_start3A_71 = tpu.memref_squeeze %dma_start3A_70 : memref<1x!tpu.dma_semaphore, #tpu.memory_space<semaphore_mem>> -> memref<!tpu.dma_semaphore, #tpu.memory_space<semaphore_mem>>
    %dma_start3A_72 = arith.constant 0 : i32
    %dma_start3A_73 = tpu.memref_slice %arg3[%dma_start3A_65, %mul3A_49, %dma_start3A_72] : memref<2x625x512xi32, #tpu.memory_space<hbm>> -> memref<1x20x512xi32, #tpu.memory_space<hbm>>
    %dma_start3A_74 = tpu.memref_squeeze %dma_start3A_73 : memref<1x20x512xi32, #tpu.memory_space<hbm>> -> memref<20x512xi32, #tpu.memory_space<hbm>>
    tpu.enqueue_dma source(%dma_start3A_74 : memref<20x512xi32, #tpu.memory_space<hbm>>) target(%arg8 : memref<20x512xi32, #tpu.memory_space<vmem>>) target_semaphore(%dma_start3A_71 : memref<!tpu.dma_semaphore, #tpu.memory_space<semaphore_mem>>)
    %dma_start3A_75 = arith.constant 1 : i32
    %dma_start3A_76 = arith.constant 3 : i32
    %dma_start3A_77 = arith.constant 0 : i32
    %dma_start3A_78 = tpu.memref_slice %arg3[%dma_start3A_75, %mul3A_49, %dma_start3A_77] : memref<2x625x512xi32, #tpu.memory_space<hbm>> -> memref<1x20x512xi32, #tpu.memory_space<hbm>>
    %dma_start3A_79 = tpu.memref_squeeze %dma_start3A_78 : memref<1x20x512xi32, #tpu.memory_space<hbm>> -> memref<20x512xi32, #tpu.memory_space<hbm>>
    %dma_start3A_80 = tpu.memref_slice %arg11[%dma_start3A_76] : memref<4x!tpu.dma_semaphore, #tpu.memory_space<semaphore_mem>> -> memref<1x!tpu.dma_semaphore, #tpu.memory_space<semaphore_mem>>
    %dma_start3A_81 = tpu.memref_squeeze %dma_start3A_80 : memref<1x!tpu.dma_semaphore, #tpu.memory_space<semaphore_mem>> -> memref<!tpu.dma_semaphore, #tpu.memory_space<semaphore_mem>>
    %dma_start3A_82 = arith.constant 0 : i32
    %dma_start3A_83 = tpu.memref_slice %arg3[%dma_start3A_75, %mul3A_49, %dma_start3A_82] : memref<2x625x512xi32, #tpu.memory_space<hbm>> -> memref<1x20x512xi32, #tpu.memory_space<hbm>>
    %dma_start3A_84 = tpu.memref_squeeze %dma_start3A_83 : memref<1x20x512xi32, #tpu.memory_space<hbm>> -> memref<20x512xi32, #tpu.memory_space<hbm>>
    tpu.enqueue_dma source(%dma_start3A_84 : memref<20x512xi32, #tpu.memory_space<hbm>>) target(%arg9 : memref<20x512xi32, #tpu.memory_space<vmem>>) target_semaphore(%dma_start3A_81 : memref<!tpu.dma_semaphore, #tpu.memory_space<semaphore_mem>>)
    %dma_wait3A = arith.constant 0 : i32
    %dma_wait3A_85 = tpu.memref_slice %arg11[%dma_wait3A] : memref<4x!tpu.dma_semaphore, #tpu.memory_space<semaphore_mem>> -> memref<1x!tpu.dma_semaphore, #tpu.memory_space<semaphore_mem>>
    %dma_wait3A_86 = tpu.memref_squeeze %dma_wait3A_85 : memref<1x!tpu.dma_semaphore, #tpu.memory_space<semaphore_mem>> -> memref<!tpu.dma_semaphore, #tpu.memory_space<semaphore_mem>>
    %dma_wait3A_87 = arith.constant 0 : i32
    %dma_wait3A_88 = tpu.memref_slice %arg7[%mul3A_51, %dma_wait3A_87] : memref<10240x16xf32, #tpu.memory_space<vmem_shared>> -> memref<640x16xf32, #tpu.memory_space<vmem_shared>>
    %dma_wait3A_89 = arith.constant 0 : i32
    %dma_wait3A_90 = tpu.memref_slice %arg2[%mul3A_51, %dma_wait3A_89] : memref<10240x16xf32, #tpu.memory_space<hbm>> -> memref<640x16xf32, #tpu.memory_space<hbm>>
    tpu.wait_dma2 semaphore(%dma_wait3A_86 : memref<!tpu.dma_semaphore, #tpu.memory_space<semaphore_mem>>) src(%dma_wait3A_90 : memref<640x16xf32, #tpu.memory_space<hbm>>) dst(%dma_wait3A_88 : memref<640x16xf32, #tpu.memory_space<vmem_shared>>)
    %dma_wait3A_91 = arith.constant 1 : i32
    %dma_wait3A_92 = tpu.memref_slice %arg11[%dma_wait3A_91] : memref<4x!tpu.dma_semaphore, #tpu.memory_space<semaphore_mem>> -> memref<1x!tpu.dma_semaphore, #tpu.memory_space<semaphore_mem>>
    %dma_wait3A_93 = tpu.memref_squeeze %dma_wait3A_92 : memref<1x!tpu.dma_semaphore, #tpu.memory_space<semaphore_mem>> -> memref<!tpu.dma_semaphore, #tpu.memory_space<semaphore_mem>>
    %dma_wait3A_94 = arith.constant 0 : i32
    %dma_wait3A_95 = tpu.memref_slice %arg6[%mul3A_51, %dma_wait3A_94] : memref<10240x16xf32, #tpu.memory_space<vmem_shared>> -> memref<640x16xf32, #tpu.memory_space<vmem_shared>>
    %dma_wait3A_96 = arith.constant 0 : i32
    %dma_wait3A_97 = tpu.memref_slice %arg4[%mul3A_51, %dma_wait3A_96] : memref<10240x16xf32, #tpu.memory_space<hbm>> -> memref<640x16xf32, #tpu.memory_space<hbm>>
    tpu.wait_dma2 semaphore(%dma_wait3A_93 : memref<!tpu.dma_semaphore, #tpu.memory_space<semaphore_mem>>) src(%dma_wait3A_97 : memref<640x16xf32, #tpu.memory_space<hbm>>) dst(%dma_wait3A_95 : memref<640x16xf32, #tpu.memory_space<vmem_shared>>)
    %dma_wait3A_98 = arith.constant 0 : i32
    %dma_wait3A_99 = arith.constant 2 : i32
    %dma_wait3A_100 = arith.constant 0 : i32
    %dma_wait3A_101 = tpu.memref_slice %arg3[%dma_wait3A_98, %mul3A_49, %dma_wait3A_100] : memref<2x625x512xi32, #tpu.memory_space<hbm>> -> memref<1x20x512xi32, #tpu.memory_space<hbm>>
    %dma_wait3A_102 = tpu.memref_squeeze %dma_wait3A_101 : memref<1x20x512xi32, #tpu.memory_space<hbm>> -> memref<20x512xi32, #tpu.memory_space<hbm>>
    %dma_wait3A_103 = tpu.memref_slice %arg11[%dma_wait3A_99] : memref<4x!tpu.dma_semaphore, #tpu.memory_space<semaphore_mem>> -> memref<1x!tpu.dma_semaphore, #tpu.memory_space<semaphore_mem>>
    %dma_wait3A_104 = tpu.memref_squeeze %dma_wait3A_103 : memref<1x!tpu.dma_semaphore, #tpu.memory_space<semaphore_mem>> -> memref<!tpu.dma_semaphore, #tpu.memory_space<semaphore_mem>>
    %dma_wait3A_105 = arith.constant 0 : i32
    %dma_wait3A_106 = tpu.memref_slice %arg3[%dma_wait3A_98, %mul3A_49, %dma_wait3A_105] : memref<2x625x512xi32, #tpu.memory_space<hbm>> -> memref<1x20x512xi32, #tpu.memory_space<hbm>>
    %dma_wait3A_107 = tpu.memref_squeeze %dma_wait3A_106 : memref<1x20x512xi32, #tpu.memory_space<hbm>> -> memref<20x512xi32, #tpu.memory_space<hbm>>
    tpu.wait_dma2 semaphore(%dma_wait3A_104 : memref<!tpu.dma_semaphore, #tpu.memory_space<semaphore_mem>>) src(%dma_wait3A_107 : memref<20x512xi32, #tpu.memory_space<hbm>>) dst(%arg8 : memref<20x512xi32, #tpu.memory_space<vmem>>)
    %dma_wait3A_108 = arith.constant 1 : i32
    %dma_wait3A_109 = arith.constant 3 : i32
    %dma_wait3A_110 = arith.constant 0 : i32
    %dma_wait3A_111 = tpu.memref_slice %arg3[%dma_wait3A_108, %mul3A_49, %dma_wait3A_110] : memref<2x625x512xi32, #tpu.memory_space<hbm>> -> memref<1x20x512xi32, #tpu.memory_space<hbm>>
    %dma_wait3A_112 = tpu.memref_squeeze %dma_wait3A_111 : memref<1x20x512xi32, #tpu.memory_space<hbm>> -> memref<20x512xi32, #tpu.memory_space<hbm>>
    %dma_wait3A_113 = tpu.memref_slice %arg11[%dma_wait3A_109] : memref<4x!tpu.dma_semaphore, #tpu.memory_space<semaphore_mem>> -> memref<1x!tpu.dma_semaphore, #tpu.memory_space<semaphore_mem>>
    %dma_wait3A_114 = tpu.memref_squeeze %dma_wait3A_113 : memref<1x!tpu.dma_semaphore, #tpu.memory_space<semaphore_mem>> -> memref<!tpu.dma_semaphore, #tpu.memory_space<semaphore_mem>>
    %dma_wait3A_115 = arith.constant 0 : i32
    %dma_wait3A_116 = tpu.memref_slice %arg3[%dma_wait3A_108, %mul3A_49, %dma_wait3A_115] : memref<2x625x512xi32, #tpu.memory_space<hbm>> -> memref<1x20x512xi32, #tpu.memory_space<hbm>>
    %dma_wait3A_117 = tpu.memref_squeeze %dma_wait3A_116 : memref<1x20x512xi32, #tpu.memory_space<hbm>> -> memref<20x512xi32, #tpu.memory_space<hbm>>
    tpu.wait_dma2 semaphore(%dma_wait3A_114 : memref<!tpu.dma_semaphore, #tpu.memory_space<semaphore_mem>>) src(%dma_wait3A_117 : memref<20x512xi32, #tpu.memory_space<hbm>>) dst(%arg9 : memref<20x512xi32, #tpu.memory_space<vmem>>)
    %barrier3A = arith.constant 0 : index
    tpu.barrier barrier_id(%barrier3A)
    %dma_start3A_118 = arith.constant 0 : i32
    %dma_start3A_119 = arith.constant 0 : i32
    %dma_start3A_120 = arith.constant 0 : i32
    %dma_start3A_121 = arith.constant 0 : i32
    %dma_start3A_122 = arith.constant 0 : i32
    %dma_start3A_123 = tpu.memref_slice %arg10[%dma_start3A_119, %dma_start3A_121, %dma_start3A_122] : memref<4x512x16xf32, #tpu.memory_space<vmem>> -> memref<1x512x16xf32, #tpu.memory_space<vmem>>
    %dma_start3A_124 = tpu.memref_squeeze %dma_start3A_123 : memref<1x512x16xf32, #tpu.memory_space<vmem>> -> memref<512x16xf32, #tpu.memory_space<vmem>>
    %dma_start3A_125 = arith.constant 0 : i32
    %dma_start3A_126 = tpu.memref_slice %arg8[%dma_start3A_118, %dma_start3A_125] : memref<20x512xi32, #tpu.memory_space<vmem>> -> memref<1x512xi32, #tpu.memory_space<vmem>>
    %dma_start3A_127 = tpu.memref_squeeze %dma_start3A_126 : memref<1x512xi32, #tpu.memory_space<vmem>> -> memref<512xi32, #tpu.memory_space<vmem>>
    %dma_start3A_128 = arith.constant 0 : i32
    %dma_start3A_129 = arith.constant 0 : i32
    %dma_start3A_130 = tpu.memref_slice %arg7[%dma_start3A_128, %dma_start3A_129] : memref<10240x16xf32, #tpu.memory_space<vmem_shared>> -> memref<10240x16xf32, #tpu.memory_space<vmem_shared>>
    %dma_start3A_131 = tpu.memref_slice %arg11[%dma_start3A_120] : memref<4x!tpu.dma_semaphore, #tpu.memory_space<semaphore_mem>> -> memref<1x!tpu.dma_semaphore, #tpu.memory_space<semaphore_mem>>
    %dma_start3A_132 = tpu.memref_squeeze %dma_start3A_131 : memref<1x!tpu.dma_semaphore, #tpu.memory_space<semaphore_mem>> -> memref<!tpu.dma_semaphore, #tpu.memory_space<semaphore_mem>>
    tpu.enqueue_indirect_dma source(%dma_start3A_130 : memref<10240x16xf32, #tpu.memory_space<vmem_shared>>) target(%dma_start3A_124 : memref<512x16xf32, #tpu.memory_space<vmem>>) offsets(%dma_start3A_127 : memref<512xi32, #tpu.memory_space<vmem>>) semaphore(%dma_start3A_132 : memref<!tpu.dma_semaphore, #tpu.memory_space<semaphore_mem>>)
    %dma_start3A_133 = arith.constant 1 : i32
    %dma_start3A_134 = arith.constant 1 : i32
    %dma_start3A_135 = arith.constant 1 : i32
    %dma_start3A_136 = arith.constant 0 : i32
    %dma_start3A_137 = arith.constant 0 : i32
    %dma_start3A_138 = tpu.memref_slice %arg10[%dma_start3A_134, %dma_start3A_136, %dma_start3A_137] : memref<4x512x16xf32, #tpu.memory_space<vmem>> -> memref<1x512x16xf32, #tpu.memory_space<vmem>>
    %dma_start3A_139 = tpu.memref_squeeze %dma_start3A_138 : memref<1x512x16xf32, #tpu.memory_space<vmem>> -> memref<512x16xf32, #tpu.memory_space<vmem>>
    %dma_start3A_140 = arith.constant 0 : i32
    %dma_start3A_141 = tpu.memref_slice %arg8[%dma_start3A_133, %dma_start3A_140] : memref<20x512xi32, #tpu.memory_space<vmem>> -> memref<1x512xi32, #tpu.memory_space<vmem>>
    %dma_start3A_142 = tpu.memref_squeeze %dma_start3A_141 : memref<1x512xi32, #tpu.memory_space<vmem>> -> memref<512xi32, #tpu.memory_space<vmem>>
    %dma_start3A_143 = arith.constant 0 : i32
    %dma_start3A_144 = arith.constant 0 : i32
    %dma_start3A_145 = tpu.memref_slice %arg7[%dma_start3A_143, %dma_start3A_144] : memref<10240x16xf32, #tpu.memory_space<vmem_shared>> -> memref<10240x16xf32, #tpu.memory_space<vmem_shared>>
    %dma_start3A_146 = tpu.memref_slice %arg11[%dma_start3A_135] : memref<4x!tpu.dma_semaphore, #tpu.memory_space<semaphore_mem>> -> memref<1x!tpu.dma_semaphore, #tpu.memory_space<semaphore_mem>>
    %dma_start3A_147 = tpu.memref_squeeze %dma_start3A_146 : memref<1x!tpu.dma_semaphore, #tpu.memory_space<semaphore_mem>> -> memref<!tpu.dma_semaphore, #tpu.memory_space<semaphore_mem>>
    tpu.enqueue_indirect_dma source(%dma_start3A_145 : memref<10240x16xf32, #tpu.memory_space<vmem_shared>>) target(%dma_start3A_139 : memref<512x16xf32, #tpu.memory_space<vmem>>) offsets(%dma_start3A_142 : memref<512xi32, #tpu.memory_space<vmem>>) semaphore(%dma_start3A_147 : memref<!tpu.dma_semaphore, #tpu.memory_space<semaphore_mem>>)
    %dma_start3A_148 = arith.constant 2 : i32
    %dma_start3A_149 = arith.constant 2 : i32
    %dma_start3A_150 = arith.constant 2 : i32
    %dma_start3A_151 = arith.constant 0 : i32
    %dma_start3A_152 = arith.constant 0 : i32
    %dma_start3A_153 = tpu.memref_slice %arg10[%dma_start3A_149, %dma_start3A_151, %dma_start3A_152] : memref<4x512x16xf32, #tpu.memory_space<vmem>> -> memref<1x512x16xf32, #tpu.memory_space<vmem>>
    %dma_start3A_154 = tpu.memref_squeeze %dma_start3A_153 : memref<1x512x16xf32, #tpu.memory_space<vmem>> -> memref<512x16xf32, #tpu.memory_space<vmem>>
    %dma_start3A_155 = arith.constant 0 : i32
    %dma_start3A_156 = tpu.memref_slice %arg8[%dma_start3A_148, %dma_start3A_155] : memref<20x512xi32, #tpu.memory_space<vmem>> -> memref<1x512xi32, #tpu.memory_space<vmem>>
    %dma_start3A_157 = tpu.memref_squeeze %dma_start3A_156 : memref<1x512xi32, #tpu.memory_space<vmem>> -> memref<512xi32, #tpu.memory_space<vmem>>
    %dma_start3A_158 = arith.constant 0 : i32
    %dma_start3A_159 = arith.constant 0 : i32
    %dma_start3A_160 = tpu.memref_slice %arg7[%dma_start3A_158, %dma_start3A_159] : memref<10240x16xf32, #tpu.memory_space<vmem_shared>> -> memref<10240x16xf32, #tpu.memory_space<vmem_shared>>
    %dma_start3A_161 = tpu.memref_slice %arg11[%dma_start3A_150] : memref<4x!tpu.dma_semaphore, #tpu.memory_space<semaphore_mem>> -> memref<1x!tpu.dma_semaphore, #tpu.memory_space<semaphore_mem>>
    %dma_start3A_162 = tpu.memref_squeeze %dma_start3A_161 : memref<1x!tpu.dma_semaphore, #tpu.memory_space<semaphore_mem>> -> memref<!tpu.dma_semaphore, #tpu.memory_space<semaphore_mem>>
    tpu.enqueue_indirect_dma source(%dma_start3A_160 : memref<10240x16xf32, #tpu.memory_space<vmem_shared>>) target(%dma_start3A_154 : memref<512x16xf32, #tpu.memory_space<vmem>>) offsets(%dma_start3A_157 : memref<512xi32, #tpu.memory_space<vmem>>) semaphore(%dma_start3A_162 : memref<!tpu.dma_semaphore, #tpu.memory_space<semaphore_mem>>)
    %dma_start3A_163 = arith.constant 3 : i32
    %dma_start3A_164 = arith.constant 3 : i32
    %dma_start3A_165 = arith.constant 3 : i32
    %dma_start3A_166 = arith.constant 0 : i32
    %dma_start3A_167 = arith.constant 0 : i32
    %dma_start3A_168 = tpu.memref_slice %arg10[%dma_start3A_164, %dma_start3A_166, %dma_start3A_167] : memref<4x512x16xf32, #tpu.memory_space<vmem>> -> memref<1x512x16xf32, #tpu.memory_space<vmem>>
    %dma_start3A_169 = tpu.memref_squeeze %dma_start3A_168 : memref<1x512x16xf32, #tpu.memory_space<vmem>> -> memref<512x16xf32, #tpu.memory_space<vmem>>
    %dma_start3A_170 = arith.constant 0 : i32
    %dma_start3A_171 = tpu.memref_slice %arg8[%dma_start3A_163, %dma_start3A_170] : memref<20x512xi32, #tpu.memory_space<vmem>> -> memref<1x512xi32, #tpu.memory_space<vmem>>
    %dma_start3A_172 = tpu.memref_squeeze %dma_start3A_171 : memref<1x512xi32, #tpu.memory_space<vmem>> -> memref<512xi32, #tpu.memory_space<vmem>>
    %dma_start3A_173 = arith.constant 0 : i32
    %dma_start3A_174 = arith.constant 0 : i32
    %dma_start3A_175 = tpu.memref_slice %arg7[%dma_start3A_173, %dma_start3A_174] : memref<10240x16xf32, #tpu.memory_space<vmem_shared>> -> memref<10240x16xf32, #tpu.memory_space<vmem_shared>>
    %dma_start3A_176 = tpu.memref_slice %arg11[%dma_start3A_165] : memref<4x!tpu.dma_semaphore, #tpu.memory_space<semaphore_mem>> -> memref<1x!tpu.dma_semaphore, #tpu.memory_space<semaphore_mem>>
    %dma_start3A_177 = tpu.memref_squeeze %dma_start3A_176 : memref<1x!tpu.dma_semaphore, #tpu.memory_space<semaphore_mem>> -> memref<!tpu.dma_semaphore, #tpu.memory_space<semaphore_mem>>
    tpu.enqueue_indirect_dma source(%dma_start3A_175 : memref<10240x16xf32, #tpu.memory_space<vmem_shared>>) target(%dma_start3A_169 : memref<512x16xf32, #tpu.memory_space<vmem>>) offsets(%dma_start3A_172 : memref<512xi32, #tpu.memory_space<vmem>>) semaphore(%dma_start3A_177 : memref<!tpu.dma_semaphore, #tpu.memory_space<semaphore_mem>>)
    %while3A = arith.constant 0 : i32
    %while3A_178 = arith.constant 0 : i32
    %while3A_179 = arith.subi %sub3A_47, %while3A_178 : i32
    %while3A_180 = arith.addi %while3A_178, %while3A_179 : i32
    %while3A_181 = arith.constant 1 : i32
    %while3A_182 = arith.divsi %while3A_179, %while3A_181 : i32
    %while3A_183 = arith.muli %while3A_182, %while3A_181 : i32
    %while3A_184 = arith.addi %while3A_178, %while3A_183 : i32
    %while3A_185 = arith.constant 1 : i32
    scf.for %while3A_209 = %while3A_178 to %while3A_184 step %while3A_185  : i32 {
      %rem3A_210 = arith.constant 4 : i32
      %rem3A_211 = arith.remsi %while3A_209, %rem3A_210 : i32
      %add3A_212 = arith.constant 4 : i32
      %add3A_213 = arith.addi %while3A_209, %add3A_212 : i32
      %sub3A_214 = arith.constant 1 : i32
      %sub3A_215 = arith.subi %add3A_213, %sub3A_214 : i32
      %rem3A_216 = arith.constant 4 : i32
      %rem3A_217 = arith.remsi %sub3A_215, %rem3A_216 : i32
      %ge3A = arith.constant 1 : i32
      %ge3A_218 = arith.cmpi sge, %while3A_209, %ge3A : i32
      %convert_element_type3A = arith.extui %ge3A_218 : i1 to i32
      %cond3A = arith.constant 0 : i32
      %cond3A_219 = arith.cmpi ne, %convert_element_type3A, %cond3A : i32
      scf.if %cond3A_219 {
        %dma_wait3A_245 = arith.constant 0 : i32
        %dma_wait3A_246 = arith.constant 0 : i32
        %dma_wait3A_247 = arith.constant 0 : i32
        %dma_wait3A_248 = tpu.memref_slice %arg10[%rem3A_217, %dma_wait3A_246, %dma_wait3A_247] : memref<4x512x16xf32, #tpu.memory_space<vmem>> -> memref<1x512x16xf32, #tpu.memory_space<vmem>>
        %dma_wait3A_249 = tpu.memref_squeeze %dma_wait3A_248 : memref<1x512x16xf32, #tpu.memory_space<vmem>> -> memref<512x16xf32, #tpu.memory_space<vmem>>
        %dma_wait3A_250 = arith.constant 0 : i32
        %dma_wait3A_251 = tpu.memref_slice %arg9[%dma_wait3A_245, %dma_wait3A_250] : memref<20x512xi32, #tpu.memory_space<vmem>> -> memref<1x512xi32, #tpu.memory_space<vmem>>
        %dma_wait3A_252 = tpu.memref_squeeze %dma_wait3A_251 : memref<1x512xi32, #tpu.memory_space<vmem>> -> memref<512xi32, #tpu.memory_space<vmem>>
        %dma_wait3A_253 = arith.constant 0 : i32
        %dma_wait3A_254 = arith.constant 0 : i32
        %dma_wait3A_255 = tpu.memref_slice %arg6[%dma_wait3A_253, %dma_wait3A_254] : memref<10240x16xf32, #tpu.memory_space<vmem_shared>> -> memref<10240x16xf32, #tpu.memory_space<vmem_shared>>
        %dma_wait3A_256 = tpu.memref_slice %arg12[%rem3A_217] : memref<4x!tpu.dma_semaphore, #tpu.memory_space<semaphore_mem>> -> memref<1x!tpu.dma_semaphore, #tpu.memory_space<semaphore_mem>>
        %dma_wait3A_257 = tpu.memref_squeeze %dma_wait3A_256 : memref<1x!tpu.dma_semaphore, #tpu.memory_space<semaphore_mem>> -> memref<!tpu.dma_semaphore, #tpu.memory_space<semaphore_mem>>
        tpu.wait_indirect_dma semaphore(%dma_wait3A_257 : memref<!tpu.dma_semaphore, #tpu.memory_space<semaphore_mem>>) src(%dma_wait3A_249 : memref<512x16xf32, #tpu.memory_space<vmem>>) dst(%dma_wait3A_255 : memref<10240x16xf32, #tpu.memory_space<vmem_shared>>)
        %sub3A_258 = arith.constant 1 : i32
        %sub3A_259 = arith.subi %while3A_209, %sub3A_258 : i32
        %add3A_260 = arith.constant 4 : i32
        %add3A_261 = arith.addi %sub3A_259, %add3A_260 : i32
        %lt3A = arith.cmpi slt, %add3A_261, %sub3A_47 : i32
        %convert_element_type3A_262 = arith.extui %lt3A : i1 to i32
        %cond3A_263 = arith.constant 0 : i32
        %cond3A_264 = arith.cmpi ne, %convert_element_type3A_262, %cond3A_263 : i32
        scf.if %cond3A_264 {
          %sub3A_265 = arith.constant 1 : i32
          %sub3A_266 = arith.subi %while3A_209, %sub3A_265 : i32
          %add3A_267 = arith.constant 4 : i32
          %add3A_268 = arith.addi %sub3A_266, %add3A_267 : i32
          %dma_start3A_269 = arith.constant 0 : i32
          %dma_start3A_270 = arith.constant 0 : i32
          %dma_start3A_271 = tpu.memref_slice %arg10[%rem3A_217, %dma_start3A_269, %dma_start3A_270] : memref<4x512x16xf32, #tpu.memory_space<vmem>> -> memref<1x512x16xf32, #tpu.memory_space<vmem>>
          %dma_start3A_272 = tpu.memref_squeeze %dma_start3A_271 : memref<1x512x16xf32, #tpu.memory_space<vmem>> -> memref<512x16xf32, #tpu.memory_space<vmem>>
          %dma_start3A_273 = arith.constant 0 : i32
          %dma_start3A_274 = tpu.memref_slice %arg8[%add3A_268, %dma_start3A_273] : memref<20x512xi32, #tpu.memory_space<vmem>> -> memref<1x512xi32, #tpu.memory_space<vmem>>
          %dma_start3A_275 = tpu.memref_squeeze %dma_start3A_274 : memref<1x512xi32, #tpu.memory_space<vmem>> -> memref<512xi32, #tpu.memory_space<vmem>>
          %dma_start3A_276 = arith.constant 0 : i32
          %dma_start3A_277 = arith.constant 0 : i32
          %dma_start3A_278 = tpu.memref_slice %arg7[%dma_start3A_276, %dma_start3A_277] : memref<10240x16xf32, #tpu.memory_space<vmem_shared>> -> memref<10240x16xf32, #tpu.memory_space<vmem_shared>>
          %dma_start3A_279 = tpu.memref_slice %arg11[%rem3A_217] : memref<4x!tpu.dma_semaphore, #tpu.memory_space<semaphore_mem>> -> memref<1x!tpu.dma_semaphore, #tpu.memory_space<semaphore_mem>>
          %dma_start3A_280 = tpu.memref_squeeze %dma_start3A_279 : memref<1x!tpu.dma_semaphore, #tpu.memory_space<semaphore_mem>> -> memref<!tpu.dma_semaphore, #tpu.memory_space<semaphore_mem>>
          tpu.enqueue_indirect_dma source(%dma_start3A_278 : memref<10240x16xf32, #tpu.memory_space<vmem_shared>>) target(%dma_start3A_272 : memref<512x16xf32, #tpu.memory_space<vmem>>) offsets(%dma_start3A_275 : memref<512xi32, #tpu.memory_space<vmem>>) semaphore(%dma_start3A_280 : memref<!tpu.dma_semaphore, #tpu.memory_space<semaphore_mem>>)
        } else {
        }
      } else {
      }
      %dma_wait3A_220 = arith.constant 0 : i32
      %dma_wait3A_221 = arith.constant 0 : i32
      %dma_wait3A_222 = arith.constant 0 : i32
      %dma_wait3A_223 = tpu.memref_slice %arg10[%rem3A_211, %dma_wait3A_221, %dma_wait3A_222] : memref<4x512x16xf32, #tpu.memory_space<vmem>> -> memref<1x512x16xf32, #tpu.memory_space<vmem>>
      %dma_wait3A_224 = tpu.memref_squeeze %dma_wait3A_223 : memref<1x512x16xf32, #tpu.memory_space<vmem>> -> memref<512x16xf32, #tpu.memory_space<vmem>>
      %dma_wait3A_225 = arith.constant 0 : i32
      %dma_wait3A_226 = tpu.memref_slice %arg8[%dma_wait3A_220, %dma_wait3A_225] : memref<20x512xi32, #tpu.memory_space<vmem>> -> memref<1x512xi32, #tpu.memory_space<vmem>>
      %dma_wait3A_227 = tpu.memref_squeeze %dma_wait3A_226 : memref<1x512xi32, #tpu.memory_space<vmem>> -> memref<512xi32, #tpu.memory_space<vmem>>
      %dma_wait3A_228 = arith.constant 0 : i32
      %dma_wait3A_229 = arith.constant 0 : i32
      %dma_wait3A_230 = tpu.memref_slice %arg7[%dma_wait3A_228, %dma_wait3A_229] : memref<10240x16xf32, #tpu.memory_space<vmem_shared>> -> memref<10240x16xf32, #tpu.memory_space<vmem_shared>>
      %dma_wait3A_231 = tpu.memref_slice %arg11[%rem3A_211] : memref<4x!tpu.dma_semaphore, #tpu.memory_space<semaphore_mem>> -> memref<1x!tpu.dma_semaphore, #tpu.memory_space<semaphore_mem>>
      %dma_wait3A_232 = tpu.memref_squeeze %dma_wait3A_231 : memref<1x!tpu.dma_semaphore, #tpu.memory_space<semaphore_mem>> -> memref<!tpu.dma_semaphore, #tpu.memory_space<semaphore_mem>>
      tpu.wait_indirect_dma semaphore(%dma_wait3A_232 : memref<!tpu.dma_semaphore, #tpu.memory_space<semaphore_mem>>) src(%dma_wait3A_230 : memref<10240x16xf32, #tpu.memory_space<vmem_shared>>) dst(%dma_wait3A_224 : memref<512x16xf32, #tpu.memory_space<vmem>>)
      %dma_start3A_233 = arith.constant 0 : i32
      %dma_start3A_234 = arith.constant 0 : i32
      %dma_start3A_235 = tpu.memref_slice %arg10[%rem3A_211, %dma_start3A_233, %dma_start3A_234] : memref<4x512x16xf32, #tpu.memory_space<vmem>> -> memref<1x512x16xf32, #tpu.memory_space<vmem>>
      %dma_start3A_236 = tpu.memref_squeeze %dma_start3A_235 : memref<1x512x16xf32, #tpu.memory_space<vmem>> -> memref<512x16xf32, #tpu.memory_space<vmem>>
      %dma_start3A_237 = arith.constant 0 : i32
      %dma_start3A_238 = tpu.memref_slice %arg9[%while3A_209, %dma_start3A_237] : memref<20x512xi32, #tpu.memory_space<vmem>> -> memref<1x512xi32, #tpu.memory_space<vmem>>
      %dma_start3A_239 = tpu.memref_squeeze %dma_start3A_238 : memref<1x512xi32, #tpu.memory_space<vmem>> -> memref<512xi32, #tpu.memory_space<vmem>>
      %dma_start3A_240 = arith.constant 0 : i32
      %dma_start3A_241 = arith.constant 0 : i32
      %dma_start3A_242 = tpu.memref_slice %arg6[%dma_start3A_240, %dma_start3A_241] : memref<10240x16xf32, #tpu.memory_space<vmem_shared>> -> memref<10240x16xf32, #tpu.memory_space<vmem_shared>>
      %dma_start3A_243 = tpu.memref_slice %arg12[%rem3A_211] : memref<4x!tpu.dma_semaphore, #tpu.memory_space<semaphore_mem>> -> memref<1x!tpu.dma_semaphore, #tpu.memory_space<semaphore_mem>>
      %dma_start3A_244 = tpu.memref_squeeze %dma_start3A_243 : memref<1x!tpu.dma_semaphore, #tpu.memory_space<semaphore_mem>> -> memref<!tpu.dma_semaphore, #tpu.memory_space<semaphore_mem>>
      tpu.enqueue_indirect_dma source(%dma_start3A_236 : memref<512x16xf32, #tpu.memory_space<vmem>>) target(%dma_start3A_242 : memref<10240x16xf32, #tpu.memory_space<vmem_shared>>) offsets(%dma_start3A_239 : memref<512xi32, #tpu.memory_space<vmem>>) semaphore(%dma_start3A_244 : memref<!tpu.dma_semaphore, #tpu.memory_space<semaphore_mem>>) {add = true}
    }
    %while3A_186 = arith.constant 1 : i32
    scf.for %while3A_209 = %while3A_184 to %while3A_180 step %while3A_186  : i32 {
      %rem3A_210 = arith.constant 4 : i32
      %rem3A_211 = arith.remsi %while3A_209, %rem3A_210 : i32
      %add3A_212 = arith.constant 4 : i32
      %add3A_213 = arith.addi %while3A_209, %add3A_212 : i32
      %sub3A_214 = arith.constant 1 : i32
      %sub3A_215 = arith.subi %add3A_213, %sub3A_214 : i32
      %rem3A_216 = arith.constant 4 : i32
      %rem3A_217 = arith.remsi %sub3A_215, %rem3A_216 : i32
      %ge3A = arith.constant 1 : i32
      %ge3A_218 = arith.cmpi sge, %while3A_209, %ge3A : i32
      %convert_element_type3A = arith.extui %ge3A_218 : i1 to i32
      %cond3A = arith.constant 0 : i32
      %cond3A_219 = arith.cmpi ne, %convert_element_type3A, %cond3A : i32
      scf.if %cond3A_219 {
        %dma_wait3A_245 = arith.constant 0 : i32
        %dma_wait3A_246 = arith.constant 0 : i32
        %dma_wait3A_247 = arith.constant 0 : i32
        %dma_wait3A_248 = tpu.memref_slice %arg10[%rem3A_217, %dma_wait3A_246, %dma_wait3A_247] : memref<4x512x16xf32, #tpu.memory_space<vmem>> -> memref<1x512x16xf32, #tpu.memory_space<vmem>>
        %dma_wait3A_249 = tpu.memref_squeeze %dma_wait3A_248 : memref<1x512x16xf32, #tpu.memory_space<vmem>> -> memref<512x16xf32, #tpu.memory_space<vmem>>
        %dma_wait3A_250 = arith.constant 0 : i32
        %dma_wait3A_251 = tpu.memref_slice %arg9[%dma_wait3A_245, %dma_wait3A_250] : memref<20x512xi32, #tpu.memory_space<vmem>> -> memref<1x512xi32, #tpu.memory_space<vmem>>
        %dma_wait3A_252 = tpu.memref_squeeze %dma_wait3A_251 : memref<1x512xi32, #tpu.memory_space<vmem>> -> memref<512xi32, #tpu.memory_space<vmem>>
        %dma_wait3A_253 = arith.constant 0 : i32
        %dma_wait3A_254 = arith.constant 0 : i32
        %dma_wait3A_255 = tpu.memref_slice %arg6[%dma_wait3A_253, %dma_wait3A_254] : memref<10240x16xf32, #tpu.memory_space<vmem_shared>> -> memref<10240x16xf32, #tpu.memory_space<vmem_shared>>
        %dma_wait3A_256 = tpu.memref_slice %arg12[%rem3A_217] : memref<4x!tpu.dma_semaphore, #tpu.memory_space<semaphore_mem>> -> memref<1x!tpu.dma_semaphore, #tpu.memory_space<semaphore_mem>>
        %dma_wait3A_257 = tpu.memref_squeeze %dma_wait3A_256 : memref<1x!tpu.dma_semaphore, #tpu.memory_space<semaphore_mem>> -> memref<!tpu.dma_semaphore, #tpu.memory_space<semaphore_mem>>
        tpu.wait_indirect_dma semaphore(%dma_wait3A_257 : memref<!tpu.dma_semaphore, #tpu.memory_space<semaphore_mem>>) src(%dma_wait3A_249 : memref<512x16xf32, #tpu.memory_space<vmem>>) dst(%dma_wait3A_255 : memref<10240x16xf32, #tpu.memory_space<vmem_shared>>)
        %sub3A_258 = arith.constant 1 : i32
        %sub3A_259 = arith.subi %while3A_209, %sub3A_258 : i32
        %add3A_260 = arith.constant 4 : i32
        %add3A_261 = arith.addi %sub3A_259, %add3A_260 : i32
        %lt3A = arith.cmpi slt, %add3A_261, %sub3A_47 : i32
        %convert_element_type3A_262 = arith.extui %lt3A : i1 to i32
        %cond3A_263 = arith.constant 0 : i32
        %cond3A_264 = arith.cmpi ne, %convert_element_type3A_262, %cond3A_263 : i32
        scf.if %cond3A_264 {
          %sub3A_265 = arith.constant 1 : i32
          %sub3A_266 = arith.subi %while3A_209, %sub3A_265 : i32
          %add3A_267 = arith.constant 4 : i32
          %add3A_268 = arith.addi %sub3A_266, %add3A_267 : i32
          %dma_start3A_269 = arith.constant 0 : i32
          %dma_start3A_270 = arith.constant 0 : i32
          %dma_start3A_271 = tpu.memref_slice %arg10[%rem3A_217, %dma_start3A_269, %dma_start3A_270] : memref<4x512x16xf32, #tpu.memory_space<vmem>> -> memref<1x512x16xf32, #tpu.memory_space<vmem>>
          %dma_start3A_272 = tpu.memref_squeeze %dma_start3A_271 : memref<1x512x16xf32, #tpu.memory_space<vmem>> -> memref<512x16xf32, #tpu.memory_space<vmem>>
          %dma_start3A_273 = arith.constant 0 : i32
          %dma_start3A_274 = tpu.memref_slice %arg8[%add3A_268, %dma_start3A_273] : memref<20x512xi32, #tpu.memory_space<vmem>> -> memref<1x512xi32, #tpu.memory_space<vmem>>
          %dma_start3A_275 = tpu.memref_squeeze %dma_start3A_274 : memref<1x512xi32, #tpu.memory_space<vmem>> -> memref<512xi32, #tpu.memory_space<vmem>>
          %dma_start3A_276 = arith.constant 0 : i32
          %dma_start3A_277 = arith.constant 0 : i32
          %dma_start3A_278 = tpu.memref_slice %arg7[%dma_start3A_276, %dma_start3A_277] : memref<10240x16xf32, #tpu.memory_space<vmem_shared>> -> memref<10240x16xf32, #tpu.memory_space<vmem_shared>>
          %dma_start3A_279 = tpu.memref_slice %arg11[%rem3A_217] : memref<4x!tpu.dma_semaphore, #tpu.memory_space<semaphore_mem>> -> memref<1x!tpu.dma_semaphore, #tpu.memory_space<semaphore_mem>>
          %dma_start3A_280 = tpu.memref_squeeze %dma_start3A_279 : memref<1x!tpu.dma_semaphore, #tpu.memory_space<semaphore_mem>> -> memref<!tpu.dma_semaphore, #tpu.memory_space<semaphore_mem>>
          tpu.enqueue_indirect_dma source(%dma_start3A_278 : memref<10240x16xf32, #tpu.memory_space<vmem_shared>>) target(%dma_start3A_272 : memref<512x16xf32, #tpu.memory_space<vmem>>) offsets(%dma_start3A_275 : memref<512xi32, #tpu.memory_space<vmem>>) semaphore(%dma_start3A_280 : memref<!tpu.dma_semaphore, #tpu.memory_space<semaphore_mem>>)
        } else {
        }
      } else {
      }
      %dma_wait3A_220 = arith.constant 0 : i32
      %dma_wait3A_221 = arith.constant 0 : i32
      %dma_wait3A_222 = arith.constant 0 : i32
      %dma_wait3A_223 = tpu.memref_slice %arg10[%rem3A_211, %dma_wait3A_221, %dma_wait3A_222] : memref<4x512x16xf32, #tpu.memory_space<vmem>> -> memref<1x512x16xf32, #tpu.memory_space<vmem>>
      %dma_wait3A_224 = tpu.memref_squeeze %dma_wait3A_223 : memref<1x512x16xf32, #tpu.memory_space<vmem>> -> memref<512x16xf32, #tpu.memory_space<vmem>>
      %dma_wait3A_225 = arith.constant 0 : i32
      %dma_wait3A_226 = tpu.memref_slice %arg8[%dma_wait3A_220, %dma_wait3A_225] : memref<20x512xi32, #tpu.memory_space<vmem>> -> memref<1x512xi32, #tpu.memory_space<vmem>>
      %dma_wait3A_227 = tpu.memref_squeeze %dma_wait3A_226 : memref<1x512xi32, #tpu.memory_space<vmem>> -> memref<512xi32, #tpu.memory_space<vmem>>
      %dma_wait3A_228 = arith.constant 0 : i32
      %dma_wait3A_229 = arith.constant 0 : i32
      %dma_wait3A_230 = tpu.memref_slice %arg7[%dma_wait3A_228, %dma_wait3A_229] : memref<10240x16xf32, #tpu.memory_space<vmem_shared>> -> memref<10240x16xf32, #tpu.memory_space<vmem_shared>>
      %dma_wait3A_231 = tpu.memref_slice %arg11[%rem3A_211] : memref<4x!tpu.dma_semaphore, #tpu.memory_space<semaphore_mem>> -> memref<1x!tpu.dma_semaphore, #tpu.memory_space<semaphore_mem>>
      %dma_wait3A_232 = tpu.memref_squeeze %dma_wait3A_231 : memref<1x!tpu.dma_semaphore, #tpu.memory_space<semaphore_mem>> -> memref<!tpu.dma_semaphore, #tpu.memory_space<semaphore_mem>>
      tpu.wait_indirect_dma semaphore(%dma_wait3A_232 : memref<!tpu.dma_semaphore, #tpu.memory_space<semaphore_mem>>) src(%dma_wait3A_230 : memref<10240x16xf32, #tpu.memory_space<vmem_shared>>) dst(%dma_wait3A_224 : memref<512x16xf32, #tpu.memory_space<vmem>>)
      %dma_start3A_233 = arith.constant 0 : i32
      %dma_start3A_234 = arith.constant 0 : i32
      %dma_start3A_235 = tpu.memref_slice %arg10[%rem3A_211, %dma_start3A_233, %dma_start3A_234] : memref<4x512x16xf32, #tpu.memory_space<vmem>> -> memref<1x512x16xf32, #tpu.memory_space<vmem>>
      %dma_start3A_236 = tpu.memref_squeeze %dma_start3A_235 : memref<1x512x16xf32, #tpu.memory_space<vmem>> -> memref<512x16xf32, #tpu.memory_space<vmem>>
      %dma_start3A_237 = arith.constant 0 : i32
      %dma_start3A_238 = tpu.memref_slice %arg9[%while3A_209, %dma_start3A_237] : memref<20x512xi32, #tpu.memory_space<vmem>> -> memref<1x512xi32, #tpu.memory_space<vmem>>
      %dma_start3A_239 = tpu.memref_squeeze %dma_start3A_238 : memref<1x512xi32, #tpu.memory_space<vmem>> -> memref<512xi32, #tpu.memory_space<vmem>>
      %dma_start3A_240 = arith.constant 0 : i32
      %dma_start3A_241 = arith.constant 0 : i32
      %dma_start3A_242 = tpu.memref_slice %arg6[%dma_start3A_240, %dma_start3A_241] : memref<10240x16xf32, #tpu.memory_space<vmem_shared>> -> memref<10240x16xf32, #tpu.memory_space<vmem_shared>>
      %dma_start3A_243 = tpu.memref_slice %arg12[%rem3A_211] : memref<4x!tpu.dma_semaphore, #tpu.memory_space<semaphore_mem>> -> memref<1x!tpu.dma_semaphore, #tpu.memory_space<semaphore_mem>>
      %dma_start3A_244 = tpu.memref_squeeze %dma_start3A_243 : memref<1x!tpu.dma_semaphore, #tpu.memory_space<semaphore_mem>> -> memref<!tpu.dma_semaphore, #tpu.memory_space<semaphore_mem>>
      tpu.enqueue_indirect_dma source(%dma_start3A_236 : memref<512x16xf32, #tpu.memory_space<vmem>>) target(%dma_start3A_242 : memref<10240x16xf32, #tpu.memory_space<vmem_shared>>) offsets(%dma_start3A_239 : memref<512xi32, #tpu.memory_space<vmem>>) semaphore(%dma_start3A_244 : memref<!tpu.dma_semaphore, #tpu.memory_space<semaphore_mem>>) {add = true}
    }
    %sub3A_187 = arith.constant 1 : i32
    %sub3A_188 = arith.subi %sub3A_47, %sub3A_187 : i32
    %rem3A_189 = arith.constant 4 : i32
    %rem3A_190 = arith.remsi %sub3A_188, %rem3A_189 : i32
    %dma_wait3A_191 = arith.constant 0 : i32
    %dma_wait3A_192 = arith.constant 0 : i32
    %dma_wait3A_193 = arith.constant 0 : i32
    %dma_wait3A_194 = tpu.memref_slice %arg10[%rem3A_190, %dma_wait3A_192, %dma_wait3A_193] : memref<4x512x16xf32, #tpu.memory_space<vmem>> -> memref<1x512x16xf32, #tpu.memory_space<vmem>>
    %dma_wait3A_195 = tpu.memref_squeeze %dma_wait3A_194 : memref<1x512x16xf32, #tpu.memory_space<vmem>> -> memref<512x16xf32, #tpu.memory_space<vmem>>
    %dma_wait3A_196 = arith.constant 0 : i32
    %dma_wait3A_197 = tpu.memref_slice %arg9[%dma_wait3A_191, %dma_wait3A_196] : memref<20x512xi32, #tpu.memory_space<vmem>> -> memref<1x512xi32, #tpu.memory_space<vmem>>
    %dma_wait3A_198 = tpu.memref_squeeze %dma_wait3A_197 : memref<1x512xi32, #tpu.memory_space<vmem>> -> memref<512xi32, #tpu.memory_space<vmem>>
    %dma_wait3A_199 = arith.constant 0 : i32
    %dma_wait3A_200 = arith.constant 0 : i32
    %dma_wait3A_201 = tpu.memref_slice %arg6[%dma_wait3A_199, %dma_wait3A_200] : memref<10240x16xf32, #tpu.memory_space<vmem_shared>> -> memref<10240x16xf32, #tpu.memory_space<vmem_shared>>
    %dma_wait3A_202 = tpu.memref_slice %arg12[%rem3A_190] : memref<4x!tpu.dma_semaphore, #tpu.memory_space<semaphore_mem>> -> memref<1x!tpu.dma_semaphore, #tpu.memory_space<semaphore_mem>>
    %dma_wait3A_203 = tpu.memref_squeeze %dma_wait3A_202 : memref<1x!tpu.dma_semaphore, #tpu.memory_space<semaphore_mem>> -> memref<!tpu.dma_semaphore, #tpu.memory_space<semaphore_mem>>
    tpu.wait_indirect_dma semaphore(%dma_wait3A_203 : memref<!tpu.dma_semaphore, #tpu.memory_space<semaphore_mem>>) src(%dma_wait3A_195 : memref<512x16xf32, #tpu.memory_space<vmem>>) dst(%dma_wait3A_201 : memref<10240x16xf32, #tpu.memory_space<vmem_shared>>)
    %barrier3A_204 = arith.constant 0 : index
    tpu.barrier barrier_id(%barrier3A_204)
    %mul3A_205 = arith.constant 640 : i32
    %mul3A_206 = arith.muli %arg1, %mul3A_205 : i32
    %mul3A_207 = arith.constant 640 : i32
    %mul3A_208 = arith.muli %arg1, %mul3A_207 : i32
    "tpu.region"() ({
      %run_scoped3A = tpu.sem_alloc : memref<!tpu.dma_semaphore, #tpu.memory_space<semaphore_mem>>
      %dma_start3A_209 = arith.constant 0 : i32
      %dma_start3A_210 = tpu.memref_slice %arg5[%arg0, %mul3A_208, %dma_start3A_209] : memref<2x10240x16xf32, #tpu.memory_space<hbm>> -> memref<1x640x16xf32, #tpu.memory_space<hbm>>
      %dma_start3A_211 = tpu.memref_squeeze %dma_start3A_210 : memref<1x640x16xf32, #tpu.memory_space<hbm>> -> memref<640x16xf32, #tpu.memory_space<hbm>>
      %dma_start3A_212 = arith.constant 0 : i32
      %dma_start3A_213 = tpu.memref_slice %arg6[%mul3A_206, %dma_start3A_212] : memref<10240x16xf32, #tpu.memory_space<vmem_shared>> -> memref<640x16xf32, #tpu.memory_space<vmem_shared>>
      tpu.enqueue_dma source(%dma_start3A_213 : memref<640x16xf32, #tpu.memory_space<vmem_shared>>) target(%dma_start3A_211 : memref<640x16xf32, #tpu.memory_space<hbm>>) target_semaphore(%run_scoped3A : memref<!tpu.dma_semaphore, #tpu.memory_space<semaphore_mem>>)
      %dma_wait3A_214 = arith.constant 0 : i32
      %dma_wait3A_215 = tpu.memref_slice %arg5[%arg0, %mul3A_208, %dma_wait3A_214] : memref<2x10240x16xf32, #tpu.memory_space<hbm>> -> memref<1x640x16xf32, #tpu.memory_space<hbm>>
      %dma_wait3A_216 = tpu.memref_squeeze %dma_wait3A_215 : memref<1x640x16xf32, #tpu.memory_space<hbm>> -> memref<640x16xf32, #tpu.memory_space<hbm>>
      %dma_wait3A_217 = arith.constant 0 : i32
      %dma_wait3A_218 = tpu.memref_slice %arg6[%mul3A_206, %dma_wait3A_217] : memref<10240x16xf32, #tpu.memory_space<vmem_shared>> -> memref<640x16xf32, #tpu.memory_space<vmem_shared>>
      tpu.wait_dma2 semaphore(%run_scoped3A : memref<!tpu.dma_semaphore, #tpu.memory_space<semaphore_mem>>) src(%dma_wait3A_218 : memref<640x16xf32, #tpu.memory_space<vmem_shared>>) dst(%dma_wait3A_216 : memref<640x16xf32, #tpu.memory_space<hbm>>)
      tpu.yield
    }) : () -> ()
    return
  }
}

module attributes {stable_mosaic.version = 14 : i64} {
  func.func @_proj0_body(%arg0: memref<10000x128xf32, #tpu.memory_space<vmem>>, %arg1: memref<128x16xf32, #tpu.memory_space<vmem>>, %arg2: memref<10240x16xf32, #tpu.memory_space<vmem>>) attributes {dimension_semantics = [], scalar_prefetch = 0 : i64, scratch_operands = 0 : i64, tpu.core_type = #tpu.core_type<tc>} {
    %get3A = arith.constant 0 : index
    %get3A_0 = arith.constant 0 : index
    %get3A_1 = vector.load %arg0[%get3A, %get3A_0] : memref<10000x128xf32, #tpu.memory_space<vmem>>, vector<10000x128xf32>
    %get3A_2 = arith.constant 0 : index
    %get3A_3 = arith.constant 0 : index
    %get3A_4 = vector.load %arg1[%get3A_2, %get3A_3] : memref<128x16xf32, #tpu.memory_space<vmem>>, vector<128x16xf32>
    %dot_general3A = arith.constant dense<0.000000e+00> : vector<10000x16xf32>
    %dot_general3A_5 = tpu.matmul %get3A_1, %get3A_4, %dot_general3A {dimension_numbers = #tpu.dot_dimension_numbers<[1], [0], [0], [1], [0, 0, 1, 1], [], []>, transpose_lhs_hint = false} : vector<10000x128xf32>, vector<128x16xf32>, vector<10000x16xf32> -> vector<10000x16xf32>
    %swap3A = arith.constant 0 : index
    %swap3A_6 = arith.constant 0 : index
    %swap3A_7 = vector.load %arg2[%swap3A, %swap3A_6] : memref<10240x16xf32, #tpu.memory_space<vmem>>, vector<10000x16xf32>
    tpu.vector_store %arg2[%swap3A, %swap3A_6], %dot_general3A_5 {strides = array<i32>} : memref<10240x16xf32, #tpu.memory_space<vmem>>, vector<10000x16xf32>,
    %broadcast_in_dim3A = arith.constant 0.000000e+00 : f32
    %broadcast_in_dim3A_8 = vector.broadcast %broadcast_in_dim3A : f32 to vector<240x16xf32>
    %swap3A_9 = arith.constant 10000 : index
    %swap3A_10 = arith.constant 0 : index
    %swap3A_11 = vector.load %arg2[%swap3A_9, %swap3A_10] : memref<10240x16xf32, #tpu.memory_space<vmem>>, vector<240x16xf32>
    tpu.vector_store %arg2[%swap3A_9, %swap3A_10], %broadcast_in_dim3A_8 {strides = array<i32>} : memref<10240x16xf32, #tpu.memory_space<vmem>>, vector<240x16xf32>,
    return
  }
}

module attributes {stable_mosaic.version = 14 : i64} {
  func.func @_mid_body(%arg0: memref<2x1280x128xf32, #tpu.memory_space<vmem>>, %arg1: memref<1280x128xf32, #tpu.memory_space<vmem>>, %arg2: memref<128xf32, #tpu.memory_space<vmem>>, %arg3: memref<128x128xf32, #tpu.memory_space<vmem>>, %arg4: memref<128xf32, #tpu.memory_space<vmem>>, %arg5: memref<128x128xf32, #tpu.memory_space<vmem>>, %arg6: memref<1280x128xf32, #tpu.memory_space<vmem>>, %arg7: memref<1x128xf32, #tpu.memory_space<vmem>>) attributes {dimension_semantics = [], scalar_prefetch = 0 : i64, scratch_operands = 0 : i64, tpu.core_type = #tpu.core_type<tc>} {
    %get3A = arith.constant 0 : index
    %get3A_0 = arith.constant 0 : index
    %get3A_1 = arith.constant 0 : index
    %get3A_2 = vector.load %arg0[%get3A, %get3A_0, %get3A_1] : memref<2x1280x128xf32, #tpu.memory_space<vmem>>, vector<1x1280x128xf32>
    %get3A_3 = vector.shape_cast %get3A_2 : vector<1x1280x128xf32> to vector<1280x128xf32>
    %get3A_4 = arith.constant 1 : index
    %get3A_5 = arith.constant 0 : index
    %get3A_6 = arith.constant 0 : index
    %get3A_7 = vector.load %arg0[%get3A_4, %get3A_5, %get3A_6] : memref<2x1280x128xf32, #tpu.memory_space<vmem>>, vector<1x1280x128xf32>
    %get3A_8 = vector.shape_cast %get3A_7 : vector<1x1280x128xf32> to vector<1280x128xf32>
    %add3A = arith.addf %get3A_3, %get3A_8 : vector<1280x128xf32>
    %get3A_9 = arith.constant 0 : index
    %get3A_10 = arith.constant 0 : index
    %get3A_11 = vector.load %arg1[%get3A_9, %get3A_10] : memref<1280x128xf32, #tpu.memory_space<vmem>>, vector<1280x128xf32>
    %add3A_12 = arith.addf %get3A_11, %add3A : vector<1280x128xf32>
    %get3A_13 = arith.constant 0 : index
    %get3A_14 = vector.load %arg2[%get3A_13] : memref<128xf32, #tpu.memory_space<vmem>>, vector<128xf32>
    %broadcast_in_dim3A = vector.shape_cast %get3A_14 : vector<128xf32> to vector<1x128xf32>
    %add3A_15 = vector.broadcast %broadcast_in_dim3A : vector<1x128xf32> to vector<1280x128xf32>
    %add3A_16 = arith.addf %add3A_12, %add3A_15 : vector<1280x128xf32>
    %max3A = arith.constant 0.000000e+00 : f32
    %max3A_17 = vector.broadcast %max3A : f32 to vector<1280x128xf32>
    %max3A_18 = arith.maximumf %add3A_16, %max3A_17 : vector<1280x128xf32>
    %get3A_19 = arith.constant 0 : index
    %get3A_20 = arith.constant 0 : index
    %get3A_21 = vector.load %arg3[%get3A_19, %get3A_20] : memref<128x128xf32, #tpu.memory_space<vmem>>, vector<128x128xf32>
    %dot_general3A = arith.constant dense<0.000000e+00> : vector<1280x128xf32>
    %dot_general3A_22 = tpu.matmul %max3A_18, %get3A_21, %dot_general3A {dimension_numbers = #tpu.dot_dimension_numbers<[1], [0], [0], [1], [0, 0, 1, 1], [], []>, transpose_lhs_hint = false} : vector<1280x128xf32>, vector<128x128xf32>, vector<1280x128xf32> -> vector<1280x128xf32>
    %get3A_23 = arith.constant 0 : index
    %get3A_24 = vector.load %arg4[%get3A_23] : memref<128xf32, #tpu.memory_space<vmem>>, vector<128xf32>
    %broadcast_in_dim3A_25 = vector.shape_cast %get3A_24 : vector<128xf32> to vector<1x128xf32>
    %add3A_26 = vector.broadcast %broadcast_in_dim3A_25 : vector<1x128xf32> to vector<1280x128xf32>
    %add3A_27 = arith.addf %dot_general3A_22, %add3A_26 : vector<1280x128xf32>
    %max3A_28 = arith.constant 0.000000e+00 : f32
    %max3A_29 = vector.broadcast %max3A_28 : f32 to vector<1280x128xf32>
    %max3A_30 = arith.maximumf %add3A_27, %max3A_29 : vector<1280x128xf32>
    %get3A_31 = arith.constant 0 : index
    %get3A_32 = arith.constant 0 : index
    %get3A_33 = vector.load %arg5[%get3A_31, %get3A_32] : memref<128x128xf32, #tpu.memory_space<vmem>>, vector<128x128xf32>
    %dot_general3A_34 = arith.constant dense<0.000000e+00> : vector<1280x128xf32>
    %dot_general3A_35 = tpu.matmul %max3A_30, %get3A_33, %dot_general3A_34 {dimension_numbers = #tpu.dot_dimension_numbers<[1], [0], [0], [1], [0, 0, 1, 1], [], []>, transpose_lhs_hint = false} : vector<1280x128xf32>, vector<128x128xf32>, vector<1280x128xf32> -> vector<1280x128xf32>
    %swap3A = arith.constant 0 : index
    %swap3A_36 = arith.constant 0 : index
    %swap3A_37 = vector.load %arg6[%swap3A, %swap3A_36] : memref<1280x128xf32, #tpu.memory_space<vmem>>, vector<1280x128xf32>
    tpu.vector_store %arg6[%swap3A, %swap3A_36], %dot_general3A_35 {strides = array<i32>} : memref<1280x128xf32, #tpu.memory_space<vmem>>, vector<1280x128xf32>,
    %slice3A = vector.extract_strided_slice %max3A_30 {offsets = [0, 0], sizes = [1250, 128], strides = [1, 1]} : vector<1280x128xf32> to vector<1250x128xf32>
    %reduce_sum3A = arith.constant dense<0.000000e+00> : vector<128xf32>
    %reduce_sum3A_38 = vector.multi_reduction <add>, %slice3A, %reduce_sum3A [0] : vector<1250x128xf32> to vector<128xf32>
    %broadcast_in_dim3A_39 = vector.shape_cast %reduce_sum3A_38 : vector<128xf32> to vector<1x128xf32>
    %swap3A_40 = arith.constant 0 : index
    %swap3A_41 = arith.constant 0 : index
    %swap3A_42 = vector.load %arg7[%swap3A_40, %swap3A_41] : memref<1x128xf32, #tpu.memory_space<vmem>>, vector<1x128xf32>
    tpu.vector_store %arg7[%swap3A_40, %swap3A_41], %broadcast_in_dim3A_39 {strides = array<i32>} : memref<1x128xf32, #tpu.memory_space<vmem>>, vector<1x128xf32>,
    return
  }
}

module attributes {stable_mosaic.version = 14 : i64} {
  func.func @_final_body(%arg0: memref<2x1280x128xf32, #tpu.memory_space<vmem>>, %arg1: memref<1280x128xf32, #tpu.memory_space<vmem>>, %arg2: memref<128xf32, #tpu.memory_space<vmem>>, %arg3: memref<128x128xf32, #tpu.memory_space<vmem>>, %arg4: memref<128xf32, #tpu.memory_space<vmem>>, %arg5: memref<4x128xf32, #tpu.memory_space<vmem>>, %arg6: memref<5x16x128xf32, #tpu.memory_space<vmem>>, %arg7: memref<1x128xf32, #tpu.memory_space<vmem>>) attributes {dimension_semantics = [], scalar_prefetch = 0 : i64, scratch_operands = 0 : i64, tpu.core_type = #tpu.core_type<tc>} {
    %get3A = arith.constant 0 : index
    %get3A_0 = arith.constant 0 : index
    %get3A_1 = arith.constant 0 : index
    %get3A_2 = vector.load %arg0[%get3A, %get3A_0, %get3A_1] : memref<2x1280x128xf32, #tpu.memory_space<vmem>>, vector<1x1280x128xf32>
    %get3A_3 = vector.shape_cast %get3A_2 : vector<1x1280x128xf32> to vector<1280x128xf32>
    %get3A_4 = arith.constant 1 : index
    %get3A_5 = arith.constant 0 : index
    %get3A_6 = arith.constant 0 : index
    %get3A_7 = vector.load %arg0[%get3A_4, %get3A_5, %get3A_6] : memref<2x1280x128xf32, #tpu.memory_space<vmem>>, vector<1x1280x128xf32>
    %get3A_8 = vector.shape_cast %get3A_7 : vector<1x1280x128xf32> to vector<1280x128xf32>
    %add3A = arith.addf %get3A_3, %get3A_8 : vector<1280x128xf32>
    %get3A_9 = arith.constant 0 : index
    %get3A_10 = arith.constant 0 : index
    %get3A_11 = vector.load %arg1[%get3A_9, %get3A_10] : memref<1280x128xf32, #tpu.memory_space<vmem>>, vector<1280x128xf32>
    %add3A_12 = arith.addf %get3A_11, %add3A : vector<1280x128xf32>
    %get3A_13 = arith.constant 0 : index
    %get3A_14 = vector.load %arg2[%get3A_13] : memref<128xf32, #tpu.memory_space<vmem>>, vector<128xf32>
    %broadcast_in_dim3A = vector.shape_cast %get3A_14 : vector<128xf32> to vector<1x128xf32>
    %add3A_15 = vector.broadcast %broadcast_in_dim3A : vector<1x128xf32> to vector<1280x128xf32>
    %add3A_16 = arith.addf %add3A_12, %add3A_15 : vector<1280x128xf32>
    %max3A = arith.constant 0.000000e+00 : f32
    %max3A_17 = vector.broadcast %max3A : f32 to vector<1280x128xf32>
    %max3A_18 = arith.maximumf %add3A_16, %max3A_17 : vector<1280x128xf32>
    %get3A_19 = arith.constant 0 : index
    %get3A_20 = arith.constant 0 : index
    %get3A_21 = vector.load %arg3[%get3A_19, %get3A_20] : memref<128x128xf32, #tpu.memory_space<vmem>>, vector<128x128xf32>
    %dot_general3A = arith.constant dense<0.000000e+00> : vector<1280x128xf32>
    %dot_general3A_22 = tpu.matmul %max3A_18, %get3A_21, %dot_general3A {dimension_numbers = #tpu.dot_dimension_numbers<[1], [0], [0], [1], [0, 0, 1, 1], [], []>, transpose_lhs_hint = false} : vector<1280x128xf32>, vector<128x128xf32>, vector<1280x128xf32> -> vector<1280x128xf32>
    %get3A_23 = arith.constant 0 : index
    %get3A_24 = vector.load %arg4[%get3A_23] : memref<128xf32, #tpu.memory_space<vmem>>, vector<128xf32>
    %broadcast_in_dim3A_25 = vector.shape_cast %get3A_24 : vector<128xf32> to vector<1x128xf32>
    %add3A_26 = vector.broadcast %broadcast_in_dim3A_25 : vector<1x128xf32> to vector<1280x128xf32>
    %add3A_27 = arith.addf %dot_general3A_22, %add3A_26 : vector<1280x128xf32>
    %max3A_28 = arith.constant 0.000000e+00 : f32
    %max3A_29 = vector.broadcast %max3A_28 : f32 to vector<1280x128xf32>
    %max3A_30 = arith.maximumf %add3A_27, %max3A_29 : vector<1280x128xf32>
    %slice3A = vector.extract_strided_slice %max3A_30 {offsets = [0, 0], sizes = [1250, 128], strides = [1, 1]} : vector<1280x128xf32> to vector<1250x128xf32>
    %reduce_sum3A = arith.constant dense<0.000000e+00> : vector<128xf32>
    %reduce_sum3A_31 = vector.multi_reduction <add>, %slice3A, %reduce_sum3A [0] : vector<1250x128xf32> to vector<128xf32>
    %broadcast_in_dim3A_32 = vector.shape_cast %reduce_sum3A_31 : vector<128xf32> to vector<1x128xf32>
    %get3A_33 = arith.constant 0 : index
    %get3A_34 = arith.constant 0 : index
    %get3A_35 = vector.load %arg5[%get3A_33, %get3A_34] : memref<4x128xf32, #tpu.memory_space<vmem>>, vector<4x128xf32>
    %concatenate3A = tpu.concatenate %get3A_35, %broadcast_in_dim3A_32 in 0 : vector<4x128xf32>, vector<1x128xf32> -> vector<5x128xf32>
    %mul3A = arith.constant 9.99999974E-5 : f32
    %mul3A_36 = vector.broadcast %mul3A : f32 to vector<5x128xf32>
    %mul3A_37 = arith.mulf %concatenate3A, %mul3A_36 : vector<5x128xf32>
    %slice3A_38 = vector.extract_strided_slice %mul3A_37 {offsets = [0, 0], sizes = [5, 16], strides = [1, 1]} : vector<5x128xf32> to vector<5x16xf32>
    %slice3A_39 = vector.extract_strided_slice %mul3A_37 {offsets = [0, 16], sizes = [5, 16], strides = [1, 1]} : vector<5x128xf32> to vector<5x16xf32>
    %add3A_40 = arith.addf %slice3A_38, %slice3A_39 : vector<5x16xf32>
    %slice3A_41 = vector.extract_strided_slice %mul3A_37 {offsets = [0, 32], sizes = [5, 16], strides = [1, 1]} : vector<5x128xf32> to vector<5x16xf32>
    %add3A_42 = arith.addf %add3A_40, %slice3A_41 : vector<5x16xf32>
    %slice3A_43 = vector.extract_strided_slice %mul3A_37 {offsets = [0, 48], sizes = [5, 16], strides = [1, 1]} : vector<5x128xf32> to vector<5x16xf32>
    %add3A_44 = arith.addf %add3A_42, %slice3A_43 : vector<5x16xf32>
    %slice3A_45 = vector.extract_strided_slice %mul3A_37 {offsets = [0, 64], sizes = [5, 16], strides = [1, 1]} : vector<5x128xf32> to vector<5x16xf32>
    %add3A_46 = arith.addf %add3A_44, %slice3A_45 : vector<5x16xf32>
    %slice3A_47 = vector.extract_strided_slice %mul3A_37 {offsets = [0, 80], sizes = [5, 16], strides = [1, 1]} : vector<5x128xf32> to vector<5x16xf32>
    %add3A_48 = arith.addf %add3A_46, %slice3A_47 : vector<5x16xf32>
    %slice3A_49 = vector.extract_strided_slice %mul3A_37 {offsets = [0, 96], sizes = [5, 16], strides = [1, 1]} : vector<5x128xf32> to vector<5x16xf32>
    %add3A_50 = arith.addf %add3A_48, %slice3A_49 : vector<5x16xf32>
    %slice3A_51 = vector.extract_strided_slice %mul3A_37 {offsets = [0, 112], sizes = [5, 16], strides = [1, 1]} : vector<5x128xf32> to vector<5x16xf32>
    %add3A_52 = arith.addf %add3A_50, %slice3A_51 : vector<5x16xf32>
    %broadcast_in_dim3A_53 = arith.constant 0.000000e+00 : f32
    %broadcast_in_dim3A_54 = vector.broadcast %broadcast_in_dim3A_53 : f32 to vector<1x128xf32>
    %slice3A_55 = vector.extract_strided_slice %add3A_52 {offsets = [0, 0], sizes = [1, 16], strides = [1, 1]} : vector<5x16xf32> to vector<1x16xf32>
    %get3A_56 = arith.constant 0 : index
    %get3A_57 = arith.constant 0 : index
    %get3A_58 = arith.constant 0 : index
    %get3A_59 = vector.load %arg6[%get3A_56, %get3A_57, %get3A_58] : memref<5x16x128xf32, #tpu.memory_space<vmem>>, vector<1x16x128xf32>
    %get3A_60 = vector.shape_cast %get3A_59 : vector<1x16x128xf32> to vector<16x128xf32>
    %dot_general3A_61 = arith.constant dense<0.000000e+00> : vector<1x128xf32>
    %dot_general3A_62 = tpu.matmul %slice3A_55, %get3A_60, %dot_general3A_61 {dimension_numbers = #tpu.dot_dimension_numbers<[1], [0], [0], [1], [0, 0, 1, 1], [], []>, transpose_lhs_hint = false} : vector<1x16xf32>, vector<16x128xf32>, vector<1x128xf32> -> vector<1x128xf32>
    %add3A_63 = arith.addf %broadcast_in_dim3A_54, %dot_general3A_62 : vector<1x128xf32>
    %slice3A_64 = vector.extract_strided_slice %add3A_52 {offsets = [1, 0], sizes = [1, 16], strides = [1, 1]} : vector<5x16xf32> to vector<1x16xf32>
    %get3A_65 = arith.constant 1 : index
    %get3A_66 = arith.constant 0 : index
    %get3A_67 = arith.constant 0 : index
    %get3A_68 = vector.load %arg6[%get3A_65, %get3A_66, %get3A_67] : memref<5x16x128xf32, #tpu.memory_space<vmem>>, vector<1x16x128xf32>
    %get3A_69 = vector.shape_cast %get3A_68 : vector<1x16x128xf32> to vector<16x128xf32>
    %dot_general3A_70 = arith.constant dense<0.000000e+00> : vector<1x128xf32>
    %dot_general3A_71 = tpu.matmul %slice3A_64, %get3A_69, %dot_general3A_70 {dimension_numbers = #tpu.dot_dimension_numbers<[1], [0], [0], [1], [0, 0, 1, 1], [], []>, transpose_lhs_hint = false} : vector<1x16xf32>, vector<16x128xf32>, vector<1x128xf32> -> vector<1x128xf32>
    %add3A_72 = arith.addf %add3A_63, %dot_general3A_71 : vector<1x128xf32>
    %slice3A_73 = vector.extract_strided_slice %add3A_52 {offsets = [2, 0], sizes = [1, 16], strides = [1, 1]} : vector<5x16xf32> to vector<1x16xf32>
    %get3A_74 = arith.constant 2 : index
    %get3A_75 = arith.constant 0 : index
    %get3A_76 = arith.constant 0 : index
    %get3A_77 = vector.load %arg6[%get3A_74, %get3A_75, %get3A_76] : memref<5x16x128xf32, #tpu.memory_space<vmem>>, vector<1x16x128xf32>
    %get3A_78 = vector.shape_cast %get3A_77 : vector<1x16x128xf32> to vector<16x128xf32>
    %dot_general3A_79 = arith.constant dense<0.000000e+00> : vector<1x128xf32>
    %dot_general3A_80 = tpu.matmul %slice3A_73, %get3A_78, %dot_general3A_79 {dimension_numbers = #tpu.dot_dimension_numbers<[1], [0], [0], [1], [0, 0, 1, 1], [], []>, transpose_lhs_hint = false} : vector<1x16xf32>, vector<16x128xf32>, vector<1x128xf32> -> vector<1x128xf32>
    %add3A_81 = arith.addf %add3A_72, %dot_general3A_80 : vector<1x128xf32>
    %slice3A_82 = vector.extract_strided_slice %add3A_52 {offsets = [3, 0], sizes = [1, 16], strides = [1, 1]} : vector<5x16xf32> to vector<1x16xf32>
    %get3A_83 = arith.constant 3 : index
    %get3A_84 = arith.constant 0 : index
    %get3A_85 = arith.constant 0 : index
    %get3A_86 = vector.load %arg6[%get3A_83, %get3A_84, %get3A_85] : memref<5x16x128xf32, #tpu.memory_space<vmem>>, vector<1x16x128xf32>
    %get3A_87 = vector.shape_cast %get3A_86 : vector<1x16x128xf32> to vector<16x128xf32>
    %dot_general3A_88 = arith.constant dense<0.000000e+00> : vector<1x128xf32>
    %dot_general3A_89 = tpu.matmul %slice3A_82, %get3A_87, %dot_general3A_88 {dimension_numbers = #tpu.dot_dimension_numbers<[1], [0], [0], [1], [0, 0, 1, 1], [], []>, transpose_lhs_hint = false} : vector<1x16xf32>, vector<16x128xf32>, vector<1x128xf32> -> vector<1x128xf32>
    %add3A_90 = arith.addf %add3A_81, %dot_general3A_89 : vector<1x128xf32>
    %slice3A_91 = vector.extract_strided_slice %add3A_52 {offsets = [4, 0], sizes = [1, 16], strides = [1, 1]} : vector<5x16xf32> to vector<1x16xf32>
    %get3A_92 = arith.constant 4 : index
    %get3A_93 = arith.constant 0 : index
    %get3A_94 = arith.constant 0 : index
    %get3A_95 = vector.load %arg6[%get3A_92, %get3A_93, %get3A_94] : memref<5x16x128xf32, #tpu.memory_space<vmem>>, vector<1x16x128xf32>
    %get3A_96 = vector.shape_cast %get3A_95 : vector<1x16x128xf32> to vector<16x128xf32>
    %dot_general3A_97 = arith.constant dense<0.000000e+00> : vector<1x128xf32>
    %dot_general3A_98 = tpu.matmul %slice3A_91, %get3A_96, %dot_general3A_97 {dimension_numbers = #tpu.dot_dimension_numbers<[1], [0], [0], [1], [0, 0, 1, 1], [], []>, transpose_lhs_hint = false} : vector<1x16xf32>, vector<16x128xf32>, vector<1x128xf32> -> vector<1x128xf32>
    %add3A_99 = arith.addf %add3A_90, %dot_general3A_98 : vector<1x128xf32>
    %tanh3A = math.tanh %add3A_99 : vector<1x128xf32>
    %swap3A = arith.constant 0 : index
    %swap3A_100 = arith.constant 0 : index
    %swap3A_101 = vector.load %arg7[%swap3A, %swap3A_100] : memref<1x128xf32, #tpu.memory_space<vmem>>, vector<1x128xf32>
    tpu.vector_store %arg7[%swap3A, %swap3A_100], %tanh3A {strides = array<i32>} : memref<1x128xf32, #tpu.memory_space<vmem>>, vector<1x128xf32>,
    return
  }
}

</mosaic_0001>

<sc_bundles>
// kernel: kernel.13.cloned.1.call-start
scs
__scs_entry_jumppad:
0x0: {  	(pc) =	sbr.rel $0x88, $3  }
0x1: {  	(tag) =	ssettag $0x0;
	lr =	simm.s32 $0x1  }
0x2: {  	[smem:$0x3F86] =	sst lr;
	_ =	strace $0xD0000000  }
0x3: {  	_ = 	snop  }
0x4: {  	_ = 	snop  }
0x5: {  	_ = 	snop  }
0x6: {  	_ = 	snop  }
0x7: {  	_ = 	snop  }
__scs_overlays_trampoline_lowered:
0x8: {  	[smem:$0x3F95] =	sst s0  }
0x9: {  	[smem:$0x3F96] =	sst s1  }
0xa: {  	[smem:$0x3F97] =	sst s2  }
0xb: {  	[smem:$0x3F98] =	sst s3  }
0xc: {  	[smem:$0x3F99] =	sst s4  }
0xd: {  	[smem:$0x3F9A] =	sst s5  }
0xe: {  	[smem:$0x3F9B] =	sst s6  }
0xf: {  	[smem:$0x3F9C] =	sst s7  }
0x10: {  	[smem:$0x3F9D] =	sst s8  }
0x11: {  	[smem:$0x3F9E] =	sst s9;
	s0 =	simm.s32 @!p0 $0x0  }
0x12: {  	s1 =	sld [smem:$0x3F84];
	s0 =	simm.s32 @p0 $0x1  }
0x13: {  	[smem:$0x3F9F] =	sst s0;
	s0 =	simm.s32 @!p1 $0x0  }
0x14: {  	s2 =	sld [smem:$0x3F83];
	s0 =	simm.s32 @p1 $0x1  }
0x15: {  	[smem:$0x3FA0] =	sst s0;
	s0 =	simm.s32 @!p2 $0x0  }
0x16: {  	s3 =	sld [smem:$0x3FDB];
	s0 =	simm.s32 @p2 $0x1  }
0x17: {  	s4 =	simm.s32 $0x1BF5;
	[smem:$0x3FA2] =	sst s0  }
0x18: {  	s0 =	sld [smem:$0x3F85];
	_ =	swait.ge [sflag:s4], $0x0  }
0x19: {  	s7 =	sld [smem:$0x3F86]  }
0x1a: {  	s8 =	sadd.s32 $0xFFFFE003, lr  }
0x1b: {  	s9 =	sadd.s32 $0xFFFFFEF7, lr;
	s5 =	simm.s32 $0xFFFFFFFF;
	p2 =	slt.u32 s8, $0xFFFFF086  }
0x1c: {  	p1 =	slt.u32 s9, $0xF7A;
	s5 =	simm.s32 @!p2 $0x0  }
0x1d: {  	s5 =	simm.s32 @p1 $0x1;
	p0 =	seq.s32 s7, s2  }
0x1e: {  	s7 =	smul.u32 @!p0 $0xF7A, s2;
	p2 =	seq.s32 @!p0 s5, $0x0  }
0x1f: {  	s9 =	smul.u32 $0xF7A, s1;
	s8 =	simm.s32 @!p0 $0x1BF5;
	p2 =	por !p2, p0  }
0x20: {  	[sflag:s8] =	ssyncset.s32 @!p0 $0xFFFFF086;
	s6 =	sadd.s32 @!p0 s3, s7;
	s7 =	simm.s32 @!p0 $0x108  }
0x21: {  	s3 =	sadd.s32 s3, s9;
	s6 =	sadd.s32 @!p0 $0x88, s6;
	s7 =	simm.s32 @p2 $0x1082  }
0x22: {  	[simem:s7], [sflag:s8] =	dma.local @!p0 [hbm:s6], $0xF7A  }
0x23: {  	s9 =	sor.u32 $0xD0000000, s2;
	s6 =	simm.s32 $0x108;
	_ =	swait.ge @!p0 [sflag:s8], $0x0  }
0x24: {  	s3 =	sadd.s32 $0x88, s3;
	s6 =	simm.s32 @!p1 $0x1082;
	[sflag:s4] =	ssyncset.s32 $0xFFFFF086  }
0x25: {  	[simem:s6], [sflag:s4] =	dma.local [hbm:s3], $0xF7A  }
0x26: {  	[smem:$0x3F86] =	sst s1;
	(tag) =	ssettag s2;
	_ =	strace s9  }
0x27: {  	s1 =	sld [smem:$0x3F96]  }
0x28: {  	s2 =	sld [smem:$0x3F97]  }
0x29: {  	s4 =	sld [smem:$0x3F99]  }
0x2a: {  	p0 =	seq.s32 s5, $0x0;
	s5 =	sld [smem:$0x3F9A]  }
0x2b: {  	s6 =	sld [smem:$0x3F9B]  }
0x2c: {  	s7 =	sld [smem:$0x3F9C]  }
0x2d: {  	s3 =	simm.s32 $0x108;
	s8 =	sld [smem:$0x3F9D]  }
0x2e: {  	s3 =	simm.s32 @!p0 $0x1082;
	s9 =	sld [smem:$0x3F9E]  }
0x2f: {  	lr =	sadd.s32 s0, s3;
	s0 =	sld [smem:$0x3F95]  }
0x30: {  	s3 =	sld [smem:$0x3F98]  }
0x31: {  	[smem:$0x3FA1] =	sst s10  }
0x32: {  	s10 =	sld [smem:$0x3F9F];
	_ =	sdelay $0x3  }
0x33: {  	p0 =	seq.s32 s10, $0x1;
	s10 =	sld [smem:$0x3FA1];
	_ =	sdelay $0x3  }
0x34: {  	[smem:$0x3FA1] =	sst s10  }
0x35: {  	s10 =	sld [smem:$0x3FA0];
	_ =	sdelay $0x3  }
0x36: {  	p1 =	seq.s32 s10, $0x1;
	s10 =	sld [smem:$0x3FA1];
	_ =	sdelay $0x3  }
0x37: {  	[smem:$0x3FA1] =	sst s10  }
0x38: {  	s10 =	sld [smem:$0x3FA2]  }
0x39: {  	_ = 	snop;
	(pc) =	sbr.ind lr, $3  }
0x3a: {  	_ = 	snop  }
0x3b: {  	_ = 	snop  }
0x3c: {  	p2 =	seq.s32 s10, $0x1;
	s10 =	sld [smem:$0x3FA1]  }
0x3d: {  	_ =	shalt  }
0x3e: {  	_ =	shalt  }
0x3f: {  	_ =	shalt  }
0x40: {  	_ =	shalt  }
0x41: {  	_ =	shalt  }
0x42: {  	_ =	shalt  }
0x43: {  	_ =	shalt  }
0x44: {  	_ =	shalt  }
0x45: {  	_ =	shalt  }
0x46: {  	_ =	shalt  }
0x47: {  	_ =	shalt  }
0x48: {  	_ =	shalt  }
0x49: {  	_ =	shalt  }
0x4a: {  	_ =	shalt  }
0x4b: {  	_ =	shalt  }
0x4c: {  	_ =	shalt  }
0x4d: {  	_ =	shalt  }
0x4e: {  	_ =	shalt  }
0x4f: {  	_ =	shalt  }
0x50: {  	_ =	shalt  }
0x51: {  	_ =	shalt  }
0x52: {  	_ =	shalt  }
0x53: {  	_ =	shalt  }
0x54: {  	_ =	shalt  }
0x55: {  	_ =	shalt  }
0x56: {  	_ =	shalt  }
0x57: {  	_ =	shalt  }
0x58: {  	_ =	shalt  }
0x59: {  	_ =	shalt  }
0x5a: {  	_ =	shalt  }
0x5b: {  	_ =	shalt  }
0x5c: {  	_ =	shalt  }
0x5d: {  	_ =	shalt  }
0x5e: {  	_ =	shalt  }
0x5f: {  	_ =	shalt  }
0x60: {  	_ =	shalt  }
0x61: {  	_ =	shalt  }
0x62: {  	_ =	shalt  }
0x63: {  	_ =	shalt  }
0x64: {  	_ =	shalt  }
0x65: {  	_ =	shalt  }
0x66: {  	_ =	shalt  }
0x67: {  	_ =	shalt  }
0x68: {  	_ =	shalt  }
0x69: {  	_ =	shalt  }
0x6a: {  	_ =	shalt  }
0x6b: {  	_ =	shalt  }
0x6c: {  	_ =	shalt  }
0x6d: {  	_ =	shalt  }
0x6e: {  	_ =	shalt  }
0x6f: {  	_ =	shalt  }
0x70: {  	_ =	shalt  }
0x71: {  	_ =	shalt  }
0x72: {  	_ =	shalt  }
0x73: {  	_ =	shalt  }
0x74: {  	_ =	shalt  }
0x75: {  	_ =	shalt  }
0x76: {  	_ =	shalt  }
0x77: {  	_ =	shalt  }
0x78: {  	_ =	shalt  }
0x79: {  	_ =	shalt  }
0x7a: {  	_ =	shalt  }
0x7b: {  	_ =	shalt  }
0x7c: {  	_ =	shalt  }
0x7d: {  	_ =	shalt  }
0x7e: {  	_ =	shalt  }
0x7f: {  	_ =	shalt  }
0x80: {  	_ =	shalt  }
0x81: {  	_ =	shalt  }
0x82: {  	_ =	shalt  }
0x83: {  	_ =	shalt  }
0x84: {  	_ =	shalt  }
0x85: {  	_ =	shalt  }
0x86: {  	_ =	shalt  }
0x87: {  	_ =	shalt  }
.Lfunc_end0:
.L_simem_size_0:
called_computation_lowered:
.L_overlay_start_0:
0x88: {  	s2 =	sld [smem:$0x3FD9]  }
0x89: {  	s3 =	sld [smem:$0x3FFE];
	_ =	sdelay $0x1  }
0x8a: {  	s1 =	srdreg.scid  }
0x8b: {  	s0 =	sand.u32 $0x1, s1  }
0x8c: {  	s16 =	sshll.u32 s0, $0xA;
	s2 =	sadd.s32 s3, s2  }
0x8d: {  	s2 =	sadd.s32 s2, s16  }
0x8e: {  	[smem:$0x3FAD] =	sst s2  }
0x8f: {  	_ = 	snop  }
0x90: {  	(tm) =	ssettm $0x1  }
0x91: {  	s17 =	sld [smem:$0x3FFB];
	_ =	sdelay $0x3  }
0x92: {  	_ =	strace s17  }
0x93: {  	s2 =	sld [smem:$0x3FFC];
	_ =	sdelay $0x3  }
0x94: {  	_ =	strace s2  }
0x95: {  	s2 =	sld [smem:$0x3FFD];
	_ =	sdelay $0x3  }
0x96: {  	_ =	strace s2  }
0x97: {  	_ =	strace $0x8FFFFFFF  }
0x98: {  	s18 =	sld [smem:$0x3FDB];
	_ =	sdelay $0x1  }
0x99: {  	s19 =	simm.s32 $_scs_section_size  }
0x9a: {  	s4 =	simm.s32 $_size__tile_overlayer_lowered;
	s5 =	simm.s32 $_tile_overlayer_lowered  }
0x9b: {  	s22 =	simm.s32 $0x1BFF;
	s21 =	sshll.u32 s5, $0x1;
	s2 =	sadd.s32 s19, s18  }
0x9c: {  	s6 =	simm.s32 $0x0;
	s20 =	sshll.u32 s4, $0x1;
	s4 =	sadd.s32 s21, s2  }
0x9d: {  	[timem:s6], [sflag:s22] =	dma.local [hbm:s4], s20  }
0x9e: {  	_ =	swait.ge [sflag:s22], s20  }
0x9f: {  	s3 =	ssub.s32 $0x0, s20;
	[sflag:s22] =	ssyncset.done $0x0  }
0xa0: {  	[sflag:s22] =	ssyncadd.s32 s3;
	_ =	sdelay $0x1  }
0xa1: {  	s23 =	simm.s32 $0x1B8B  }
0xa2: {  	_ =	swait.ge [sflag:s23], $0x1  }
0xa3: {  	[sflag:s23] =	ssyncset.done $0x0  }
0xa4: {  	s25 =	simm.s32 $0x1B8E;
	s24 =	sld [smem:$0x3FFE];
	[sflag:s23] =	ssyncadd.s32 $0xFFFFFFFF  }
0xa5: {  	s26 =	simm.s32 $execute0_lowered;
	[smem:$0x3FD2] =	sst s25  }
0xa6: {  	s4 =	sshll.u32 s26, $0x1;
	_ =	strace $0x80000046;
	[dreg:$0x1] =	wrdreg $0xFFFFFFFF  }
0xa7: {  	s28 =	simm.s32 $_size_execute0_lowered;
	s2 =	sadd.s32 s2, s4;
	[dreg:$0x0] =	wrdreg $0x0  }
0xa8: {  	s4 =	sshll.u32 s28, $0x1;
	[dreg:$0x2] =	wrdreg s2  }
0xa9: {  	[dreg:$0x3] =	wrdreg s4  }
0xaa: {  	[dreg:$0x4] =	wrdreg $0xC0  }
0xab: {  	_ =	task [dreg:s6], $0x5FFFF  }
0xac: {  	[dreg:$0x1] =	wrdreg $0xFFFFFFFF  }
0xad: {  	[dreg:$0x0] =	wrdreg $0x60  }
0xae: {  	[dreg:$0x2] =	wrdreg s24  }
0xaf: {  	[dreg:$0x3] =	wrdreg $0x28000  }
0xb0: {  	[dreg:$0x4] =	wrdreg $0x0  }
0xb1: {  	[dreg:$0x5] =	wrdreg $0x9  }
0xb2: {  	_ =	task.clear_ibuf [dreg:s6], $0x6FFFF;
	_ =	strace $0x90000046  }
0xb3: {  	s29 =	simm.s32 $0x9;
	_ =	strace $0x80000048  }
0xb4: {  	_ =	swait.ge [sflag:s29], $0x1  }
0xb5: {  	[sflag:s29] =	ssyncadd.s32 $0xFFFFFFFF  }
0xb6: {  	_ =	strace $0x90000048  }
0xb7: {  	_ =	sfence  }
0xb8: {  	s30 =	sld [smem:$0x0];
	_ =	sdelay $0x2  }
0xb9: {  	s31 =	sshll.u32 s1, $0xD;
	s1 =	sshrl.u32 s1, $0x2  }
0xba: {  	s3 =	sand.u32 $0x4000, s31;
	s1 =	sadd.s32 s1, s30  }
0xbb: {  	s0 =	sor.u32 s3, s0;
	s1 =	sshll.u32 s1, $0x11  }
0xbc: {  	s0 =	sor.u32 s1, s0  }
0xbd: {  	s0 =	sadd.s32 $0x8F2B, s0  }
0xbe: {  	[sflag:s0] =	ssyncadd.remote.s32 $0x1  }
0xbf: {  	_ =	sfence.sel $0xFFFF  }
0xc0: {  	[dreg:$0x0] =	wrdreg $0xFFFFFFFF;
	(pc) =	sbr.abs _section_cstart, $3  }
0xc1: {  	[dreg:$0x1] =	wrdreg $0xFFFFFFFF  }
0xc2: {  	_ =	task.clear_ibuf [dreg:s6], $0x2FFFF;
	_ =	strace $0x9FFFFFFF  }
0xc3: {  	(tm) =	ssettm $0x7FFFFFFF  }
tec
execute0_lowered:
.L_overlay_start_1:
0x0: {  	(tag) =	ssettag $0x1  }
0x1: {  	s0 =	srdreg.scid;
	s6 =	rddreg [dreg:$0x0]  }
0x2: {  	s4 =	stileid.u32;
	s2 =	rddreg [dreg:$0x1]  }
0x3: {  	s3 =	rddreg [dreg:$0x2];
	s28 =	simm.s32 $0x0;
	s20 =	simm.s32 $0x1  }
0x4: {  	s21 =	simm.s32 $0x2;
	s22 =	simm.s32 $0x3;
	s30 =	simm.s32 $0x5200  }
0x5: {  	s31 =	simm.s32 $0xC000;
	s19 =	simm.s32 $0x0;
	s0 =	sand.u32 $0x1, s0  }
0x6: {  	[smem:$0x7FF] =	sst s28;
	s9 =	smul.u32 $0x2800, s4;
	s29 =	sshll.u32 s4, $0x6  }
0x7: {  	s1 =	sshll.u32 s0, $0x4;
	_ =	strace $0x80000047;
	s10 =	smul.u32 $0x28000, s0  }
0x8: {  	s0 =	ssub.s32 $0x2, s0;
	s16 =	sor.u32 $0x1C02, s29;
	s1 =	sor.u32 s4, s1  }
0x9: {  	s8 =	sshrl.u32 s9, $0x3;
	s24 =	sshrl.u32 s0, $0x1;
	s1 =	smul.u32 $0x271, s1  }
0xa: {  	s15 =	sadd.s32 s9, s2;
	s17 =	sadd.s32 s9, s3;
	s12 =	sadd.s32 s8, s6  }
0xb: {  	s10 =	sadd.s32 s9, s10;
	s0 =	ssub.s32 s0, s24;
	s5 =	sadd.s32 $0x271, s1  }
0xc: {  	s18 =	sshrl.u32 s15, $0x3;
	s1 =	sshrl.u32 s1, $0x5;
	s5 =	sshrl.u32 s5, $0x5  }
0xd: {  	s17 =	sshrl.u32 s17, $0x3;
	s24 =	simm.s32 $0x200;
	s5 =	ssub.s32 s5, s1  }
0xe: {  	s15 =	simm.s32 $0xA000;
	s10 =	sshrl.u32 s10, $0x3;
	s7 =	sadd.s32 $0xFFFFFFFF, s5  }
0xf: {  	s4 =	sadd.s32 $0x1A400, s12;
	s9 =	smax.u32 s0, $0x1;
	s11 =	sshll.u32 s7, $0x10  }
0x10: {  	s0 =	simm.s32 $0x9;
	s13 =	sadd.s32 s10, s6;
	s23 =	sshra.s32 s11, $0x1F  }
0x11: {  	s14 =	sadd.s32 $0x24400, s13;
	s1 =	sshll.u32 s1, $0x6;
	s8 =	sand.u32 $0x3, s23  }
0x12: {  	s13 =	simm.s32 $0x7800;
	s1 =	sadd.s32 s1, s6;
	s8 =	sadd.s32 s8, s7  }
.Ltmp0:
0x13: {  	p0 =	slt.s32 s5, $0x1;
	s8 =	sand.u32 $0xFFFC, s8;
	(pc) =	sbr.rel .LBB2_1-.Ltmp0, $4  }
0x14: {  	s6 =	sadd.s32 $0x10640, s1;
	p1 =	seq.s32 @!p0 s5, $0x1;
	s25 =	ssub.s32 s7, s8  }
0x15: {  	s11 =	sadd.s32 $0x6A00, s1;
	p1 =	por p0, p1;
	s10 =	sshll.u32 s25, $0x10  }
0x16: {  	s23 =	simm.s32 $0x4;
	s7 =	sor.u32 $0x1C01, s29;
	s26 =	sshra.s32 s10, $0x10  }
0x17: {  	s8 =	sadd.s32 $0x1F400, s12;
	s10 =	simm.s32 $0x5000;
	s12 =	sadd.s32 $0x5, s26  }
.LBB2_4:
0x18: {  	[sflag:s31] =	ssyncset.done $0x0  }
0x19: {  	s28 =	simm.s32 $0x0;
	s4 =	smov.u32 s8;
	s7 =	smov.u32 s9  }
0x1a: {  	s8 =	smov.u32 s10;
	s29 =	smov.u32 s13;
	s9 =	smov.u32 s15  }
0x1b: {  	s10 =	simm.s32 $0x5000;
	s13 =	simm.s32 $0x7800;
	[sflag:s31] =	ssyncadd.s32 $0xFFFFE000  }
0x1c: {  	[spmem:s3] =	stream.indirect.scatter.add.f32 [tilespmem:s1], [sflag:s30], $0x10, s25, s24, $0xb8;
	[tilespmem:$0x12000] =	vst v63  }
0x1d: {  	s15 =	simm.s32 $0xA000;
	s31 =	simm.s32 $0xC000;
	s30 =	simm.s32 $0x5200  }
.LBB2_5:
0x1e: {  	_ =	swait.ge [sflag:s12], $0x2000  }
0x1f: {  	s19 =	sadd.s32 $0x1, s19;
	[sflag:s12] =	ssyncset.done $0x0  }
0x20: {  	p2 =	sne.s32 s19, s9;
	[sflag:s12] =	ssyncadd.s32 $0xFFFFE000  }
.Ltmp1:
0x21: {  	s1 =	sor.u32 $0x1C09, s29;
	[bflag:$0x0] =	sbarrier.arrive $0xFFFF;
	(pc) =	sbr.rel @!p2 .LBB2_6-.Ltmp1, $4  }
0x22: {  	[hbm:s14], [sflag:s1] =	dma.local [spmem:s17], $0x500  }
0x23: {  	_ =	swait.ge [sflag:s0], $0x500  }
0x24: {  	[sflag:s0] =	ssyncset.done $0x0  }
0x25: {  	[sflag:s0] =	ssyncadd.s32 $0xFFFFFB00  }
.LBB2_1:
0x26: {  	[spmem:s18], [sflag:s7] =	dma.local [hbm:s4], $0x500  }
0x27: {  	[spmem:s17], [sflag:s16] =	dma.local [hbm:s8], $0x500  }
0x28: {  	[tilespmem:s10], [sflag:$0x3] =	stream.linear.gather [hbm4b:s11+s28], $0x2800, $0x38;
	[tilespmem:$0x12000] =	vst v63  }
0x29: {  	_ = 	snop  }
0x2a: {  	[tilespmem:s13], [sflag:$0x4] =	stream.linear.gather [hbm4b:s6+s28], $0x2800, $0x38;
	[tilespmem:$0x12000] =	vst v63  }
0x2b: {  	_ =	swait.ge [sflag:s20], $0x500  }
0x2c: {  	[sflag:s20] =	ssyncset.done $0x0  }
0x2d: {  	[sflag:s20] =	ssyncadd.s32 $0xFFFFFB00  }
0x2e: {  	_ =	swait.ge [sflag:s21], $0x500  }
0x2f: {  	[sflag:s21] =	ssyncset.done $0x0  }
0x30: {  	[sflag:s21] =	ssyncadd.s32 $0xFFFFFB00  }
0x31: {  	_ =	swait.ge [sflag:s22], $0x2800  }
0x32: {  	[sflag:s22] =	ssyncset.done $0x0  }
0x33: {  	[sflag:s22] =	ssyncadd.s32 $0xFFFFD800  }
0x34: {  	_ =	swait.ge [sflag:s23], $0x2800  }
0x35: {  	[sflag:s23] =	ssyncset.done $0x0  }
0x36: {  	[sflag:s23] =	ssyncadd.s32 $0xFFFFD800  }
0x37: {  	[bflag:$0x0] =	sbarrier.arrive $0xFFFF  }
0x38: {  	[tilespmem:s15], [sflag:$0x1] =	stream.indirect.gather [spmem:s2], $0x10, s10, s24, $0xb8;
	[tilespmem:$0x12000] =	vst v63  }
0x39: {  	_ = 	snop  }
0x3a: {  	[tilespmem:s31], [sflag:$0x2] =	stream.indirect.gather [spmem:s2], $0x10, s30, s24, $0xb8;
	[tilespmem:$0x12000] =	vst v63  }
0x3b: {  	s1 =	simm.s32 $0x5400;
	s25 =	simm.s32 $0xE000  }
0x3c: {  	[tilespmem:s25], [sflag:$0x3] =	stream.indirect.gather [spmem:s2], $0x10, s1, s24, $0xb8;
	[tilespmem:$0x12000] =	vst v63  }
0x3d: {  	s26 =	simm.s32 $0x10000;
	s25 =	simm.s32 $0x5600  }
0x3e: {  	[tilespmem:s26], [sflag:$0x4] =	stream.indirect.gather [spmem:s2], $0x10, s25, s24, $0xb8;
	[tilespmem:$0x12000] =	vst v63  }
.Ltmp2:
0x3f: {  	s1 =	simm.s32 @!p0 $0x1;
	(pc) =	sbr.rel @p1 .LBB2_5-.Ltmp2, $4  }
0x40: {  	_ =	swait.ge @!p0 [sflag:s1], $0x2000  }
0x41: {  	s25 =	simm.s32 @!p0 $0x7800;
	[sflag:s1] =	ssyncset.done @!p0 $0x0  }
0x42: {  	s26 =	simm.s32 @!p0 $0xA000;
	[sflag:s1] =	ssyncadd.s32 @!p0 $0xFFFFE000;
	s1 =	simm.s32 @!p0 $0x200  }
0x43: {  	[spmem:s3] =	stream.indirect.scatter.add.f32 @!p0 [tilespmem:s26], [sflag:$0x5], $0x10, s25, s1, $0xb8;
	[tilespmem:$0x12000] =	vst v63  }
0x44: {  	s1 =	simm.s32 @!p0 $0x4  }
0x45: {  	s1 =	sand.u32 $0x3, s1  }
0x46: {  	s13 =	smov.u32 s29;
	s26 =	sadd.s32 $0x5, s1  }
0x47: {  	s25 =	simm.s32 @!p0 $0x5800;
	p2 =	sle.s32 s5, $0x4;
	_ =	swait.ge [sflag:s26], $0x2000  }
0x48: {  	s30 =	simm.s32 @!p2 $0x200;
	s29 =	sshll.u32 @!p2 s1, $0xD;
	[sflag:s26] =	ssyncset.done $0x0  }
0x49: {  	s1 =	sadd.s32 @!p2 $0x1, s1;
	[sflag:s26] =	ssyncadd.s32 $0xFFFFE000;
	s26 =	sadd.s32 @!p2 $0xA000, s29  }
0x4a: {  	[tilespmem:s26], [sflag:s1] =	stream.indirect.gather @!p2 [spmem:s2], $0x10, s25, s30, $0xb8;
	[tilespmem:$0x12000] =	vst v63  }
0x4b: {  	s15 =	smov.u32 s9;
	p2 =	sgt.s32 s5, $0x2  }
.Ltmp3:
0x4c: {  	s10 =	smov.u32 s8;
	s28 =	simm.s32 $0x1;
	(pc) =	sbr.rel @!p2 .LBB2_4-.Ltmp3, $4  }
0x4d: {  	s9 =	smov.u32 s7;
	s8 =	smov.u32 s4;
	s7 =	sand.u32 $0x3, s28  }
0x4e: {  	s28 =	sshll.u32 s7, $0xD;
	s31 =	sadd.s32 $0x1, s7;
	s29 =	simm.s32 @!p0 $0x7A00  }
0x4f: {  	s25 =	simm.s32 @!p0 $0x7A00;
	s26 =	simm.s32 $0x5A00;
	s30 =	sadd.s32 $0x5, s7  }
0x50: {  	s1 =	sadd.s32 $0xA000, s28;
	s28 =	simm.s32 $0x5;
	_ =	swait.ge [sflag:s31], $0x2000  }
.LBB2_3:
0x51: {  	s4 =	sadd.s32 $0xFFFFFFFE, s28;
	[sflag:s31] =	ssyncset.done $0x0;
	s29 =	sadd.s32 $0x200, s29  }
0x52: {  	p2 =	slt.s32 s4, s5;
	[sflag:s31] =	ssyncadd.s32 $0xFFFFE000  }
0x53: {  	[spmem:s3] =	stream.indirect.scatter.add.f32 [tilespmem:s1], [sflag:s30], $0x10, s25, s24, $0xb8;
	[tilespmem:$0x12000] =	vst v63  }
0x54: {  	s1 =	sand.u32 $0x3, s28;
	s25 =	smov.u32 s29  }
0x55: {  	p3 =	sge.s32 s28, s5;
	s4 =	sadd.s32 $0x5, s1  }
0x56: {  	s7 =	simm.s32 @!p3 $0x200;
	s30 =	sadd.s32 $0xFFFFFFFD, s28;
	_ =	swait.ge [sflag:s4], $0x2000  }
0x57: {  	s31 =	sshll.u32 @!p3 s1, $0xD;
	s1 =	sadd.s32 @!p3 $0x1, s1;
	[sflag:s4] =	ssyncset.done $0x0  }
.Ltmp4:
0x58: {  	[sflag:s4] =	ssyncadd.s32 $0xFFFFE000;
	s4 =	sadd.s32 @!p3 $0xA000, s31;
	(pc) =	sbr.rel @p2 .LBB2_3-.Ltmp4, $4  }
0x59: {  	[tilespmem:s4], [sflag:s1] =	stream.indirect.gather @!p3 [spmem:s2], $0x10, s26, s7, $0xb8;
	[tilespmem:$0x12000] =	vst v63  }
0x5a: {  	s1 =	sand.u32 $0x3, s30;
	s26 =	sadd.s32 $0x200, s26  }
0x5b: {  	s4 =	sshll.u32 s1, $0xD;
	s31 =	sadd.s32 $0x1, s1;
	s30 =	sadd.s32 $0x5, s1  }
0x5c: {  	s28 =	sadd.s32 $0x1, s28;
	s1 =	sadd.s32 $0xA000, s4;
	_ =	swait.ge [sflag:s31], $0x2000  }
.Ltmp5:
0x5d: {  	_ = 	snop;
	(pc) =	sbr.rel .LBB2_4-.Ltmp5, $1  }
0x5e: {  	_ =	sdelay $0x3  }
.LBB2_6:
0x5f: {  	_ =	sfence.sel $0x180000  }
0x60: {  	[bflag:$0x0] =	sbarrier.arrive $0xFFFF  }
0x61: {  	_ =	strace $0x90000047  }
0x62: {  	s0 =	stileid.u32;
	[bflag:$0x2] =	sbarrier.arrive $0xFFFF  }
0x63: {  	p0 =	sne.s32 s0, $0x0;
	s0 =	rddreg [dreg:$0x3]  }
0x64: {  	s0 =	sadd.s32 @!p0 $0x100000, s0  }
0x65: {  	[sflag:s0] =	ssyncadd.tile.s32 @!p0 $0x1;
	_ =	shalt  }
.Lfunc_end2:
_tile_overlayer_lowered:
.L_overlay_start_2:
0x66: {  	(tag) =	ssettag $0x2  }
0x67: {  	s0 =	rddreg [dreg:$0x0];
	s2 =	stileid.u32  }
0x68: {  	s1 =	rddreg [dreg:$0x1];
	p0 =	sne.s32 s2, $0x0  }
0x69: {  	s3 =	rddreg [dreg:$0x2];
	[bflag:$0x3] =	sbarrier.arrive $0xFFFF;
	s2 =	simm.s32 @!p0 $0x1C09  }
0x6a: {  	[timem:s3], [sflag:s2] =	dma.local @!p0 [hbm:s0], s1  }
0x6b: {  	s0 =	simm.s32 @!p0 $0x9  }
0x6c: {  	_ =	swait.ge @!p0 [sflag:s0], s1  }
0x6d: {  	s1 =	ssub.s32 @!p0 $0x0, s1;
	[sflag:s0] =	ssyncset.done @!p0 $0x0  }
0x6e: {  	[sflag:s0] =	ssyncadd.s32 @!p0 s1  }
0x6f: {  	[bflag:$0x3] =	sbarrier.arrive $0xFFFF  }
0x70: {  	_ =	shalt  }

// kernel: kernel.16.cloned.1.call-start
scs
__scs_entry_jumppad:
0x0: {  	(pc) =	sbr.rel $0x88, $3  }
0x1: {  	(tag) =	ssettag $0x0;
	lr =	simm.s32 $0x1  }
0x2: {  	[smem:$0x3F86] =	sst lr;
	_ =	strace $0xD0000000  }
0x3: {  	_ = 	snop  }
0x4: {  	_ = 	snop  }
0x5: {  	_ = 	snop  }
0x6: {  	_ = 	snop  }
0x7: {  	_ = 	snop  }
__scs_overlays_trampoline_lowered:
0x8: {  	[smem:$0x3F95] =	sst s0  }
0x9: {  	[smem:$0x3F96] =	sst s1  }
0xa: {  	[smem:$0x3F97] =	sst s2  }
0xb: {  	[smem:$0x3F98] =	sst s3  }
0xc: {  	[smem:$0x3F99] =	sst s4  }
0xd: {  	[smem:$0x3F9A] =	sst s5  }
0xe: {  	[smem:$0x3F9B] =	sst s6  }
0xf: {  	[smem:$0x3F9C] =	sst s7  }
0x10: {  	[smem:$0x3F9D] =	sst s8  }
0x11: {  	[smem:$0x3F9E] =	sst s9;
	s0 =	simm.s32 @!p0 $0x0  }
0x12: {  	s1 =	sld [smem:$0x3F84];
	s0 =	simm.s32 @p0 $0x1  }
0x13: {  	[smem:$0x3F9F] =	sst s0;
	s0 =	simm.s32 @!p1 $0x0  }
0x14: {  	s2 =	sld [smem:$0x3F83];
	s0 =	simm.s32 @p1 $0x1  }
0x15: {  	[smem:$0x3FA0] =	sst s0;
	s0 =	simm.s32 @!p2 $0x0  }
0x16: {  	s3 =	sld [smem:$0x3FDB];
	s0 =	simm.s32 @p2 $0x1  }
0x17: {  	s4 =	simm.s32 $0x1BF5;
	[smem:$0x3FA2] =	sst s0  }
0x18: {  	s0 =	sld [smem:$0x3F85];
	_ =	swait.ge [sflag:s4], $0x0  }
0x19: {  	s7 =	sld [smem:$0x3F86]  }
0x1a: {  	s8 =	sadd.s32 $0xFFFFE003, lr  }
0x1b: {  	s9 =	sadd.s32 $0xFFFFFEF7, lr;
	s5 =	simm.s32 $0xFFFFFFFF;
	p2 =	slt.u32 s8, $0xFFFFF086  }
0x1c: {  	p1 =	slt.u32 s9, $0xF7A;
	s5 =	simm.s32 @!p2 $0x0  }
0x1d: {  	s5 =	simm.s32 @p1 $0x1;
	p0 =	seq.s32 s7, s2  }
0x1e: {  	s7 =	smul.u32 @!p0 $0xF7A, s2;
	p2 =	seq.s32 @!p0 s5, $0x0  }
0x1f: {  	s9 =	smul.u32 $0xF7A, s1;
	s8 =	simm.s32 @!p0 $0x1BF5;
	p2 =	por !p2, p0  }
0x20: {  	[sflag:s8] =	ssyncset.s32 @!p0 $0xFFFFF086;
	s6 =	sadd.s32 @!p0 s3, s7;
	s7 =	simm.s32 @!p0 $0x108  }
0x21: {  	s3 =	sadd.s32 s3, s9;
	s6 =	sadd.s32 @!p0 $0x88, s6;
	s7 =	simm.s32 @p2 $0x1082  }
0x22: {  	[simem:s7], [sflag:s8] =	dma.local @!p0 [hbm:s6], $0xF7A  }
0x23: {  	s9 =	sor.u32 $0xD0000000, s2;
	s6 =	simm.s32 $0x108;
	_ =	swait.ge @!p0 [sflag:s8], $0x0  }
0x24: {  	s3 =	sadd.s32 $0x88, s3;
	s6 =	simm.s32 @!p1 $0x1082;
	[sflag:s4] =	ssyncset.s32 $0xFFFFF086  }
0x25: {  	[simem:s6], [sflag:s4] =	dma.local [hbm:s3], $0xF7A  }
0x26: {  	[smem:$0x3F86] =	sst s1;
	(tag) =	ssettag s2;
	_ =	strace s9  }
0x27: {  	s1 =	sld [smem:$0x3F96]  }
0x28: {  	s2 =	sld [smem:$0x3F97]  }
0x29: {  	s4 =	sld [smem:$0x3F99]  }
0x2a: {  	p0 =	seq.s32 s5, $0x0;
	s5 =	sld [smem:$0x3F9A]  }
0x2b: {  	s6 =	sld [smem:$0x3F9B]  }
0x2c: {  	s7 =	sld [smem:$0x3F9C]  }
0x2d: {  	s3 =	simm.s32 $0x108;
	s8 =	sld [smem:$0x3F9D]  }
0x2e: {  	s3 =	simm.s32 @!p0 $0x1082;
	s9 =	sld [smem:$0x3F9E]  }
0x2f: {  	lr =	sadd.s32 s0, s3;
	s0 =	sld [smem:$0x3F95]  }
0x30: {  	s3 =	sld [smem:$0x3F98]  }
0x31: {  	[smem:$0x3FA1] =	sst s10  }
0x32: {  	s10 =	sld [smem:$0x3F9F];
	_ =	sdelay $0x3  }
0x33: {  	p0 =	seq.s32 s10, $0x1;
	s10 =	sld [smem:$0x3FA1];
	_ =	sdelay $0x3  }
0x34: {  	[smem:$0x3FA1] =	sst s10  }
0x35: {  	s10 =	sld [smem:$0x3FA0];
	_ =	sdelay $0x3  }
0x36: {  	p1 =	seq.s32 s10, $0x1;
	s10 =	sld [smem:$0x3FA1];
	_ =	sdelay $0x3  }
0x37: {  	[smem:$0x3FA1] =	sst s10  }
0x38: {  	s10 =	sld [smem:$0x3FA2]  }
0x39: {  	_ = 	snop;
	(pc) =	sbr.ind lr, $3  }
0x3a: {  	_ = 	snop  }
0x3b: {  	_ = 	snop  }
0x3c: {  	p2 =	seq.s32 s10, $0x1;
	s10 =	sld [smem:$0x3FA1]  }
0x3d: {  	_ =	shalt  }
0x3e: {  	_ =	shalt  }
0x3f: {  	_ =	shalt  }
0x40: {  	_ =	shalt  }
0x41: {  	_ =	shalt  }
0x42: {  	_ =	shalt  }
0x43: {  	_ =	shalt  }
0x44: {  	_ =	shalt  }
0x45: {  	_ =	shalt  }
0x46: {  	_ =	shalt  }
0x47: {  	_ =	shalt  }
0x48: {  	_ =	shalt  }
0x49: {  	_ =	shalt  }
0x4a: {  	_ =	shalt  }
0x4b: {  	_ =	shalt  }
0x4c: {  	_ =	shalt  }
0x4d: {  	_ =	shalt  }
0x4e: {  	_ =	shalt  }
0x4f: {  	_ =	shalt  }
0x50: {  	_ =	shalt  }
0x51: {  	_ =	shalt  }
0x52: {  	_ =	shalt  }
0x53: {  	_ =	shalt  }
0x54: {  	_ =	shalt  }
0x55: {  	_ =	shalt  }
0x56: {  	_ =	shalt  }
0x57: {  	_ =	shalt  }
0x58: {  	_ =	shalt  }
0x59: {  	_ =	shalt  }
0x5a: {  	_ =	shalt  }
0x5b: {  	_ =	shalt  }
0x5c: {  	_ =	shalt  }
0x5d: {  	_ =	shalt  }
0x5e: {  	_ =	shalt  }
0x5f: {  	_ =	shalt  }
0x60: {  	_ =	shalt  }
0x61: {  	_ =	shalt  }
0x62: {  	_ =	shalt  }
0x63: {  	_ =	shalt  }
0x64: {  	_ =	shalt  }
0x65: {  	_ =	shalt  }
0x66: {  	_ =	shalt  }
0x67: {  	_ =	shalt  }
0x68: {  	_ =	shalt  }
0x69: {  	_ =	shalt  }
0x6a: {  	_ =	shalt  }
0x6b: {  	_ =	shalt  }
0x6c: {  	_ =	shalt  }
0x6d: {  	_ =	shalt  }
0x6e: {  	_ =	shalt  }
0x6f: {  	_ =	shalt  }
0x70: {  	_ =	shalt  }
0x71: {  	_ =	shalt  }
0x72: {  	_ =	shalt  }
0x73: {  	_ =	shalt  }
0x74: {  	_ =	shalt  }
0x75: {  	_ =	shalt  }
0x76: {  	_ =	shalt  }
0x77: {  	_ =	shalt  }
0x78: {  	_ =	shalt  }
0x79: {  	_ =	shalt  }
0x7a: {  	_ =	shalt  }
0x7b: {  	_ =	shalt  }
0x7c: {  	_ =	shalt  }
0x7d: {  	_ =	shalt  }
0x7e: {  	_ =	shalt  }
0x7f: {  	_ =	shalt  }
0x80: {  	_ =	shalt  }
0x81: {  	_ =	shalt  }
0x82: {  	_ =	shalt  }
0x83: {  	_ =	shalt  }
0x84: {  	_ =	shalt  }
0x85: {  	_ =	shalt  }
0x86: {  	_ =	shalt  }
0x87: {  	_ =	shalt  }
.Lfunc_end0:
.L_simem_size_0:
called_computation.1_lowered:
.L_overlay_start_0:
0x88: {  	s2 =	sld [smem:$0x3FD9]  }
0x89: {  	s3 =	sld [smem:$0x3FFE];
	_ =	sdelay $0x1  }
0x8a: {  	s1 =	srdreg.scid  }
0x8b: {  	s0 =	sand.u32 $0x1, s1  }
0x8c: {  	s16 =	sshll.u32 s0, $0xA;
	s2 =	sadd.s32 s3, s2  }
0x8d: {  	s2 =	sadd.s32 s2, s16  }
0x8e: {  	[smem:$0x3FAD] =	sst s2  }
0x8f: {  	_ = 	snop  }
0x90: {  	(tm) =	ssettm $0x1  }
0x91: {  	s17 =	sld [smem:$0x3FFB];
	_ =	sdelay $0x3  }
0x92: {  	_ =	strace s17  }
0x93: {  	s2 =	sld [smem:$0x3FFC];
	_ =	sdelay $0x3  }
0x94: {  	_ =	strace s2  }
0x95: {  	s2 =	sld [smem:$0x3FFD];
	_ =	sdelay $0x3  }
0x96: {  	_ =	strace s2  }
0x97: {  	_ =	strace $0x8FFFFFFF  }
0x98: {  	s18 =	sld [smem:$0x3FDB];
	_ =	sdelay $0x1  }
0x99: {  	s19 =	simm.s32 $_scs_section_size  }
0x9a: {  	s4 =	simm.s32 $_size__tile_overlayer_lowered;
	s5 =	simm.s32 $_tile_overlayer_lowered  }
0x9b: {  	s22 =	simm.s32 $0x1BFF;
	s21 =	sshll.u32 s5, $0x1;
	s2 =	sadd.s32 s19, s18  }
0x9c: {  	s6 =	simm.s32 $0x0;
	s20 =	sshll.u32 s4, $0x1;
	s4 =	sadd.s32 s21, s2  }
0x9d: {  	[timem:s6], [sflag:s22] =	dma.local [hbm:s4], s20  }
0x9e: {  	_ =	swait.ge [sflag:s22], s20  }
0x9f: {  	s3 =	ssub.s32 $0x0, s20;
	[sflag:s22] =	ssyncset.done $0x0  }
0xa0: {  	[sflag:s22] =	ssyncadd.s32 s3;
	_ =	sdelay $0x1  }
0xa1: {  	s23 =	simm.s32 $0x1B8B  }
0xa2: {  	_ =	swait.ge [sflag:s23], $0x1  }
0xa3: {  	[sflag:s23] =	ssyncset.done $0x0  }
0xa4: {  	s25 =	simm.s32 $0x1B8E;
	s24 =	sld [smem:$0x3FFE];
	[sflag:s23] =	ssyncadd.s32 $0xFFFFFFFF  }
0xa5: {  	s26 =	simm.s32 $execute0_lowered;
	[smem:$0x3FD2] =	sst s25  }
0xa6: {  	s4 =	sshll.u32 s26, $0x1;
	_ =	strace $0x80000049;
	[dreg:$0x1] =	wrdreg $0xFFFFFFFF  }
0xa7: {  	s28 =	simm.s32 $_size_execute0_lowered;
	s2 =	sadd.s32 s2, s4;
	[dreg:$0x0] =	wrdreg $0x0  }
0xa8: {  	s4 =	sshll.u32 s28, $0x1;
	[dreg:$0x2] =	wrdreg s2  }
0xa9: {  	[dreg:$0x3] =	wrdreg s4  }
0xaa: {  	[dreg:$0x4] =	wrdreg $0xC0  }
0xab: {  	_ =	task [dreg:s6], $0x5FFFF  }
0xac: {  	[dreg:$0x1] =	wrdreg $0xFFFFFFFF  }
0xad: {  	[dreg:$0x0] =	wrdreg $0x60  }
0xae: {  	[dreg:$0x2] =	wrdreg s24  }
0xaf: {  	[dreg:$0x3] =	wrdreg $0x28000  }
0xb0: {  	[dreg:$0x4] =	wrdreg $0x0  }
0xb1: {  	[dreg:$0x5] =	wrdreg $0x9  }
0xb2: {  	_ =	task.clear_ibuf [dreg:s6], $0x6FFFF;
	_ =	strace $0x90000049  }
0xb3: {  	s29 =	simm.s32 $0x9;
	_ =	strace $0x8000004B  }
0xb4: {  	_ =	swait.ge [sflag:s29], $0x1  }
0xb5: {  	[sflag:s29] =	ssyncadd.s32 $0xFFFFFFFF  }
0xb6: {  	_ =	strace $0x9000004B  }
0xb7: {  	_ =	sfence  }
0xb8: {  	s30 =	sld [smem:$0x0];
	_ =	sdelay $0x2  }
0xb9: {  	s31 =	sshll.u32 s1, $0xD;
	s1 =	sshrl.u32 s1, $0x2  }
0xba: {  	s3 =	sand.u32 $0x4000, s31;
	s1 =	sadd.s32 s1, s30  }
0xbb: {  	s0 =	sor.u32 s3, s0;
	s1 =	sshll.u32 s1, $0x11  }
0xbc: {  	s0 =	sor.u32 s1, s0  }
0xbd: {  	s0 =	sadd.s32 $0x8F2B, s0  }
0xbe: {  	[sflag:s0] =	ssyncadd.remote.s32 $0x1  }
0xbf: {  	_ =	sfence.sel $0xFFFF  }
0xc0: {  	[dreg:$0x0] =	wrdreg $0xFFFFFFFF;
	(pc) =	sbr.abs _section_cstart, $3  }
0xc1: {  	[dreg:$0x1] =	wrdreg $0xFFFFFFFF  }
0xc2: {  	_ =	task.clear_ibuf [dreg:s6], $0x2FFFF;
	_ =	strace $0x9FFFFFFF  }
0xc3: {  	(tm) =	ssettm $0x7FFFFFFF  }
tec
execute0_lowered:
.L_overlay_start_1:
0x0: {  	(tag) =	ssettag $0x1  }
0x1: {  	s0 =	srdreg.scid;
	s6 =	rddreg [dreg:$0x0]  }
0x2: {  	s4 =	stileid.u32;
	s2 =	rddreg [dreg:$0x1]  }
0x3: {  	s3 =	rddreg [dreg:$0x2];
	s28 =	simm.s32 $0x0;
	s20 =	simm.s32 $0x1  }
0x4: {  	s21 =	simm.s32 $0x2;
	s22 =	simm.s32 $0x3;
	s30 =	simm.s32 $0x5200  }
0x5: {  	s31 =	simm.s32 $0xC000;
	s19 =	simm.s32 $0x0;
	s0 =	sand.u32 $0x1, s0  }
0x6: {  	[smem:$0x7FF] =	sst s28;
	s9 =	smul.u32 $0x2800, s4;
	s29 =	sshll.u32 s4, $0x6  }
0x7: {  	s1 =	sshll.u32 s0, $0x4;
	_ =	strace $0x8000004A;
	s10 =	smul.u32 $0x28000, s0  }
0x8: {  	s0 =	ssub.s32 $0x2, s0;
	s16 =	sor.u32 $0x1C02, s29;
	s1 =	sor.u32 s4, s1  }
0x9: {  	s8 =	sshrl.u32 s9, $0x3;
	s24 =	sshrl.u32 s0, $0x1;
	s1 =	smul.u32 $0x271, s1  }
0xa: {  	s15 =	sadd.s32 s9, s2;
	s17 =	sadd.s32 s9, s3;
	s12 =	sadd.s32 s8, s6  }
0xb: {  	s10 =	sadd.s32 s9, s10;
	s0 =	ssub.s32 s0, s24;
	s5 =	sadd.s32 $0x271, s1  }
0xc: {  	s18 =	sshrl.u32 s15, $0x3;
	s1 =	sshrl.u32 s1, $0x5;
	s5 =	sshrl.u32 s5, $0x5  }
0xd: {  	s17 =	sshrl.u32 s17, $0x3;
	s24 =	simm.s32 $0x200;
	s5 =	ssub.s32 s5, s1  }
0xe: {  	s15 =	simm.s32 $0xA000;
	s10 =	sshrl.u32 s10, $0x3;
	s7 =	sadd.s32 $0xFFFFFFFF, s5  }
0xf: {  	s4 =	sadd.s32 $0x1A400, s12;
	s9 =	smax.u32 s0, $0x1;
	s11 =	sshll.u32 s7, $0x10  }
0x10: {  	s0 =	simm.s32 $0x9;
	s13 =	sadd.s32 s10, s6;
	s23 =	sshra.s32 s11, $0x1F  }
0x11: {  	s14 =	sadd.s32 $0x24400, s13;
	s1 =	sshll.u32 s1, $0x6;
	s8 =	sand.u32 $0x3, s23  }
0x12: {  	s13 =	simm.s32 $0x7800;
	s1 =	sadd.s32 s1, s6;
	s8 =	sadd.s32 s8, s7  }
.Ltmp0:
0x13: {  	p0 =	slt.s32 s5, $0x1;
	s8 =	sand.u32 $0xFFFC, s8;
	(pc) =	sbr.rel .LBB2_1-.Ltmp0, $4  }
0x14: {  	s6 =	sadd.s32 $0x10640, s1;
	p1 =	seq.s32 @!p0 s5, $0x1;
	s25 =	ssub.s32 s7, s8  }
0x15: {  	s11 =	sadd.s32 $0x6A00, s1;
	p1 =	por p0, p1;
	s10 =	sshll.u32 s25, $0x10  }
0x16: {  	s23 =	simm.s32 $0x4;
	s7 =	sor.u32 $0x1C01, s29;
	s26 =	sshra.s32 s10, $0x10  }
0x17: {  	s8 =	sadd.s32 $0x1F400, s12;
	s10 =	simm.s32 $0x5000;
	s12 =	sadd.s32 $0x5, s26  }
.LBB2_4:
0x18: {  	[sflag:s31] =	ssyncset.done $0x0  }
0x19: {  	s28 =	simm.s32 $0x0;
	s4 =	smov.u32 s8;
	s7 =	smov.u32 s9  }
0x1a: {  	s8 =	smov.u32 s10;
	s29 =	smov.u32 s13;
	s9 =	smov.u32 s15  }
0x1b: {  	s10 =	simm.s32 $0x5000;
	s13 =	simm.s32 $0x7800;
	[sflag:s31] =	ssyncadd.s32 $0xFFFFE000  }
0x1c: {  	[spmem:s3] =	stream.indirect.scatter.add.f32 [tilespmem:s1], [sflag:s30], $0x10, s25, s24, $0xb8;
	[tilespmem:$0x12000] =	vst v63  }
0x1d: {  	s15 =	simm.s32 $0xA000;
	s31 =	simm.s32 $0xC000;
	s30 =	simm.s32 $0x5200  }
.LBB2_5:
0x1e: {  	_ =	swait.ge [sflag:s12], $0x2000  }
0x1f: {  	s19 =	sadd.s32 $0x1, s19;
	[sflag:s12] =	ssyncset.done $0x0  }
0x20: {  	p2 =	sne.s32 s19, s9;
	[sflag:s12] =	ssyncadd.s32 $0xFFFFE000  }
.Ltmp1:
0x21: {  	s1 =	sor.u32 $0x1C09, s29;
	[bflag:$0x0] =	sbarrier.arrive $0xFFFF;
	(pc) =	sbr.rel @!p2 .LBB2_6-.Ltmp1, $4  }
0x22: {  	[hbm:s14], [sflag:s1] =	dma.local [spmem:s17], $0x500  }
0x23: {  	_ =	swait.ge [sflag:s0], $0x500  }
0x24: {  	[sflag:s0] =	ssyncset.done $0x0  }
0x25: {  	[sflag:s0] =	ssyncadd.s32 $0xFFFFFB00  }
.LBB2_1:
0x26: {  	[spmem:s18], [sflag:s7] =	dma.local [hbm:s4], $0x500  }
0x27: {  	[spmem:s17], [sflag:s16] =	dma.local [hbm:s8], $0x500  }
0x28: {  	[tilespmem:s10], [sflag:$0x3] =	stream.linear.gather [hbm4b:s11+s28], $0x2800, $0x38;
	[tilespmem:$0x12000] =	vst v63  }
0x29: {  	_ = 	snop  }
0x2a: {  	[tilespmem:s13], [sflag:$0x4] =	stream.linear.gather [hbm4b:s6+s28], $0x2800, $0x38;
	[tilespmem:$0x12000] =	vst v63  }
0x2b: {  	_ =	swait.ge [sflag:s20], $0x500  }
0x2c: {  	[sflag:s20] =	ssyncset.done $0x0  }
0x2d: {  	[sflag:s20] =	ssyncadd.s32 $0xFFFFFB00  }
0x2e: {  	_ =	swait.ge [sflag:s21], $0x500  }
0x2f: {  	[sflag:s21] =	ssyncset.done $0x0  }
0x30: {  	[sflag:s21] =	ssyncadd.s32 $0xFFFFFB00  }
0x31: {  	_ =	swait.ge [sflag:s22], $0x2800  }
0x32: {  	[sflag:s22] =	ssyncset.done $0x0  }
0x33: {  	[sflag:s22] =	ssyncadd.s32 $0xFFFFD800  }
0x34: {  	_ =	swait.ge [sflag:s23], $0x2800  }
0x35: {  	[sflag:s23] =	ssyncset.done $0x0  }
0x36: {  	[sflag:s23] =	ssyncadd.s32 $0xFFFFD800  }
0x37: {  	[bflag:$0x0] =	sbarrier.arrive $0xFFFF  }
0x38: {  	[tilespmem:s15], [sflag:$0x1] =	stream.indirect.gather [spmem:s2], $0x10, s10, s24, $0xb8;
	[tilespmem:$0x12000] =	vst v63  }
0x39: {  	_ = 	snop  }
0x3a: {  	[tilespmem:s31], [sflag:$0x2] =	stream.indirect.gather [spmem:s2], $0x10, s30, s24, $0xb8;
	[tilespmem:$0x12000] =	vst v63  }
0x3b: {  	s1 =	simm.s32 $0x5400;
	s25 =	simm.s32 $0xE000  }
0x3c: {  	[tilespmem:s25], [sflag:$0x3] =	stream.indirect.gather [spmem:s2], $0x10, s1, s24, $0xb8;
	[tilespmem:$0x12000] =	vst v63  }
0x3d: {  	s26 =	simm.s32 $0x10000;
	s25 =	simm.s32 $0x5600  }
0x3e: {  	[tilespmem:s26], [sflag:$0x4] =	stream.indirect.gather [spmem:s2], $0x10, s25, s24, $0xb8;
	[tilespmem:$0x12000] =	vst v63  }
.Ltmp2:
0x3f: {  	s1 =	simm.s32 @!p0 $0x1;
	(pc) =	sbr.rel @p1 .LBB2_5-.Ltmp2, $4  }
0x40: {  	_ =	swait.ge @!p0 [sflag:s1], $0x2000  }
0x41: {  	s25 =	simm.s32 @!p0 $0x7800;
	[sflag:s1] =	ssyncset.done @!p0 $0x0  }
0x42: {  	s26 =	simm.s32 @!p0 $0xA000;
	[sflag:s1] =	ssyncadd.s32 @!p0 $0xFFFFE000;
	s1 =	simm.s32 @!p0 $0x200  }
0x43: {  	[spmem:s3] =	stream.indirect.scatter.add.f32 @!p0 [tilespmem:s26], [sflag:$0x5], $0x10, s25, s1, $0xb8;
	[tilespmem:$0x12000] =	vst v63  }
0x44: {  	s1 =	simm.s32 @!p0 $0x4  }
0x45: {  	s1 =	sand.u32 $0x3, s1  }
0x46: {  	s13 =	smov.u32 s29;
	s26 =	sadd.s32 $0x5, s1  }
0x47: {  	s25 =	simm.s32 @!p0 $0x5800;
	p2 =	sle.s32 s5, $0x4;
	_ =	swait.ge [sflag:s26], $0x2000  }
0x48: {  	s30 =	simm.s32 @!p2 $0x200;
	s29 =	sshll.u32 @!p2 s1, $0xD;
	[sflag:s26] =	ssyncset.done $0x0  }
0x49: {  	s1 =	sadd.s32 @!p2 $0x1, s1;
	[sflag:s26] =	ssyncadd.s32 $0xFFFFE000;
	s26 =	sadd.s32 @!p2 $0xA000, s29  }
0x4a: {  	[tilespmem:s26], [sflag:s1] =	stream.indirect.gather @!p2 [spmem:s2], $0x10, s25, s30, $0xb8;
	[tilespmem:$0x12000] =	vst v63  }
0x4b: {  	s15 =	smov.u32 s9;
	p2 =	sgt.s32 s5, $0x2  }
.Ltmp3:
0x4c: {  	s10 =	smov.u32 s8;
	s28 =	simm.s32 $0x1;
	(pc) =	sbr.rel @!p2 .LBB2_4-.Ltmp3, $4  }
0x4d: {  	s9 =	smov.u32 s7;
	s8 =	smov.u32 s4;
	s7 =	sand.u32 $0x3, s28  }
0x4e: {  	s28 =	sshll.u32 s7, $0xD;
	s31 =	sadd.s32 $0x1, s7;
	s29 =	simm.s32 @!p0 $0x7A00  }
0x4f: {  	s25 =	simm.s32 @!p0 $0x7A00;
	s26 =	simm.s32 $0x5A00;
	s30 =	sadd.s32 $0x5, s7  }
0x50: {  	s1 =	sadd.s32 $0xA000, s28;
	s28 =	simm.s32 $0x5;
	_ =	swait.ge [sflag:s31], $0x2000  }
.LBB2_3:
0x51: {  	s4 =	sadd.s32 $0xFFFFFFFE, s28;
	[sflag:s31] =	ssyncset.done $0x0;
	s29 =	sadd.s32 $0x200, s29  }
0x52: {  	p2 =	slt.s32 s4, s5;
	[sflag:s31] =	ssyncadd.s32 $0xFFFFE000  }
0x53: {  	[spmem:s3] =	stream.indirect.scatter.add.f32 [tilespmem:s1], [sflag:s30], $0x10, s25, s24, $0xb8;
	[tilespmem:$0x12000] =	vst v63  }
0x54: {  	s1 =	sand.u32 $0x3, s28;
	s25 =	smov.u32 s29  }
0x55: {  	p3 =	sge.s32 s28, s5;
	s4 =	sadd.s32 $0x5, s1  }
0x56: {  	s7 =	simm.s32 @!p3 $0x200;
	s30 =	sadd.s32 $0xFFFFFFFD, s28;
	_ =	swait.ge [sflag:s4], $0x2000  }
0x57: {  	s31 =	sshll.u32 @!p3 s1, $0xD;
	s1 =	sadd.s32 @!p3 $0x1, s1;
	[sflag:s4] =	ssyncset.done $0x0  }
.Ltmp4:
0x58: {  	[sflag:s4] =	ssyncadd.s32 $0xFFFFE000;
	s4 =	sadd.s32 @!p3 $0xA000, s31;
	(pc) =	sbr.rel @p2 .LBB2_3-.Ltmp4, $4  }
0x59: {  	[tilespmem:s4], [sflag:s1] =	stream.indirect.gather @!p3 [spmem:s2], $0x10, s26, s7, $0xb8;
	[tilespmem:$0x12000] =	vst v63  }
0x5a: {  	s1 =	sand.u32 $0x3, s30;
	s26 =	sadd.s32 $0x200, s26  }
0x5b: {  	s4 =	sshll.u32 s1, $0xD;
	s31 =	sadd.s32 $0x1, s1;
	s30 =	sadd.s32 $0x5, s1  }
0x5c: {  	s28 =	sadd.s32 $0x1, s28;
	s1 =	sadd.s32 $0xA000, s4;
	_ =	swait.ge [sflag:s31], $0x2000  }
.Ltmp5:
0x5d: {  	_ = 	snop;
	(pc) =	sbr.rel .LBB2_4-.Ltmp5, $1  }
0x5e: {  	_ =	sdelay $0x3  }
.LBB2_6:
0x5f: {  	_ =	sfence.sel $0x180000  }
0x60: {  	[bflag:$0x0] =	sbarrier.arrive $0xFFFF  }
0x61: {  	_ =	strace $0x9000004A  }
0x62: {  	s0 =	stileid.u32;
	[bflag:$0x2] =	sbarrier.arrive $0xFFFF  }
0x63: {  	p0 =	sne.s32 s0, $0x0;
	s0 =	rddreg [dreg:$0x3]  }
0x64: {  	s0 =	sadd.s32 @!p0 $0x100000, s0  }
0x65: {  	[sflag:s0] =	ssyncadd.tile.s32 @!p0 $0x1;
	_ =	shalt  }
.Lfunc_end2:
_tile_overlayer_lowered:
.L_overlay_start_2:
0x66: {  	(tag) =	ssettag $0x2  }
0x67: {  	s0 =	rddreg [dreg:$0x0];
	s2 =	stileid.u32  }
0x68: {  	s1 =	rddreg [dreg:$0x1];
	p0 =	sne.s32 s2, $0x0  }
0x69: {  	s3 =	rddreg [dreg:$0x2];
	[bflag:$0x3] =	sbarrier.arrive $0xFFFF;
	s2 =	simm.s32 @!p0 $0x1C09  }
0x6a: {  	[timem:s3], [sflag:s2] =	dma.local @!p0 [hbm:s0], s1  }
0x6b: {  	s0 =	simm.s32 @!p0 $0x9  }
0x6c: {  	_ =	swait.ge @!p0 [sflag:s0], s1  }
0x6d: {  	s1 =	ssub.s32 @!p0 $0x0, s1;
	[sflag:s0] =	ssyncset.done @!p0 $0x0  }
0x6e: {  	[sflag:s0] =	ssyncadd.s32 @!p0 s1  }
0x6f: {  	[bflag:$0x3] =	sbarrier.arrive $0xFFFF  }
0x70: {  	_ =	shalt  }

// kernel: kernel.19.cloned.1.call-start
scs
__scs_entry_jumppad:
0x0: {  	(pc) =	sbr.rel $0x88, $3  }
0x1: {  	(tag) =	ssettag $0x0;
	lr =	simm.s32 $0x1  }
0x2: {  	[smem:$0x3F86] =	sst lr;
	_ =	strace $0xD0000000  }
0x3: {  	_ = 	snop  }
0x4: {  	_ = 	snop  }
0x5: {  	_ = 	snop  }
0x6: {  	_ = 	snop  }
0x7: {  	_ = 	snop  }
__scs_overlays_trampoline_lowered:
0x8: {  	[smem:$0x3F95] =	sst s0  }
0x9: {  	[smem:$0x3F96] =	sst s1  }
0xa: {  	[smem:$0x3F97] =	sst s2  }
0xb: {  	[smem:$0x3F98] =	sst s3  }
0xc: {  	[smem:$0x3F99] =	sst s4  }
0xd: {  	[smem:$0x3F9A] =	sst s5  }
0xe: {  	[smem:$0x3F9B] =	sst s6  }
0xf: {  	[smem:$0x3F9C] =	sst s7  }
0x10: {  	[smem:$0x3F9D] =	sst s8  }
0x11: {  	[smem:$0x3F9E] =	sst s9;
	s0 =	simm.s32 @!p0 $0x0  }
0x12: {  	s1 =	sld [smem:$0x3F84];
	s0 =	simm.s32 @p0 $0x1  }
0x13: {  	[smem:$0x3F9F] =	sst s0;
	s0 =	simm.s32 @!p1 $0x0  }
0x14: {  	s2 =	sld [smem:$0x3F83];
	s0 =	simm.s32 @p1 $0x1  }
0x15: {  	[smem:$0x3FA0] =	sst s0;
	s0 =	simm.s32 @!p2 $0x0  }
0x16: {  	s3 =	sld [smem:$0x3FDB];
	s0 =	simm.s32 @p2 $0x1  }
0x17: {  	s4 =	simm.s32 $0x1BF5;
	[smem:$0x3FA2] =	sst s0  }
0x18: {  	s0 =	sld [smem:$0x3F85];
	_ =	swait.ge [sflag:s4], $0x0  }
0x19: {  	s7 =	sld [smem:$0x3F86]  }
0x1a: {  	s8 =	sadd.s32 $0xFFFFE003, lr  }
0x1b: {  	s9 =	sadd.s32 $0xFFFFFEF7, lr;
	s5 =	simm.s32 $0xFFFFFFFF;
	p2 =	slt.u32 s8, $0xFFFFF086  }
0x1c: {  	p1 =	slt.u32 s9, $0xF7A;
	s5 =	simm.s32 @!p2 $0x0  }
0x1d: {  	s5 =	simm.s32 @p1 $0x1;
	p0 =	seq.s32 s7, s2  }
0x1e: {  	s7 =	smul.u32 @!p0 $0xF7A, s2;
	p2 =	seq.s32 @!p0 s5, $0x0  }
0x1f: {  	s9 =	smul.u32 $0xF7A, s1;
	s8 =	simm.s32 @!p0 $0x1BF5;
	p2 =	por !p2, p0  }
0x20: {  	[sflag:s8] =	ssyncset.s32 @!p0 $0xFFFFF086;
	s6 =	sadd.s32 @!p0 s3, s7;
	s7 =	simm.s32 @!p0 $0x108  }
0x21: {  	s3 =	sadd.s32 s3, s9;
	s6 =	sadd.s32 @!p0 $0x88, s6;
	s7 =	simm.s32 @p2 $0x1082  }
0x22: {  	[simem:s7], [sflag:s8] =	dma.local @!p0 [hbm:s6], $0xF7A  }
0x23: {  	s9 =	sor.u32 $0xD0000000, s2;
	s6 =	simm.s32 $0x108;
	_ =	swait.ge @!p0 [sflag:s8], $0x0  }
0x24: {  	s3 =	sadd.s32 $0x88, s3;
	s6 =	simm.s32 @!p1 $0x1082;
	[sflag:s4] =	ssyncset.s32 $0xFFFFF086  }
0x25: {  	[simem:s6], [sflag:s4] =	dma.local [hbm:s3], $0xF7A  }
0x26: {  	[smem:$0x3F86] =	sst s1;
	(tag) =	ssettag s2;
	_ =	strace s9  }
0x27: {  	s1 =	sld [smem:$0x3F96]  }
0x28: {  	s2 =	sld [smem:$0x3F97]  }
0x29: {  	s4 =	sld [smem:$0x3F99]  }
0x2a: {  	p0 =	seq.s32 s5, $0x0;
	s5 =	sld [smem:$0x3F9A]  }
0x2b: {  	s6 =	sld [smem:$0x3F9B]  }
0x2c: {  	s7 =	sld [smem:$0x3F9C]  }
0x2d: {  	s3 =	simm.s32 $0x108;
	s8 =	sld [smem:$0x3F9D]  }
0x2e: {  	s3 =	simm.s32 @!p0 $0x1082;
	s9 =	sld [smem:$0x3F9E]  }
0x2f: {  	lr =	sadd.s32 s0, s3;
	s0 =	sld [smem:$0x3F95]  }
0x30: {  	s3 =	sld [smem:$0x3F98]  }
0x31: {  	[smem:$0x3FA1] =	sst s10  }
0x32: {  	s10 =	sld [smem:$0x3F9F];
	_ =	sdelay $0x3  }
0x33: {  	p0 =	seq.s32 s10, $0x1;
	s10 =	sld [smem:$0x3FA1];
	_ =	sdelay $0x3  }
0x34: {  	[smem:$0x3FA1] =	sst s10  }
0x35: {  	s10 =	sld [smem:$0x3FA0];
	_ =	sdelay $0x3  }
0x36: {  	p1 =	seq.s32 s10, $0x1;
	s10 =	sld [smem:$0x3FA1];
	_ =	sdelay $0x3  }
0x37: {  	[smem:$0x3FA1] =	sst s10  }
0x38: {  	s10 =	sld [smem:$0x3FA2]  }
0x39: {  	_ = 	snop;
	(pc) =	sbr.ind lr, $3  }
0x3a: {  	_ = 	snop  }
0x3b: {  	_ = 	snop  }
0x3c: {  	p2 =	seq.s32 s10, $0x1;
	s10 =	sld [smem:$0x3FA1]  }
0x3d: {  	_ =	shalt  }
0x3e: {  	_ =	shalt  }
0x3f: {  	_ =	shalt  }
0x40: {  	_ =	shalt  }
0x41: {  	_ =	shalt  }
0x42: {  	_ =	shalt  }
0x43: {  	_ =	shalt  }
0x44: {  	_ =	shalt  }
0x45: {  	_ =	shalt  }
0x46: {  	_ =	shalt  }
0x47: {  	_ =	shalt  }
0x48: {  	_ =	shalt  }
0x49: {  	_ =	shalt  }
0x4a: {  	_ =	shalt  }
0x4b: {  	_ =	shalt  }
0x4c: {  	_ =	shalt  }
0x4d: {  	_ =	shalt  }
0x4e: {  	_ =	shalt  }
0x4f: {  	_ =	shalt  }
0x50: {  	_ =	shalt  }
0x51: {  	_ =	shalt  }
0x52: {  	_ =	shalt  }
0x53: {  	_ =	shalt  }
0x54: {  	_ =	shalt  }
0x55: {  	_ =	shalt  }
0x56: {  	_ =	shalt  }
0x57: {  	_ =	shalt  }
0x58: {  	_ =	shalt  }
0x59: {  	_ =	shalt  }
0x5a: {  	_ =	shalt  }
0x5b: {  	_ =	shalt  }
0x5c: {  	_ =	shalt  }
0x5d: {  	_ =	shalt  }
0x5e: {  	_ =	shalt  }
0x5f: {  	_ =	shalt  }
0x60: {  	_ =	shalt  }
0x61: {  	_ =	shalt  }
0x62: {  	_ =	shalt  }
0x63: {  	_ =	shalt  }
0x64: {  	_ =	shalt  }
0x65: {  	_ =	shalt  }
0x66: {  	_ =	shalt  }
0x67: {  	_ =	shalt  }
0x68: {  	_ =	shalt  }
0x69: {  	_ =	shalt  }
0x6a: {  	_ =	shalt  }
0x6b: {  	_ =	shalt  }
0x6c: {  	_ =	shalt  }
0x6d: {  	_ =	shalt  }
0x6e: {  	_ =	shalt  }
0x6f: {  	_ =	shalt  }
0x70: {  	_ =	shalt  }
0x71: {  	_ =	shalt  }
0x72: {  	_ =	shalt  }
0x73: {  	_ =	shalt  }
0x74: {  	_ =	shalt  }
0x75: {  	_ =	shalt  }
0x76: {  	_ =	shalt  }
0x77: {  	_ =	shalt  }
0x78: {  	_ =	shalt  }
0x79: {  	_ =	shalt  }
0x7a: {  	_ =	shalt  }
0x7b: {  	_ =	shalt  }
0x7c: {  	_ =	shalt  }
0x7d: {  	_ =	shalt  }
0x7e: {  	_ =	shalt  }
0x7f: {  	_ =	shalt  }
0x80: {  	_ =	shalt  }
0x81: {  	_ =	shalt  }
0x82: {  	_ =	shalt  }
0x83: {  	_ =	shalt  }
0x84: {  	_ =	shalt  }
0x85: {  	_ =	shalt  }
0x86: {  	_ =	shalt  }
0x87: {  	_ =	shalt  }
.Lfunc_end0:
.L_simem_size_0:
called_computation.2_lowered:
.L_overlay_start_0:
0x88: {  	s2 =	sld [smem:$0x3FD9]  }
0x89: {  	s3 =	sld [smem:$0x3FFE];
	_ =	sdelay $0x1  }
0x8a: {  	s1 =	srdreg.scid  }
0x8b: {  	s0 =	sand.u32 $0x1, s1  }
0x8c: {  	s16 =	sshll.u32 s0, $0xA;
	s2 =	sadd.s32 s3, s2  }
0x8d: {  	s2 =	sadd.s32 s2, s16  }
0x8e: {  	[smem:$0x3FAD] =	sst s2  }
0x8f: {  	_ = 	snop  }
0x90: {  	(tm) =	ssettm $0x1  }
0x91: {  	s17 =	sld [smem:$0x3FFB];
	_ =	sdelay $0x3  }
0x92: {  	_ =	strace s17  }
0x93: {  	s2 =	sld [smem:$0x3FFC];
	_ =	sdelay $0x3  }
0x94: {  	_ =	strace s2  }
0x95: {  	s2 =	sld [smem:$0x3FFD];
	_ =	sdelay $0x3  }
0x96: {  	_ =	strace s2  }
0x97: {  	_ =	strace $0x8FFFFFFF  }
0x98: {  	s18 =	sld [smem:$0x3FDB];
	_ =	sdelay $0x1  }
0x99: {  	s19 =	simm.s32 $_scs_section_size  }
0x9a: {  	s4 =	simm.s32 $_size__tile_overlayer_lowered;
	s5 =	simm.s32 $_tile_overlayer_lowered  }
0x9b: {  	s22 =	simm.s32 $0x1BFF;
	s21 =	sshll.u32 s5, $0x1;
	s2 =	sadd.s32 s19, s18  }
0x9c: {  	s6 =	simm.s32 $0x0;
	s20 =	sshll.u32 s4, $0x1;
	s4 =	sadd.s32 s21, s2  }
0x9d: {  	[timem:s6], [sflag:s22] =	dma.local [hbm:s4], s20  }
0x9e: {  	_ =	swait.ge [sflag:s22], s20  }
0x9f: {  	s3 =	ssub.s32 $0x0, s20;
	[sflag:s22] =	ssyncset.done $0x0  }
0xa0: {  	[sflag:s22] =	ssyncadd.s32 s3;
	_ =	sdelay $0x1  }
0xa1: {  	s23 =	simm.s32 $0x1B8B  }
0xa2: {  	_ =	swait.ge [sflag:s23], $0x1  }
0xa3: {  	[sflag:s23] =	ssyncset.done $0x0  }
0xa4: {  	s25 =	simm.s32 $0x1B8E;
	s24 =	sld [smem:$0x3FFE];
	[sflag:s23] =	ssyncadd.s32 $0xFFFFFFFF  }
0xa5: {  	s26 =	simm.s32 $execute0_lowered;
	[smem:$0x3FD2] =	sst s25  }
0xa6: {  	s4 =	sshll.u32 s26, $0x1;
	_ =	strace $0x8000004C;
	[dreg:$0x1] =	wrdreg $0xFFFFFFFF  }
0xa7: {  	s28 =	simm.s32 $_size_execute0_lowered;
	s2 =	sadd.s32 s2, s4;
	[dreg:$0x0] =	wrdreg $0x0  }
0xa8: {  	s4 =	sshll.u32 s28, $0x1;
	[dreg:$0x2] =	wrdreg s2  }
0xa9: {  	[dreg:$0x3] =	wrdreg s4  }
0xaa: {  	[dreg:$0x4] =	wrdreg $0xC0  }
0xab: {  	_ =	task [dreg:s6], $0x5FFFF  }
0xac: {  	[dreg:$0x1] =	wrdreg $0xFFFFFFFF  }
0xad: {  	[dreg:$0x0] =	wrdreg $0x60  }
0xae: {  	[dreg:$0x2] =	wrdreg s24  }
0xaf: {  	[dreg:$0x3] =	wrdreg $0x28000  }
0xb0: {  	[dreg:$0x4] =	wrdreg $0x0  }
0xb1: {  	[dreg:$0x5] =	wrdreg $0x9  }
0xb2: {  	_ =	task.clear_ibuf [dreg:s6], $0x6FFFF;
	_ =	strace $0x9000004C  }
0xb3: {  	s29 =	simm.s32 $0x9;
	_ =	strace $0x8000004E  }
0xb4: {  	_ =	swait.ge [sflag:s29], $0x1  }
0xb5: {  	[sflag:s29] =	ssyncadd.s32 $0xFFFFFFFF  }
0xb6: {  	_ =	strace $0x9000004E  }
0xb7: {  	_ =	sfence  }
0xb8: {  	s30 =	sld [smem:$0x0];
	_ =	sdelay $0x2  }
0xb9: {  	s31 =	sshll.u32 s1, $0xD;
	s1 =	sshrl.u32 s1, $0x2  }
0xba: {  	s3 =	sand.u32 $0x4000, s31;
	s1 =	sadd.s32 s1, s30  }
0xbb: {  	s0 =	sor.u32 s3, s0;
	s1 =	sshll.u32 s1, $0x11  }
0xbc: {  	s0 =	sor.u32 s1, s0  }
0xbd: {  	s0 =	sadd.s32 $0x8F2B, s0  }
0xbe: {  	[sflag:s0] =	ssyncadd.remote.s32 $0x1  }
0xbf: {  	_ =	sfence.sel $0xFFFF  }
0xc0: {  	[dreg:$0x0] =	wrdreg $0xFFFFFFFF;
	(pc) =	sbr.abs _section_cstart, $3  }
0xc1: {  	[dreg:$0x1] =	wrdreg $0xFFFFFFFF  }
0xc2: {  	_ =	task.clear_ibuf [dreg:s6], $0x2FFFF;
	_ =	strace $0x9FFFFFFF  }
0xc3: {  	(tm) =	ssettm $0x7FFFFFFF  }
tec
execute0_lowered:
.L_overlay_start_1:
0x0: {  	(tag) =	ssettag $0x1  }
0x1: {  	s0 =	srdreg.scid;
	s6 =	rddreg [dreg:$0x0]  }
0x2: {  	s4 =	stileid.u32;
	s2 =	rddreg [dreg:$0x1]  }
0x3: {  	s3 =	rddreg [dreg:$0x2];
	s28 =	simm.s32 $0x0;
	s20 =	simm.s32 $0x1  }
0x4: {  	s21 =	simm.s32 $0x2;
	s22 =	simm.s32 $0x3;
	s30 =	simm.s32 $0x5200  }
0x5: {  	s31 =	simm.s32 $0xC000;
	s19 =	simm.s32 $0x0;
	s0 =	sand.u32 $0x1, s0  }
0x6: {  	[smem:$0x7FF] =	sst s28;
	s9 =	smul.u32 $0x2800, s4;
	s29 =	sshll.u32 s4, $0x6  }
0x7: {  	s1 =	sshll.u32 s0, $0x4;
	_ =	strace $0x8000004D;
	s10 =	smul.u32 $0x28000, s0  }
0x8: {  	s0 =	ssub.s32 $0x2, s0;
	s16 =	sor.u32 $0x1C02, s29;
	s1 =	sor.u32 s4, s1  }
0x9: {  	s8 =	sshrl.u32 s9, $0x3;
	s24 =	sshrl.u32 s0, $0x1;
	s1 =	smul.u32 $0x271, s1  }
0xa: {  	s15 =	sadd.s32 s9, s2;
	s17 =	sadd.s32 s9, s3;
	s12 =	sadd.s32 s8, s6  }
0xb: {  	s10 =	sadd.s32 s9, s10;
	s0 =	ssub.s32 s0, s24;
	s5 =	sadd.s32 $0x271, s1  }
0xc: {  	s18 =	sshrl.u32 s15, $0x3;
	s1 =	sshrl.u32 s1, $0x5;
	s5 =	sshrl.u32 s5, $0x5  }
0xd: {  	s17 =	sshrl.u32 s17, $0x3;
	s24 =	simm.s32 $0x200;
	s5 =	ssub.s32 s5, s1  }
0xe: {  	s15 =	simm.s32 $0xA000;
	s10 =	sshrl.u32 s10, $0x3;
	s7 =	sadd.s32 $0xFFFFFFFF, s5  }
0xf: {  	s4 =	sadd.s32 $0x1A400, s12;
	s9 =	smax.u32 s0, $0x1;
	s11 =	sshll.u32 s7, $0x10  }
0x10: {  	s0 =	simm.s32 $0x9;
	s13 =	sadd.s32 s10, s6;
	s23 =	sshra.s32 s11, $0x1F  }
0x11: {  	s14 =	sadd.s32 $0x24400, s13;
	s1 =	sshll.u32 s1, $0x6;
	s8 =	sand.u32 $0x3, s23  }
0x12: {  	s13 =	simm.s32 $0x7800;
	s1 =	sadd.s32 s1, s6;
	s8 =	sadd.s32 s8, s7  }
.Ltmp0:
0x13: {  	p0 =	slt.s32 s5, $0x1;
	s8 =	sand.u32 $0xFFFC, s8;
	(pc) =	sbr.rel .LBB2_1-.Ltmp0, $4  }
0x14: {  	s6 =	sadd.s32 $0x10640, s1;
	p1 =	seq.s32 @!p0 s5, $0x1;
	s25 =	ssub.s32 s7, s8  }
0x15: {  	s11 =	sadd.s32 $0x6A00, s1;
	p1 =	por p0, p1;
	s10 =	sshll.u32 s25, $0x10  }
0x16: {  	s23 =	simm.s32 $0x4;
	s7 =	sor.u32 $0x1C01, s29;
	s26 =	sshra.s32 s10, $0x10  }
0x17: {  	s8 =	sadd.s32 $0x1F400, s12;
	s10 =	simm.s32 $0x5000;
	s12 =	sadd.s32 $0x5, s26  }
.LBB2_4:
0x18: {  	[sflag:s31] =	ssyncset.done $0x0  }
0x19: {  	s28 =	simm.s32 $0x0;
	s4 =	smov.u32 s8;
	s7 =	smov.u32 s9  }
0x1a: {  	s8 =	smov.u32 s10;
	s29 =	smov.u32 s13;
	s9 =	smov.u32 s15  }
0x1b: {  	s10 =	simm.s32 $0x5000;
	s13 =	simm.s32 $0x7800;
	[sflag:s31] =	ssyncadd.s32 $0xFFFFE000  }
0x1c: {  	[spmem:s3] =	stream.indirect.scatter.add.f32 [tilespmem:s1], [sflag:s30], $0x10, s25, s24, $0xb8;
	[tilespmem:$0x12000] =	vst v63  }
0x1d: {  	s15 =	simm.s32 $0xA000;
	s31 =	simm.s32 $0xC000;
	s30 =	simm.s32 $0x5200  }
.LBB2_5:
0x1e: {  	_ =	swait.ge [sflag:s12], $0x2000  }
0x1f: {  	s19 =	sadd.s32 $0x1, s19;
	[sflag:s12] =	ssyncset.done $0x0  }
0x20: {  	p2 =	sne.s32 s19, s9;
	[sflag:s12] =	ssyncadd.s32 $0xFFFFE000  }
.Ltmp1:
0x21: {  	s1 =	sor.u32 $0x1C09, s29;
	[bflag:$0x0] =	sbarrier.arrive $0xFFFF;
	(pc) =	sbr.rel @!p2 .LBB2_6-.Ltmp1, $4  }
0x22: {  	[hbm:s14], [sflag:s1] =	dma.local [spmem:s17], $0x500  }
0x23: {  	_ =	swait.ge [sflag:s0], $0x500  }
0x24: {  	[sflag:s0] =	ssyncset.done $0x0  }
0x25: {  	[sflag:s0] =	ssyncadd.s32 $0xFFFFFB00  }
.LBB2_1:
0x26: {  	[spmem:s18], [sflag:s7] =	dma.local [hbm:s4], $0x500  }
0x27: {  	[spmem:s17], [sflag:s16] =	dma.local [hbm:s8], $0x500  }
0x28: {  	[tilespmem:s10], [sflag:$0x3] =	stream.linear.gather [hbm4b:s11+s28], $0x2800, $0x38;
	[tilespmem:$0x12000] =	vst v63  }
0x29: {  	_ = 	snop  }
0x2a: {  	[tilespmem:s13], [sflag:$0x4] =	stream.linear.gather [hbm4b:s6+s28], $0x2800, $0x38;
	[tilespmem:$0x12000] =	vst v63  }
0x2b: {  	_ =	swait.ge [sflag:s20], $0x500  }
0x2c: {  	[sflag:s20] =	ssyncset.done $0x0  }
0x2d: {  	[sflag:s20] =	ssyncadd.s32 $0xFFFFFB00  }
0x2e: {  	_ =	swait.ge [sflag:s21], $0x500  }
0x2f: {  	[sflag:s21] =	ssyncset.done $0x0  }
0x30: {  	[sflag:s21] =	ssyncadd.s32 $0xFFFFFB00  }
0x31: {  	_ =	swait.ge [sflag:s22], $0x2800  }
0x32: {  	[sflag:s22] =	ssyncset.done $0x0  }
0x33: {  	[sflag:s22] =	ssyncadd.s32 $0xFFFFD800  }
0x34: {  	_ =	swait.ge [sflag:s23], $0x2800  }
0x35: {  	[sflag:s23] =	ssyncset.done $0x0  }
0x36: {  	[sflag:s23] =	ssyncadd.s32 $0xFFFFD800  }
0x37: {  	[bflag:$0x0] =	sbarrier.arrive $0xFFFF  }
0x38: {  	[tilespmem:s15], [sflag:$0x1] =	stream.indirect.gather [spmem:s2], $0x10, s10, s24, $0xb8;
	[tilespmem:$0x12000] =	vst v63  }
0x39: {  	_ = 	snop  }
0x3a: {  	[tilespmem:s31], [sflag:$0x2] =	stream.indirect.gather [spmem:s2], $0x10, s30, s24, $0xb8;
	[tilespmem:$0x12000] =	vst v63  }
0x3b: {  	s1 =	simm.s32 $0x5400;
	s25 =	simm.s32 $0xE000  }
0x3c: {  	[tilespmem:s25], [sflag:$0x3] =	stream.indirect.gather [spmem:s2], $0x10, s1, s24, $0xb8;
	[tilespmem:$0x12000] =	vst v63  }
0x3d: {  	s26 =	simm.s32 $0x10000;
	s25 =	simm.s32 $0x5600  }
0x3e: {  	[tilespmem:s26], [sflag:$0x4] =	stream.indirect.gather [spmem:s2], $0x10, s25, s24, $0xb8;
	[tilespmem:$0x12000] =	vst v63  }
.Ltmp2:
0x3f: {  	s1 =	simm.s32 @!p0 $0x1;
	(pc) =	sbr.rel @p1 .LBB2_5-.Ltmp2, $4  }
0x40: {  	_ =	swait.ge @!p0 [sflag:s1], $0x2000  }
0x41: {  	s25 =	simm.s32 @!p0 $0x7800;
	[sflag:s1] =	ssyncset.done @!p0 $0x0  }
0x42: {  	s26 =	simm.s32 @!p0 $0xA000;
	[sflag:s1] =	ssyncadd.s32 @!p0 $0xFFFFE000;
	s1 =	simm.s32 @!p0 $0x200  }
0x43: {  	[spmem:s3] =	stream.indirect.scatter.add.f32 @!p0 [tilespmem:s26], [sflag:$0x5], $0x10, s25, s1, $0xb8;
	[tilespmem:$0x12000] =	vst v63  }
0x44: {  	s1 =	simm.s32 @!p0 $0x4  }
0x45: {  	s1 =	sand.u32 $0x3, s1  }
0x46: {  	s13 =	smov.u32 s29;
	s26 =	sadd.s32 $0x5, s1  }
0x47: {  	s25 =	simm.s32 @!p0 $0x5800;
	p2 =	sle.s32 s5, $0x4;
	_ =	swait.ge [sflag:s26], $0x2000  }
0x48: {  	s30 =	simm.s32 @!p2 $0x200;
	s29 =	sshll.u32 @!p2 s1, $0xD;
	[sflag:s26] =	ssyncset.done $0x0  }
0x49: {  	s1 =	sadd.s32 @!p2 $0x1, s1;
	[sflag:s26] =	ssyncadd.s32 $0xFFFFE000;
	s26 =	sadd.s32 @!p2 $0xA000, s29  }
0x4a: {  	[tilespmem:s26], [sflag:s1] =	stream.indirect.gather @!p2 [spmem:s2], $0x10, s25, s30, $0xb8;
	[tilespmem:$0x12000] =	vst v63  }
0x4b: {  	s15 =	smov.u32 s9;
	p2 =	sgt.s32 s5, $0x2  }
.Ltmp3:
0x4c: {  	s10 =	smov.u32 s8;
	s28 =	simm.s32 $0x1;
	(pc) =	sbr.rel @!p2 .LBB2_4-.Ltmp3, $4  }
0x4d: {  	s9 =	smov.u32 s7;
	s8 =	smov.u32 s4;
	s7 =	sand.u32 $0x3, s28  }
0x4e: {  	s28 =	sshll.u32 s7, $0xD;
	s31 =	sadd.s32 $0x1, s7;
	s29 =	simm.s32 @!p0 $0x7A00  }
0x4f: {  	s25 =	simm.s32 @!p0 $0x7A00;
	s26 =	simm.s32 $0x5A00;
	s30 =	sadd.s32 $0x5, s7  }
0x50: {  	s1 =	sadd.s32 $0xA000, s28;
	s28 =	simm.s32 $0x5;
	_ =	swait.ge [sflag:s31], $0x2000  }
.LBB2_3:
0x51: {  	s4 =	sadd.s32 $0xFFFFFFFE, s28;
	[sflag:s31] =	ssyncset.done $0x0;
	s29 =	sadd.s32 $0x200, s29  }
0x52: {  	p2 =	slt.s32 s4, s5;
	[sflag:s31] =	ssyncadd.s32 $0xFFFFE000  }
0x53: {  	[spmem:s3] =	stream.indirect.scatter.add.f32 [tilespmem:s1], [sflag:s30], $0x10, s25, s24, $0xb8;
	[tilespmem:$0x12000] =	vst v63  }
0x54: {  	s1 =	sand.u32 $0x3, s28;
	s25 =	smov.u32 s29  }
0x55: {  	p3 =	sge.s32 s28, s5;
	s4 =	sadd.s32 $0x5, s1  }
0x56: {  	s7 =	simm.s32 @!p3 $0x200;
	s30 =	sadd.s32 $0xFFFFFFFD, s28;
	_ =	swait.ge [sflag:s4], $0x2000  }
0x57: {  	s31 =	sshll.u32 @!p3 s1, $0xD;
	s1 =	sadd.s32 @!p3 $0x1, s1;
	[sflag:s4] =	ssyncset.done $0x0  }
.Ltmp4:
0x58: {  	[sflag:s4] =	ssyncadd.s32 $0xFFFFE000;
	s4 =	sadd.s32 @!p3 $0xA000, s31;
	(pc) =	sbr.rel @p2 .LBB2_3-.Ltmp4, $4  }
0x59: {  	[tilespmem:s4], [sflag:s1] =	stream.indirect.gather @!p3 [spmem:s2], $0x10, s26, s7, $0xb8;
	[tilespmem:$0x12000] =	vst v63  }
0x5a: {  	s1 =	sand.u32 $0x3, s30;
	s26 =	sadd.s32 $0x200, s26  }
0x5b: {  	s4 =	sshll.u32 s1, $0xD;
	s31 =	sadd.s32 $0x1, s1;
	s30 =	sadd.s32 $0x5, s1  }
0x5c: {  	s28 =	sadd.s32 $0x1, s28;
	s1 =	sadd.s32 $0xA000, s4;
	_ =	swait.ge [sflag:s31], $0x2000  }
.Ltmp5:
0x5d: {  	_ = 	snop;
	(pc) =	sbr.rel .LBB2_4-.Ltmp5, $1  }
0x5e: {  	_ =	sdelay $0x3  }
.LBB2_6:
0x5f: {  	_ =	sfence.sel $0x180000  }
0x60: {  	[bflag:$0x0] =	sbarrier.arrive $0xFFFF  }
0x61: {  	_ =	strace $0x9000004D  }
0x62: {  	s0 =	stileid.u32;
	[bflag:$0x2] =	sbarrier.arrive $0xFFFF  }
0x63: {  	p0 =	sne.s32 s0, $0x0;
	s0 =	rddreg [dreg:$0x3]  }
0x64: {  	s0 =	sadd.s32 @!p0 $0x100000, s0  }
0x65: {  	[sflag:s0] =	ssyncadd.tile.s32 @!p0 $0x1;
	_ =	shalt  }
.Lfunc_end2:
_tile_overlayer_lowered:
.L_overlay_start_2:
0x66: {  	(tag) =	ssettag $0x2  }
0x67: {  	s0 =	rddreg [dreg:$0x0];
	s2 =	stileid.u32  }
0x68: {  	s1 =	rddreg [dreg:$0x1];
	p0 =	sne.s32 s2, $0x0  }
0x69: {  	s3 =	rddreg [dreg:$0x2];
	[bflag:$0x3] =	sbarrier.arrive $0xFFFF;
	s2 =	simm.s32 @!p0 $0x1C09  }
0x6a: {  	[timem:s3], [sflag:s2] =	dma.local @!p0 [hbm:s0], s1  }
0x6b: {  	s0 =	simm.s32 @!p0 $0x9  }
0x6c: {  	_ =	swait.ge @!p0 [sflag:s0], s1  }
0x6d: {  	s1 =	ssub.s32 @!p0 $0x0, s1;
	[sflag:s0] =	ssyncset.done @!p0 $0x0  }
0x6e: {  	[sflag:s0] =	ssyncadd.s32 @!p0 s1  }
0x6f: {  	[bflag:$0x3] =	sbarrier.arrive $0xFFFF  }
0x70: {  	_ =	shalt  }

// kernel: kernel.22.cloned.1.call-start
scs
__scs_entry_jumppad:
0x0: {  	(pc) =	sbr.rel $0x88, $3  }
0x1: {  	(tag) =	ssettag $0x0;
	lr =	simm.s32 $0x1  }
0x2: {  	[smem:$0x3F86] =	sst lr;
	_ =	strace $0xD0000000  }
0x3: {  	_ = 	snop  }
0x4: {  	_ = 	snop  }
0x5: {  	_ = 	snop  }
0x6: {  	_ = 	snop  }
0x7: {  	_ = 	snop  }
__scs_overlays_trampoline_lowered:
0x8: {  	[smem:$0x3F95] =	sst s0  }
0x9: {  	[smem:$0x3F96] =	sst s1  }
0xa: {  	[smem:$0x3F97] =	sst s2  }
0xb: {  	[smem:$0x3F98] =	sst s3  }
0xc: {  	[smem:$0x3F99] =	sst s4  }
0xd: {  	[smem:$0x3F9A] =	sst s5  }
0xe: {  	[smem:$0x3F9B] =	sst s6  }
0xf: {  	[smem:$0x3F9C] =	sst s7  }
0x10: {  	[smem:$0x3F9D] =	sst s8  }
0x11: {  	[smem:$0x3F9E] =	sst s9;
	s0 =	simm.s32 @!p0 $0x0  }
0x12: {  	s1 =	sld [smem:$0x3F84];
	s0 =	simm.s32 @p0 $0x1  }
0x13: {  	[smem:$0x3F9F] =	sst s0;
	s0 =	simm.s32 @!p1 $0x0  }
0x14: {  	s2 =	sld [smem:$0x3F83];
	s0 =	simm.s32 @p1 $0x1  }
0x15: {  	[smem:$0x3FA0] =	sst s0;
	s0 =	simm.s32 @!p2 $0x0  }
0x16: {  	s3 =	sld [smem:$0x3FDB];
	s0 =	simm.s32 @p2 $0x1  }
0x17: {  	s4 =	simm.s32 $0x1BF5;
	[smem:$0x3FA2] =	sst s0  }
0x18: {  	s0 =	sld [smem:$0x3F85];
	_ =	swait.ge [sflag:s4], $0x0  }
0x19: {  	s7 =	sld [smem:$0x3F86]  }
0x1a: {  	s8 =	sadd.s32 $0xFFFFE003, lr  }
0x1b: {  	s9 =	sadd.s32 $0xFFFFFEF7, lr;
	s5 =	simm.s32 $0xFFFFFFFF;
	p2 =	slt.u32 s8, $0xFFFFF086  }
0x1c: {  	p1 =	slt.u32 s9, $0xF7A;
	s5 =	simm.s32 @!p2 $0x0  }
0x1d: {  	s5 =	simm.s32 @p1 $0x1;
	p0 =	seq.s32 s7, s2  }
0x1e: {  	s7 =	smul.u32 @!p0 $0xF7A, s2;
	p2 =	seq.s32 @!p0 s5, $0x0  }
0x1f: {  	s9 =	smul.u32 $0xF7A, s1;
	s8 =	simm.s32 @!p0 $0x1BF5;
	p2 =	por !p2, p0  }
0x20: {  	[sflag:s8] =	ssyncset.s32 @!p0 $0xFFFFF086;
	s6 =	sadd.s32 @!p0 s3, s7;
	s7 =	simm.s32 @!p0 $0x108  }
0x21: {  	s3 =	sadd.s32 s3, s9;
	s6 =	sadd.s32 @!p0 $0x88, s6;
	s7 =	simm.s32 @p2 $0x1082  }
0x22: {  	[simem:s7], [sflag:s8] =	dma.local @!p0 [hbm:s6], $0xF7A  }
0x23: {  	s9 =	sor.u32 $0xD0000000, s2;
	s6 =	simm.s32 $0x108;
	_ =	swait.ge @!p0 [sflag:s8], $0x0  }
0x24: {  	s3 =	sadd.s32 $0x88, s3;
	s6 =	simm.s32 @!p1 $0x1082;
	[sflag:s4] =	ssyncset.s32 $0xFFFFF086  }
0x25: {  	[simem:s6], [sflag:s4] =	dma.local [hbm:s3], $0xF7A  }
0x26: {  	[smem:$0x3F86] =	sst s1;
	(tag) =	ssettag s2;
	_ =	strace s9  }
0x27: {  	s1 =	sld [smem:$0x3F96]  }
0x28: {  	s2 =	sld [smem:$0x3F97]  }
0x29: {  	s4 =	sld [smem:$0x3F99]  }
0x2a: {  	p0 =	seq.s32 s5, $0x0;
	s5 =	sld [smem:$0x3F9A]  }
0x2b: {  	s6 =	sld [smem:$0x3F9B]  }
0x2c: {  	s7 =	sld [smem:$0x3F9C]  }
0x2d: {  	s3 =	simm.s32 $0x108;
	s8 =	sld [smem:$0x3F9D]  }
0x2e: {  	s3 =	simm.s32 @!p0 $0x1082;
	s9 =	sld [smem:$0x3F9E]  }
0x2f: {  	lr =	sadd.s32 s0, s3;
	s0 =	sld [smem:$0x3F95]  }
0x30: {  	s3 =	sld [smem:$0x3F98]  }
0x31: {  	[smem:$0x3FA1] =	sst s10  }
0x32: {  	s10 =	sld [smem:$0x3F9F];
	_ =	sdelay $0x3  }
0x33: {  	p0 =	seq.s32 s10, $0x1;
	s10 =	sld [smem:$0x3FA1];
	_ =	sdelay $0x3  }
0x34: {  	[smem:$0x3FA1] =	sst s10  }
0x35: {  	s10 =	sld [smem:$0x3FA0];
	_ =	sdelay $0x3  }
0x36: {  	p1 =	seq.s32 s10, $0x1;
	s10 =	sld [smem:$0x3FA1];
	_ =	sdelay $0x3  }
0x37: {  	[smem:$0x3FA1] =	sst s10  }
0x38: {  	s10 =	sld [smem:$0x3FA2]  }
0x39: {  	_ = 	snop;
	(pc) =	sbr.ind lr, $3  }
0x3a: {  	_ = 	snop  }
0x3b: {  	_ = 	snop  }
0x3c: {  	p2 =	seq.s32 s10, $0x1;
	s10 =	sld [smem:$0x3FA1]  }
0x3d: {  	_ =	shalt  }
0x3e: {  	_ =	shalt  }
0x3f: {  	_ =	shalt  }
0x40: {  	_ =	shalt  }
0x41: {  	_ =	shalt  }
0x42: {  	_ =	shalt  }
0x43: {  	_ =	shalt  }
0x44: {  	_ =	shalt  }
0x45: {  	_ =	shalt  }
0x46: {  	_ =	shalt  }
0x47: {  	_ =	shalt  }
0x48: {  	_ =	shalt  }
0x49: {  	_ =	shalt  }
0x4a: {  	_ =	shalt  }
0x4b: {  	_ =	shalt  }
0x4c: {  	_ =	shalt  }
0x4d: {  	_ =	shalt  }
0x4e: {  	_ =	shalt  }
0x4f: {  	_ =	shalt  }
0x50: {  	_ =	shalt  }
0x51: {  	_ =	shalt  }
0x52: {  	_ =	shalt  }
0x53: {  	_ =	shalt  }
0x54: {  	_ =	shalt  }
0x55: {  	_ =	shalt  }
0x56: {  	_ =	shalt  }
0x57: {  	_ =	shalt  }
0x58: {  	_ =	shalt  }
0x59: {  	_ =	shalt  }
0x5a: {  	_ =	shalt  }
0x5b: {  	_ =	shalt  }
0x5c: {  	_ =	shalt  }
0x5d: {  	_ =	shalt  }
0x5e: {  	_ =	shalt  }
0x5f: {  	_ =	shalt  }
0x60: {  	_ =	shalt  }
0x61: {  	_ =	shalt  }
0x62: {  	_ =	shalt  }
0x63: {  	_ =	shalt  }
0x64: {  	_ =	shalt  }
0x65: {  	_ =	shalt  }
0x66: {  	_ =	shalt  }
0x67: {  	_ =	shalt  }
0x68: {  	_ =	shalt  }
0x69: {  	_ =	shalt  }
0x6a: {  	_ =	shalt  }
0x6b: {  	_ =	shalt  }
0x6c: {  	_ =	shalt  }
0x6d: {  	_ =	shalt  }
0x6e: {  	_ =	shalt  }
0x6f: {  	_ =	shalt  }
0x70: {  	_ =	shalt  }
0x71: {  	_ =	shalt  }
0x72: {  	_ =	shalt  }
0x73: {  	_ =	shalt  }
0x74: {  	_ =	shalt  }
0x75: {  	_ =	shalt  }
0x76: {  	_ =	shalt  }
0x77: {  	_ =	shalt  }
0x78: {  	_ =	shalt  }
0x79: {  	_ =	shalt  }
0x7a: {  	_ =	shalt  }
0x7b: {  	_ =	shalt  }
0x7c: {  	_ =	shalt  }
0x7d: {  	_ =	shalt  }
0x7e: {  	_ =	shalt  }
0x7f: {  	_ =	shalt  }
0x80: {  	_ =	shalt  }
0x81: {  	_ =	shalt  }
0x82: {  	_ =	shalt  }
0x83: {  	_ =	shalt  }
0x84: {  	_ =	shalt  }
0x85: {  	_ =	shalt  }
0x86: {  	_ =	shalt  }
0x87: {  	_ =	shalt  }
.Lfunc_end0:
.L_simem_size_0:
called_computation.3_lowered:
.L_overlay_start_0:
0x88: {  	s2 =	sld [smem:$0x3FD9]  }
0x89: {  	s3 =	sld [smem:$0x3FFE];
	_ =	sdelay $0x1  }
0x8a: {  	s1 =	srdreg.scid  }
0x8b: {  	s0 =	sand.u32 $0x1, s1  }
0x8c: {  	s16 =	sshll.u32 s0, $0xA;
	s2 =	sadd.s32 s3, s2  }
0x8d: {  	s2 =	sadd.s32 s2, s16  }
0x8e: {  	[smem:$0x3FAD] =	sst s2  }
0x8f: {  	_ = 	snop  }
0x90: {  	(tm) =	ssettm $0x1  }
0x91: {  	s17 =	sld [smem:$0x3FFB];
	_ =	sdelay $0x3  }
0x92: {  	_ =	strace s17  }
0x93: {  	s2 =	sld [smem:$0x3FFC];
	_ =	sdelay $0x3  }
0x94: {  	_ =	strace s2  }
0x95: {  	s2 =	sld [smem:$0x3FFD];
	_ =	sdelay $0x3  }
0x96: {  	_ =	strace s2  }
0x97: {  	_ =	strace $0x8FFFFFFF  }
0x98: {  	s18 =	sld [smem:$0x3FDB];
	_ =	sdelay $0x1  }
0x99: {  	s19 =	simm.s32 $_scs_section_size  }
0x9a: {  	s4 =	simm.s32 $_size__tile_overlayer_lowered;
	s5 =	simm.s32 $_tile_overlayer_lowered  }
0x9b: {  	s22 =	simm.s32 $0x1BFF;
	s21 =	sshll.u32 s5, $0x1;
	s2 =	sadd.s32 s19, s18  }
0x9c: {  	s6 =	simm.s32 $0x0;
	s20 =	sshll.u32 s4, $0x1;
	s4 =	sadd.s32 s21, s2  }
0x9d: {  	[timem:s6], [sflag:s22] =	dma.local [hbm:s4], s20  }
0x9e: {  	_ =	swait.ge [sflag:s22], s20  }
0x9f: {  	s3 =	ssub.s32 $0x0, s20;
	[sflag:s22] =	ssyncset.done $0x0  }
0xa0: {  	[sflag:s22] =	ssyncadd.s32 s3;
	_ =	sdelay $0x1  }
0xa1: {  	s23 =	simm.s32 $0x1B8B  }
0xa2: {  	_ =	swait.ge [sflag:s23], $0x1  }
0xa3: {  	[sflag:s23] =	ssyncset.done $0x0  }
0xa4: {  	s25 =	simm.s32 $0x1B8E;
	s24 =	sld [smem:$0x3FFE];
	[sflag:s23] =	ssyncadd.s32 $0xFFFFFFFF  }
0xa5: {  	s26 =	simm.s32 $execute0_lowered;
	[smem:$0x3FD2] =	sst s25  }
0xa6: {  	s4 =	sshll.u32 s26, $0x1;
	_ =	strace $0x8000004F;
	[dreg:$0x1] =	wrdreg $0xFFFFFFFF  }
0xa7: {  	s28 =	simm.s32 $_size_execute0_lowered;
	s2 =	sadd.s32 s2, s4;
	[dreg:$0x0] =	wrdreg $0x0  }
0xa8: {  	s4 =	sshll.u32 s28, $0x1;
	[dreg:$0x2] =	wrdreg s2  }
0xa9: {  	[dreg:$0x3] =	wrdreg s4  }
0xaa: {  	[dreg:$0x4] =	wrdreg $0xC0  }
0xab: {  	_ =	task [dreg:s6], $0x5FFFF  }
0xac: {  	[dreg:$0x1] =	wrdreg $0xFFFFFFFF  }
0xad: {  	[dreg:$0x0] =	wrdreg $0x60  }
0xae: {  	[dreg:$0x2] =	wrdreg s24  }
0xaf: {  	[dreg:$0x3] =	wrdreg $0x28000  }
0xb0: {  	[dreg:$0x4] =	wrdreg $0x0  }
0xb1: {  	[dreg:$0x5] =	wrdreg $0x9  }
0xb2: {  	_ =	task.clear_ibuf [dreg:s6], $0x6FFFF;
	_ =	strace $0x9000004F  }
0xb3: {  	s29 =	simm.s32 $0x9;
	_ =	strace $0x80000051  }
0xb4: {  	_ =	swait.ge [sflag:s29], $0x1  }
0xb5: {  	[sflag:s29] =	ssyncadd.s32 $0xFFFFFFFF  }
0xb6: {  	_ =	strace $0x90000051  }
0xb7: {  	_ =	sfence  }
0xb8: {  	s30 =	sld [smem:$0x0];
	_ =	sdelay $0x2  }
0xb9: {  	s31 =	sshll.u32 s1, $0xD;
	s1 =	sshrl.u32 s1, $0x2  }
0xba: {  	s3 =	sand.u32 $0x4000, s31;
	s1 =	sadd.s32 s1, s30  }
0xbb: {  	s0 =	sor.u32 s3, s0;
	s1 =	sshll.u32 s1, $0x11  }
0xbc: {  	s0 =	sor.u32 s1, s0  }
0xbd: {  	s0 =	sadd.s32 $0x8F2B, s0  }
0xbe: {  	[sflag:s0] =	ssyncadd.remote.s32 $0x1  }
0xbf: {  	_ =	sfence.sel $0xFFFF  }
0xc0: {  	[dreg:$0x0] =	wrdreg $0xFFFFFFFF;
	(pc) =	sbr.abs _section_cstart, $3  }
0xc1: {  	[dreg:$0x1] =	wrdreg $0xFFFFFFFF  }
0xc2: {  	_ =	task.clear_ibuf [dreg:s6], $0x2FFFF;
	_ =	strace $0x9FFFFFFF  }
0xc3: {  	(tm) =	ssettm $0x7FFFFFFF  }
tec
execute0_lowered:
.L_overlay_start_1:
0x0: {  	(tag) =	ssettag $0x1  }
0x1: {  	s0 =	srdreg.scid;
	s6 =	rddreg [dreg:$0x0]  }
0x2: {  	s4 =	stileid.u32;
	s2 =	rddreg [dreg:$0x1]  }
0x3: {  	s3 =	rddreg [dreg:$0x2];
	s28 =	simm.s32 $0x0;
	s20 =	simm.s32 $0x1  }
0x4: {  	s21 =	simm.s32 $0x2;
	s22 =	simm.s32 $0x3;
	s30 =	simm.s32 $0x5200  }
0x5: {  	s31 =	simm.s32 $0xC000;
	s19 =	simm.s32 $0x0;
	s0 =	sand.u32 $0x1, s0  }
0x6: {  	[smem:$0x7FF] =	sst s28;
	s9 =	smul.u32 $0x2800, s4;
	s29 =	sshll.u32 s4, $0x6  }
0x7: {  	s1 =	sshll.u32 s0, $0x4;
	_ =	strace $0x80000050;
	s10 =	smul.u32 $0x28000, s0  }
0x8: {  	s0 =	ssub.s32 $0x2, s0;
	s16 =	sor.u32 $0x1C02, s29;
	s1 =	sor.u32 s4, s1  }
0x9: {  	s8 =	sshrl.u32 s9, $0x3;
	s24 =	sshrl.u32 s0, $0x1;
	s1 =	smul.u32 $0x271, s1  }
0xa: {  	s15 =	sadd.s32 s9, s2;
	s17 =	sadd.s32 s9, s3;
	s12 =	sadd.s32 s8, s6  }
0xb: {  	s10 =	sadd.s32 s9, s10;
	s0 =	ssub.s32 s0, s24;
	s5 =	sadd.s32 $0x271, s1  }
0xc: {  	s18 =	sshrl.u32 s15, $0x3;
	s1 =	sshrl.u32 s1, $0x5;
	s5 =	sshrl.u32 s5, $0x5  }
0xd: {  	s17 =	sshrl.u32 s17, $0x3;
	s24 =	simm.s32 $0x200;
	s5 =	ssub.s32 s5, s1  }
0xe: {  	s15 =	simm.s32 $0xA000;
	s10 =	sshrl.u32 s10, $0x3;
	s7 =	sadd.s32 $0xFFFFFFFF, s5  }
0xf: {  	s4 =	sadd.s32 $0x1A400, s12;
	s9 =	smax.u32 s0, $0x1;
	s11 =	sshll.u32 s7, $0x10  }
0x10: {  	s0 =	simm.s32 $0x9;
	s13 =	sadd.s32 s10, s6;
	s23 =	sshra.s32 s11, $0x1F  }
0x11: {  	s14 =	sadd.s32 $0x24400, s13;
	s1 =	sshll.u32 s1, $0x6;
	s8 =	sand.u32 $0x3, s23  }
0x12: {  	s13 =	simm.s32 $0x7800;
	s1 =	sadd.s32 s1, s6;
	s8 =	sadd.s32 s8, s7  }
.Ltmp0:
0x13: {  	p0 =	slt.s32 s5, $0x1;
	s8 =	sand.u32 $0xFFFC, s8;
	(pc) =	sbr.rel .LBB2_1-.Ltmp0, $4  }
0x14: {  	s6 =	sadd.s32 $0x10640, s1;
	p1 =	seq.s32 @!p0 s5, $0x1;
	s25 =	ssub.s32 s7, s8  }
0x15: {  	s11 =	sadd.s32 $0x6A00, s1;
	p1 =	por p0, p1;
	s10 =	sshll.u32 s25, $0x10  }
0x16: {  	s23 =	simm.s32 $0x4;
	s7 =	sor.u32 $0x1C01, s29;
	s26 =	sshra.s32 s10, $0x10  }
0x17: {  	s8 =	sadd.s32 $0x1F400, s12;
	s10 =	simm.s32 $0x5000;
	s12 =	sadd.s32 $0x5, s26  }
.LBB2_4:
0x18: {  	[sflag:s31] =	ssyncset.done $0x0  }
0x19: {  	s28 =	simm.s32 $0x0;
	s4 =	smov.u32 s8;
	s7 =	smov.u32 s9  }
0x1a: {  	s8 =	smov.u32 s10;
	s29 =	smov.u32 s13;
	s9 =	smov.u32 s15  }
0x1b: {  	s10 =	simm.s32 $0x5000;
	s13 =	simm.s32 $0x7800;
	[sflag:s31] =	ssyncadd.s32 $0xFFFFE000  }
0x1c: {  	[spmem:s3] =	stream.indirect.scatter.add.f32 [tilespmem:s1], [sflag:s30], $0x10, s25, s24, $0xb8;
	[tilespmem:$0x12000] =	vst v63  }
0x1d: {  	s15 =	simm.s32 $0xA000;
	s31 =	simm.s32 $0xC000;
	s30 =	simm.s32 $0x5200  }
.LBB2_5:
0x1e: {  	_ =	swait.ge [sflag:s12], $0x2000  }
0x1f: {  	s19 =	sadd.s32 $0x1, s19;
	[sflag:s12] =	ssyncset.done $0x0  }
0x20: {  	p2 =	sne.s32 s19, s9;
	[sflag:s12] =	ssyncadd.s32 $0xFFFFE000  }
.Ltmp1:
0x21: {  	s1 =	sor.u32 $0x1C09, s29;
	[bflag:$0x0] =	sbarrier.arrive $0xFFFF;
	(pc) =	sbr.rel @!p2 .LBB2_6-.Ltmp1, $4  }
0x22: {  	[hbm:s14], [sflag:s1] =	dma.local [spmem:s17], $0x500  }
0x23: {  	_ =	swait.ge [sflag:s0], $0x500  }
0x24: {  	[sflag:s0] =	ssyncset.done $0x0  }
0x25: {  	[sflag:s0] =	ssyncadd.s32 $0xFFFFFB00  }
.LBB2_1:
0x26: {  	[spmem:s18], [sflag:s7] =	dma.local [hbm:s4], $0x500  }
0x27: {  	[spmem:s17], [sflag:s16] =	dma.local [hbm:s8], $0x500  }
0x28: {  	[tilespmem:s10], [sflag:$0x3] =	stream.linear.gather [hbm4b:s11+s28], $0x2800, $0x38;
	[tilespmem:$0x12000] =	vst v63  }
0x29: {  	_ = 	snop  }
0x2a: {  	[tilespmem:s13], [sflag:$0x4] =	stream.linear.gather [hbm4b:s6+s28], $0x2800, $0x38;
	[tilespmem:$0x12000] =	vst v63  }
0x2b: {  	_ =	swait.ge [sflag:s20], $0x500  }
0x2c: {  	[sflag:s20] =	ssyncset.done $0x0  }
0x2d: {  	[sflag:s20] =	ssyncadd.s32 $0xFFFFFB00  }
0x2e: {  	_ =	swait.ge [sflag:s21], $0x500  }
0x2f: {  	[sflag:s21] =	ssyncset.done $0x0  }
0x30: {  	[sflag:s21] =	ssyncadd.s32 $0xFFFFFB00  }
0x31: {  	_ =	swait.ge [sflag:s22], $0x2800  }
0x32: {  	[sflag:s22] =	ssyncset.done $0x0  }
0x33: {  	[sflag:s22] =	ssyncadd.s32 $0xFFFFD800  }
0x34: {  	_ =	swait.ge [sflag:s23], $0x2800  }
0x35: {  	[sflag:s23] =	ssyncset.done $0x0  }
0x36: {  	[sflag:s23] =	ssyncadd.s32 $0xFFFFD800  }
0x37: {  	[bflag:$0x0] =	sbarrier.arrive $0xFFFF  }
0x38: {  	[tilespmem:s15], [sflag:$0x1] =	stream.indirect.gather [spmem:s2], $0x10, s10, s24, $0xb8;
	[tilespmem:$0x12000] =	vst v63  }
0x39: {  	_ = 	snop  }
0x3a: {  	[tilespmem:s31], [sflag:$0x2] =	stream.indirect.gather [spmem:s2], $0x10, s30, s24, $0xb8;
	[tilespmem:$0x12000] =	vst v63  }
0x3b: {  	s1 =	simm.s32 $0x5400;
	s25 =	simm.s32 $0xE000  }
0x3c: {  	[tilespmem:s25], [sflag:$0x3] =	stream.indirect.gather [spmem:s2], $0x10, s1, s24, $0xb8;
	[tilespmem:$0x12000] =	vst v63  }
0x3d: {  	s26 =	simm.s32 $0x10000;
	s25 =	simm.s32 $0x5600  }
0x3e: {  	[tilespmem:s26], [sflag:$0x4] =	stream.indirect.gather [spmem:s2], $0x10, s25, s24, $0xb8;
	[tilespmem:$0x12000] =	vst v63  }
.Ltmp2:
0x3f: {  	s1 =	simm.s32 @!p0 $0x1;
	(pc) =	sbr.rel @p1 .LBB2_5-.Ltmp2, $4  }
0x40: {  	_ =	swait.ge @!p0 [sflag:s1], $0x2000  }
0x41: {  	s25 =	simm.s32 @!p0 $0x7800;
	[sflag:s1] =	ssyncset.done @!p0 $0x0  }
0x42: {  	s26 =	simm.s32 @!p0 $0xA000;
	[sflag:s1] =	ssyncadd.s32 @!p0 $0xFFFFE000;
	s1 =	simm.s32 @!p0 $0x200  }
0x43: {  	[spmem:s3] =	stream.indirect.scatter.add.f32 @!p0 [tilespmem:s26], [sflag:$0x5], $0x10, s25, s1, $0xb8;
	[tilespmem:$0x12000] =	vst v63  }
0x44: {  	s1 =	simm.s32 @!p0 $0x4  }
0x45: {  	s1 =	sand.u32 $0x3, s1  }
0x46: {  	s13 =	smov.u32 s29;
	s26 =	sadd.s32 $0x5, s1  }
0x47: {  	s25 =	simm.s32 @!p0 $0x5800;
	p2 =	sle.s32 s5, $0x4;
	_ =	swait.ge [sflag:s26], $0x2000  }
0x48: {  	s30 =	simm.s32 @!p2 $0x200;
	s29 =	sshll.u32 @!p2 s1, $0xD;
	[sflag:s26] =	ssyncset.done $0x0  }
0x49: {  	s1 =	sadd.s32 @!p2 $0x1, s1;
	[sflag:s26] =	ssyncadd.s32 $0xFFFFE000;
	s26 =	sadd.s32 @!p2 $0xA000, s29  }
0x4a: {  	[tilespmem:s26], [sflag:s1] =	stream.indirect.gather @!p2 [spmem:s2], $0x10, s25, s30, $0xb8;
	[tilespmem:$0x12000] =	vst v63  }
0x4b: {  	s15 =	smov.u32 s9;
	p2 =	sgt.s32 s5, $0x2  }
.Ltmp3:
0x4c: {  	s10 =	smov.u32 s8;
	s28 =	simm.s32 $0x1;
	(pc) =	sbr.rel @!p2 .LBB2_4-.Ltmp3, $4  }
0x4d: {  	s9 =	smov.u32 s7;
	s8 =	smov.u32 s4;
	s7 =	sand.u32 $0x3, s28  }
0x4e: {  	s28 =	sshll.u32 s7, $0xD;
	s31 =	sadd.s32 $0x1, s7;
	s29 =	simm.s32 @!p0 $0x7A00  }
0x4f: {  	s25 =	simm.s32 @!p0 $0x7A00;
	s26 =	simm.s32 $0x5A00;
	s30 =	sadd.s32 $0x5, s7  }
0x50: {  	s1 =	sadd.s32 $0xA000, s28;
	s28 =	simm.s32 $0x5;
	_ =	swait.ge [sflag:s31], $0x2000  }
.LBB2_3:
0x51: {  	s4 =	sadd.s32 $0xFFFFFFFE, s28;
	[sflag:s31] =	ssyncset.done $0x0;
	s29 =	sadd.s32 $0x200, s29  }
0x52: {  	p2 =	slt.s32 s4, s5;
	[sflag:s31] =	ssyncadd.s32 $0xFFFFE000  }
0x53: {  	[spmem:s3] =	stream.indirect.scatter.add.f32 [tilespmem:s1], [sflag:s30], $0x10, s25, s24, $0xb8;
	[tilespmem:$0x12000] =	vst v63  }
0x54: {  	s1 =	sand.u32 $0x3, s28;
	s25 =	smov.u32 s29  }
0x55: {  	p3 =	sge.s32 s28, s5;
	s4 =	sadd.s32 $0x5, s1  }
0x56: {  	s7 =	simm.s32 @!p3 $0x200;
	s30 =	sadd.s32 $0xFFFFFFFD, s28;
	_ =	swait.ge [sflag:s4], $0x2000  }
0x57: {  	s31 =	sshll.u32 @!p3 s1, $0xD;
	s1 =	sadd.s32 @!p3 $0x1, s1;
	[sflag:s4] =	ssyncset.done $0x0  }
.Ltmp4:
0x58: {  	[sflag:s4] =	ssyncadd.s32 $0xFFFFE000;
	s4 =	sadd.s32 @!p3 $0xA000, s31;
	(pc) =	sbr.rel @p2 .LBB2_3-.Ltmp4, $4  }
0x59: {  	[tilespmem:s4], [sflag:s1] =	stream.indirect.gather @!p3 [spmem:s2], $0x10, s26, s7, $0xb8;
	[tilespmem:$0x12000] =	vst v63  }
0x5a: {  	s1 =	sand.u32 $0x3, s30;
	s26 =	sadd.s32 $0x200, s26  }
0x5b: {  	s4 =	sshll.u32 s1, $0xD;
	s31 =	sadd.s32 $0x1, s1;
	s30 =	sadd.s32 $0x5, s1  }
0x5c: {  	s28 =	sadd.s32 $0x1, s28;
	s1 =	sadd.s32 $0xA000, s4;
	_ =	swait.ge [sflag:s31], $0x2000  }
.Ltmp5:
0x5d: {  	_ = 	snop;
	(pc) =	sbr.rel .LBB2_4-.Ltmp5, $1  }
0x5e: {  	_ =	sdelay $0x3  }
.LBB2_6:
0x5f: {  	_ =	sfence.sel $0x180000  }
0x60: {  	[bflag:$0x0] =	sbarrier.arrive $0xFFFF  }
0x61: {  	_ =	strace $0x90000050  }
0x62: {  	s0 =	stileid.u32;
	[bflag:$0x2] =	sbarrier.arrive $0xFFFF  }
0x63: {  	p0 =	sne.s32 s0, $0x0;
	s0 =	rddreg [dreg:$0x3]  }
0x64: {  	s0 =	sadd.s32 @!p0 $0x100000, s0  }
0x65: {  	[sflag:s0] =	ssyncadd.tile.s32 @!p0 $0x1;
	_ =	shalt  }
.Lfunc_end2:
_tile_overlayer_lowered:
.L_overlay_start_2:
0x66: {  	(tag) =	ssettag $0x2  }
0x67: {  	s0 =	rddreg [dreg:$0x0];
	s2 =	stileid.u32  }
0x68: {  	s1 =	rddreg [dreg:$0x1];
	p0 =	sne.s32 s2, $0x0  }
0x69: {  	s3 =	rddreg [dreg:$0x2];
	[bflag:$0x3] =	sbarrier.arrive $0xFFFF;
	s2 =	simm.s32 @!p0 $0x1C09  }
0x6a: {  	[timem:s3], [sflag:s2] =	dma.local @!p0 [hbm:s0], s1  }
0x6b: {  	s0 =	simm.s32 @!p0 $0x9  }
0x6c: {  	_ =	swait.ge @!p0 [sflag:s0], s1  }
0x6d: {  	s1 =	ssub.s32 @!p0 $0x0, s1;
	[sflag:s0] =	ssyncset.done @!p0 $0x0  }
0x6e: {  	[sflag:s0] =	ssyncadd.s32 @!p0 s1  }
0x6f: {  	[bflag:$0x3] =	sbarrier.arrive $0xFFFF  }
0x70: {  	_ =	shalt  }

// kernel: kernel.25.cloned.1.call-start
scs
__scs_entry_jumppad:
0x0: {  	(pc) =	sbr.rel $0x88, $3  }
0x1: {  	(tag) =	ssettag $0x0;
	lr =	simm.s32 $0x1  }
0x2: {  	[smem:$0x3F86] =	sst lr;
	_ =	strace $0xD0000000  }
0x3: {  	_ = 	snop  }
0x4: {  	_ = 	snop  }
0x5: {  	_ = 	snop  }
0x6: {  	_ = 	snop  }
0x7: {  	_ = 	snop  }
__scs_overlays_trampoline_lowered:
0x8: {  	[smem:$0x3F95] =	sst s0  }
0x9: {  	[smem:$0x3F96] =	sst s1  }
0xa: {  	[smem:$0x3F97] =	sst s2  }
0xb: {  	[smem:$0x3F98] =	sst s3  }
0xc: {  	[smem:$0x3F99] =	sst s4  }
0xd: {  	[smem:$0x3F9A] =	sst s5  }
0xe: {  	[smem:$0x3F9B] =	sst s6  }
0xf: {  	[smem:$0x3F9C] =	sst s7  }
0x10: {  	[smem:$0x3F9D] =	sst s8  }
0x11: {  	[smem:$0x3F9E] =	sst s9;
	s0 =	simm.s32 @!p0 $0x0  }
0x12: {  	s1 =	sld [smem:$0x3F84];
	s0 =	simm.s32 @p0 $0x1  }
0x13: {  	[smem:$0x3F9F] =	sst s0;
	s0 =	simm.s32 @!p1 $0x0  }
0x14: {  	s2 =	sld [smem:$0x3F83];
	s0 =	simm.s32 @p1 $0x1  }
0x15: {  	[smem:$0x3FA0] =	sst s0;
	s0 =	simm.s32 @!p2 $0x0  }
0x16: {  	s3 =	sld [smem:$0x3FDB];
	s0 =	simm.s32 @p2 $0x1  }
0x17: {  	s4 =	simm.s32 $0x1BF5;
	[smem:$0x3FA2] =	sst s0  }
0x18: {  	s0 =	sld [smem:$0x3F85];
	_ =	swait.ge [sflag:s4], $0x0  }
0x19: {  	s7 =	sld [smem:$0x3F86]  }
0x1a: {  	s8 =	sadd.s32 $0xFFFFE003, lr  }
0x1b: {  	s9 =	sadd.s32 $0xFFFFFEF7, lr;
	s5 =	simm.s32 $0xFFFFFFFF;
	p2 =	slt.u32 s8, $0xFFFFF086  }
0x1c: {  	p1 =	slt.u32 s9, $0xF7A;
	s5 =	simm.s32 @!p2 $0x0  }
0x1d: {  	s5 =	simm.s32 @p1 $0x1;
	p0 =	seq.s32 s7, s2  }
0x1e: {  	s7 =	smul.u32 @!p0 $0xF7A, s2;
	p2 =	seq.s32 @!p0 s5, $0x0  }
0x1f: {  	s9 =	smul.u32 $0xF7A, s1;
	s8 =	simm.s32 @!p0 $0x1BF5;
	p2 =	por !p2, p0  }
0x20: {  	[sflag:s8] =	ssyncset.s32 @!p0 $0xFFFFF086;
	s6 =	sadd.s32 @!p0 s3, s7;
	s7 =	simm.s32 @!p0 $0x108  }
0x21: {  	s3 =	sadd.s32 s3, s9;
	s6 =	sadd.s32 @!p0 $0x88, s6;
	s7 =	simm.s32 @p2 $0x1082  }
0x22: {  	[simem:s7], [sflag:s8] =	dma.local @!p0 [hbm:s6], $0xF7A  }
0x23: {  	s9 =	sor.u32 $0xD0000000, s2;
	s6 =	simm.s32 $0x108;
	_ =	swait.ge @!p0 [sflag:s8], $0x0  }
0x24: {  	s3 =	sadd.s32 $0x88, s3;
	s6 =	simm.s32 @!p1 $0x1082;
	[sflag:s4] =	ssyncset.s32 $0xFFFFF086  }
0x25: {  	[simem:s6], [sflag:s4] =	dma.local [hbm:s3], $0xF7A  }
0x26: {  	[smem:$0x3F86] =	sst s1;
	(tag) =	ssettag s2;
	_ =	strace s9  }
0x27: {  	s1 =	sld [smem:$0x3F96]  }
0x28: {  	s2 =	sld [smem:$0x3F97]  }
0x29: {  	s4 =	sld [smem:$0x3F99]  }
0x2a: {  	p0 =	seq.s32 s5, $0x0;
	s5 =	sld [smem:$0x3F9A]  }
0x2b: {  	s6 =	sld [smem:$0x3F9B]  }
0x2c: {  	s7 =	sld [smem:$0x3F9C]  }
0x2d: {  	s3 =	simm.s32 $0x108;
	s8 =	sld [smem:$0x3F9D]  }
0x2e: {  	s3 =	simm.s32 @!p0 $0x1082;
	s9 =	sld [smem:$0x3F9E]  }
0x2f: {  	lr =	sadd.s32 s0, s3;
	s0 =	sld [smem:$0x3F95]  }
0x30: {  	s3 =	sld [smem:$0x3F98]  }
0x31: {  	[smem:$0x3FA1] =	sst s10  }
0x32: {  	s10 =	sld [smem:$0x3F9F];
	_ =	sdelay $0x3  }
0x33: {  	p0 =	seq.s32 s10, $0x1;
	s10 =	sld [smem:$0x3FA1];
	_ =	sdelay $0x3  }
0x34: {  	[smem:$0x3FA1] =	sst s10  }
0x35: {  	s10 =	sld [smem:$0x3FA0];
	_ =	sdelay $0x3  }
0x36: {  	p1 =	seq.s32 s10, $0x1;
	s10 =	sld [smem:$0x3FA1];
	_ =	sdelay $0x3  }
0x37: {  	[smem:$0x3FA1] =	sst s10  }
0x38: {  	s10 =	sld [smem:$0x3FA2]  }
0x39: {  	_ = 	snop;
	(pc) =	sbr.ind lr, $3  }
0x3a: {  	_ = 	snop  }
0x3b: {  	_ = 	snop  }
0x3c: {  	p2 =	seq.s32 s10, $0x1;
	s10 =	sld [smem:$0x3FA1]  }
0x3d: {  	_ =	shalt  }
0x3e: {  	_ =	shalt  }
0x3f: {  	_ =	shalt  }
0x40: {  	_ =	shalt  }
0x41: {  	_ =	shalt  }
0x42: {  	_ =	shalt  }
0x43: {  	_ =	shalt  }
0x44: {  	_ =	shalt  }
0x45: {  	_ =	shalt  }
0x46: {  	_ =	shalt  }
0x47: {  	_ =	shalt  }
0x48: {  	_ =	shalt  }
0x49: {  	_ =	shalt  }
0x4a: {  	_ =	shalt  }
0x4b: {  	_ =	shalt  }
0x4c: {  	_ =	shalt  }
0x4d: {  	_ =	shalt  }
0x4e: {  	_ =	shalt  }
0x4f: {  	_ =	shalt  }
0x50: {  	_ =	shalt  }
0x51: {  	_ =	shalt  }
0x52: {  	_ =	shalt  }
0x53: {  	_ =	shalt  }
0x54: {  	_ =	shalt  }
0x55: {  	_ =	shalt  }
0x56: {  	_ =	shalt  }
0x57: {  	_ =	shalt  }
0x58: {  	_ =	shalt  }
0x59: {  	_ =	shalt  }
0x5a: {  	_ =	shalt  }
0x5b: {  	_ =	shalt  }
0x5c: {  	_ =	shalt  }
0x5d: {  	_ =	shalt  }
0x5e: {  	_ =	shalt  }
0x5f: {  	_ =	shalt  }
0x60: {  	_ =	shalt  }
0x61: {  	_ =	shalt  }
0x62: {  	_ =	shalt  }
0x63: {  	_ =	shalt  }
0x64: {  	_ =	shalt  }
0x65: {  	_ =	shalt  }
0x66: {  	_ =	shalt  }
0x67: {  	_ =	shalt  }
0x68: {  	_ =	shalt  }
0x69: {  	_ =	shalt  }
0x6a: {  	_ =	shalt  }
0x6b: {  	_ =	shalt  }
0x6c: {  	_ =	shalt  }
0x6d: {  	_ =	shalt  }
0x6e: {  	_ =	shalt  }
0x6f: {  	_ =	shalt  }
0x70: {  	_ =	shalt  }
0x71: {  	_ =	shalt  }
0x72: {  	_ =	shalt  }
0x73: {  	_ =	shalt  }
0x74: {  	_ =	shalt  }
0x75: {  	_ =	shalt  }
0x76: {  	_ =	shalt  }
0x77: {  	_ =	shalt  }
0x78: {  	_ =	shalt  }
0x79: {  	_ =	shalt  }
0x7a: {  	_ =	shalt  }
0x7b: {  	_ =	shalt  }
0x7c: {  	_ =	shalt  }
0x7d: {  	_ =	shalt  }
0x7e: {  	_ =	shalt  }
0x7f: {  	_ =	shalt  }
0x80: {  	_ =	shalt  }
0x81: {  	_ =	shalt  }
0x82: {  	_ =	shalt  }
0x83: {  	_ =	shalt  }
0x84: {  	_ =	shalt  }
0x85: {  	_ =	shalt  }
0x86: {  	_ =	shalt  }
0x87: {  	_ =	shalt  }
.Lfunc_end0:
.L_simem_size_0:
called_computation.4_lowered:
.L_overlay_start_0:
0x88: {  	s2 =	sld [smem:$0x3FD9]  }
0x89: {  	s3 =	sld [smem:$0x3FFE];
	_ =	sdelay $0x1  }
0x8a: {  	s1 =	srdreg.scid  }
0x8b: {  	s0 =	sand.u32 $0x1, s1  }
0x8c: {  	s16 =	sshll.u32 s0, $0xA;
	s2 =	sadd.s32 s3, s2  }
0x8d: {  	s2 =	sadd.s32 s2, s16  }
0x8e: {  	[smem:$0x3FAD] =	sst s2  }
0x8f: {  	_ = 	snop  }
0x90: {  	(tm) =	ssettm $0x1  }
0x91: {  	s17 =	sld [smem:$0x3FFB];
	_ =	sdelay $0x3  }
0x92: {  	_ =	strace s17  }
0x93: {  	s2 =	sld [smem:$0x3FFC];
	_ =	sdelay $0x3  }
0x94: {  	_ =	strace s2  }
0x95: {  	s2 =	sld [smem:$0x3FFD];
	_ =	sdelay $0x3  }
0x96: {  	_ =	strace s2  }
0x97: {  	_ =	strace $0x8FFFFFFF  }
0x98: {  	s18 =	sld [smem:$0x3FDB];
	_ =	sdelay $0x1  }
0x99: {  	s19 =	simm.s32 $_scs_section_size  }
0x9a: {  	s4 =	simm.s32 $_size__tile_overlayer_lowered;
	s5 =	simm.s32 $_tile_overlayer_lowered  }
0x9b: {  	s22 =	simm.s32 $0x1BFF;
	s21 =	sshll.u32 s5, $0x1;
	s2 =	sadd.s32 s19, s18  }
0x9c: {  	s6 =	simm.s32 $0x0;
	s20 =	sshll.u32 s4, $0x1;
	s4 =	sadd.s32 s21, s2  }
0x9d: {  	[timem:s6], [sflag:s22] =	dma.local [hbm:s4], s20  }
0x9e: {  	_ =	swait.ge [sflag:s22], s20  }
0x9f: {  	s3 =	ssub.s32 $0x0, s20;
	[sflag:s22] =	ssyncset.done $0x0  }
0xa0: {  	[sflag:s22] =	ssyncadd.s32 s3;
	_ =	sdelay $0x1  }
0xa1: {  	s23 =	simm.s32 $0x1B8B  }
0xa2: {  	_ =	swait.ge [sflag:s23], $0x1  }
0xa3: {  	[sflag:s23] =	ssyncset.done $0x0  }
0xa4: {  	s25 =	simm.s32 $0x1B8E;
	s24 =	sld [smem:$0x3FFE];
	[sflag:s23] =	ssyncadd.s32 $0xFFFFFFFF  }
0xa5: {  	s26 =	simm.s32 $execute0_lowered;
	[smem:$0x3FD2] =	sst s25  }
0xa6: {  	s4 =	sshll.u32 s26, $0x1;
	_ =	strace $0x80000052;
	[dreg:$0x1] =	wrdreg $0xFFFFFFFF  }
0xa7: {  	s28 =	simm.s32 $_size_execute0_lowered;
	s2 =	sadd.s32 s2, s4;
	[dreg:$0x0] =	wrdreg $0x0  }
0xa8: {  	s4 =	sshll.u32 s28, $0x1;
	[dreg:$0x2] =	wrdreg s2  }
0xa9: {  	[dreg:$0x3] =	wrdreg s4  }
0xaa: {  	[dreg:$0x4] =	wrdreg $0xC0  }
0xab: {  	_ =	task [dreg:s6], $0x5FFFF  }
0xac: {  	[dreg:$0x1] =	wrdreg $0xFFFFFFFF  }
0xad: {  	[dreg:$0x0] =	wrdreg $0x60  }
0xae: {  	[dreg:$0x2] =	wrdreg s24  }
0xaf: {  	[dreg:$0x3] =	wrdreg $0x28000  }
0xb0: {  	[dreg:$0x4] =	wrdreg $0x0  }
0xb1: {  	[dreg:$0x5] =	wrdreg $0x9  }
0xb2: {  	_ =	task.clear_ibuf [dreg:s6], $0x6FFFF;
	_ =	strace $0x90000052  }
0xb3: {  	s29 =	simm.s32 $0x9;
	_ =	strace $0x80000054  }
0xb4: {  	_ =	swait.ge [sflag:s29], $0x1  }
0xb5: {  	[sflag:s29] =	ssyncadd.s32 $0xFFFFFFFF  }
0xb6: {  	_ =	strace $0x90000054  }
0xb7: {  	_ =	sfence  }
0xb8: {  	s30 =	sld [smem:$0x0];
	_ =	sdelay $0x2  }
0xb9: {  	s31 =	sshll.u32 s1, $0xD;
	s1 =	sshrl.u32 s1, $0x2  }
0xba: {  	s3 =	sand.u32 $0x4000, s31;
	s1 =	sadd.s32 s1, s30  }
0xbb: {  	s0 =	sor.u32 s3, s0;
	s1 =	sshll.u32 s1, $0x11  }
0xbc: {  	s0 =	sor.u32 s1, s0  }
0xbd: {  	s0 =	sadd.s32 $0x8F2B, s0  }
0xbe: {  	[sflag:s0] =	ssyncadd.remote.s32 $0x1  }
0xbf: {  	_ =	sfence.sel $0xFFFF  }
0xc0: {  	[dreg:$0x0] =	wrdreg $0xFFFFFFFF;
	(pc) =	sbr.abs _section_cstart, $3  }
0xc1: {  	[dreg:$0x1] =	wrdreg $0xFFFFFFFF  }
0xc2: {  	_ =	task.clear_ibuf [dreg:s6], $0x2FFFF;
	_ =	strace $0x9FFFFFFF  }
0xc3: {  	(tm) =	ssettm $0x7FFFFFFF  }
tec
execute0_lowered:
.L_overlay_start_1:
0x0: {  	(tag) =	ssettag $0x1  }
0x1: {  	s0 =	srdreg.scid;
	s6 =	rddreg [dreg:$0x0]  }
0x2: {  	s4 =	stileid.u32;
	s2 =	rddreg [dreg:$0x1]  }
0x3: {  	s3 =	rddreg [dreg:$0x2];
	s28 =	simm.s32 $0x0;
	s20 =	simm.s32 $0x1  }
0x4: {  	s21 =	simm.s32 $0x2;
	s22 =	simm.s32 $0x3;
	s30 =	simm.s32 $0x5200  }
0x5: {  	s31 =	simm.s32 $0xC000;
	s19 =	simm.s32 $0x0;
	s0 =	sand.u32 $0x1, s0  }
0x6: {  	[smem:$0x7FF] =	sst s28;
	s9 =	smul.u32 $0x2800, s4;
	s29 =	sshll.u32 s4, $0x6  }
0x7: {  	s1 =	sshll.u32 s0, $0x4;
	_ =	strace $0x80000053;
	s10 =	smul.u32 $0x28000, s0  }
0x8: {  	s0 =	ssub.s32 $0x2, s0;
	s16 =	sor.u32 $0x1C02, s29;
	s1 =	sor.u32 s4, s1  }
0x9: {  	s8 =	sshrl.u32 s9, $0x3;
	s24 =	sshrl.u32 s0, $0x1;
	s1 =	smul.u32 $0x271, s1  }
0xa: {  	s15 =	sadd.s32 s9, s2;
	s17 =	sadd.s32 s9, s3;
	s12 =	sadd.s32 s8, s6  }
0xb: {  	s10 =	sadd.s32 s9, s10;
	s0 =	ssub.s32 s0, s24;
	s5 =	sadd.s32 $0x271, s1  }
0xc: {  	s18 =	sshrl.u32 s15, $0x3;
	s1 =	sshrl.u32 s1, $0x5;
	s5 =	sshrl.u32 s5, $0x5  }
0xd: {  	s17 =	sshrl.u32 s17, $0x3;
	s24 =	simm.s32 $0x200;
	s5 =	ssub.s32 s5, s1  }
0xe: {  	s15 =	simm.s32 $0xA000;
	s10 =	sshrl.u32 s10, $0x3;
	s7 =	sadd.s32 $0xFFFFFFFF, s5  }
0xf: {  	s4 =	sadd.s32 $0x1A400, s12;
	s9 =	smax.u32 s0, $0x1;
	s11 =	sshll.u32 s7, $0x10  }
0x10: {  	s0 =	simm.s32 $0x9;
	s13 =	sadd.s32 s10, s6;
	s23 =	sshra.s32 s11, $0x1F  }
0x11: {  	s14 =	sadd.s32 $0x24400, s13;
	s1 =	sshll.u32 s1, $0x6;
	s8 =	sand.u32 $0x3, s23  }
0x12: {  	s13 =	simm.s32 $0x7800;
	s1 =	sadd.s32 s1, s6;
	s8 =	sadd.s32 s8, s7  }
.Ltmp0:
0x13: {  	p0 =	slt.s32 s5, $0x1;
	s8 =	sand.u32 $0xFFFC, s8;
	(pc) =	sbr.rel .LBB2_1-.Ltmp0, $4  }
0x14: {  	s6 =	sadd.s32 $0x10640, s1;
	p1 =	seq.s32 @!p0 s5, $0x1;
	s25 =	ssub.s32 s7, s8  }
0x15: {  	s11 =	sadd.s32 $0x6A00, s1;
	p1 =	por p0, p1;
	s10 =	sshll.u32 s25, $0x10  }
0x16: {  	s23 =	simm.s32 $0x4;
	s7 =	sor.u32 $0x1C01, s29;
	s26 =	sshra.s32 s10, $0x10  }
0x17: {  	s8 =	sadd.s32 $0x1F400, s12;
	s10 =	simm.s32 $0x5000;
	s12 =	sadd.s32 $0x5, s26  }
.LBB2_4:
0x18: {  	[sflag:s31] =	ssyncset.done $0x0  }
0x19: {  	s28 =	simm.s32 $0x0;
	s4 =	smov.u32 s8;
	s7 =	smov.u32 s9  }
0x1a: {  	s8 =	smov.u32 s10;
	s29 =	smov.u32 s13;
	s9 =	smov.u32 s15  }
0x1b: {  	s10 =	simm.s32 $0x5000;
	s13 =	simm.s32 $0x7800;
	[sflag:s31] =	ssyncadd.s32 $0xFFFFE000  }
0x1c: {  	[spmem:s3] =	stream.indirect.scatter.add.f32 [tilespmem:s1], [sflag:s30], $0x10, s25, s24, $0xb8;
	[tilespmem:$0x12000] =	vst v63  }
0x1d: {  	s15 =	simm.s32 $0xA000;
	s31 =	simm.s32 $0xC000;
	s30 =	simm.s32 $0x5200  }
.LBB2_5:
0x1e: {  	_ =	swait.ge [sflag:s12], $0x2000  }
0x1f: {  	s19 =	sadd.s32 $0x1, s19;
	[sflag:s12] =	ssyncset.done $0x0  }
0x20: {  	p2 =	sne.s32 s19, s9;
	[sflag:s12] =	ssyncadd.s32 $0xFFFFE000  }
.Ltmp1:
0x21: {  	s1 =	sor.u32 $0x1C09, s29;
	[bflag:$0x0] =	sbarrier.arrive $0xFFFF;
	(pc) =	sbr.rel @!p2 .LBB2_6-.Ltmp1, $4  }
0x22: {  	[hbm:s14], [sflag:s1] =	dma.local [spmem:s17], $0x500  }
0x23: {  	_ =	swait.ge [sflag:s0], $0x500  }
0x24: {  	[sflag:s0] =	ssyncset.done $0x0  }
0x25: {  	[sflag:s0] =	ssyncadd.s32 $0xFFFFFB00  }
.LBB2_1:
0x26: {  	[spmem:s18], [sflag:s7] =	dma.local [hbm:s4], $0x500  }
0x27: {  	[spmem:s17], [sflag:s16] =	dma.local [hbm:s8], $0x500  }
0x28: {  	[tilespmem:s10], [sflag:$0x3] =	stream.linear.gather [hbm4b:s11+s28], $0x2800, $0x38;
	[tilespmem:$0x12000] =	vst v63  }
0x29: {  	_ = 	snop  }
0x2a: {  	[tilespmem:s13], [sflag:$0x4] =	stream.linear.gather [hbm4b:s6+s28], $0x2800, $0x38;
	[tilespmem:$0x12000] =	vst v63  }
0x2b: {  	_ =	swait.ge [sflag:s20], $0x500  }
0x2c: {  	[sflag:s20] =	ssyncset.done $0x0  }
0x2d: {  	[sflag:s20] =	ssyncadd.s32 $0xFFFFFB00  }
0x2e: {  	_ =	swait.ge [sflag:s21], $0x500  }
0x2f: {  	[sflag:s21] =	ssyncset.done $0x0  }
0x30: {  	[sflag:s21] =	ssyncadd.s32 $0xFFFFFB00  }
0x31: {  	_ =	swait.ge [sflag:s22], $0x2800  }
0x32: {  	[sflag:s22] =	ssyncset.done $0x0  }
0x33: {  	[sflag:s22] =	ssyncadd.s32 $0xFFFFD800  }
0x34: {  	_ =	swait.ge [sflag:s23], $0x2800  }
0x35: {  	[sflag:s23] =	ssyncset.done $0x0  }
0x36: {  	[sflag:s23] =	ssyncadd.s32 $0xFFFFD800  }
0x37: {  	[bflag:$0x0] =	sbarrier.arrive $0xFFFF  }
0x38: {  	[tilespmem:s15], [sflag:$0x1] =	stream.indirect.gather [spmem:s2], $0x10, s10, s24, $0xb8;
	[tilespmem:$0x12000] =	vst v63  }
0x39: {  	_ = 	snop  }
0x3a: {  	[tilespmem:s31], [sflag:$0x2] =	stream.indirect.gather [spmem:s2], $0x10, s30, s24, $0xb8;
	[tilespmem:$0x12000] =	vst v63  }
0x3b: {  	s1 =	simm.s32 $0x5400;
	s25 =	simm.s32 $0xE000  }
0x3c: {  	[tilespmem:s25], [sflag:$0x3] =	stream.indirect.gather [spmem:s2], $0x10, s1, s24, $0xb8;
	[tilespmem:$0x12000] =	vst v63  }
0x3d: {  	s26 =	simm.s32 $0x10000;
	s25 =	simm.s32 $0x5600  }
0x3e: {  	[tilespmem:s26], [sflag:$0x4] =	stream.indirect.gather [spmem:s2], $0x10, s25, s24, $0xb8;
	[tilespmem:$0x12000] =	vst v63  }
.Ltmp2:
0x3f: {  	s1 =	simm.s32 @!p0 $0x1;
	(pc) =	sbr.rel @p1 .LBB2_5-.Ltmp2, $4  }
0x40: {  	_ =	swait.ge @!p0 [sflag:s1], $0x2000  }
0x41: {  	s25 =	simm.s32 @!p0 $0x7800;
	[sflag:s1] =	ssyncset.done @!p0 $0x0  }
0x42: {  	s26 =	simm.s32 @!p0 $0xA000;
	[sflag:s1] =	ssyncadd.s32 @!p0 $0xFFFFE000;
	s1 =	simm.s32 @!p0 $0x200  }
0x43: {  	[spmem:s3] =	stream.indirect.scatter.add.f32 @!p0 [tilespmem:s26], [sflag:$0x5], $0x10, s25, s1, $0xb8;
	[tilespmem:$0x12000] =	vst v63  }
0x44: {  	s1 =	simm.s32 @!p0 $0x4  }
0x45: {  	s1 =	sand.u32 $0x3, s1  }
0x46: {  	s13 =	smov.u32 s29;
	s26 =	sadd.s32 $0x5, s1  }
0x47: {  	s25 =	simm.s32 @!p0 $0x5800;
	p2 =	sle.s32 s5, $0x4;
	_ =	swait.ge [sflag:s26], $0x2000  }
0x48: {  	s30 =	simm.s32 @!p2 $0x200;
	s29 =	sshll.u32 @!p2 s1, $0xD;
	[sflag:s26] =	ssyncset.done $0x0  }
0x49: {  	s1 =	sadd.s32 @!p2 $0x1, s1;
	[sflag:s26] =	ssyncadd.s32 $0xFFFFE000;
	s26 =	sadd.s32 @!p2 $0xA000, s29  }
0x4a: {  	[tilespmem:s26], [sflag:s1] =	stream.indirect.gather @!p2 [spmem:s2], $0x10, s25, s30, $0xb8;
	[tilespmem:$0x12000] =	vst v63  }
0x4b: {  	s15 =	smov.u32 s9;
	p2 =	sgt.s32 s5, $0x2  }
.Ltmp3:
0x4c: {  	s10 =	smov.u32 s8;
	s28 =	simm.s32 $0x1;
	(pc) =	sbr.rel @!p2 .LBB2_4-.Ltmp3, $4  }
0x4d: {  	s9 =	smov.u32 s7;
	s8 =	smov.u32 s4;
	s7 =	sand.u32 $0x3, s28  }
0x4e: {  	s28 =	sshll.u32 s7, $0xD;
	s31 =	sadd.s32 $0x1, s7;
	s29 =	simm.s32 @!p0 $0x7A00  }
0x4f: {  	s25 =	simm.s32 @!p0 $0x7A00;
	s26 =	simm.s32 $0x5A00;
	s30 =	sadd.s32 $0x5, s7  }
0x50: {  	s1 =	sadd.s32 $0xA000, s28;
	s28 =	simm.s32 $0x5;
	_ =	swait.ge [sflag:s31], $0x2000  }
.LBB2_3:
0x51: {  	s4 =	sadd.s32 $0xFFFFFFFE, s28;
	[sflag:s31] =	ssyncset.done $0x0;
	s29 =	sadd.s32 $0x200, s29  }
0x52: {  	p2 =	slt.s32 s4, s5;
	[sflag:s31] =	ssyncadd.s32 $0xFFFFE000  }
0x53: {  	[spmem:s3] =	stream.indirect.scatter.add.f32 [tilespmem:s1], [sflag:s30], $0x10, s25, s24, $0xb8;
	[tilespmem:$0x12000] =	vst v63  }
0x54: {  	s1 =	sand.u32 $0x3, s28;
	s25 =	smov.u32 s29  }
0x55: {  	p3 =	sge.s32 s28, s5;
	s4 =	sadd.s32 $0x5, s1  }
0x56: {  	s7 =	simm.s32 @!p3 $0x200;
	s30 =	sadd.s32 $0xFFFFFFFD, s28;
	_ =	swait.ge [sflag:s4], $0x2000  }
0x57: {  	s31 =	sshll.u32 @!p3 s1, $0xD;
	s1 =	sadd.s32 @!p3 $0x1, s1;
	[sflag:s4] =	ssyncset.done $0x0  }
.Ltmp4:
0x58: {  	[sflag:s4] =	ssyncadd.s32 $0xFFFFE000;
	s4 =	sadd.s32 @!p3 $0xA000, s31;
	(pc) =	sbr.rel @p2 .LBB2_3-.Ltmp4, $4  }
0x59: {  	[tilespmem:s4], [sflag:s1] =	stream.indirect.gather @!p3 [spmem:s2], $0x10, s26, s7, $0xb8;
	[tilespmem:$0x12000] =	vst v63  }
0x5a: {  	s1 =	sand.u32 $0x3, s30;
	s26 =	sadd.s32 $0x200, s26  }
0x5b: {  	s4 =	sshll.u32 s1, $0xD;
	s31 =	sadd.s32 $0x1, s1;
	s30 =	sadd.s32 $0x5, s1  }
0x5c: {  	s28 =	sadd.s32 $0x1, s28;
	s1 =	sadd.s32 $0xA000, s4;
	_ =	swait.ge [sflag:s31], $0x2000  }
.Ltmp5:
0x5d: {  	_ = 	snop;
	(pc) =	sbr.rel .LBB2_4-.Ltmp5, $1  }
0x5e: {  	_ =	sdelay $0x3  }
.LBB2_6:
0x5f: {  	_ =	sfence.sel $0x180000  }
0x60: {  	[bflag:$0x0] =	sbarrier.arrive $0xFFFF  }
0x61: {  	_ =	strace $0x90000053  }
0x62: {  	s0 =	stileid.u32;
	[bflag:$0x2] =	sbarrier.arrive $0xFFFF  }
0x63: {  	p0 =	sne.s32 s0, $0x0;
	s0 =	rddreg [dreg:$0x3]  }
0x64: {  	s0 =	sadd.s32 @!p0 $0x100000, s0  }
0x65: {  	[sflag:s0] =	ssyncadd.tile.s32 @!p0 $0x1;
	_ =	shalt  }
.Lfunc_end2:
_tile_overlayer_lowered:
.L_overlay_start_2:
0x66: {  	(tag) =	ssettag $0x2  }
0x67: {  	s0 =	rddreg [dreg:$0x0];
	s2 =	stileid.u32  }
0x68: {  	s1 =	rddreg [dreg:$0x1];
	p0 =	sne.s32 s2, $0x0  }
0x69: {  	s3 =	rddreg [dreg:$0x2];
	[bflag:$0x3] =	sbarrier.arrive $0xFFFF;
	s2 =	simm.s32 @!p0 $0x1C09  }
0x6a: {  	[timem:s3], [sflag:s2] =	dma.local @!p0 [hbm:s0], s1  }
0x6b: {  	s0 =	simm.s32 @!p0 $0x9  }
0x6c: {  	_ =	swait.ge @!p0 [sflag:s0], s1  }
0x6d: {  	s1 =	ssub.s32 @!p0 $0x0, s1;
	[sflag:s0] =	ssyncset.done @!p0 $0x0  }
0x6e: {  	[sflag:s0] =	ssyncadd.s32 @!p0 s1  }
0x6f: {  	[bflag:$0x3] =	sbarrier.arrive $0xFFFF  }
0x70: {  	_ =	shalt  }

</sc_bundles>
